<compile_context>
chip_gen: v7x
topology: tpu7x:2x2x1
jax: 0.10.2.dev20260603
libtpu: 0.0.44.dev20260713+nightly
codegen_flags: <defaults>
</compile_context>

<pallas_src>
import functools

import jax
import jax.numpy as jnp
from jax import lax
from jax.experimental import pallas as pl
from jax.experimental.pallas import tpu as pltpu
from jax.experimental.pallas import tpu_sc as plsc

NC = 2
NS = 16
N = 10000
NPAD = 10240


def _mesh():
    return plsc.VectorSubcoreMesh(
        core_axis_name="c", subcore_axis_name="s", num_cores=NC, num_subcores=NS
    )


_SC_PARAMS = pltpu.CompilerParams(use_tc_tiling_on_sc=False, needs_layout_passes=False)




def _sc_degree(e, b):
    et = e // (NC * NS)
    rt = NPAD // NS

    n = et // b

    @functools.partial(
        pl.kernel,
        out_type=jax.ShapeDtypeStruct((NC, NPAD, 1), jnp.float32),
        mesh=_mesh(),
        compiler_params=_SC_PARAMS,
        scratch_types=[
            pltpu.VMEM((b,), jnp.int32),
            pltpu.VMEM((b,), jnp.int32),
            pltpu.VMEM((b, 1), jnp.float32),
            pltpu.VMEM_SHARED((NPAD, 1), jnp.float32),
            pltpu.SemaphoreType.DMA,
            pltpu.SemaphoreType.DMA,
        ],
    )
    def k(dst_hbm, zeros_hbm, ones_hbm, out_hbm, di0, di1, ones_v, acc_sh, smi0, smi1):
        didx = [di0, di1]
        smi = [smi0, smi1]
        c = lax.axis_index("c")
        s = lax.axis_index("s")
        rbase = s * rt
        ebase = (c * NS + s) * et
        dsc = [None] * n

        def issue_idx(j):
            k2 = j % 2
            dsc[j] = pltpu.async_copy(dst_hbm.at[pl.ds(ebase + j * b, b)], didx[k2], smi[k2])

        issue_idx(0)
        if n > 1:
            issue_idx(1)
        pltpu.sync_copy(zeros_hbm.at[pl.ds(rbase, rt)], acc_sh.at[pl.ds(rbase, rt)])
        pltpu.sync_copy(ones_hbm, ones_v)
        plsc.subcore_barrier()
        for j in range(n):
            dsc[j].wait()
            pltpu.sync_copy(ones_v, acc_sh.at[didx[j % 2]], add=True)
            if j + 2 < n:
                issue_idx(j + 2)
        plsc.subcore_barrier()
        pltpu.sync_copy(acc_sh.at[pl.ds(rbase, rt)], out_hbm.at[c].at[pl.ds(rbase, rt)])

    return k


def _sc_scatter_rows(d, e, b):
    ec = e // NC
    et = ec // NS
    rt = NPAD // NS

    n = et // b

    @functools.partial(
        pl.kernel,
        out_type=jax.ShapeDtypeStruct((NC, NPAD, d), jnp.float32),
        mesh=_mesh(),
        compiler_params=_SC_PARAMS,
        scratch_types=[
            pltpu.VMEM((b,), jnp.int32),
            pltpu.VMEM((b,), jnp.int32),
            pltpu.VMEM((b,), jnp.int32),
            pltpu.VMEM((b,), jnp.int32),
            pltpu.VMEM((b, d), jnp.float32),
            pltpu.VMEM((b, d), jnp.float32),
            pltpu.VMEM_SHARED((NPAD, d), jnp.float32),
            pltpu.SemaphoreType.DMA,
            pltpu.SemaphoreType.DMA,
            pltpu.SemaphoreType.DMA,
            pltpu.SemaphoreType.DMA,
        ],
    )
    def k(t_hbm, src_hbm, dst_hbm, zeros_hbm, out_hbm,
          si0, si1, di0, di1, r0, r1, acc_sh, smi0, smi1, smr0, smr1):
        sidx = [si0, si1]
        didx = [di0, di1]
        rows = [r0, r1]
        smi = [smi0, smi1]
        smr = [smr0, smr1]
        c = lax.axis_index("c")
        s = lax.axis_index("s")
        rbase = s * rt
        ebase = c * ec + s * et
        dsc_i = [None] * n
        dsc_d = [None] * n
        dsc_r = [None] * n

        def issue_idx(j):
            k2 = j % 2
            off = ebase + j * b
            dsc_i[j] = pltpu.async_copy(src_hbm.at[pl.ds(off, b)], sidx[k2], smi[k2])
            dsc_d[j] = pltpu.async_copy(dst_hbm.at[pl.ds(off, b)], didx[k2], smi[k2])

        def issue_gather(j):
            k2 = j % 2
            dsc_i[j].wait()
            dsc_d[j].wait()
            dsc_r[j] = pltpu.async_copy(t_hbm.at[sidx[k2]], rows[k2], smr[k2])

        issue_idx(0)
        issue_gather(0)
        if n > 1:
            issue_idx(1)
        pltpu.sync_copy(zeros_hbm.at[pl.ds(rbase, rt)], acc_sh.at[pl.ds(rbase, rt)])
        plsc.subcore_barrier()
        for j in range(n):
            if j + 1 < n:
                issue_gather(j + 1)
            dsc_r[j].wait()
            pltpu.sync_copy(rows[j % 2], acc_sh.at[didx[j % 2]], add=True)
            if j + 2 < n:
                issue_idx(j + 2)
        plsc.subcore_barrier()
        pltpu.sync_copy(acc_sh.at[pl.ds(rbase, rt)], out_hbm.at[c].at[pl.ds(rbase, rt)])

    return k


def _sc_edge_dot(e_pad, b):
    et = e_pad // (NC * NS)

    n = et // b

    @functools.partial(
        pl.kernel,
        out_type=jax.ShapeDtypeStruct((e_pad,), jnp.float32),
        mesh=_mesh(),
        compiler_params=_SC_PARAMS,
        scratch_types=[
            pltpu.VMEM((b,), jnp.int32),
            pltpu.VMEM((b,), jnp.int32),
            pltpu.VMEM((b,), jnp.int32),
            pltpu.VMEM((b,), jnp.int32),
            pltpu.VMEM((b, 16), jnp.float32),
            pltpu.VMEM((b, 16), jnp.float32),
            pltpu.VMEM((b, 16), jnp.float32),
            pltpu.VMEM((b, 16), jnp.float32),
            pltpu.VMEM((b,), jnp.float32),
            pltpu.VMEM((b,), jnp.float32),
            pltpu.VMEM_SHARED((N, 16), jnp.float32),
            pltpu.SemaphoreType.DMA,
            pltpu.SemaphoreType.DMA,
            pltpu.SemaphoreType.DMA,
            pltpu.SemaphoreType.DMA,
            pltpu.SemaphoreType.DMA,
            pltpu.SemaphoreType.DMA,
        ],
    )
    def k(h_hbm, ii_hbm, jj_hbm, out_hbm,
          ia0, ia1, ib0, ib1, ra0, ra1, rb0, rb1, ac0, ac1, h_sh,
          smi0, smi1, smr0, smr1, smw0, smw1):
        ia = [ia0, ia1]
        ib = [ib0, ib1]
        ra = [ra0, ra1]
        rb = [rb0, rb1]
        acc_v = [ac0, ac1]
        smi = [smi0, smi1]
        smr = [smr0, smr1]
        smw = [smw0, smw1]
        wid = lax.axis_index("c") * NS + lax.axis_index("s")
        base = wid * et
        lanes = lax.iota(jnp.int32, 16)
        dsc_ia = [None] * n
        dsc_ib = [None] * n
        dsc_ra = [None] * n
        dsc_rb = [None] * n
        dsc_w = [None] * n

        def issue_idx(j):
            k2 = j % 2
            off = base + j * b
            dsc_ia[j] = pltpu.async_copy(ii_hbm.at[pl.ds(off, b)], ia[k2], smi[k2])
            dsc_ib[j] = pltpu.async_copy(jj_hbm.at[pl.ds(off, b)], ib[k2], smi[k2])

        def issue_gather(j):
            k2 = j % 2
            dsc_ia[j].wait()
            dsc_ib[j].wait()
            pltpu.sync_copy(h_sh.at[ia[k2]], ra[k2])
            pltpu.sync_copy(h_sh.at[ib[k2]], rb[k2])

        issue_idx(0)
        if n > 1:
            issue_idx(1)
        s = lax.axis_index("s")
        hrt = N // NS
        pltpu.sync_copy(h_hbm.at[pl.ds(s * hrt, hrt)], h_sh.at[pl.ds(s * hrt, hrt)])
        plsc.subcore_barrier()
        issue_gather(0)
        for j in range(n):
            k2 = j % 2
            if j + 1 < n:
                issue_gather(j + 1)
            if j >= 2:
                dsc_w[j - 2].wait()
            if j + 2 < n:
                issue_idx(j + 2)

            def grp(g, carry2, _k2=k2):
                ridx = g * 16 + lanes
                acc = jnp.zeros((16,), jnp.float32)
                for f in range(16):
                    cidx = jnp.full((16,), f, jnp.int32)
                    va = plsc.load_gather(ra[_k2], [ridx, cidx])
                    vb = plsc.load_gather(rb[_k2], [ridx, cidx])
                    acc = acc + va * vb
                acc_v[_k2][pl.ds(g * 16, 16)] = acc
                return carry2

            lax.fori_loop(0, b // 16, grp, 0)
            dsc_w[j] = pltpu.async_copy(acc_v[k2], out_hbm.at[pl.ds(base + j * b, b)], smw[k2])
        for j in range(max(0, n - 2), n):
            dsc_w[j].wait()

    return k




def _mm1(x, w, degp, bm):
    m, kdim = x.shape
    nn = w.shape[1]

    def body(x_ref, w_ref, da_ref, db_ref, o_ref):
        dis = lax.rsqrt(1.0 + da_ref[0] + db_ref[0])
        p = jnp.dot(x_ref[...], w_ref[...], preferred_element_type=jnp.float32)
        o_ref[...] = p * dis

    return pl.pallas_call(
        body,
        grid=(m // bm,),
        in_specs=[
            pl.BlockSpec((bm, kdim), lambda i: (i, 0)),
            pl.BlockSpec((kdim, nn), lambda i: (0, 0)),
            pl.BlockSpec((1, bm, 1), lambda i: (0, i, 0)),
            pl.BlockSpec((1, bm, 1), lambda i: (1, i, 0)),
        ],
        out_specs=pl.BlockSpec((bm, nn), lambda i: (i, 0)),
        out_shape=jax.ShapeDtypeStruct((m, nn), jnp.float32),
    )(x, w, degp, degp)


def _mm2(s1p, t1, degp, b1, w2, bm):
    m = t1.shape[0]
    d_in = t1.shape[1]
    d_out = w2.shape[1]

    def body(a_ref, b_ref, t_ref, da_ref, db_ref, bias_ref, w_ref, o_ref):
        dis = lax.rsqrt(1.0 + da_ref[0] + db_ref[0])
        s = t_ref[...] + a_ref[0] + b_ref[0]
        h = jnp.maximum(s * dis + bias_ref[...], 0.0)
        o_ref[...] = jnp.dot(h, w_ref[...], preferred_element_type=jnp.float32) * dis

    return pl.pallas_call(
        body,
        grid=(m // bm,),
        in_specs=[
            pl.BlockSpec((1, bm, d_in), lambda i: (0, i, 0)),
            pl.BlockSpec((1, bm, d_in), lambda i: (1, i, 0)),
            pl.BlockSpec((bm, d_in), lambda i: (i, 0)),
            pl.BlockSpec((1, bm, 1), lambda i: (0, i, 0)),
            pl.BlockSpec((1, bm, 1), lambda i: (1, i, 0)),
            pl.BlockSpec((d_in,), lambda i: (0,)),
            pl.BlockSpec((d_in, d_out), lambda i: (0, 0)),
        ],
        out_specs=pl.BlockSpec((bm, d_out), lambda i: (i, 0)),
        out_shape=jax.ShapeDtypeStruct((m, d_out), jnp.float32),
    )(s1p, s1p, t1, degp, degp, b1, w2)


def _h2_tc(s2p, t2, degp, b2, bm):
    m, d = t2.shape

    def body(a_ref, b_ref, t_ref, da_ref, db_ref, bias_ref, o_ref):
        dis = lax.rsqrt(1.0 + da_ref[0] + db_ref[0])
        s = t_ref[...] + a_ref[0] + b_ref[0]
        o_ref[...] = s * dis + bias_ref[...]

    return pl.pallas_call(
        body,
        grid=(m // bm,),
        in_specs=[
            pl.BlockSpec((1, bm, d), lambda i: (0, i, 0)),
            pl.BlockSpec((1, bm, d), lambda i: (1, i, 0)),
            pl.BlockSpec((bm, d), lambda i: (i, 0)),
            pl.BlockSpec((1, bm, 1), lambda i: (0, i, 0)),
            pl.BlockSpec((1, bm, 1), lambda i: (1, i, 0)),
            pl.BlockSpec((d,), lambda i: (0,)),
        ],
        out_specs=pl.BlockSpec((bm, d), lambda i: (i, 0)),
        out_shape=jax.ShapeDtypeStruct((m, d), jnp.float32),
    )(s2p, s2p, t2, degp, degp, b2)




def kernel(pos_edge_index, neg_edge_index, x, train_pos_edge_index, W1, b1, W2, b2):
    e = train_pos_edge_index.shape[1]
    src = train_pos_edge_index[0]
    dst = train_pos_edge_index[1]

    b_deg = 2000
    degp = _sc_degree(e, b_deg)(
        dst,
        jnp.zeros((NPAD, 1), jnp.float32),
        jnp.ones((b_deg, 1), jnp.float32),
    )
    t1 = _mm1(x, W1, degp, 400)
    s1p = _sc_scatter_rows(32, e, 1000)(t1, src, dst, jnp.zeros((NPAD, 32), jnp.float32))
    t2 = _mm2(s1p, t1, degp, b1, W2, 400)
    s2p = _sc_scatter_rows(16, e, 1000)(t2, src, dst, jnp.zeros((NPAD, 16), jnp.float32))
    h2 = _h2_tc(s2p, t2, degp, b2, 1000)

    n_sc = pos_edge_index.shape[1] + neg_edge_index.shape[1]
    e_pad = 204800
    pad = jnp.zeros((e_pad - n_sc,), pos_edge_index.dtype)
    ii = jnp.concatenate([pos_edge_index[1], neg_edge_index[1], pad])
    jj = jnp.concatenate([pos_edge_index[0], neg_edge_index[0], pad])
    return _sc_edge_dot(e_pad, 1600)(h2, ii, jj)[:n_sc]

# --- scband reference (transcript-rebuilt; emitter-appended) ---
"""Pipeline reference for scband-net-85160611545454 (READ-ONLY COPY).

The authoritative reference and input builder live on the scoring server;
editing this copy changes nothing except your own understanding.
"""

import jax, jax.numpy as jnp
import numpy as np

N_NODES = 10000
IN_DIM = 6526
HID = 32
OUT = 16
N_TRAIN_E = 320000
N_POS = 100000
N_NEG = 100000


def gcn_conv(x, edge_index, W, b):
    n = x.shape[0]
    loop = jnp.arange(n, dtype=edge_index.dtype)
    src = jnp.concatenate([edge_index[0], loop])
    dst = jnp.concatenate([edge_index[1], loop])
    deg = jnp.zeros((n,), dtype=x.dtype).at[dst].add(1.0)
    dis = jnp.where(deg > 0, 1.0 / jnp.sqrt(deg), 0.0)
    norm = dis[src] * dis[dst]
    h = x @ W
    msg = h[src] * norm[:, None]
    out = jnp.zeros((n, W.shape[1]), dtype=x.dtype).at[dst].add(msg)
    return out + b


def setup_inputs(seed: int = 0) -> dict:
    key = jax.random.key(seed)
    ks = jax.random.split(key, 8)
    x = jax.random.normal(ks[0], (N_NODES, IN_DIM), dtype=jnp.float32)
    train_pos_edge_index = jax.random.randint(ks[1], (2, N_TRAIN_E), 0, N_NODES, dtype=jnp.int64 if jax.config.read('jax_enable_x64') else jnp.int32)
    pos_edge_index = jax.random.randint(ks[2], (2, N_POS), 0, N_NODES, dtype=train_pos_edge_index.dtype)
    neg_edge_index = jax.random.randint(ks[3], (2, N_NEG), 0, N_NODES, dtype=train_pos_edge_index.dtype)
    W1 = jax.random.normal(ks[4], (IN_DIM, HID), dtype=jnp.float32) * (1.0 / np.sqrt(IN_DIM))
    b1 = jnp.zeros((HID,), dtype=jnp.float32)
    W2 = jax.random.normal(ks[5], (HID, OUT), dtype=jnp.float32) * (1.0 / np.sqrt(HID))
    b2 = jnp.zeros((OUT,), dtype=jnp.float32)
    return {
        'pos_edge_index': pos_edge_index,
        'neg_edge_index': neg_edge_index,
        'x': x,
        'train_pos_edge_index': train_pos_edge_index,
        'W1': W1,
        'b1': b1,
        'W2': W2,
        'b2': b2,
    }


def reference(pos_edge_index, neg_edge_index, x, train_pos_edge_index, W1, b1, W2, b2):
    h = jax.nn.relu(gcn_conv(x, train_pos_edge_index, W1, b1))
    h = gcn_conv(h, train_pos_edge_index, W2, b2)
    total_edge_index = jnp.concatenate([pos_edge_index, neg_edge_index], axis=-1)
    x_j = jnp.take(h, total_edge_index[0], axis=0)
    x_i = jnp.take(h, total_edge_index[1], axis=0)
    return jnp.einsum('ef,ef->e', x_i, x_j)

if __name__ == "__main__":
    import jax
    _d = setup_inputs()
    print(jax.jit(kernel)(*tuple(_d.values())))

</pallas_src>

<mosaic_0001>
#map = affine_map<(d0, d1) -> (0, 0)>
#map1 = affine_map<(d0, d1) -> (0)>
module attributes {stable_mosaic.version = 14 : i64} {
  func.func @k(%arg0: i32, %arg1: i32, %arg2: memref<10000x16xf32, #tpu.memory_space<hbm>>, %arg3: memref<204800xi32, #tpu.memory_space<hbm>>, %arg4: memref<204800xi32, #tpu.memory_space<hbm>>, %arg5: memref<204800xf32, #tpu.memory_space<hbm>>, %arg6: memref<1600xi32, #tpu.memory_space<vmem>>, %arg7: memref<1600xi32, #tpu.memory_space<vmem>>, %arg8: memref<1600xi32, #tpu.memory_space<vmem>>, %arg9: memref<1600xi32, #tpu.memory_space<vmem>>, %arg10: memref<1600x16xf32, #tpu.memory_space<vmem>>, %arg11: memref<1600x16xf32, #tpu.memory_space<vmem>>, %arg12: memref<1600x16xf32, #tpu.memory_space<vmem>>, %arg13: memref<1600x16xf32, #tpu.memory_space<vmem>>, %arg14: memref<1600xf32, #tpu.memory_space<vmem>>, %arg15: memref<1600xf32, #tpu.memory_space<vmem>>, %arg16: memref<10000x16xf32, #tpu.memory_space<vmem_shared>>, %arg17: memref<!tpu.dma_semaphore, #tpu.memory_space<semaphore_mem>>, %arg18: memref<!tpu.dma_semaphore, #tpu.memory_space<semaphore_mem>>, %arg19: memref<!tpu.dma_semaphore, #tpu.memory_space<semaphore_mem>>, %arg20: memref<!tpu.dma_semaphore, #tpu.memory_space<semaphore_mem>>, %arg21: memref<!tpu.dma_semaphore, #tpu.memory_space<semaphore_mem>>, %arg22: memref<!tpu.dma_semaphore, #tpu.memory_space<semaphore_mem>>) attributes {dimension_semantics = [#tpu.dimension_semantics<core_parallel>, #tpu.dimension_semantics<subcore_parallel>], iteration_bounds = array<i64: 2, 16>, scalar_prefetch = 0 : i64, scratch_operands = 17 : i64, tpu.core_type = #tpu.core_type<sc_vector_subcore>, window_params = [{transform_indices = #map}, {transform_indices = #map1}, {transform_indices = #map1}, {transform_indices = #map1}]} {
    %mul3A = arith.constant 16 : i32
    %mul3A_0 = arith.muli %arg0, %mul3A : i32
    %add3A = arith.addi %mul3A_0, %arg1 : i32
    %mul3A_1 = arith.constant 6400 : i32
    %mul3A_2 = arith.muli %add3A, %mul3A_1 : i32
    %iota3A = tpu.iota {dimensions = array<i32: 0>} : vector<16xi32>
    %add3A_3 = arith.constant 0 : i32
    %add3A_4 = arith.addi %mul3A_2, %add3A_3 : i32
    %dma_start3A = tpu.memref_slice %arg3[%add3A_4] : memref<204800xi32, #tpu.memory_space<hbm>> -> memref<1600xi32, #tpu.memory_space<hbm>>
    %dma_start3A_5 = tpu.memref_slice %arg3[%add3A_4] : memref<204800xi32, #tpu.memory_space<hbm>> -> memref<1600xi32, #tpu.memory_space<hbm>>
    tpu.enqueue_dma source(%dma_start3A_5 : memref<1600xi32, #tpu.memory_space<hbm>>) target(%arg6 : memref<1600xi32, #tpu.memory_space<vmem>>) target_semaphore(%arg17 : memref<!tpu.dma_semaphore, #tpu.memory_space<semaphore_mem>>)
    %dma_start3A_6 = tpu.memref_slice %arg4[%add3A_4] : memref<204800xi32, #tpu.memory_space<hbm>> -> memref<1600xi32, #tpu.memory_space<hbm>>
    %dma_start3A_7 = tpu.memref_slice %arg4[%add3A_4] : memref<204800xi32, #tpu.memory_space<hbm>> -> memref<1600xi32, #tpu.memory_space<hbm>>
    tpu.enqueue_dma source(%dma_start3A_7 : memref<1600xi32, #tpu.memory_space<hbm>>) target(%arg8 : memref<1600xi32, #tpu.memory_space<vmem>>) target_semaphore(%arg17 : memref<!tpu.dma_semaphore, #tpu.memory_space<semaphore_mem>>)
    %add3A_8 = arith.constant 1600 : i32
    %add3A_9 = arith.addi %mul3A_2, %add3A_8 : i32
    %dma_start3A_10 = tpu.memref_slice %arg3[%add3A_9] : memref<204800xi32, #tpu.memory_space<hbm>> -> memref<1600xi32, #tpu.memory_space<hbm>>
    %dma_start3A_11 = tpu.memref_slice %arg3[%add3A_9] : memref<204800xi32, #tpu.memory_space<hbm>> -> memref<1600xi32, #tpu.memory_space<hbm>>
    tpu.enqueue_dma source(%dma_start3A_11 : memref<1600xi32, #tpu.memory_space<hbm>>) target(%arg7 : memref<1600xi32, #tpu.memory_space<vmem>>) target_semaphore(%arg18 : memref<!tpu.dma_semaphore, #tpu.memory_space<semaphore_mem>>)
    %dma_start3A_12 = tpu.memref_slice %arg4[%add3A_9] : memref<204800xi32, #tpu.memory_space<hbm>> -> memref<1600xi32, #tpu.memory_space<hbm>>
    %dma_start3A_13 = tpu.memref_slice %arg4[%add3A_9] : memref<204800xi32, #tpu.memory_space<hbm>> -> memref<1600xi32, #tpu.memory_space<hbm>>
    tpu.enqueue_dma source(%dma_start3A_13 : memref<1600xi32, #tpu.memory_space<hbm>>) target(%arg9 : memref<1600xi32, #tpu.memory_space<vmem>>) target_semaphore(%arg18 : memref<!tpu.dma_semaphore, #tpu.memory_space<semaphore_mem>>)
    %mul3A_14 = arith.constant 625 : i32
    %mul3A_15 = arith.muli %arg1, %mul3A_14 : i32
    %mul3A_16 = arith.constant 625 : i32
    %mul3A_17 = arith.muli %arg1, %mul3A_16 : i32
    "tpu.region"() ({
      %run_scoped3A = tpu.sem_alloc : memref<!tpu.dma_semaphore, #tpu.memory_space<semaphore_mem>>
      %dma_start3A_92 = arith.constant 0 : i32
      %dma_start3A_93 = tpu.memref_slice %arg16[%mul3A_17, %dma_start3A_92] : memref<10000x16xf32, #tpu.memory_space<vmem_shared>> -> memref<625x16xf32, #tpu.memory_space<vmem_shared>>
      %dma_start3A_94 = arith.constant 0 : i32
      %dma_start3A_95 = tpu.memref_slice %arg2[%mul3A_15, %dma_start3A_94] : memref<10000x16xf32, #tpu.memory_space<hbm>> -> memref<625x16xf32, #tpu.memory_space<hbm>>
      tpu.enqueue_dma source(%dma_start3A_95 : memref<625x16xf32, #tpu.memory_space<hbm>>) target(%dma_start3A_93 : memref<625x16xf32, #tpu.memory_space<vmem_shared>>) target_semaphore(%run_scoped3A : memref<!tpu.dma_semaphore, #tpu.memory_space<semaphore_mem>>)
      %dma_wait3A_96 = arith.constant 0 : i32
      %dma_wait3A_97 = tpu.memref_slice %arg16[%mul3A_17, %dma_wait3A_96] : memref<10000x16xf32, #tpu.memory_space<vmem_shared>> -> memref<625x16xf32, #tpu.memory_space<vmem_shared>>
      %dma_wait3A_98 = arith.constant 0 : i32
      %dma_wait3A_99 = tpu.memref_slice %arg2[%mul3A_15, %dma_wait3A_98] : memref<10000x16xf32, #tpu.memory_space<hbm>> -> memref<625x16xf32, #tpu.memory_space<hbm>>
      tpu.wait_dma2 semaphore(%run_scoped3A : memref<!tpu.dma_semaphore, #tpu.memory_space<semaphore_mem>>) src(%dma_wait3A_99 : memref<625x16xf32, #tpu.memory_space<hbm>>) dst(%dma_wait3A_97 : memref<625x16xf32, #tpu.memory_space<vmem_shared>>)
      tpu.yield
    }) : () -> ()
    %barrier3A = arith.constant 0 : index
    tpu.barrier barrier_id(%barrier3A)
    %dma_wait3A = tpu.memref_slice %arg3[%add3A_4] : memref<204800xi32, #tpu.memory_space<hbm>> -> memref<1600xi32, #tpu.memory_space<hbm>>
    %dma_wait3A_18 = tpu.memref_slice %arg3[%add3A_4] : memref<204800xi32, #tpu.memory_space<hbm>> -> memref<1600xi32, #tpu.memory_space<hbm>>
    tpu.wait_dma2 semaphore(%arg17 : memref<!tpu.dma_semaphore, #tpu.memory_space<semaphore_mem>>) src(%dma_wait3A_18 : memref<1600xi32, #tpu.memory_space<hbm>>) dst(%arg6 : memref<1600xi32, #tpu.memory_space<vmem>>)
    %dma_wait3A_19 = tpu.memref_slice %arg4[%add3A_4] : memref<204800xi32, #tpu.memory_space<hbm>> -> memref<1600xi32, #tpu.memory_space<hbm>>
    %dma_wait3A_20 = tpu.memref_slice %arg4[%add3A_4] : memref<204800xi32, #tpu.memory_space<hbm>> -> memref<1600xi32, #tpu.memory_space<hbm>>
    tpu.wait_dma2 semaphore(%arg17 : memref<!tpu.dma_semaphore, #tpu.memory_space<semaphore_mem>>) src(%dma_wait3A_20 : memref<1600xi32, #tpu.memory_space<hbm>>) dst(%arg8 : memref<1600xi32, #tpu.memory_space<vmem>>)
    "tpu.region"() ({
      %run_scoped3A = tpu.sem_alloc : memref<!tpu.dma_semaphore, #tpu.memory_space<semaphore_mem>>
      %dma_start3A_92 = arith.constant 0 : i32
      %dma_start3A_93 = arith.constant 0 : i32
      %dma_start3A_94 = tpu.memref_slice %arg16[%dma_start3A_92, %dma_start3A_93] : memref<10000x16xf32, #tpu.memory_space<vmem_shared>> -> memref<10000x16xf32, #tpu.memory_space<vmem_shared>>
      tpu.enqueue_indirect_dma source(%dma_start3A_94 : memref<10000x16xf32, #tpu.memory_space<vmem_shared>>) target(%arg10 : memref<1600x16xf32, #tpu.memory_space<vmem>>) offsets(%arg6 : memref<1600xi32, #tpu.memory_space<vmem>>) semaphore(%run_scoped3A : memref<!tpu.dma_semaphore, #tpu.memory_space<semaphore_mem>>)
      %dma_wait3A_95 = arith.constant 0 : i32
      %dma_wait3A_96 = arith.constant 0 : i32
      %dma_wait3A_97 = tpu.memref_slice %arg16[%dma_wait3A_95, %dma_wait3A_96] : memref<10000x16xf32, #tpu.memory_space<vmem_shared>> -> memref<10000x16xf32, #tpu.memory_space<vmem_shared>>
      tpu.wait_indirect_dma semaphore(%run_scoped3A : memref<!tpu.dma_semaphore, #tpu.memory_space<semaphore_mem>>) src(%dma_wait3A_97 : memref<10000x16xf32, #tpu.memory_space<vmem_shared>>) dst(%arg10 : memref<1600x16xf32, #tpu.memory_space<vmem>>)
      tpu.yield
    }) : () -> ()
    "tpu.region"() ({
      %run_scoped3A = tpu.sem_alloc : memref<!tpu.dma_semaphore, #tpu.memory_space<semaphore_mem>>
      %dma_start3A_92 = arith.constant 0 : i32
      %dma_start3A_93 = arith.constant 0 : i32
      %dma_start3A_94 = tpu.memref_slice %arg16[%dma_start3A_92, %dma_start3A_93] : memref<10000x16xf32, #tpu.memory_space<vmem_shared>> -> memref<10000x16xf32, #tpu.memory_space<vmem_shared>>
      tpu.enqueue_indirect_dma source(%dma_start3A_94 : memref<10000x16xf32, #tpu.memory_space<vmem_shared>>) target(%arg12 : memref<1600x16xf32, #tpu.memory_space<vmem>>) offsets(%arg8 : memref<1600xi32, #tpu.memory_space<vmem>>) semaphore(%run_scoped3A : memref<!tpu.dma_semaphore, #tpu.memory_space<semaphore_mem>>)
      %dma_wait3A_95 = arith.constant 0 : i32
      %dma_wait3A_96 = arith.constant 0 : i32
      %dma_wait3A_97 = tpu.memref_slice %arg16[%dma_wait3A_95, %dma_wait3A_96] : memref<10000x16xf32, #tpu.memory_space<vmem_shared>> -> memref<10000x16xf32, #tpu.memory_space<vmem_shared>>
      tpu.wait_indirect_dma semaphore(%run_scoped3A : memref<!tpu.dma_semaphore, #tpu.memory_space<semaphore_mem>>) src(%dma_wait3A_97 : memref<10000x16xf32, #tpu.memory_space<vmem_shared>>) dst(%arg12 : memref<1600x16xf32, #tpu.memory_space<vmem>>)
      tpu.yield
    }) : () -> ()
    %dma_wait3A_21 = tpu.memref_slice %arg3[%add3A_9] : memref<204800xi32, #tpu.memory_space<hbm>> -> memref<1600xi32, #tpu.memory_space<hbm>>
    %dma_wait3A_22 = tpu.memref_slice %arg3[%add3A_9] : memref<204800xi32, #tpu.memory_space<hbm>> -> memref<1600xi32, #tpu.memory_space<hbm>>
    tpu.wait_dma2 semaphore(%arg18 : memref<!tpu.dma_semaphore, #tpu.memory_space<semaphore_mem>>) src(%dma_wait3A_22 : memref<1600xi32, #tpu.memory_space<hbm>>) dst(%arg7 : memref<1600xi32, #tpu.memory_space<vmem>>)
    %dma_wait3A_23 = tpu.memref_slice %arg4[%add3A_9] : memref<204800xi32, #tpu.memory_space<hbm>> -> memref<1600xi32, #tpu.memory_space<hbm>>
    %dma_wait3A_24 = tpu.memref_slice %arg4[%add3A_9] : memref<204800xi32, #tpu.memory_space<hbm>> -> memref<1600xi32, #tpu.memory_space<hbm>>
    tpu.wait_dma2 semaphore(%arg18 : memref<!tpu.dma_semaphore, #tpu.memory_space<semaphore_mem>>) src(%dma_wait3A_24 : memref<1600xi32, #tpu.memory_space<hbm>>) dst(%arg9 : memref<1600xi32, #tpu.memory_space<vmem>>)
    "tpu.region"() ({
      %run_scoped3A = tpu.sem_alloc : memref<!tpu.dma_semaphore, #tpu.memory_space<semaphore_mem>>
      %dma_start3A_92 = arith.constant 0 : i32
      %dma_start3A_93 = arith.constant 0 : i32
      %dma_start3A_94 = tpu.memref_slice %arg16[%dma_start3A_92, %dma_start3A_93] : memref<10000x16xf32, #tpu.memory_space<vmem_shared>> -> memref<10000x16xf32, #tpu.memory_space<vmem_shared>>
      tpu.enqueue_indirect_dma source(%dma_start3A_94 : memref<10000x16xf32, #tpu.memory_space<vmem_shared>>) target(%arg11 : memref<1600x16xf32, #tpu.memory_space<vmem>>) offsets(%arg7 : memref<1600xi32, #tpu.memory_space<vmem>>) semaphore(%run_scoped3A : memref<!tpu.dma_semaphore, #tpu.memory_space<semaphore_mem>>)
      %dma_wait3A_95 = arith.constant 0 : i32
      %dma_wait3A_96 = arith.constant 0 : i32
      %dma_wait3A_97 = tpu.memref_slice %arg16[%dma_wait3A_95, %dma_wait3A_96] : memref<10000x16xf32, #tpu.memory_space<vmem_shared>> -> memref<10000x16xf32, #tpu.memory_space<vmem_shared>>
      tpu.wait_indirect_dma semaphore(%run_scoped3A : memref<!tpu.dma_semaphore, #tpu.memory_space<semaphore_mem>>) src(%dma_wait3A_97 : memref<10000x16xf32, #tpu.memory_space<vmem_shared>>) dst(%arg11 : memref<1600x16xf32, #tpu.memory_space<vmem>>)
      tpu.yield
    }) : () -> ()
    "tpu.region"() ({
      %run_scoped3A = tpu.sem_alloc : memref<!tpu.dma_semaphore, #tpu.memory_space<semaphore_mem>>
      %dma_start3A_92 = arith.constant 0 : i32
      %dma_start3A_93 = arith.constant 0 : i32
      %dma_start3A_94 = tpu.memref_slice %arg16[%dma_start3A_92, %dma_start3A_93] : memref<10000x16xf32, #tpu.memory_space<vmem_shared>> -> memref<10000x16xf32, #tpu.memory_space<vmem_shared>>
      tpu.enqueue_indirect_dma source(%dma_start3A_94 : memref<10000x16xf32, #tpu.memory_space<vmem_shared>>) target(%arg13 : memref<1600x16xf32, #tpu.memory_space<vmem>>) offsets(%arg9 : memref<1600xi32, #tpu.memory_space<vmem>>) semaphore(%run_scoped3A : memref<!tpu.dma_semaphore, #tpu.memory_space<semaphore_mem>>)
      %dma_wait3A_95 = arith.constant 0 : i32
      %dma_wait3A_96 = arith.constant 0 : i32
      %dma_wait3A_97 = tpu.memref_slice %arg16[%dma_wait3A_95, %dma_wait3A_96] : memref<10000x16xf32, #tpu.memory_space<vmem_shared>> -> memref<10000x16xf32, #tpu.memory_space<vmem_shared>>
      tpu.wait_indirect_dma semaphore(%run_scoped3A : memref<!tpu.dma_semaphore, #tpu.memory_space<semaphore_mem>>) src(%dma_wait3A_97 : memref<10000x16xf32, #tpu.memory_space<vmem_shared>>) dst(%arg13 : memref<1600x16xf32, #tpu.memory_space<vmem>>)
      tpu.yield
    }) : () -> ()
    %add3A_25 = arith.constant 3200 : i32
    %add3A_26 = arith.addi %mul3A_2, %add3A_25 : i32
    %dma_start3A_27 = tpu.memref_slice %arg3[%add3A_26] : memref<204800xi32, #tpu.memory_space<hbm>> -> memref<1600xi32, #tpu.memory_space<hbm>>
    %dma_start3A_28 = tpu.memref_slice %arg3[%add3A_26] : memref<204800xi32, #tpu.memory_space<hbm>> -> memref<1600xi32, #tpu.memory_space<hbm>>
    tpu.enqueue_dma source(%dma_start3A_28 : memref<1600xi32, #tpu.memory_space<hbm>>) target(%arg6 : memref<1600xi32, #tpu.memory_space<vmem>>) target_semaphore(%arg17 : memref<!tpu.dma_semaphore, #tpu.memory_space<semaphore_mem>>)
    %dma_start3A_29 = tpu.memref_slice %arg4[%add3A_26] : memref<204800xi32, #tpu.memory_space<hbm>> -> memref<1600xi32, #tpu.memory_space<hbm>>
    %dma_start3A_30 = tpu.memref_slice %arg4[%add3A_26] : memref<204800xi32, #tpu.memory_space<hbm>> -> memref<1600xi32, #tpu.memory_space<hbm>>
    tpu.enqueue_dma source(%dma_start3A_30 : memref<1600xi32, #tpu.memory_space<hbm>>) target(%arg8 : memref<1600xi32, #tpu.memory_space<vmem>>) target_semaphore(%arg17 : memref<!tpu.dma_semaphore, #tpu.memory_space<semaphore_mem>>)
    %scan3A = arith.constant 0 : i32
    %scan3A_31 = arith.constant 0 : i32
    %scan3A_32 = arith.constant 100 : i32
    %scan3A_33 = arith.addi %scan3A_31, %scan3A_32 : i32
    %scan3A_34 = arith.constant 1 : i32
    scf.for %scan3A_92 = %scan3A_31 to %scan3A_33 step %scan3A_34  : i32 {
      %mul3A_93 = arith.constant 16 : i32
      %mul3A_94 = arith.muli %scan3A_92, %mul3A_93 : i32
      %add3A_95 = vector.broadcast %mul3A_94 : i32 to vector<16xi32>
      %add3A_96 = arith.addi %add3A_95, %iota3A : vector<16xi32>
      %broadcast_in_dim3A = arith.constant 0.000000e+00 : f32
      %broadcast_in_dim3A_97 = vector.broadcast %broadcast_in_dim3A : f32 to vector<16xf32>
      %broadcast_in_dim3A_98 = arith.constant 0 : i32
      %broadcast_in_dim3A_99 = vector.broadcast %broadcast_in_dim3A_98 : i32 to vector<16xi32>
      %gather3A = tpu.vector_load_idx %arg10[%add3A_96, %broadcast_in_dim3A_99] : memref<1600x16xf32, #tpu.memory_space<vmem>>[vector<16xi32>, vector<16xi32>], vector<16xf32>,
      %gather3A_100 = tpu.vector_load_idx %arg12[%add3A_96, %broadcast_in_dim3A_99] : memref<1600x16xf32, #tpu.memory_space<vmem>>[vector<16xi32>, vector<16xi32>], vector<16xf32>,
      %mul3A_101 = arith.mulf %gather3A, %gather3A_100 : vector<16xf32>
      %add3A_102 = arith.addf %broadcast_in_dim3A_97, %mul3A_101 : vector<16xf32>
      %broadcast_in_dim3A_103 = arith.constant 1 : i32
      %broadcast_in_dim3A_104 = vector.broadcast %broadcast_in_dim3A_103 : i32 to vector<16xi32>
      %gather3A_105 = tpu.vector_load_idx %arg10[%add3A_96, %broadcast_in_dim3A_104] : memref<1600x16xf32, #tpu.memory_space<vmem>>[vector<16xi32>, vector<16xi32>], vector<16xf32>,
      %gather3A_106 = tpu.vector_load_idx %arg12[%add3A_96, %broadcast_in_dim3A_104] : memref<1600x16xf32, #tpu.memory_space<vmem>>[vector<16xi32>, vector<16xi32>], vector<16xf32>,
      %mul3A_107 = arith.mulf %gather3A_105, %gather3A_106 : vector<16xf32>
      %add3A_108 = arith.addf %add3A_102, %mul3A_107 : vector<16xf32>
      %broadcast_in_dim3A_109 = arith.constant 2 : i32
      %broadcast_in_dim3A_110 = vector.broadcast %broadcast_in_dim3A_109 : i32 to vector<16xi32>
      %gather3A_111 = tpu.vector_load_idx %arg10[%add3A_96, %broadcast_in_dim3A_110] : memref<1600x16xf32, #tpu.memory_space<vmem>>[vector<16xi32>, vector<16xi32>], vector<16xf32>,
      %gather3A_112 = tpu.vector_load_idx %arg12[%add3A_96, %broadcast_in_dim3A_110] : memref<1600x16xf32, #tpu.memory_space<vmem>>[vector<16xi32>, vector<16xi32>], vector<16xf32>,
      %mul3A_113 = arith.mulf %gather3A_111, %gather3A_112 : vector<16xf32>
      %add3A_114 = arith.addf %add3A_108, %mul3A_113 : vector<16xf32>
      %broadcast_in_dim3A_115 = arith.constant 3 : i32
      %broadcast_in_dim3A_116 = vector.broadcast %broadcast_in_dim3A_115 : i32 to vector<16xi32>
      %gather3A_117 = tpu.vector_load_idx %arg10[%add3A_96, %broadcast_in_dim3A_116] : memref<1600x16xf32, #tpu.memory_space<vmem>>[vector<16xi32>, vector<16xi32>], vector<16xf32>,
      %gather3A_118 = tpu.vector_load_idx %arg12[%add3A_96, %broadcast_in_dim3A_116] : memref<1600x16xf32, #tpu.memory_space<vmem>>[vector<16xi32>, vector<16xi32>], vector<16xf32>,
      %mul3A_119 = arith.mulf %gather3A_117, %gather3A_118 : vector<16xf32>
      %add3A_120 = arith.addf %add3A_114, %mul3A_119 : vector<16xf32>
      %broadcast_in_dim3A_121 = arith.constant 4 : i32
      %broadcast_in_dim3A_122 = vector.broadcast %broadcast_in_dim3A_121 : i32 to vector<16xi32>
      %gather3A_123 = tpu.vector_load_idx %arg10[%add3A_96, %broadcast_in_dim3A_122] : memref<1600x16xf32, #tpu.memory_space<vmem>>[vector<16xi32>, vector<16xi32>], vector<16xf32>,
      %gather3A_124 = tpu.vector_load_idx %arg12[%add3A_96, %broadcast_in_dim3A_122] : memref<1600x16xf32, #tpu.memory_space<vmem>>[vector<16xi32>, vector<16xi32>], vector<16xf32>,
      %mul3A_125 = arith.mulf %gather3A_123, %gather3A_124 : vector<16xf32>
      %add3A_126 = arith.addf %add3A_120, %mul3A_125 : vector<16xf32>
      %broadcast_in_dim3A_127 = arith.constant 5 : i32
      %broadcast_in_dim3A_128 = vector.broadcast %broadcast_in_dim3A_127 : i32 to vector<16xi32>
      %gather3A_129 = tpu.vector_load_idx %arg10[%add3A_96, %broadcast_in_dim3A_128] : memref<1600x16xf32, #tpu.memory_space<vmem>>[vector<16xi32>, vector<16xi32>], vector<16xf32>,
      %gather3A_130 = tpu.vector_load_idx %arg12[%add3A_96, %broadcast_in_dim3A_128] : memref<1600x16xf32, #tpu.memory_space<vmem>>[vector<16xi32>, vector<16xi32>], vector<16xf32>,
      %mul3A_131 = arith.mulf %gather3A_129, %gather3A_130 : vector<16xf32>
      %add3A_132 = arith.addf %add3A_126, %mul3A_131 : vector<16xf32>
      %broadcast_in_dim3A_133 = arith.constant 6 : i32
      %broadcast_in_dim3A_134 = vector.broadcast %broadcast_in_dim3A_133 : i32 to vector<16xi32>
      %gather3A_135 = tpu.vector_load_idx %arg10[%add3A_96, %broadcast_in_dim3A_134] : memref<1600x16xf32, #tpu.memory_space<vmem>>[vector<16xi32>, vector<16xi32>], vector<16xf32>,
      %gather3A_136 = tpu.vector_load_idx %arg12[%add3A_96, %broadcast_in_dim3A_134] : memref<1600x16xf32, #tpu.memory_space<vmem>>[vector<16xi32>, vector<16xi32>], vector<16xf32>,
      %mul3A_137 = arith.mulf %gather3A_135, %gather3A_136 : vector<16xf32>
      %add3A_138 = arith.addf %add3A_132, %mul3A_137 : vector<16xf32>
      %broadcast_in_dim3A_139 = arith.constant 7 : i32
      %broadcast_in_dim3A_140 = vector.broadcast %broadcast_in_dim3A_139 : i32 to vector<16xi32>
      %gather3A_141 = tpu.vector_load_idx %arg10[%add3A_96, %broadcast_in_dim3A_140] : memref<1600x16xf32, #tpu.memory_space<vmem>>[vector<16xi32>, vector<16xi32>], vector<16xf32>,
      %gather3A_142 = tpu.vector_load_idx %arg12[%add3A_96, %broadcast_in_dim3A_140] : memref<1600x16xf32, #tpu.memory_space<vmem>>[vector<16xi32>, vector<16xi32>], vector<16xf32>,
      %mul3A_143 = arith.mulf %gather3A_141, %gather3A_142 : vector<16xf32>
      %add3A_144 = arith.addf %add3A_138, %mul3A_143 : vector<16xf32>
      %broadcast_in_dim3A_145 = arith.constant 8 : i32
      %broadcast_in_dim3A_146 = vector.broadcast %broadcast_in_dim3A_145 : i32 to vector<16xi32>
      %gather3A_147 = tpu.vector_load_idx %arg10[%add3A_96, %broadcast_in_dim3A_146] : memref<1600x16xf32, #tpu.memory_space<vmem>>[vector<16xi32>, vector<16xi32>], vector<16xf32>,
      %gather3A_148 = tpu.vector_load_idx %arg12[%add3A_96, %broadcast_in_dim3A_146] : memref<1600x16xf32, #tpu.memory_space<vmem>>[vector<16xi32>, vector<16xi32>], vector<16xf32>,
      %mul3A_149 = arith.mulf %gather3A_147, %gather3A_148 : vector<16xf32>
      %add3A_150 = arith.addf %add3A_144, %mul3A_149 : vector<16xf32>
      %broadcast_in_dim3A_151 = arith.constant 9 : i32
      %broadcast_in_dim3A_152 = vector.broadcast %broadcast_in_dim3A_151 : i32 to vector<16xi32>
      %gather3A_153 = tpu.vector_load_idx %arg10[%add3A_96, %broadcast_in_dim3A_152] : memref<1600x16xf32, #tpu.memory_space<vmem>>[vector<16xi32>, vector<16xi32>], vector<16xf32>,
      %gather3A_154 = tpu.vector_load_idx %arg12[%add3A_96, %broadcast_in_dim3A_152] : memref<1600x16xf32, #tpu.memory_space<vmem>>[vector<16xi32>, vector<16xi32>], vector<16xf32>,
      %mul3A_155 = arith.mulf %gather3A_153, %gather3A_154 : vector<16xf32>
      %add3A_156 = arith.addf %add3A_150, %mul3A_155 : vector<16xf32>
      %broadcast_in_dim3A_157 = arith.constant 10 : i32
      %broadcast_in_dim3A_158 = vector.broadcast %broadcast_in_dim3A_157 : i32 to vector<16xi32>
      %gather3A_159 = tpu.vector_load_idx %arg10[%add3A_96, %broadcast_in_dim3A_158] : memref<1600x16xf32, #tpu.memory_space<vmem>>[vector<16xi32>, vector<16xi32>], vector<16xf32>,
      %gather3A_160 = tpu.vector_load_idx %arg12[%add3A_96, %broadcast_in_dim3A_158] : memref<1600x16xf32, #tpu.memory_space<vmem>>[vector<16xi32>, vector<16xi32>], vector<16xf32>,
      %mul3A_161 = arith.mulf %gather3A_159, %gather3A_160 : vector<16xf32>
      %add3A_162 = arith.addf %add3A_156, %mul3A_161 : vector<16xf32>
      %broadcast_in_dim3A_163 = arith.constant 11 : i32
      %broadcast_in_dim3A_164 = vector.broadcast %broadcast_in_dim3A_163 : i32 to vector<16xi32>
      %gather3A_165 = tpu.vector_load_idx %arg10[%add3A_96, %broadcast_in_dim3A_164] : memref<1600x16xf32, #tpu.memory_space<vmem>>[vector<16xi32>, vector<16xi32>], vector<16xf32>,
      %gather3A_166 = tpu.vector_load_idx %arg12[%add3A_96, %broadcast_in_dim3A_164] : memref<1600x16xf32, #tpu.memory_space<vmem>>[vector<16xi32>, vector<16xi32>], vector<16xf32>,
      %mul3A_167 = arith.mulf %gather3A_165, %gather3A_166 : vector<16xf32>
      %add3A_168 = arith.addf %add3A_162, %mul3A_167 : vector<16xf32>
      %broadcast_in_dim3A_169 = arith.constant 12 : i32
      %broadcast_in_dim3A_170 = vector.broadcast %broadcast_in_dim3A_169 : i32 to vector<16xi32>
      %gather3A_171 = tpu.vector_load_idx %arg10[%add3A_96, %broadcast_in_dim3A_170] : memref<1600x16xf32, #tpu.memory_space<vmem>>[vector<16xi32>, vector<16xi32>], vector<16xf32>,
      %gather3A_172 = tpu.vector_load_idx %arg12[%add3A_96, %broadcast_in_dim3A_170] : memref<1600x16xf32, #tpu.memory_space<vmem>>[vector<16xi32>, vector<16xi32>], vector<16xf32>,
      %mul3A_173 = arith.mulf %gather3A_171, %gather3A_172 : vector<16xf32>
      %add3A_174 = arith.addf %add3A_168, %mul3A_173 : vector<16xf32>
      %broadcast_in_dim3A_175 = arith.constant 13 : i32
      %broadcast_in_dim3A_176 = vector.broadcast %broadcast_in_dim3A_175 : i32 to vector<16xi32>
      %gather3A_177 = tpu.vector_load_idx %arg10[%add3A_96, %broadcast_in_dim3A_176] : memref<1600x16xf32, #tpu.memory_space<vmem>>[vector<16xi32>, vector<16xi32>], vector<16xf32>,
      %gather3A_178 = tpu.vector_load_idx %arg12[%add3A_96, %broadcast_in_dim3A_176] : memref<1600x16xf32, #tpu.memory_space<vmem>>[vector<16xi32>, vector<16xi32>], vector<16xf32>,
      %mul3A_179 = arith.mulf %gather3A_177, %gather3A_178 : vector<16xf32>
      %add3A_180 = arith.addf %add3A_174, %mul3A_179 : vector<16xf32>
      %broadcast_in_dim3A_181 = arith.constant 14 : i32
      %broadcast_in_dim3A_182 = vector.broadcast %broadcast_in_dim3A_181 : i32 to vector<16xi32>
      %gather3A_183 = tpu.vector_load_idx %arg10[%add3A_96, %broadcast_in_dim3A_182] : memref<1600x16xf32, #tpu.memory_space<vmem>>[vector<16xi32>, vector<16xi32>], vector<16xf32>,
      %gather3A_184 = tpu.vector_load_idx %arg12[%add3A_96, %broadcast_in_dim3A_182] : memref<1600x16xf32, #tpu.memory_space<vmem>>[vector<16xi32>, vector<16xi32>], vector<16xf32>,
      %mul3A_185 = arith.mulf %gather3A_183, %gather3A_184 : vector<16xf32>
      %add3A_186 = arith.addf %add3A_180, %mul3A_185 : vector<16xf32>
      %broadcast_in_dim3A_187 = arith.constant 15 : i32
      %broadcast_in_dim3A_188 = vector.broadcast %broadcast_in_dim3A_187 : i32 to vector<16xi32>
      %gather3A_189 = tpu.vector_load_idx %arg10[%add3A_96, %broadcast_in_dim3A_188] : memref<1600x16xf32, #tpu.memory_space<vmem>>[vector<16xi32>, vector<16xi32>], vector<16xf32>,
      %gather3A_190 = tpu.vector_load_idx %arg12[%add3A_96, %broadcast_in_dim3A_188] : memref<1600x16xf32, #tpu.memory_space<vmem>>[vector<16xi32>, vector<16xi32>], vector<16xf32>,
      %mul3A_191 = arith.mulf %gather3A_189, %gather3A_190 : vector<16xf32>
      %add3A_192 = arith.addf %add3A_186, %mul3A_191 : vector<16xf32>
      %mul3A_193 = arith.constant 16 : i32
      %mul3A_194 = arith.muli %scan3A_92, %mul3A_193 : i32
      %swap3A = arith.index_cast %mul3A_194 : i32 to index
      %swap3A_195 = tpu.vector_load %arg14[%swap3A] {strides = array<i32>} : memref<1600xf32, #tpu.memory_space<vmem>>, vector<16xf32>,
      tpu.vector_store %arg14[%swap3A], %add3A_192 {strides = array<i32>} : memref<1600xf32, #tpu.memory_space<vmem>>, vector<16xf32>,
    }
    %scan3A_35 = arith.constant 100 : i32
    %add3A_36 = arith.constant 0 : i32
    %add3A_37 = arith.addi %mul3A_2, %add3A_36 : i32
    %dma_start3A_38 = tpu.memref_slice %arg5[%add3A_37] : memref<204800xf32, #tpu.memory_space<hbm>> -> memref<1600xf32, #tpu.memory_space<hbm>>
    %dma_start3A_39 = tpu.memref_slice %arg5[%add3A_37] : memref<204800xf32, #tpu.memory_space<hbm>> -> memref<1600xf32, #tpu.memory_space<hbm>>
    tpu.enqueue_dma source(%arg14 : memref<1600xf32, #tpu.memory_space<vmem>>) target(%dma_start3A_39 : memref<1600xf32, #tpu.memory_space<hbm>>) target_semaphore(%arg21 : memref<!tpu.dma_semaphore, #tpu.memory_space<semaphore_mem>>)
    %dma_wait3A_40 = tpu.memref_slice %arg3[%add3A_26] : memref<204800xi32, #tpu.memory_space<hbm>> -> memref<1600xi32, #tpu.memory_space<hbm>>
    %dma_wait3A_41 = tpu.memref_slice %arg3[%add3A_26] : memref<204800xi32, #tpu.memory_space<hbm>> -> memref<1600xi32, #tpu.memory_space<hbm>>
    tpu.wait_dma2 semaphore(%arg17 : memref<!tpu.dma_semaphore, #tpu.memory_space<semaphore_mem>>) src(%dma_wait3A_41 : memref<1600xi32, #tpu.memory_space<hbm>>) dst(%arg6 : memref<1600xi32, #tpu.memory_space<vmem>>)
    %dma_wait3A_42 = tpu.memref_slice %arg4[%add3A_26] : memref<204800xi32, #tpu.memory_space<hbm>> -> memref<1600xi32, #tpu.memory_space<hbm>>
    %dma_wait3A_43 = tpu.memref_slice %arg4[%add3A_26] : memref<204800xi32, #tpu.memory_space<hbm>> -> memref<1600xi32, #tpu.memory_space<hbm>>
    tpu.wait_dma2 semaphore(%arg17 : memref<!tpu.dma_semaphore, #tpu.memory_space<semaphore_mem>>) src(%dma_wait3A_43 : memref<1600xi32, #tpu.memory_space<hbm>>) dst(%arg8 : memref<1600xi32, #tpu.memory_space<vmem>>)
    "tpu.region"() ({
      %run_scoped3A = tpu.sem_alloc : memref<!tpu.dma_semaphore, #tpu.memory_space<semaphore_mem>>
      %dma_start3A_92 = arith.constant 0 : i32
      %dma_start3A_93 = arith.constant 0 : i32
      %dma_start3A_94 = tpu.memref_slice %arg16[%dma_start3A_92, %dma_start3A_93] : memref<10000x16xf32, #tpu.memory_space<vmem_shared>> -> memref<10000x16xf32, #tpu.memory_space<vmem_shared>>
      tpu.enqueue_indirect_dma source(%dma_start3A_94 : memref<10000x16xf32, #tpu.memory_space<vmem_shared>>) target(%arg10 : memref<1600x16xf32, #tpu.memory_space<vmem>>) offsets(%arg6 : memref<1600xi32, #tpu.memory_space<vmem>>) semaphore(%run_scoped3A : memref<!tpu.dma_semaphore, #tpu.memory_space<semaphore_mem>>)
      %dma_wait3A_95 = arith.constant 0 : i32
      %dma_wait3A_96 = arith.constant 0 : i32
      %dma_wait3A_97 = tpu.memref_slice %arg16[%dma_wait3A_95, %dma_wait3A_96] : memref<10000x16xf32, #tpu.memory_space<vmem_shared>> -> memref<10000x16xf32, #tpu.memory_space<vmem_shared>>
      tpu.wait_indirect_dma semaphore(%run_scoped3A : memref<!tpu.dma_semaphore, #tpu.memory_space<semaphore_mem>>) src(%dma_wait3A_97 : memref<10000x16xf32, #tpu.memory_space<vmem_shared>>) dst(%arg10 : memref<1600x16xf32, #tpu.memory_space<vmem>>)
      tpu.yield
    }) : () -> ()
    "tpu.region"() ({
      %run_scoped3A = tpu.sem_alloc : memref<!tpu.dma_semaphore, #tpu.memory_space<semaphore_mem>>
      %dma_start3A_92 = arith.constant 0 : i32
      %dma_start3A_93 = arith.constant 0 : i32
      %dma_start3A_94 = tpu.memref_slice %arg16[%dma_start3A_92, %dma_start3A_93] : memref<10000x16xf32, #tpu.memory_space<vmem_shared>> -> memref<10000x16xf32, #tpu.memory_space<vmem_shared>>
      tpu.enqueue_indirect_dma source(%dma_start3A_94 : memref<10000x16xf32, #tpu.memory_space<vmem_shared>>) target(%arg12 : memref<1600x16xf32, #tpu.memory_space<vmem>>) offsets(%arg8 : memref<1600xi32, #tpu.memory_space<vmem>>) semaphore(%run_scoped3A : memref<!tpu.dma_semaphore, #tpu.memory_space<semaphore_mem>>)
      %dma_wait3A_95 = arith.constant 0 : i32
      %dma_wait3A_96 = arith.constant 0 : i32
      %dma_wait3A_97 = tpu.memref_slice %arg16[%dma_wait3A_95, %dma_wait3A_96] : memref<10000x16xf32, #tpu.memory_space<vmem_shared>> -> memref<10000x16xf32, #tpu.memory_space<vmem_shared>>
      tpu.wait_indirect_dma semaphore(%run_scoped3A : memref<!tpu.dma_semaphore, #tpu.memory_space<semaphore_mem>>) src(%dma_wait3A_97 : memref<10000x16xf32, #tpu.memory_space<vmem_shared>>) dst(%arg12 : memref<1600x16xf32, #tpu.memory_space<vmem>>)
      tpu.yield
    }) : () -> ()
    %add3A_44 = arith.constant 4800 : i32
    %add3A_45 = arith.addi %mul3A_2, %add3A_44 : i32
    %dma_start3A_46 = tpu.memref_slice %arg3[%add3A_45] : memref<204800xi32, #tpu.memory_space<hbm>> -> memref<1600xi32, #tpu.memory_space<hbm>>
    %dma_start3A_47 = tpu.memref_slice %arg3[%add3A_45] : memref<204800xi32, #tpu.memory_space<hbm>> -> memref<1600xi32, #tpu.memory_space<hbm>>
    tpu.enqueue_dma source(%dma_start3A_47 : memref<1600xi32, #tpu.memory_space<hbm>>) target(%arg7 : memref<1600xi32, #tpu.memory_space<vmem>>) target_semaphore(%arg18 : memref<!tpu.dma_semaphore, #tpu.memory_space<semaphore_mem>>)
    %dma_start3A_48 = tpu.memref_slice %arg4[%add3A_45] : memref<204800xi32, #tpu.memory_space<hbm>> -> memref<1600xi32, #tpu.memory_space<hbm>>
    %dma_start3A_49 = tpu.memref_slice %arg4[%add3A_45] : memref<204800xi32, #tpu.memory_space<hbm>> -> memref<1600xi32, #tpu.memory_space<hbm>>
    tpu.enqueue_dma source(%dma_start3A_49 : memref<1600xi32, #tpu.memory_space<hbm>>) target(%arg9 : memref<1600xi32, #tpu.memory_space<vmem>>) target_semaphore(%arg18 : memref<!tpu.dma_semaphore, #tpu.memory_space<semaphore_mem>>)
    %scan3A_50 = arith.constant 0 : i32
    %scan3A_51 = arith.constant 0 : i32
    %scan3A_52 = arith.constant 100 : i32
    %scan3A_53 = arith.addi %scan3A_51, %scan3A_52 : i32
    %scan3A_54 = arith.constant 1 : i32
    scf.for %scan3A_92 = %scan3A_51 to %scan3A_53 step %scan3A_54  : i32 {
      %mul3A_93 = arith.constant 16 : i32
      %mul3A_94 = arith.muli %scan3A_92, %mul3A_93 : i32
      %add3A_95 = vector.broadcast %mul3A_94 : i32 to vector<16xi32>
      %add3A_96 = arith.addi %add3A_95, %iota3A : vector<16xi32>
      %broadcast_in_dim3A = arith.constant 0.000000e+00 : f32
      %broadcast_in_dim3A_97 = vector.broadcast %broadcast_in_dim3A : f32 to vector<16xf32>
      %broadcast_in_dim3A_98 = arith.constant 0 : i32
      %broadcast_in_dim3A_99 = vector.broadcast %broadcast_in_dim3A_98 : i32 to vector<16xi32>
      %gather3A = tpu.vector_load_idx %arg11[%add3A_96, %broadcast_in_dim3A_99] : memref<1600x16xf32, #tpu.memory_space<vmem>>[vector<16xi32>, vector<16xi32>], vector<16xf32>,
      %gather3A_100 = tpu.vector_load_idx %arg13[%add3A_96, %broadcast_in_dim3A_99] : memref<1600x16xf32, #tpu.memory_space<vmem>>[vector<16xi32>, vector<16xi32>], vector<16xf32>,
      %mul3A_101 = arith.mulf %gather3A, %gather3A_100 : vector<16xf32>
      %add3A_102 = arith.addf %broadcast_in_dim3A_97, %mul3A_101 : vector<16xf32>
      %broadcast_in_dim3A_103 = arith.constant 1 : i32
      %broadcast_in_dim3A_104 = vector.broadcast %broadcast_in_dim3A_103 : i32 to vector<16xi32>
      %gather3A_105 = tpu.vector_load_idx %arg11[%add3A_96, %broadcast_in_dim3A_104] : memref<1600x16xf32, #tpu.memory_space<vmem>>[vector<16xi32>, vector<16xi32>], vector<16xf32>,
      %gather3A_106 = tpu.vector_load_idx %arg13[%add3A_96, %broadcast_in_dim3A_104] : memref<1600x16xf32, #tpu.memory_space<vmem>>[vector<16xi32>, vector<16xi32>], vector<16xf32>,
      %mul3A_107 = arith.mulf %gather3A_105, %gather3A_106 : vector<16xf32>
      %add3A_108 = arith.addf %add3A_102, %mul3A_107 : vector<16xf32>
      %broadcast_in_dim3A_109 = arith.constant 2 : i32
      %broadcast_in_dim3A_110 = vector.broadcast %broadcast_in_dim3A_109 : i32 to vector<16xi32>
      %gather3A_111 = tpu.vector_load_idx %arg11[%add3A_96, %broadcast_in_dim3A_110] : memref<1600x16xf32, #tpu.memory_space<vmem>>[vector<16xi32>, vector<16xi32>], vector<16xf32>,
      %gather3A_112 = tpu.vector_load_idx %arg13[%add3A_96, %broadcast_in_dim3A_110] : memref<1600x16xf32, #tpu.memory_space<vmem>>[vector<16xi32>, vector<16xi32>], vector<16xf32>,
      %mul3A_113 = arith.mulf %gather3A_111, %gather3A_112 : vector<16xf32>
      %add3A_114 = arith.addf %add3A_108, %mul3A_113 : vector<16xf32>
      %broadcast_in_dim3A_115 = arith.constant 3 : i32
      %broadcast_in_dim3A_116 = vector.broadcast %broadcast_in_dim3A_115 : i32 to vector<16xi32>
      %gather3A_117 = tpu.vector_load_idx %arg11[%add3A_96, %broadcast_in_dim3A_116] : memref<1600x16xf32, #tpu.memory_space<vmem>>[vector<16xi32>, vector<16xi32>], vector<16xf32>,
      %gather3A_118 = tpu.vector_load_idx %arg13[%add3A_96, %broadcast_in_dim3A_116] : memref<1600x16xf32, #tpu.memory_space<vmem>>[vector<16xi32>, vector<16xi32>], vector<16xf32>,
      %mul3A_119 = arith.mulf %gather3A_117, %gather3A_118 : vector<16xf32>
      %add3A_120 = arith.addf %add3A_114, %mul3A_119 : vector<16xf32>
      %broadcast_in_dim3A_121 = arith.constant 4 : i32
      %broadcast_in_dim3A_122 = vector.broadcast %broadcast_in_dim3A_121 : i32 to vector<16xi32>
      %gather3A_123 = tpu.vector_load_idx %arg11[%add3A_96, %broadcast_in_dim3A_122] : memref<1600x16xf32, #tpu.memory_space<vmem>>[vector<16xi32>, vector<16xi32>], vector<16xf32>,
      %gather3A_124 = tpu.vector_load_idx %arg13[%add3A_96, %broadcast_in_dim3A_122] : memref<1600x16xf32, #tpu.memory_space<vmem>>[vector<16xi32>, vector<16xi32>], vector<16xf32>,
      %mul3A_125 = arith.mulf %gather3A_123, %gather3A_124 : vector<16xf32>
      %add3A_126 = arith.addf %add3A_120, %mul3A_125 : vector<16xf32>
      %broadcast_in_dim3A_127 = arith.constant 5 : i32
      %broadcast_in_dim3A_128 = vector.broadcast %broadcast_in_dim3A_127 : i32 to vector<16xi32>
      %gather3A_129 = tpu.vector_load_idx %arg11[%add3A_96, %broadcast_in_dim3A_128] : memref<1600x16xf32, #tpu.memory_space<vmem>>[vector<16xi32>, vector<16xi32>], vector<16xf32>,
      %gather3A_130 = tpu.vector_load_idx %arg13[%add3A_96, %broadcast_in_dim3A_128] : memref<1600x16xf32, #tpu.memory_space<vmem>>[vector<16xi32>, vector<16xi32>], vector<16xf32>,
      %mul3A_131 = arith.mulf %gather3A_129, %gather3A_130 : vector<16xf32>
      %add3A_132 = arith.addf %add3A_126, %mul3A_131 : vector<16xf32>
      %broadcast_in_dim3A_133 = arith.constant 6 : i32
      %broadcast_in_dim3A_134 = vector.broadcast %broadcast_in_dim3A_133 : i32 to vector<16xi32>
      %gather3A_135 = tpu.vector_load_idx %arg11[%add3A_96, %broadcast_in_dim3A_134] : memref<1600x16xf32, #tpu.memory_space<vmem>>[vector<16xi32>, vector<16xi32>], vector<16xf32>,
      %gather3A_136 = tpu.vector_load_idx %arg13[%add3A_96, %broadcast_in_dim3A_134] : memref<1600x16xf32, #tpu.memory_space<vmem>>[vector<16xi32>, vector<16xi32>], vector<16xf32>,
      %mul3A_137 = arith.mulf %gather3A_135, %gather3A_136 : vector<16xf32>
      %add3A_138 = arith.addf %add3A_132, %mul3A_137 : vector<16xf32>
      %broadcast_in_dim3A_139 = arith.constant 7 : i32
      %broadcast_in_dim3A_140 = vector.broadcast %broadcast_in_dim3A_139 : i32 to vector<16xi32>
      %gather3A_141 = tpu.vector_load_idx %arg11[%add3A_96, %broadcast_in_dim3A_140] : memref<1600x16xf32, #tpu.memory_space<vmem>>[vector<16xi32>, vector<16xi32>], vector<16xf32>,
      %gather3A_142 = tpu.vector_load_idx %arg13[%add3A_96, %broadcast_in_dim3A_140] : memref<1600x16xf32, #tpu.memory_space<vmem>>[vector<16xi32>, vector<16xi32>], vector<16xf32>,
      %mul3A_143 = arith.mulf %gather3A_141, %gather3A_142 : vector<16xf32>
      %add3A_144 = arith.addf %add3A_138, %mul3A_143 : vector<16xf32>
      %broadcast_in_dim3A_145 = arith.constant 8 : i32
      %broadcast_in_dim3A_146 = vector.broadcast %broadcast_in_dim3A_145 : i32 to vector<16xi32>
      %gather3A_147 = tpu.vector_load_idx %arg11[%add3A_96, %broadcast_in_dim3A_146] : memref<1600x16xf32, #tpu.memory_space<vmem>>[vector<16xi32>, vector<16xi32>], vector<16xf32>,
      %gather3A_148 = tpu.vector_load_idx %arg13[%add3A_96, %broadcast_in_dim3A_146] : memref<1600x16xf32, #tpu.memory_space<vmem>>[vector<16xi32>, vector<16xi32>], vector<16xf32>,
      %mul3A_149 = arith.mulf %gather3A_147, %gather3A_148 : vector<16xf32>
      %add3A_150 = arith.addf %add3A_144, %mul3A_149 : vector<16xf32>
      %broadcast_in_dim3A_151 = arith.constant 9 : i32
      %broadcast_in_dim3A_152 = vector.broadcast %broadcast_in_dim3A_151 : i32 to vector<16xi32>
      %gather3A_153 = tpu.vector_load_idx %arg11[%add3A_96, %broadcast_in_dim3A_152] : memref<1600x16xf32, #tpu.memory_space<vmem>>[vector<16xi32>, vector<16xi32>], vector<16xf32>,
      %gather3A_154 = tpu.vector_load_idx %arg13[%add3A_96, %broadcast_in_dim3A_152] : memref<1600x16xf32, #tpu.memory_space<vmem>>[vector<16xi32>, vector<16xi32>], vector<16xf32>,
      %mul3A_155 = arith.mulf %gather3A_153, %gather3A_154 : vector<16xf32>
      %add3A_156 = arith.addf %add3A_150, %mul3A_155 : vector<16xf32>
      %broadcast_in_dim3A_157 = arith.constant 10 : i32
      %broadcast_in_dim3A_158 = vector.broadcast %broadcast_in_dim3A_157 : i32 to vector<16xi32>
      %gather3A_159 = tpu.vector_load_idx %arg11[%add3A_96, %broadcast_in_dim3A_158] : memref<1600x16xf32, #tpu.memory_space<vmem>>[vector<16xi32>, vector<16xi32>], vector<16xf32>,
      %gather3A_160 = tpu.vector_load_idx %arg13[%add3A_96, %broadcast_in_dim3A_158] : memref<1600x16xf32, #tpu.memory_space<vmem>>[vector<16xi32>, vector<16xi32>], vector<16xf32>,
      %mul3A_161 = arith.mulf %gather3A_159, %gather3A_160 : vector<16xf32>
      %add3A_162 = arith.addf %add3A_156, %mul3A_161 : vector<16xf32>
      %broadcast_in_dim3A_163 = arith.constant 11 : i32
      %broadcast_in_dim3A_164 = vector.broadcast %broadcast_in_dim3A_163 : i32 to vector<16xi32>
      %gather3A_165 = tpu.vector_load_idx %arg11[%add3A_96, %broadcast_in_dim3A_164] : memref<1600x16xf32, #tpu.memory_space<vmem>>[vector<16xi32>, vector<16xi32>], vector<16xf32>,
      %gather3A_166 = tpu.vector_load_idx %arg13[%add3A_96, %broadcast_in_dim3A_164] : memref<1600x16xf32, #tpu.memory_space<vmem>>[vector<16xi32>, vector<16xi32>], vector<16xf32>,
      %mul3A_167 = arith.mulf %gather3A_165, %gather3A_166 : vector<16xf32>
      %add3A_168 = arith.addf %add3A_162, %mul3A_167 : vector<16xf32>
      %broadcast_in_dim3A_169 = arith.constant 12 : i32
      %broadcast_in_dim3A_170 = vector.broadcast %broadcast_in_dim3A_169 : i32 to vector<16xi32>
      %gather3A_171 = tpu.vector_load_idx %arg11[%add3A_96, %broadcast_in_dim3A_170] : memref<1600x16xf32, #tpu.memory_space<vmem>>[vector<16xi32>, vector<16xi32>], vector<16xf32>,
      %gather3A_172 = tpu.vector_load_idx %arg13[%add3A_96, %broadcast_in_dim3A_170] : memref<1600x16xf32, #tpu.memory_space<vmem>>[vector<16xi32>, vector<16xi32>], vector<16xf32>,
      %mul3A_173 = arith.mulf %gather3A_171, %gather3A_172 : vector<16xf32>
      %add3A_174 = arith.addf %add3A_168, %mul3A_173 : vector<16xf32>
      %broadcast_in_dim3A_175 = arith.constant 13 : i32
      %broadcast_in_dim3A_176 = vector.broadcast %broadcast_in_dim3A_175 : i32 to vector<16xi32>
      %gather3A_177 = tpu.vector_load_idx %arg11[%add3A_96, %broadcast_in_dim3A_176] : memref<1600x16xf32, #tpu.memory_space<vmem>>[vector<16xi32>, vector<16xi32>], vector<16xf32>,
      %gather3A_178 = tpu.vector_load_idx %arg13[%add3A_96, %broadcast_in_dim3A_176] : memref<1600x16xf32, #tpu.memory_space<vmem>>[vector<16xi32>, vector<16xi32>], vector<16xf32>,
      %mul3A_179 = arith.mulf %gather3A_177, %gather3A_178 : vector<16xf32>
      %add3A_180 = arith.addf %add3A_174, %mul3A_179 : vector<16xf32>
      %broadcast_in_dim3A_181 = arith.constant 14 : i32
      %broadcast_in_dim3A_182 = vector.broadcast %broadcast_in_dim3A_181 : i32 to vector<16xi32>
      %gather3A_183 = tpu.vector_load_idx %arg11[%add3A_96, %broadcast_in_dim3A_182] : memref<1600x16xf32, #tpu.memory_space<vmem>>[vector<16xi32>, vector<16xi32>], vector<16xf32>,
      %gather3A_184 = tpu.vector_load_idx %arg13[%add3A_96, %broadcast_in_dim3A_182] : memref<1600x16xf32, #tpu.memory_space<vmem>>[vector<16xi32>, vector<16xi32>], vector<16xf32>,
      %mul3A_185 = arith.mulf %gather3A_183, %gather3A_184 : vector<16xf32>
      %add3A_186 = arith.addf %add3A_180, %mul3A_185 : vector<16xf32>
      %broadcast_in_dim3A_187 = arith.constant 15 : i32
      %broadcast_in_dim3A_188 = vector.broadcast %broadcast_in_dim3A_187 : i32 to vector<16xi32>
      %gather3A_189 = tpu.vector_load_idx %arg11[%add3A_96, %broadcast_in_dim3A_188] : memref<1600x16xf32, #tpu.memory_space<vmem>>[vector<16xi32>, vector<16xi32>], vector<16xf32>,
      %gather3A_190 = tpu.vector_load_idx %arg13[%add3A_96, %broadcast_in_dim3A_188] : memref<1600x16xf32, #tpu.memory_space<vmem>>[vector<16xi32>, vector<16xi32>], vector<16xf32>,
      %mul3A_191 = arith.mulf %gather3A_189, %gather3A_190 : vector<16xf32>
      %add3A_192 = arith.addf %add3A_186, %mul3A_191 : vector<16xf32>
      %mul3A_193 = arith.constant 16 : i32
      %mul3A_194 = arith.muli %scan3A_92, %mul3A_193 : i32
      %swap3A = arith.index_cast %mul3A_194 : i32 to index
      %swap3A_195 = tpu.vector_load %arg15[%swap3A] {strides = array<i32>} : memref<1600xf32, #tpu.memory_space<vmem>>, vector<16xf32>,
      tpu.vector_store %arg15[%swap3A], %add3A_192 {strides = array<i32>} : memref<1600xf32, #tpu.memory_space<vmem>>, vector<16xf32>,
    }
    %scan3A_55 = arith.constant 100 : i32
    %add3A_56 = arith.constant 1600 : i32
    %add3A_57 = arith.addi %mul3A_2, %add3A_56 : i32
    %dma_start3A_58 = tpu.memref_slice %arg5[%add3A_57] : memref<204800xf32, #tpu.memory_space<hbm>> -> memref<1600xf32, #tpu.memory_space<hbm>>
    %dma_start3A_59 = tpu.memref_slice %arg5[%add3A_57] : memref<204800xf32, #tpu.memory_space<hbm>> -> memref<1600xf32, #tpu.memory_space<hbm>>
    tpu.enqueue_dma source(%arg15 : memref<1600xf32, #tpu.memory_space<vmem>>) target(%dma_start3A_59 : memref<1600xf32, #tpu.memory_space<hbm>>) target_semaphore(%arg22 : memref<!tpu.dma_semaphore, #tpu.memory_space<semaphore_mem>>)
    %dma_wait3A_60 = tpu.memref_slice %arg3[%add3A_45] : memref<204800xi32, #tpu.memory_space<hbm>> -> memref<1600xi32, #tpu.memory_space<hbm>>
    %dma_wait3A_61 = tpu.memref_slice %arg3[%add3A_45] : memref<204800xi32, #tpu.memory_space<hbm>> -> memref<1600xi32, #tpu.memory_space<hbm>>
    tpu.wait_dma2 semaphore(%arg18 : memref<!tpu.dma_semaphore, #tpu.memory_space<semaphore_mem>>) src(%dma_wait3A_61 : memref<1600xi32, #tpu.memory_space<hbm>>) dst(%arg7 : memref<1600xi32, #tpu.memory_space<vmem>>)
    %dma_wait3A_62 = tpu.memref_slice %arg4[%add3A_45] : memref<204800xi32, #tpu.memory_space<hbm>> -> memref<1600xi32, #tpu.memory_space<hbm>>
    %dma_wait3A_63 = tpu.memref_slice %arg4[%add3A_45] : memref<204800xi32, #tpu.memory_space<hbm>> -> memref<1600xi32, #tpu.memory_space<hbm>>
    tpu.wait_dma2 semaphore(%arg18 : memref<!tpu.dma_semaphore, #tpu.memory_space<semaphore_mem>>) src(%dma_wait3A_63 : memref<1600xi32, #tpu.memory_space<hbm>>) dst(%arg9 : memref<1600xi32, #tpu.memory_space<vmem>>)
    "tpu.region"() ({
      %run_scoped3A = tpu.sem_alloc : memref<!tpu.dma_semaphore, #tpu.memory_space<semaphore_mem>>
      %dma_start3A_92 = arith.constant 0 : i32
      %dma_start3A_93 = arith.constant 0 : i32
      %dma_start3A_94 = tpu.memref_slice %arg16[%dma_start3A_92, %dma_start3A_93] : memref<10000x16xf32, #tpu.memory_space<vmem_shared>> -> memref<10000x16xf32, #tpu.memory_space<vmem_shared>>
      tpu.enqueue_indirect_dma source(%dma_start3A_94 : memref<10000x16xf32, #tpu.memory_space<vmem_shared>>) target(%arg11 : memref<1600x16xf32, #tpu.memory_space<vmem>>) offsets(%arg7 : memref<1600xi32, #tpu.memory_space<vmem>>) semaphore(%run_scoped3A : memref<!tpu.dma_semaphore, #tpu.memory_space<semaphore_mem>>)
      %dma_wait3A_95 = arith.constant 0 : i32
      %dma_wait3A_96 = arith.constant 0 : i32
      %dma_wait3A_97 = tpu.memref_slice %arg16[%dma_wait3A_95, %dma_wait3A_96] : memref<10000x16xf32, #tpu.memory_space<vmem_shared>> -> memref<10000x16xf32, #tpu.memory_space<vmem_shared>>
      tpu.wait_indirect_dma semaphore(%run_scoped3A : memref<!tpu.dma_semaphore, #tpu.memory_space<semaphore_mem>>) src(%dma_wait3A_97 : memref<10000x16xf32, #tpu.memory_space<vmem_shared>>) dst(%arg11 : memref<1600x16xf32, #tpu.memory_space<vmem>>)
      tpu.yield
    }) : () -> ()
    "tpu.region"() ({
      %run_scoped3A = tpu.sem_alloc : memref<!tpu.dma_semaphore, #tpu.memory_space<semaphore_mem>>
      %dma_start3A_92 = arith.constant 0 : i32
      %dma_start3A_93 = arith.constant 0 : i32
      %dma_start3A_94 = tpu.memref_slice %arg16[%dma_start3A_92, %dma_start3A_93] : memref<10000x16xf32, #tpu.memory_space<vmem_shared>> -> memref<10000x16xf32, #tpu.memory_space<vmem_shared>>
      tpu.enqueue_indirect_dma source(%dma_start3A_94 : memref<10000x16xf32, #tpu.memory_space<vmem_shared>>) target(%arg13 : memref<1600x16xf32, #tpu.memory_space<vmem>>) offsets(%arg9 : memref<1600xi32, #tpu.memory_space<vmem>>) semaphore(%run_scoped3A : memref<!tpu.dma_semaphore, #tpu.memory_space<semaphore_mem>>)
      %dma_wait3A_95 = arith.constant 0 : i32
      %dma_wait3A_96 = arith.constant 0 : i32
      %dma_wait3A_97 = tpu.memref_slice %arg16[%dma_wait3A_95, %dma_wait3A_96] : memref<10000x16xf32, #tpu.memory_space<vmem_shared>> -> memref<10000x16xf32, #tpu.memory_space<vmem_shared>>
      tpu.wait_indirect_dma semaphore(%run_scoped3A : memref<!tpu.dma_semaphore, #tpu.memory_space<semaphore_mem>>) src(%dma_wait3A_97 : memref<10000x16xf32, #tpu.memory_space<vmem_shared>>) dst(%arg13 : memref<1600x16xf32, #tpu.memory_space<vmem>>)
      tpu.yield
    }) : () -> ()
    %dma_wait3A_64 = tpu.memref_slice %arg5[%add3A_37] : memref<204800xf32, #tpu.memory_space<hbm>> -> memref<1600xf32, #tpu.memory_space<hbm>>
    %dma_wait3A_65 = tpu.memref_slice %arg5[%add3A_37] : memref<204800xf32, #tpu.memory_space<hbm>> -> memref<1600xf32, #tpu.memory_space<hbm>>
    tpu.wait_dma2 semaphore(%arg21 : memref<!tpu.dma_semaphore, #tpu.memory_space<semaphore_mem>>) src(%arg14 : memref<1600xf32, #tpu.memory_space<vmem>>) dst(%dma_wait3A_65 : memref<1600xf32, #tpu.memory_space<hbm>>)
    %scan3A_66 = arith.constant 0 : i32
    %scan3A_67 = arith.constant 0 : i32
    %scan3A_68 = arith.constant 100 : i32
    %scan3A_69 = arith.addi %scan3A_67, %scan3A_68 : i32
    %scan3A_70 = arith.constant 1 : i32
    scf.for %scan3A_92 = %scan3A_67 to %scan3A_69 step %scan3A_70  : i32 {
      %mul3A_93 = arith.constant 16 : i32
      %mul3A_94 = arith.muli %scan3A_92, %mul3A_93 : i32
      %add3A_95 = vector.broadcast %mul3A_94 : i32 to vector<16xi32>
      %add3A_96 = arith.addi %add3A_95, %iota3A : vector<16xi32>
      %broadcast_in_dim3A = arith.constant 0.000000e+00 : f32
      %broadcast_in_dim3A_97 = vector.broadcast %broadcast_in_dim3A : f32 to vector<16xf32>
      %broadcast_in_dim3A_98 = arith.constant 0 : i32
      %broadcast_in_dim3A_99 = vector.broadcast %broadcast_in_dim3A_98 : i32 to vector<16xi32>
      %gather3A = tpu.vector_load_idx %arg10[%add3A_96, %broadcast_in_dim3A_99] : memref<1600x16xf32, #tpu.memory_space<vmem>>[vector<16xi32>, vector<16xi32>], vector<16xf32>,
      %gather3A_100 = tpu.vector_load_idx %arg12[%add3A_96, %broadcast_in_dim3A_99] : memref<1600x16xf32, #tpu.memory_space<vmem>>[vector<16xi32>, vector<16xi32>], vector<16xf32>,
      %mul3A_101 = arith.mulf %gather3A, %gather3A_100 : vector<16xf32>
      %add3A_102 = arith.addf %broadcast_in_dim3A_97, %mul3A_101 : vector<16xf32>
      %broadcast_in_dim3A_103 = arith.constant 1 : i32
      %broadcast_in_dim3A_104 = vector.broadcast %broadcast_in_dim3A_103 : i32 to vector<16xi32>
      %gather3A_105 = tpu.vector_load_idx %arg10[%add3A_96, %broadcast_in_dim3A_104] : memref<1600x16xf32, #tpu.memory_space<vmem>>[vector<16xi32>, vector<16xi32>], vector<16xf32>,
      %gather3A_106 = tpu.vector_load_idx %arg12[%add3A_96, %broadcast_in_dim3A_104] : memref<1600x16xf32, #tpu.memory_space<vmem>>[vector<16xi32>, vector<16xi32>], vector<16xf32>,
      %mul3A_107 = arith.mulf %gather3A_105, %gather3A_106 : vector<16xf32>
      %add3A_108 = arith.addf %add3A_102, %mul3A_107 : vector<16xf32>
      %broadcast_in_dim3A_109 = arith.constant 2 : i32
      %broadcast_in_dim3A_110 = vector.broadcast %broadcast_in_dim3A_109 : i32 to vector<16xi32>
      %gather3A_111 = tpu.vector_load_idx %arg10[%add3A_96, %broadcast_in_dim3A_110] : memref<1600x16xf32, #tpu.memory_space<vmem>>[vector<16xi32>, vector<16xi32>], vector<16xf32>,
      %gather3A_112 = tpu.vector_load_idx %arg12[%add3A_96, %broadcast_in_dim3A_110] : memref<1600x16xf32, #tpu.memory_space<vmem>>[vector<16xi32>, vector<16xi32>], vector<16xf32>,
      %mul3A_113 = arith.mulf %gather3A_111, %gather3A_112 : vector<16xf32>
      %add3A_114 = arith.addf %add3A_108, %mul3A_113 : vector<16xf32>
      %broadcast_in_dim3A_115 = arith.constant 3 : i32
      %broadcast_in_dim3A_116 = vector.broadcast %broadcast_in_dim3A_115 : i32 to vector<16xi32>
      %gather3A_117 = tpu.vector_load_idx %arg10[%add3A_96, %broadcast_in_dim3A_116] : memref<1600x16xf32, #tpu.memory_space<vmem>>[vector<16xi32>, vector<16xi32>], vector<16xf32>,
      %gather3A_118 = tpu.vector_load_idx %arg12[%add3A_96, %broadcast_in_dim3A_116] : memref<1600x16xf32, #tpu.memory_space<vmem>>[vector<16xi32>, vector<16xi32>], vector<16xf32>,
      %mul3A_119 = arith.mulf %gather3A_117, %gather3A_118 : vector<16xf32>
      %add3A_120 = arith.addf %add3A_114, %mul3A_119 : vector<16xf32>
      %broadcast_in_dim3A_121 = arith.constant 4 : i32
      %broadcast_in_dim3A_122 = vector.broadcast %broadcast_in_dim3A_121 : i32 to vector<16xi32>
      %gather3A_123 = tpu.vector_load_idx %arg10[%add3A_96, %broadcast_in_dim3A_122] : memref<1600x16xf32, #tpu.memory_space<vmem>>[vector<16xi32>, vector<16xi32>], vector<16xf32>,
      %gather3A_124 = tpu.vector_load_idx %arg12[%add3A_96, %broadcast_in_dim3A_122] : memref<1600x16xf32, #tpu.memory_space<vmem>>[vector<16xi32>, vector<16xi32>], vector<16xf32>,
      %mul3A_125 = arith.mulf %gather3A_123, %gather3A_124 : vector<16xf32>
      %add3A_126 = arith.addf %add3A_120, %mul3A_125 : vector<16xf32>
      %broadcast_in_dim3A_127 = arith.constant 5 : i32
      %broadcast_in_dim3A_128 = vector.broadcast %broadcast_in_dim3A_127 : i32 to vector<16xi32>
      %gather3A_129 = tpu.vector_load_idx %arg10[%add3A_96, %broadcast_in_dim3A_128] : memref<1600x16xf32, #tpu.memory_space<vmem>>[vector<16xi32>, vector<16xi32>], vector<16xf32>,
      %gather3A_130 = tpu.vector_load_idx %arg12[%add3A_96, %broadcast_in_dim3A_128] : memref<1600x16xf32, #tpu.memory_space<vmem>>[vector<16xi32>, vector<16xi32>], vector<16xf32>,
      %mul3A_131 = arith.mulf %gather3A_129, %gather3A_130 : vector<16xf32>
      %add3A_132 = arith.addf %add3A_126, %mul3A_131 : vector<16xf32>
      %broadcast_in_dim3A_133 = arith.constant 6 : i32
      %broadcast_in_dim3A_134 = vector.broadcast %broadcast_in_dim3A_133 : i32 to vector<16xi32>
      %gather3A_135 = tpu.vector_load_idx %arg10[%add3A_96, %broadcast_in_dim3A_134] : memref<1600x16xf32, #tpu.memory_space<vmem>>[vector<16xi32>, vector<16xi32>], vector<16xf32>,
      %gather3A_136 = tpu.vector_load_idx %arg12[%add3A_96, %broadcast_in_dim3A_134] : memref<1600x16xf32, #tpu.memory_space<vmem>>[vector<16xi32>, vector<16xi32>], vector<16xf32>,
      %mul3A_137 = arith.mulf %gather3A_135, %gather3A_136 : vector<16xf32>
      %add3A_138 = arith.addf %add3A_132, %mul3A_137 : vector<16xf32>
      %broadcast_in_dim3A_139 = arith.constant 7 : i32
      %broadcast_in_dim3A_140 = vector.broadcast %broadcast_in_dim3A_139 : i32 to vector<16xi32>
      %gather3A_141 = tpu.vector_load_idx %arg10[%add3A_96, %broadcast_in_dim3A_140] : memref<1600x16xf32, #tpu.memory_space<vmem>>[vector<16xi32>, vector<16xi32>], vector<16xf32>,
      %gather3A_142 = tpu.vector_load_idx %arg12[%add3A_96, %broadcast_in_dim3A_140] : memref<1600x16xf32, #tpu.memory_space<vmem>>[vector<16xi32>, vector<16xi32>], vector<16xf32>,
      %mul3A_143 = arith.mulf %gather3A_141, %gather3A_142 : vector<16xf32>
      %add3A_144 = arith.addf %add3A_138, %mul3A_143 : vector<16xf32>
      %broadcast_in_dim3A_145 = arith.constant 8 : i32
      %broadcast_in_dim3A_146 = vector.broadcast %broadcast_in_dim3A_145 : i32 to vector<16xi32>
      %gather3A_147 = tpu.vector_load_idx %arg10[%add3A_96, %broadcast_in_dim3A_146] : memref<1600x16xf32, #tpu.memory_space<vmem>>[vector<16xi32>, vector<16xi32>], vector<16xf32>,
      %gather3A_148 = tpu.vector_load_idx %arg12[%add3A_96, %broadcast_in_dim3A_146] : memref<1600x16xf32, #tpu.memory_space<vmem>>[vector<16xi32>, vector<16xi32>], vector<16xf32>,
      %mul3A_149 = arith.mulf %gather3A_147, %gather3A_148 : vector<16xf32>
      %add3A_150 = arith.addf %add3A_144, %mul3A_149 : vector<16xf32>
      %broadcast_in_dim3A_151 = arith.constant 9 : i32
      %broadcast_in_dim3A_152 = vector.broadcast %broadcast_in_dim3A_151 : i32 to vector<16xi32>
      %gather3A_153 = tpu.vector_load_idx %arg10[%add3A_96, %broadcast_in_dim3A_152] : memref<1600x16xf32, #tpu.memory_space<vmem>>[vector<16xi32>, vector<16xi32>], vector<16xf32>,
      %gather3A_154 = tpu.vector_load_idx %arg12[%add3A_96, %broadcast_in_dim3A_152] : memref<1600x16xf32, #tpu.memory_space<vmem>>[vector<16xi32>, vector<16xi32>], vector<16xf32>,
      %mul3A_155 = arith.mulf %gather3A_153, %gather3A_154 : vector<16xf32>
      %add3A_156 = arith.addf %add3A_150, %mul3A_155 : vector<16xf32>
      %broadcast_in_dim3A_157 = arith.constant 10 : i32
      %broadcast_in_dim3A_158 = vector.broadcast %broadcast_in_dim3A_157 : i32 to vector<16xi32>
      %gather3A_159 = tpu.vector_load_idx %arg10[%add3A_96, %broadcast_in_dim3A_158] : memref<1600x16xf32, #tpu.memory_space<vmem>>[vector<16xi32>, vector<16xi32>], vector<16xf32>,
      %gather3A_160 = tpu.vector_load_idx %arg12[%add3A_96, %broadcast_in_dim3A_158] : memref<1600x16xf32, #tpu.memory_space<vmem>>[vector<16xi32>, vector<16xi32>], vector<16xf32>,
      %mul3A_161 = arith.mulf %gather3A_159, %gather3A_160 : vector<16xf32>
      %add3A_162 = arith.addf %add3A_156, %mul3A_161 : vector<16xf32>
      %broadcast_in_dim3A_163 = arith.constant 11 : i32
      %broadcast_in_dim3A_164 = vector.broadcast %broadcast_in_dim3A_163 : i32 to vector<16xi32>
      %gather3A_165 = tpu.vector_load_idx %arg10[%add3A_96, %broadcast_in_dim3A_164] : memref<1600x16xf32, #tpu.memory_space<vmem>>[vector<16xi32>, vector<16xi32>], vector<16xf32>,
      %gather3A_166 = tpu.vector_load_idx %arg12[%add3A_96, %broadcast_in_dim3A_164] : memref<1600x16xf32, #tpu.memory_space<vmem>>[vector<16xi32>, vector<16xi32>], vector<16xf32>,
      %mul3A_167 = arith.mulf %gather3A_165, %gather3A_166 : vector<16xf32>
      %add3A_168 = arith.addf %add3A_162, %mul3A_167 : vector<16xf32>
      %broadcast_in_dim3A_169 = arith.constant 12 : i32
      %broadcast_in_dim3A_170 = vector.broadcast %broadcast_in_dim3A_169 : i32 to vector<16xi32>
      %gather3A_171 = tpu.vector_load_idx %arg10[%add3A_96, %broadcast_in_dim3A_170] : memref<1600x16xf32, #tpu.memory_space<vmem>>[vector<16xi32>, vector<16xi32>], vector<16xf32>,
      %gather3A_172 = tpu.vector_load_idx %arg12[%add3A_96, %broadcast_in_dim3A_170] : memref<1600x16xf32, #tpu.memory_space<vmem>>[vector<16xi32>, vector<16xi32>], vector<16xf32>,
      %mul3A_173 = arith.mulf %gather3A_171, %gather3A_172 : vector<16xf32>
      %add3A_174 = arith.addf %add3A_168, %mul3A_173 : vector<16xf32>
      %broadcast_in_dim3A_175 = arith.constant 13 : i32
      %broadcast_in_dim3A_176 = vector.broadcast %broadcast_in_dim3A_175 : i32 to vector<16xi32>
      %gather3A_177 = tpu.vector_load_idx %arg10[%add3A_96, %broadcast_in_dim3A_176] : memref<1600x16xf32, #tpu.memory_space<vmem>>[vector<16xi32>, vector<16xi32>], vector<16xf32>,
      %gather3A_178 = tpu.vector_load_idx %arg12[%add3A_96, %broadcast_in_dim3A_176] : memref<1600x16xf32, #tpu.memory_space<vmem>>[vector<16xi32>, vector<16xi32>], vector<16xf32>,
      %mul3A_179 = arith.mulf %gather3A_177, %gather3A_178 : vector<16xf32>
      %add3A_180 = arith.addf %add3A_174, %mul3A_179 : vector<16xf32>
      %broadcast_in_dim3A_181 = arith.constant 14 : i32
      %broadcast_in_dim3A_182 = vector.broadcast %broadcast_in_dim3A_181 : i32 to vector<16xi32>
      %gather3A_183 = tpu.vector_load_idx %arg10[%add3A_96, %broadcast_in_dim3A_182] : memref<1600x16xf32, #tpu.memory_space<vmem>>[vector<16xi32>, vector<16xi32>], vector<16xf32>,
      %gather3A_184 = tpu.vector_load_idx %arg12[%add3A_96, %broadcast_in_dim3A_182] : memref<1600x16xf32, #tpu.memory_space<vmem>>[vector<16xi32>, vector<16xi32>], vector<16xf32>,
      %mul3A_185 = arith.mulf %gather3A_183, %gather3A_184 : vector<16xf32>
      %add3A_186 = arith.addf %add3A_180, %mul3A_185 : vector<16xf32>
      %broadcast_in_dim3A_187 = arith.constant 15 : i32
      %broadcast_in_dim3A_188 = vector.broadcast %broadcast_in_dim3A_187 : i32 to vector<16xi32>
      %gather3A_189 = tpu.vector_load_idx %arg10[%add3A_96, %broadcast_in_dim3A_188] : memref<1600x16xf32, #tpu.memory_space<vmem>>[vector<16xi32>, vector<16xi32>], vector<16xf32>,
      %gather3A_190 = tpu.vector_load_idx %arg12[%add3A_96, %broadcast_in_dim3A_188] : memref<1600x16xf32, #tpu.memory_space<vmem>>[vector<16xi32>, vector<16xi32>], vector<16xf32>,
      %mul3A_191 = arith.mulf %gather3A_189, %gather3A_190 : vector<16xf32>
      %add3A_192 = arith.addf %add3A_186, %mul3A_191 : vector<16xf32>
      %mul3A_193 = arith.constant 16 : i32
      %mul3A_194 = arith.muli %scan3A_92, %mul3A_193 : i32
      %swap3A = arith.index_cast %mul3A_194 : i32 to index
      %swap3A_195 = tpu.vector_load %arg14[%swap3A] {strides = array<i32>} : memref<1600xf32, #tpu.memory_space<vmem>>, vector<16xf32>,
      tpu.vector_store %arg14[%swap3A], %add3A_192 {strides = array<i32>} : memref<1600xf32, #tpu.memory_space<vmem>>, vector<16xf32>,
    }
    %scan3A_71 = arith.constant 100 : i32
    %add3A_72 = arith.constant 3200 : i32
    %add3A_73 = arith.addi %mul3A_2, %add3A_72 : i32
    %dma_start3A_74 = tpu.memref_slice %arg5[%add3A_73] : memref<204800xf32, #tpu.memory_space<hbm>> -> memref<1600xf32, #tpu.memory_space<hbm>>
    %dma_start3A_75 = tpu.memref_slice %arg5[%add3A_73] : memref<204800xf32, #tpu.memory_space<hbm>> -> memref<1600xf32, #tpu.memory_space<hbm>>
    tpu.enqueue_dma source(%arg14 : memref<1600xf32, #tpu.memory_space<vmem>>) target(%dma_start3A_75 : memref<1600xf32, #tpu.memory_space<hbm>>) target_semaphore(%arg21 : memref<!tpu.dma_semaphore, #tpu.memory_space<semaphore_mem>>)
    %dma_wait3A_76 = tpu.memref_slice %arg5[%add3A_57] : memref<204800xf32, #tpu.memory_space<hbm>> -> memref<1600xf32, #tpu.memory_space<hbm>>
    %dma_wait3A_77 = tpu.memref_slice %arg5[%add3A_57] : memref<204800xf32, #tpu.memory_space<hbm>> -> memref<1600xf32, #tpu.memory_space<hbm>>
    tpu.wait_dma2 semaphore(%arg22 : memref<!tpu.dma_semaphore, #tpu.memory_space<semaphore_mem>>) src(%arg15 : memref<1600xf32, #tpu.memory_space<vmem>>) dst(%dma_wait3A_77 : memref<1600xf32, #tpu.memory_space<hbm>>)
    %scan3A_78 = arith.constant 0 : i32
    %scan3A_79 = arith.constant 0 : i32
    %scan3A_80 = arith.constant 100 : i32
    %scan3A_81 = arith.addi %scan3A_79, %scan3A_80 : i32
    %scan3A_82 = arith.constant 1 : i32
    scf.for %scan3A_92 = %scan3A_79 to %scan3A_81 step %scan3A_82  : i32 {
      %mul3A_93 = arith.constant 16 : i32
      %mul3A_94 = arith.muli %scan3A_92, %mul3A_93 : i32
      %add3A_95 = vector.broadcast %mul3A_94 : i32 to vector<16xi32>
      %add3A_96 = arith.addi %add3A_95, %iota3A : vector<16xi32>
      %broadcast_in_dim3A = arith.constant 0.000000e+00 : f32
      %broadcast_in_dim3A_97 = vector.broadcast %broadcast_in_dim3A : f32 to vector<16xf32>
      %broadcast_in_dim3A_98 = arith.constant 0 : i32
      %broadcast_in_dim3A_99 = vector.broadcast %broadcast_in_dim3A_98 : i32 to vector<16xi32>
      %gather3A = tpu.vector_load_idx %arg11[%add3A_96, %broadcast_in_dim3A_99] : memref<1600x16xf32, #tpu.memory_space<vmem>>[vector<16xi32>, vector<16xi32>], vector<16xf32>,
      %gather3A_100 = tpu.vector_load_idx %arg13[%add3A_96, %broadcast_in_dim3A_99] : memref<1600x16xf32, #tpu.memory_space<vmem>>[vector<16xi32>, vector<16xi32>], vector<16xf32>,
      %mul3A_101 = arith.mulf %gather3A, %gather3A_100 : vector<16xf32>
      %add3A_102 = arith.addf %broadcast_in_dim3A_97, %mul3A_101 : vector<16xf32>
      %broadcast_in_dim3A_103 = arith.constant 1 : i32
      %broadcast_in_dim3A_104 = vector.broadcast %broadcast_in_dim3A_103 : i32 to vector<16xi32>
      %gather3A_105 = tpu.vector_load_idx %arg11[%add3A_96, %broadcast_in_dim3A_104] : memref<1600x16xf32, #tpu.memory_space<vmem>>[vector<16xi32>, vector<16xi32>], vector<16xf32>,
      %gather3A_106 = tpu.vector_load_idx %arg13[%add3A_96, %broadcast_in_dim3A_104] : memref<1600x16xf32, #tpu.memory_space<vmem>>[vector<16xi32>, vector<16xi32>], vector<16xf32>,
      %mul3A_107 = arith.mulf %gather3A_105, %gather3A_106 : vector<16xf32>
      %add3A_108 = arith.addf %add3A_102, %mul3A_107 : vector<16xf32>
      %broadcast_in_dim3A_109 = arith.constant 2 : i32
      %broadcast_in_dim3A_110 = vector.broadcast %broadcast_in_dim3A_109 : i32 to vector<16xi32>
      %gather3A_111 = tpu.vector_load_idx %arg11[%add3A_96, %broadcast_in_dim3A_110] : memref<1600x16xf32, #tpu.memory_space<vmem>>[vector<16xi32>, vector<16xi32>], vector<16xf32>,
      %gather3A_112 = tpu.vector_load_idx %arg13[%add3A_96, %broadcast_in_dim3A_110] : memref<1600x16xf32, #tpu.memory_space<vmem>>[vector<16xi32>, vector<16xi32>], vector<16xf32>,
      %mul3A_113 = arith.mulf %gather3A_111, %gather3A_112 : vector<16xf32>
      %add3A_114 = arith.addf %add3A_108, %mul3A_113 : vector<16xf32>
      %broadcast_in_dim3A_115 = arith.constant 3 : i32
      %broadcast_in_dim3A_116 = vector.broadcast %broadcast_in_dim3A_115 : i32 to vector<16xi32>
      %gather3A_117 = tpu.vector_load_idx %arg11[%add3A_96, %broadcast_in_dim3A_116] : memref<1600x16xf32, #tpu.memory_space<vmem>>[vector<16xi32>, vector<16xi32>], vector<16xf32>,
      %gather3A_118 = tpu.vector_load_idx %arg13[%add3A_96, %broadcast_in_dim3A_116] : memref<1600x16xf32, #tpu.memory_space<vmem>>[vector<16xi32>, vector<16xi32>], vector<16xf32>,
      %mul3A_119 = arith.mulf %gather3A_117, %gather3A_118 : vector<16xf32>
      %add3A_120 = arith.addf %add3A_114, %mul3A_119 : vector<16xf32>
      %broadcast_in_dim3A_121 = arith.constant 4 : i32
      %broadcast_in_dim3A_122 = vector.broadcast %broadcast_in_dim3A_121 : i32 to vector<16xi32>
      %gather3A_123 = tpu.vector_load_idx %arg11[%add3A_96, %broadcast_in_dim3A_122] : memref<1600x16xf32, #tpu.memory_space<vmem>>[vector<16xi32>, vector<16xi32>], vector<16xf32>,
      %gather3A_124 = tpu.vector_load_idx %arg13[%add3A_96, %broadcast_in_dim3A_122] : memref<1600x16xf32, #tpu.memory_space<vmem>>[vector<16xi32>, vector<16xi32>], vector<16xf32>,
      %mul3A_125 = arith.mulf %gather3A_123, %gather3A_124 : vector<16xf32>
      %add3A_126 = arith.addf %add3A_120, %mul3A_125 : vector<16xf32>
      %broadcast_in_dim3A_127 = arith.constant 5 : i32
      %broadcast_in_dim3A_128 = vector.broadcast %broadcast_in_dim3A_127 : i32 to vector<16xi32>
      %gather3A_129 = tpu.vector_load_idx %arg11[%add3A_96, %broadcast_in_dim3A_128] : memref<1600x16xf32, #tpu.memory_space<vmem>>[vector<16xi32>, vector<16xi32>], vector<16xf32>,
      %gather3A_130 = tpu.vector_load_idx %arg13[%add3A_96, %broadcast_in_dim3A_128] : memref<1600x16xf32, #tpu.memory_space<vmem>>[vector<16xi32>, vector<16xi32>], vector<16xf32>,
      %mul3A_131 = arith.mulf %gather3A_129, %gather3A_130 : vector<16xf32>
      %add3A_132 = arith.addf %add3A_126, %mul3A_131 : vector<16xf32>
      %broadcast_in_dim3A_133 = arith.constant 6 : i32
      %broadcast_in_dim3A_134 = vector.broadcast %broadcast_in_dim3A_133 : i32 to vector<16xi32>
      %gather3A_135 = tpu.vector_load_idx %arg11[%add3A_96, %broadcast_in_dim3A_134] : memref<1600x16xf32, #tpu.memory_space<vmem>>[vector<16xi32>, vector<16xi32>], vector<16xf32>,
      %gather3A_136 = tpu.vector_load_idx %arg13[%add3A_96, %broadcast_in_dim3A_134] : memref<1600x16xf32, #tpu.memory_space<vmem>>[vector<16xi32>, vector<16xi32>], vector<16xf32>,
      %mul3A_137 = arith.mulf %gather3A_135, %gather3A_136 : vector<16xf32>
      %add3A_138 = arith.addf %add3A_132, %mul3A_137 : vector<16xf32>
      %broadcast_in_dim3A_139 = arith.constant 7 : i32
      %broadcast_in_dim3A_140 = vector.broadcast %broadcast_in_dim3A_139 : i32 to vector<16xi32>
      %gather3A_141 = tpu.vector_load_idx %arg11[%add3A_96, %broadcast_in_dim3A_140] : memref<1600x16xf32, #tpu.memory_space<vmem>>[vector<16xi32>, vector<16xi32>], vector<16xf32>,
      %gather3A_142 = tpu.vector_load_idx %arg13[%add3A_96, %broadcast_in_dim3A_140] : memref<1600x16xf32, #tpu.memory_space<vmem>>[vector<16xi32>, vector<16xi32>], vector<16xf32>,
      %mul3A_143 = arith.mulf %gather3A_141, %gather3A_142 : vector<16xf32>
      %add3A_144 = arith.addf %add3A_138, %mul3A_143 : vector<16xf32>
      %broadcast_in_dim3A_145 = arith.constant 8 : i32
      %broadcast_in_dim3A_146 = vector.broadcast %broadcast_in_dim3A_145 : i32 to vector<16xi32>
      %gather3A_147 = tpu.vector_load_idx %arg11[%add3A_96, %broadcast_in_dim3A_146] : memref<1600x16xf32, #tpu.memory_space<vmem>>[vector<16xi32>, vector<16xi32>], vector<16xf32>,
      %gather3A_148 = tpu.vector_load_idx %arg13[%add3A_96, %broadcast_in_dim3A_146] : memref<1600x16xf32, #tpu.memory_space<vmem>>[vector<16xi32>, vector<16xi32>], vector<16xf32>,
      %mul3A_149 = arith.mulf %gather3A_147, %gather3A_148 : vector<16xf32>
      %add3A_150 = arith.addf %add3A_144, %mul3A_149 : vector<16xf32>
      %broadcast_in_dim3A_151 = arith.constant 9 : i32
      %broadcast_in_dim3A_152 = vector.broadcast %broadcast_in_dim3A_151 : i32 to vector<16xi32>
      %gather3A_153 = tpu.vector_load_idx %arg11[%add3A_96, %broadcast_in_dim3A_152] : memref<1600x16xf32, #tpu.memory_space<vmem>>[vector<16xi32>, vector<16xi32>], vector<16xf32>,
      %gather3A_154 = tpu.vector_load_idx %arg13[%add3A_96, %broadcast_in_dim3A_152] : memref<1600x16xf32, #tpu.memory_space<vmem>>[vector<16xi32>, vector<16xi32>], vector<16xf32>,
      %mul3A_155 = arith.mulf %gather3A_153, %gather3A_154 : vector<16xf32>
      %add3A_156 = arith.addf %add3A_150, %mul3A_155 : vector<16xf32>
      %broadcast_in_dim3A_157 = arith.constant 10 : i32
      %broadcast_in_dim3A_158 = vector.broadcast %broadcast_in_dim3A_157 : i32 to vector<16xi32>
      %gather3A_159 = tpu.vector_load_idx %arg11[%add3A_96, %broadcast_in_dim3A_158] : memref<1600x16xf32, #tpu.memory_space<vmem>>[vector<16xi32>, vector<16xi32>], vector<16xf32>,
      %gather3A_160 = tpu.vector_load_idx %arg13[%add3A_96, %broadcast_in_dim3A_158] : memref<1600x16xf32, #tpu.memory_space<vmem>>[vector<16xi32>, vector<16xi32>], vector<16xf32>,
      %mul3A_161 = arith.mulf %gather3A_159, %gather3A_160 : vector<16xf32>
      %add3A_162 = arith.addf %add3A_156, %mul3A_161 : vector<16xf32>
      %broadcast_in_dim3A_163 = arith.constant 11 : i32
      %broadcast_in_dim3A_164 = vector.broadcast %broadcast_in_dim3A_163 : i32 to vector<16xi32>
      %gather3A_165 = tpu.vector_load_idx %arg11[%add3A_96, %broadcast_in_dim3A_164] : memref<1600x16xf32, #tpu.memory_space<vmem>>[vector<16xi32>, vector<16xi32>], vector<16xf32>,
      %gather3A_166 = tpu.vector_load_idx %arg13[%add3A_96, %broadcast_in_dim3A_164] : memref<1600x16xf32, #tpu.memory_space<vmem>>[vector<16xi32>, vector<16xi32>], vector<16xf32>,
      %mul3A_167 = arith.mulf %gather3A_165, %gather3A_166 : vector<16xf32>
      %add3A_168 = arith.addf %add3A_162, %mul3A_167 : vector<16xf32>
      %broadcast_in_dim3A_169 = arith.constant 12 : i32
      %broadcast_in_dim3A_170 = vector.broadcast %broadcast_in_dim3A_169 : i32 to vector<16xi32>
      %gather3A_171 = tpu.vector_load_idx %arg11[%add3A_96, %broadcast_in_dim3A_170] : memref<1600x16xf32, #tpu.memory_space<vmem>>[vector<16xi32>, vector<16xi32>], vector<16xf32>,
      %gather3A_172 = tpu.vector_load_idx %arg13[%add3A_96, %broadcast_in_dim3A_170] : memref<1600x16xf32, #tpu.memory_space<vmem>>[vector<16xi32>, vector<16xi32>], vector<16xf32>,
      %mul3A_173 = arith.mulf %gather3A_171, %gather3A_172 : vector<16xf32>
      %add3A_174 = arith.addf %add3A_168, %mul3A_173 : vector<16xf32>
      %broadcast_in_dim3A_175 = arith.constant 13 : i32
      %broadcast_in_dim3A_176 = vector.broadcast %broadcast_in_dim3A_175 : i32 to vector<16xi32>
      %gather3A_177 = tpu.vector_load_idx %arg11[%add3A_96, %broadcast_in_dim3A_176] : memref<1600x16xf32, #tpu.memory_space<vmem>>[vector<16xi32>, vector<16xi32>], vector<16xf32>,
      %gather3A_178 = tpu.vector_load_idx %arg13[%add3A_96, %broadcast_in_dim3A_176] : memref<1600x16xf32, #tpu.memory_space<vmem>>[vector<16xi32>, vector<16xi32>], vector<16xf32>,
      %mul3A_179 = arith.mulf %gather3A_177, %gather3A_178 : vector<16xf32>
      %add3A_180 = arith.addf %add3A_174, %mul3A_179 : vector<16xf32>
      %broadcast_in_dim3A_181 = arith.constant 14 : i32
      %broadcast_in_dim3A_182 = vector.broadcast %broadcast_in_dim3A_181 : i32 to vector<16xi32>
      %gather3A_183 = tpu.vector_load_idx %arg11[%add3A_96, %broadcast_in_dim3A_182] : memref<1600x16xf32, #tpu.memory_space<vmem>>[vector<16xi32>, vector<16xi32>], vector<16xf32>,
      %gather3A_184 = tpu.vector_load_idx %arg13[%add3A_96, %broadcast_in_dim3A_182] : memref<1600x16xf32, #tpu.memory_space<vmem>>[vector<16xi32>, vector<16xi32>], vector<16xf32>,
      %mul3A_185 = arith.mulf %gather3A_183, %gather3A_184 : vector<16xf32>
      %add3A_186 = arith.addf %add3A_180, %mul3A_185 : vector<16xf32>
      %broadcast_in_dim3A_187 = arith.constant 15 : i32
      %broadcast_in_dim3A_188 = vector.broadcast %broadcast_in_dim3A_187 : i32 to vector<16xi32>
      %gather3A_189 = tpu.vector_load_idx %arg11[%add3A_96, %broadcast_in_dim3A_188] : memref<1600x16xf32, #tpu.memory_space<vmem>>[vector<16xi32>, vector<16xi32>], vector<16xf32>,
      %gather3A_190 = tpu.vector_load_idx %arg13[%add3A_96, %broadcast_in_dim3A_188] : memref<1600x16xf32, #tpu.memory_space<vmem>>[vector<16xi32>, vector<16xi32>], vector<16xf32>,
      %mul3A_191 = arith.mulf %gather3A_189, %gather3A_190 : vector<16xf32>
      %add3A_192 = arith.addf %add3A_186, %mul3A_191 : vector<16xf32>
      %mul3A_193 = arith.constant 16 : i32
      %mul3A_194 = arith.muli %scan3A_92, %mul3A_193 : i32
      %swap3A = arith.index_cast %mul3A_194 : i32 to index
      %swap3A_195 = tpu.vector_load %arg15[%swap3A] {strides = array<i32>} : memref<1600xf32, #tpu.memory_space<vmem>>, vector<16xf32>,
      tpu.vector_store %arg15[%swap3A], %add3A_192 {strides = array<i32>} : memref<1600xf32, #tpu.memory_space<vmem>>, vector<16xf32>,
    }
    %scan3A_83 = arith.constant 100 : i32
    %add3A_84 = arith.constant 4800 : i32
    %add3A_85 = arith.addi %mul3A_2, %add3A_84 : i32
    %dma_start3A_86 = tpu.memref_slice %arg5[%add3A_85] : memref<204800xf32, #tpu.memory_space<hbm>> -> memref<1600xf32, #tpu.memory_space<hbm>>
    %dma_start3A_87 = tpu.memref_slice %arg5[%add3A_85] : memref<204800xf32, #tpu.memory_space<hbm>> -> memref<1600xf32, #tpu.memory_space<hbm>>
    tpu.enqueue_dma source(%arg15 : memref<1600xf32, #tpu.memory_space<vmem>>) target(%dma_start3A_87 : memref<1600xf32, #tpu.memory_space<hbm>>) target_semaphore(%arg22 : memref<!tpu.dma_semaphore, #tpu.memory_space<semaphore_mem>>)
    %dma_wait3A_88 = tpu.memref_slice %arg5[%add3A_73] : memref<204800xf32, #tpu.memory_space<hbm>> -> memref<1600xf32, #tpu.memory_space<hbm>>
    %dma_wait3A_89 = tpu.memref_slice %arg5[%add3A_73] : memref<204800xf32, #tpu.memory_space<hbm>> -> memref<1600xf32, #tpu.memory_space<hbm>>
    tpu.wait_dma2 semaphore(%arg21 : memref<!tpu.dma_semaphore, #tpu.memory_space<semaphore_mem>>) src(%arg14 : memref<1600xf32, #tpu.memory_space<vmem>>) dst(%dma_wait3A_89 : memref<1600xf32, #tpu.memory_space<hbm>>)
    %dma_wait3A_90 = tpu.memref_slice %arg5[%add3A_85] : memref<204800xf32, #tpu.memory_space<hbm>> -> memref<1600xf32, #tpu.memory_space<hbm>>
    %dma_wait3A_91 = tpu.memref_slice %arg5[%add3A_85] : memref<204800xf32, #tpu.memory_space<hbm>> -> memref<1600xf32, #tpu.memory_space<hbm>>
    tpu.wait_dma2 semaphore(%arg22 : memref<!tpu.dma_semaphore, #tpu.memory_space<semaphore_mem>>) src(%arg15 : memref<1600xf32, #tpu.memory_space<vmem>>) dst(%dma_wait3A_91 : memref<1600xf32, #tpu.memory_space<hbm>>)
    return
  }
}

#map = affine_map<(d0, d1) -> (0, 0)>
#map1 = affine_map<(d0, d1) -> (0)>
#map2 = affine_map<(d0, d1) -> (0, 0, 0)>
module attributes {stable_mosaic.version = 14 : i64} {
  func.func @k(%arg0: i32, %arg1: i32, %arg2: memref<10000x16xf32, #tpu.memory_space<hbm>>, %arg3: memref<320000xi32, #tpu.memory_space<hbm>>, %arg4: memref<320000xi32, #tpu.memory_space<hbm>>, %arg5: memref<10240x16xf32, #tpu.memory_space<hbm>>, %arg6: memref<2x10240x16xf32, #tpu.memory_space<hbm>>, %arg7: memref<1000xi32, #tpu.memory_space<vmem>>, %arg8: memref<1000xi32, #tpu.memory_space<vmem>>, %arg9: memref<1000xi32, #tpu.memory_space<vmem>>, %arg10: memref<1000xi32, #tpu.memory_space<vmem>>, %arg11: memref<1000x16xf32, #tpu.memory_space<vmem>>, %arg12: memref<1000x16xf32, #tpu.memory_space<vmem>>, %arg13: memref<10240x16xf32, #tpu.memory_space<vmem_shared>>, %arg14: memref<!tpu.dma_semaphore, #tpu.memory_space<semaphore_mem>>, %arg15: memref<!tpu.dma_semaphore, #tpu.memory_space<semaphore_mem>>, %arg16: memref<!tpu.dma_semaphore, #tpu.memory_space<semaphore_mem>>, %arg17: memref<!tpu.dma_semaphore, #tpu.memory_space<semaphore_mem>>) attributes {dimension_semantics = [#tpu.dimension_semantics<core_parallel>, #tpu.dimension_semantics<subcore_parallel>], iteration_bounds = array<i64: 2, 16>, scalar_prefetch = 0 : i64, scratch_operands = 11 : i64, tpu.core_type = #tpu.core_type<sc_vector_subcore>, window_params = [{transform_indices = #map}, {transform_indices = #map1}, {transform_indices = #map1}, {transform_indices = #map}, {transform_indices = #map2}]} {
    %mul3A = arith.constant 640 : i32
    %mul3A_0 = arith.muli %arg1, %mul3A : i32
    %mul3A_1 = arith.constant 160000 : i32
    %mul3A_2 = arith.muli %arg0, %mul3A_1 : i32
    %mul3A_3 = arith.constant 10000 : i32
    %mul3A_4 = arith.muli %arg1, %mul3A_3 : i32
    %add3A = arith.addi %mul3A_2, %mul3A_4 : i32
    %add3A_5 = arith.constant 0 : i32
    %add3A_6 = arith.addi %add3A, %add3A_5 : i32
    %dma_start3A = tpu.memref_slice %arg3[%add3A_6] : memref<320000xi32, #tpu.memory_space<hbm>> -> memref<1000xi32, #tpu.memory_space<hbm>>
    %dma_start3A_7 = tpu.memref_slice %arg3[%add3A_6] : memref<320000xi32, #tpu.memory_space<hbm>> -> memref<1000xi32, #tpu.memory_space<hbm>>
    tpu.enqueue_dma source(%dma_start3A_7 : memref<1000xi32, #tpu.memory_space<hbm>>) target(%arg7 : memref<1000xi32, #tpu.memory_space<vmem>>) target_semaphore(%arg14 : memref<!tpu.dma_semaphore, #tpu.memory_space<semaphore_mem>>)
    %dma_start3A_8 = tpu.memref_slice %arg4[%add3A_6] : memref<320000xi32, #tpu.memory_space<hbm>> -> memref<1000xi32, #tpu.memory_space<hbm>>
    %dma_start3A_9 = tpu.memref_slice %arg4[%add3A_6] : memref<320000xi32, #tpu.memory_space<hbm>> -> memref<1000xi32, #tpu.memory_space<hbm>>
    tpu.enqueue_dma source(%dma_start3A_9 : memref<1000xi32, #tpu.memory_space<hbm>>) target(%arg9 : memref<1000xi32, #tpu.memory_space<vmem>>) target_semaphore(%arg14 : memref<!tpu.dma_semaphore, #tpu.memory_space<semaphore_mem>>)
    %dma_wait3A = tpu.memref_slice %arg3[%add3A_6] : memref<320000xi32, #tpu.memory_space<hbm>> -> memref<1000xi32, #tpu.memory_space<hbm>>
    %dma_wait3A_10 = tpu.memref_slice %arg3[%add3A_6] : memref<320000xi32, #tpu.memory_space<hbm>> -> memref<1000xi32, #tpu.memory_space<hbm>>
    tpu.wait_dma2 semaphore(%arg14 : memref<!tpu.dma_semaphore, #tpu.memory_space<semaphore_mem>>) src(%dma_wait3A_10 : memref<1000xi32, #tpu.memory_space<hbm>>) dst(%arg7 : memref<1000xi32, #tpu.memory_space<vmem>>)
    %dma_wait3A_11 = tpu.memref_slice %arg4[%add3A_6] : memref<320000xi32, #tpu.memory_space<hbm>> -> memref<1000xi32, #tpu.memory_space<hbm>>
    %dma_wait3A_12 = tpu.memref_slice %arg4[%add3A_6] : memref<320000xi32, #tpu.memory_space<hbm>> -> memref<1000xi32, #tpu.memory_space<hbm>>
    tpu.wait_dma2 semaphore(%arg14 : memref<!tpu.dma_semaphore, #tpu.memory_space<semaphore_mem>>) src(%dma_wait3A_12 : memref<1000xi32, #tpu.memory_space<hbm>>) dst(%arg9 : memref<1000xi32, #tpu.memory_space<vmem>>)
    %dma_start3A_13 = arith.constant 0 : i32
    %dma_start3A_14 = arith.constant 0 : i32
    %dma_start3A_15 = tpu.memref_slice %arg2[%dma_start3A_13, %dma_start3A_14] : memref<10000x16xf32, #tpu.memory_space<hbm>> -> memref<10000x16xf32, #tpu.memory_space<hbm>>
    tpu.enqueue_indirect_dma source(%dma_start3A_15 : memref<10000x16xf32, #tpu.memory_space<hbm>>) target(%arg11 : memref<1000x16xf32, #tpu.memory_space<vmem>>) offsets(%arg7 : memref<1000xi32, #tpu.memory_space<vmem>>) semaphore(%arg16 : memref<!tpu.dma_semaphore, #tpu.memory_space<semaphore_mem>>)
    %add3A_16 = arith.constant 1000 : i32
    %add3A_17 = arith.addi %add3A, %add3A_16 : i32
    %dma_start3A_18 = tpu.memref_slice %arg3[%add3A_17] : memref<320000xi32, #tpu.memory_space<hbm>> -> memref<1000xi32, #tpu.memory_space<hbm>>
    %dma_start3A_19 = tpu.memref_slice %arg3[%add3A_17] : memref<320000xi32, #tpu.memory_space<hbm>> -> memref<1000xi32, #tpu.memory_space<hbm>>
    tpu.enqueue_dma source(%dma_start3A_19 : memref<1000xi32, #tpu.memory_space<hbm>>) target(%arg8 : memref<1000xi32, #tpu.memory_space<vmem>>) target_semaphore(%arg15 : memref<!tpu.dma_semaphore, #tpu.memory_space<semaphore_mem>>)
    %dma_start3A_20 = tpu.memref_slice %arg4[%add3A_17] : memref<320000xi32, #tpu.memory_space<hbm>> -> memref<1000xi32, #tpu.memory_space<hbm>>
    %dma_start3A_21 = tpu.memref_slice %arg4[%add3A_17] : memref<320000xi32, #tpu.memory_space<hbm>> -> memref<1000xi32, #tpu.memory_space<hbm>>
    tpu.enqueue_dma source(%dma_start3A_21 : memref<1000xi32, #tpu.memory_space<hbm>>) target(%arg10 : memref<1000xi32, #tpu.memory_space<vmem>>) target_semaphore(%arg15 : memref<!tpu.dma_semaphore, #tpu.memory_space<semaphore_mem>>)
    "tpu.region"() ({
      %run_scoped3A = tpu.sem_alloc : memref<!tpu.dma_semaphore, #tpu.memory_space<semaphore_mem>>
      %dma_start3A_164 = arith.constant 0 : i32
      %dma_start3A_165 = tpu.memref_slice %arg13[%mul3A_0, %dma_start3A_164] : memref<10240x16xf32, #tpu.memory_space<vmem_shared>> -> memref<640x16xf32, #tpu.memory_space<vmem_shared>>
      %dma_start3A_166 = arith.constant 0 : i32
      %dma_start3A_167 = tpu.memref_slice %arg5[%mul3A_0, %dma_start3A_166] : memref<10240x16xf32, #tpu.memory_space<hbm>> -> memref<640x16xf32, #tpu.memory_space<hbm>>
      tpu.enqueue_dma source(%dma_start3A_167 : memref<640x16xf32, #tpu.memory_space<hbm>>) target(%dma_start3A_165 : memref<640x16xf32, #tpu.memory_space<vmem_shared>>) target_semaphore(%run_scoped3A : memref<!tpu.dma_semaphore, #tpu.memory_space<semaphore_mem>>)
      %dma_wait3A_168 = arith.constant 0 : i32
      %dma_wait3A_169 = tpu.memref_slice %arg13[%mul3A_0, %dma_wait3A_168] : memref<10240x16xf32, #tpu.memory_space<vmem_shared>> -> memref<640x16xf32, #tpu.memory_space<vmem_shared>>
      %dma_wait3A_170 = arith.constant 0 : i32
      %dma_wait3A_171 = tpu.memref_slice %arg5[%mul3A_0, %dma_wait3A_170] : memref<10240x16xf32, #tpu.memory_space<hbm>> -> memref<640x16xf32, #tpu.memory_space<hbm>>
      tpu.wait_dma2 semaphore(%run_scoped3A : memref<!tpu.dma_semaphore, #tpu.memory_space<semaphore_mem>>) src(%dma_wait3A_171 : memref<640x16xf32, #tpu.memory_space<hbm>>) dst(%dma_wait3A_169 : memref<640x16xf32, #tpu.memory_space<vmem_shared>>)
      tpu.yield
    }) : () -> ()
    %barrier3A = arith.constant 0 : index
    tpu.barrier barrier_id(%barrier3A)
    %dma_wait3A_22 = tpu.memref_slice %arg3[%add3A_17] : memref<320000xi32, #tpu.memory_space<hbm>> -> memref<1000xi32, #tpu.memory_space<hbm>>
    %dma_wait3A_23 = tpu.memref_slice %arg3[%add3A_17] : memref<320000xi32, #tpu.memory_space<hbm>> -> memref<1000xi32, #tpu.memory_space<hbm>>
    tpu.wait_dma2 semaphore(%arg15 : memref<!tpu.dma_semaphore, #tpu.memory_space<semaphore_mem>>) src(%dma_wait3A_23 : memref<1000xi32, #tpu.memory_space<hbm>>) dst(%arg8 : memref<1000xi32, #tpu.memory_space<vmem>>)
    %dma_wait3A_24 = tpu.memref_slice %arg4[%add3A_17] : memref<320000xi32, #tpu.memory_space<hbm>> -> memref<1000xi32, #tpu.memory_space<hbm>>
    %dma_wait3A_25 = tpu.memref_slice %arg4[%add3A_17] : memref<320000xi32, #tpu.memory_space<hbm>> -> memref<1000xi32, #tpu.memory_space<hbm>>
    tpu.wait_dma2 semaphore(%arg15 : memref<!tpu.dma_semaphore, #tpu.memory_space<semaphore_mem>>) src(%dma_wait3A_25 : memref<1000xi32, #tpu.memory_space<hbm>>) dst(%arg10 : memref<1000xi32, #tpu.memory_space<vmem>>)
    %dma_start3A_26 = arith.constant 0 : i32
    %dma_start3A_27 = arith.constant 0 : i32
    %dma_start3A_28 = tpu.memref_slice %arg2[%dma_start3A_26, %dma_start3A_27] : memref<10000x16xf32, #tpu.memory_space<hbm>> -> memref<10000x16xf32, #tpu.memory_space<hbm>>
    tpu.enqueue_indirect_dma source(%dma_start3A_28 : memref<10000x16xf32, #tpu.memory_space<hbm>>) target(%arg12 : memref<1000x16xf32, #tpu.memory_space<vmem>>) offsets(%arg8 : memref<1000xi32, #tpu.memory_space<vmem>>) semaphore(%arg17 : memref<!tpu.dma_semaphore, #tpu.memory_space<semaphore_mem>>)
    %dma_wait3A_29 = arith.constant 0 : i32
    %dma_wait3A_30 = arith.constant 0 : i32
    %dma_wait3A_31 = tpu.memref_slice %arg2[%dma_wait3A_29, %dma_wait3A_30] : memref<10000x16xf32, #tpu.memory_space<hbm>> -> memref<10000x16xf32, #tpu.memory_space<hbm>>
    tpu.wait_indirect_dma semaphore(%arg16 : memref<!tpu.dma_semaphore, #tpu.memory_space<semaphore_mem>>) src(%dma_wait3A_31 : memref<10000x16xf32, #tpu.memory_space<hbm>>) dst(%arg11 : memref<1000x16xf32, #tpu.memory_space<vmem>>)
    "tpu.region"() ({
      %run_scoped3A = tpu.sem_alloc : memref<!tpu.dma_semaphore, #tpu.memory_space<semaphore_mem>>
      %dma_start3A_164 = arith.constant 0 : i32
      %dma_start3A_165 = arith.constant 0 : i32
      %dma_start3A_166 = tpu.memref_slice %arg13[%dma_start3A_164, %dma_start3A_165] : memref<10240x16xf32, #tpu.memory_space<vmem_shared>> -> memref<10240x16xf32, #tpu.memory_space<vmem_shared>>
      tpu.enqueue_indirect_dma source(%arg11 : memref<1000x16xf32, #tpu.memory_space<vmem>>) target(%dma_start3A_166 : memref<10240x16xf32, #tpu.memory_space<vmem_shared>>) offsets(%arg9 : memref<1000xi32, #tpu.memory_space<vmem>>) semaphore(%run_scoped3A : memref<!tpu.dma_semaphore, #tpu.memory_space<semaphore_mem>>) {add = true}
      %dma_wait3A_167 = arith.constant 0 : i32
      %dma_wait3A_168 = arith.constant 0 : i32
      %dma_wait3A_169 = tpu.memref_slice %arg13[%dma_wait3A_167, %dma_wait3A_168] : memref<10240x16xf32, #tpu.memory_space<vmem_shared>> -> memref<10240x16xf32, #tpu.memory_space<vmem_shared>>
      tpu.wait_indirect_dma semaphore(%run_scoped3A : memref<!tpu.dma_semaphore, #tpu.memory_space<semaphore_mem>>) src(%arg11 : memref<1000x16xf32, #tpu.memory_space<vmem>>) dst(%dma_wait3A_169 : memref<10240x16xf32, #tpu.memory_space<vmem_shared>>)
      tpu.yield
    }) : () -> ()
    %add3A_32 = arith.constant 2000 : i32
    %add3A_33 = arith.addi %add3A, %add3A_32 : i32
    %dma_start3A_34 = tpu.memref_slice %arg3[%add3A_33] : memref<320000xi32, #tpu.memory_space<hbm>> -> memref<1000xi32, #tpu.memory_space<hbm>>
    %dma_start3A_35 = tpu.memref_slice %arg3[%add3A_33] : memref<320000xi32, #tpu.memory_space<hbm>> -> memref<1000xi32, #tpu.memory_space<hbm>>
    tpu.enqueue_dma source(%dma_start3A_35 : memref<1000xi32, #tpu.memory_space<hbm>>) target(%arg7 : memref<1000xi32, #tpu.memory_space<vmem>>) target_semaphore(%arg14 : memref<!tpu.dma_semaphore, #tpu.memory_space<semaphore_mem>>)
    %dma_start3A_36 = tpu.memref_slice %arg4[%add3A_33] : memref<320000xi32, #tpu.memory_space<hbm>> -> memref<1000xi32, #tpu.memory_space<hbm>>
    %dma_start3A_37 = tpu.memref_slice %arg4[%add3A_33] : memref<320000xi32, #tpu.memory_space<hbm>> -> memref<1000xi32, #tpu.memory_space<hbm>>
    tpu.enqueue_dma source(%dma_start3A_37 : memref<1000xi32, #tpu.memory_space<hbm>>) target(%arg9 : memref<1000xi32, #tpu.memory_space<vmem>>) target_semaphore(%arg14 : memref<!tpu.dma_semaphore, #tpu.memory_space<semaphore_mem>>)
    %dma_wait3A_38 = tpu.memref_slice %arg3[%add3A_33] : memref<320000xi32, #tpu.memory_space<hbm>> -> memref<1000xi32, #tpu.memory_space<hbm>>
    %dma_wait3A_39 = tpu.memref_slice %arg3[%add3A_33] : memref<320000xi32, #tpu.memory_space<hbm>> -> memref<1000xi32, #tpu.memory_space<hbm>>
    tpu.wait_dma2 semaphore(%arg14 : memref<!tpu.dma_semaphore, #tpu.memory_space<semaphore_mem>>) src(%dma_wait3A_39 : memref<1000xi32, #tpu.memory_space<hbm>>) dst(%arg7 : memref<1000xi32, #tpu.memory_space<vmem>>)
    %dma_wait3A_40 = tpu.memref_slice %arg4[%add3A_33] : memref<320000xi32, #tpu.memory_space<hbm>> -> memref<1000xi32, #tpu.memory_space<hbm>>
    %dma_wait3A_41 = tpu.memref_slice %arg4[%add3A_33] : memref<320000xi32, #tpu.memory_space<hbm>> -> memref<1000xi32, #tpu.memory_space<hbm>>
    tpu.wait_dma2 semaphore(%arg14 : memref<!tpu.dma_semaphore, #tpu.memory_space<semaphore_mem>>) src(%dma_wait3A_41 : memref<1000xi32, #tpu.memory_space<hbm>>) dst(%arg9 : memref<1000xi32, #tpu.memory_space<vmem>>)
    %dma_start3A_42 = arith.constant 0 : i32
    %dma_start3A_43 = arith.constant 0 : i32
    %dma_start3A_44 = tpu.memref_slice %arg2[%dma_start3A_42, %dma_start3A_43] : memref<10000x16xf32, #tpu.memory_space<hbm>> -> memref<10000x16xf32, #tpu.memory_space<hbm>>
    tpu.enqueue_indirect_dma source(%dma_start3A_44 : memref<10000x16xf32, #tpu.memory_space<hbm>>) target(%arg11 : memref<1000x16xf32, #tpu.memory_space<vmem>>) offsets(%arg7 : memref<1000xi32, #tpu.memory_space<vmem>>) semaphore(%arg16 : memref<!tpu.dma_semaphore, #tpu.memory_space<semaphore_mem>>)
    %dma_wait3A_45 = arith.constant 0 : i32
    %dma_wait3A_46 = arith.constant 0 : i32
    %dma_wait3A_47 = tpu.memref_slice %arg2[%dma_wait3A_45, %dma_wait3A_46] : memref<10000x16xf32, #tpu.memory_space<hbm>> -> memref<10000x16xf32, #tpu.memory_space<hbm>>
    tpu.wait_indirect_dma semaphore(%arg17 : memref<!tpu.dma_semaphore, #tpu.memory_space<semaphore_mem>>) src(%dma_wait3A_47 : memref<10000x16xf32, #tpu.memory_space<hbm>>) dst(%arg12 : memref<1000x16xf32, #tpu.memory_space<vmem>>)
    "tpu.region"() ({
      %run_scoped3A = tpu.sem_alloc : memref<!tpu.dma_semaphore, #tpu.memory_space<semaphore_mem>>
      %dma_start3A_164 = arith.constant 0 : i32
      %dma_start3A_165 = arith.constant 0 : i32
      %dma_start3A_166 = tpu.memref_slice %arg13[%dma_start3A_164, %dma_start3A_165] : memref<10240x16xf32, #tpu.memory_space<vmem_shared>> -> memref<10240x16xf32, #tpu.memory_space<vmem_shared>>
      tpu.enqueue_indirect_dma source(%arg12 : memref<1000x16xf32, #tpu.memory_space<vmem>>) target(%dma_start3A_166 : memref<10240x16xf32, #tpu.memory_space<vmem_shared>>) offsets(%arg10 : memref<1000xi32, #tpu.memory_space<vmem>>) semaphore(%run_scoped3A : memref<!tpu.dma_semaphore, #tpu.memory_space<semaphore_mem>>) {add = true}
      %dma_wait3A_167 = arith.constant 0 : i32
      %dma_wait3A_168 = arith.constant 0 : i32
      %dma_wait3A_169 = tpu.memref_slice %arg13[%dma_wait3A_167, %dma_wait3A_168] : memref<10240x16xf32, #tpu.memory_space<vmem_shared>> -> memref<10240x16xf32, #tpu.memory_space<vmem_shared>>
      tpu.wait_indirect_dma semaphore(%run_scoped3A : memref<!tpu.dma_semaphore, #tpu.memory_space<semaphore_mem>>) src(%arg12 : memref<1000x16xf32, #tpu.memory_space<vmem>>) dst(%dma_wait3A_169 : memref<10240x16xf32, #tpu.memory_space<vmem_shared>>)
      tpu.yield
    }) : () -> ()
    %add3A_48 = arith.constant 3000 : i32
    %add3A_49 = arith.addi %add3A, %add3A_48 : i32
    %dma_start3A_50 = tpu.memref_slice %arg3[%add3A_49] : memref<320000xi32, #tpu.memory_space<hbm>> -> memref<1000xi32, #tpu.memory_space<hbm>>
    %dma_start3A_51 = tpu.memref_slice %arg3[%add3A_49] : memref<320000xi32, #tpu.memory_space<hbm>> -> memref<1000xi32, #tpu.memory_space<hbm>>
    tpu.enqueue_dma source(%dma_start3A_51 : memref<1000xi32, #tpu.memory_space<hbm>>) target(%arg8 : memref<1000xi32, #tpu.memory_space<vmem>>) target_semaphore(%arg15 : memref<!tpu.dma_semaphore, #tpu.memory_space<semaphore_mem>>)
    %dma_start3A_52 = tpu.memref_slice %arg4[%add3A_49] : memref<320000xi32, #tpu.memory_space<hbm>> -> memref<1000xi32, #tpu.memory_space<hbm>>
    %dma_start3A_53 = tpu.memref_slice %arg4[%add3A_49] : memref<320000xi32, #tpu.memory_space<hbm>> -> memref<1000xi32, #tpu.memory_space<hbm>>
    tpu.enqueue_dma source(%dma_start3A_53 : memref<1000xi32, #tpu.memory_space<hbm>>) target(%arg10 : memref<1000xi32, #tpu.memory_space<vmem>>) target_semaphore(%arg15 : memref<!tpu.dma_semaphore, #tpu.memory_space<semaphore_mem>>)
    %dma_wait3A_54 = tpu.memref_slice %arg3[%add3A_49] : memref<320000xi32, #tpu.memory_space<hbm>> -> memref<1000xi32, #tpu.memory_space<hbm>>
    %dma_wait3A_55 = tpu.memref_slice %arg3[%add3A_49] : memref<320000xi32, #tpu.memory_space<hbm>> -> memref<1000xi32, #tpu.memory_space<hbm>>
    tpu.wait_dma2 semaphore(%arg15 : memref<!tpu.dma_semaphore, #tpu.memory_space<semaphore_mem>>) src(%dma_wait3A_55 : memref<1000xi32, #tpu.memory_space<hbm>>) dst(%arg8 : memref<1000xi32, #tpu.memory_space<vmem>>)
    %dma_wait3A_56 = tpu.memref_slice %arg4[%add3A_49] : memref<320000xi32, #tpu.memory_space<hbm>> -> memref<1000xi32, #tpu.memory_space<hbm>>
    %dma_wait3A_57 = tpu.memref_slice %arg4[%add3A_49] : memref<320000xi32, #tpu.memory_space<hbm>> -> memref<1000xi32, #tpu.memory_space<hbm>>
    tpu.wait_dma2 semaphore(%arg15 : memref<!tpu.dma_semaphore, #tpu.memory_space<semaphore_mem>>) src(%dma_wait3A_57 : memref<1000xi32, #tpu.memory_space<hbm>>) dst(%arg10 : memref<1000xi32, #tpu.memory_space<vmem>>)
    %dma_start3A_58 = arith.constant 0 : i32
    %dma_start3A_59 = arith.constant 0 : i32
    %dma_start3A_60 = tpu.memref_slice %arg2[%dma_start3A_58, %dma_start3A_59] : memref<10000x16xf32, #tpu.memory_space<hbm>> -> memref<10000x16xf32, #tpu.memory_space<hbm>>
    tpu.enqueue_indirect_dma source(%dma_start3A_60 : memref<10000x16xf32, #tpu.memory_space<hbm>>) target(%arg12 : memref<1000x16xf32, #tpu.memory_space<vmem>>) offsets(%arg8 : memref<1000xi32, #tpu.memory_space<vmem>>) semaphore(%arg17 : memref<!tpu.dma_semaphore, #tpu.memory_space<semaphore_mem>>)
    %dma_wait3A_61 = arith.constant 0 : i32
    %dma_wait3A_62 = arith.constant 0 : i32
    %dma_wait3A_63 = tpu.memref_slice %arg2[%dma_wait3A_61, %dma_wait3A_62] : memref<10000x16xf32, #tpu.memory_space<hbm>> -> memref<10000x16xf32, #tpu.memory_space<hbm>>
    tpu.wait_indirect_dma semaphore(%arg16 : memref<!tpu.dma_semaphore, #tpu.memory_space<semaphore_mem>>) src(%dma_wait3A_63 : memref<10000x16xf32, #tpu.memory_space<hbm>>) dst(%arg11 : memref<1000x16xf32, #tpu.memory_space<vmem>>)
    "tpu.region"() ({
      %run_scoped3A = tpu.sem_alloc : memref<!tpu.dma_semaphore, #tpu.memory_space<semaphore_mem>>
      %dma_start3A_164 = arith.constant 0 : i32
      %dma_start3A_165 = arith.constant 0 : i32
      %dma_start3A_166 = tpu.memref_slice %arg13[%dma_start3A_164, %dma_start3A_165] : memref<10240x16xf32, #tpu.memory_space<vmem_shared>> -> memref<10240x16xf32, #tpu.memory_space<vmem_shared>>
      tpu.enqueue_indirect_dma source(%arg11 : memref<1000x16xf32, #tpu.memory_space<vmem>>) target(%dma_start3A_166 : memref<10240x16xf32, #tpu.memory_space<vmem_shared>>) offsets(%arg9 : memref<1000xi32, #tpu.memory_space<vmem>>) semaphore(%run_scoped3A : memref<!tpu.dma_semaphore, #tpu.memory_space<semaphore_mem>>) {add = true}
      %dma_wait3A_167 = arith.constant 0 : i32
      %dma_wait3A_168 = arith.constant 0 : i32
      %dma_wait3A_169 = tpu.memref_slice %arg13[%dma_wait3A_167, %dma_wait3A_168] : memref<10240x16xf32, #tpu.memory_space<vmem_shared>> -> memref<10240x16xf32, #tpu.memory_space<vmem_shared>>
      tpu.wait_indirect_dma semaphore(%run_scoped3A : memref<!tpu.dma_semaphore, #tpu.memory_space<semaphore_mem>>) src(%arg11 : memref<1000x16xf32, #tpu.memory_space<vmem>>) dst(%dma_wait3A_169 : memref<10240x16xf32, #tpu.memory_space<vmem_shared>>)
      tpu.yield
    }) : () -> ()
    %add3A_64 = arith.constant 4000 : i32
    %add3A_65 = arith.addi %add3A, %add3A_64 : i32
    %dma_start3A_66 = tpu.memref_slice %arg3[%add3A_65] : memref<320000xi32, #tpu.memory_space<hbm>> -> memref<1000xi32, #tpu.memory_space<hbm>>
    %dma_start3A_67 = tpu.memref_slice %arg3[%add3A_65] : memref<320000xi32, #tpu.memory_space<hbm>> -> memref<1000xi32, #tpu.memory_space<hbm>>
    tpu.enqueue_dma source(%dma_start3A_67 : memref<1000xi32, #tpu.memory_space<hbm>>) target(%arg7 : memref<1000xi32, #tpu.memory_space<vmem>>) target_semaphore(%arg14 : memref<!tpu.dma_semaphore, #tpu.memory_space<semaphore_mem>>)
    %dma_start3A_68 = tpu.memref_slice %arg4[%add3A_65] : memref<320000xi32, #tpu.memory_space<hbm>> -> memref<1000xi32, #tpu.memory_space<hbm>>
    %dma_start3A_69 = tpu.memref_slice %arg4[%add3A_65] : memref<320000xi32, #tpu.memory_space<hbm>> -> memref<1000xi32, #tpu.memory_space<hbm>>
    tpu.enqueue_dma source(%dma_start3A_69 : memref<1000xi32, #tpu.memory_space<hbm>>) target(%arg9 : memref<1000xi32, #tpu.memory_space<vmem>>) target_semaphore(%arg14 : memref<!tpu.dma_semaphore, #tpu.memory_space<semaphore_mem>>)
    %dma_wait3A_70 = tpu.memref_slice %arg3[%add3A_65] : memref<320000xi32, #tpu.memory_space<hbm>> -> memref<1000xi32, #tpu.memory_space<hbm>>
    %dma_wait3A_71 = tpu.memref_slice %arg3[%add3A_65] : memref<320000xi32, #tpu.memory_space<hbm>> -> memref<1000xi32, #tpu.memory_space<hbm>>
    tpu.wait_dma2 semaphore(%arg14 : memref<!tpu.dma_semaphore, #tpu.memory_space<semaphore_mem>>) src(%dma_wait3A_71 : memref<1000xi32, #tpu.memory_space<hbm>>) dst(%arg7 : memref<1000xi32, #tpu.memory_space<vmem>>)
    %dma_wait3A_72 = tpu.memref_slice %arg4[%add3A_65] : memref<320000xi32, #tpu.memory_space<hbm>> -> memref<1000xi32, #tpu.memory_space<hbm>>
    %dma_wait3A_73 = tpu.memref_slice %arg4[%add3A_65] : memref<320000xi32, #tpu.memory_space<hbm>> -> memref<1000xi32, #tpu.memory_space<hbm>>
    tpu.wait_dma2 semaphore(%arg14 : memref<!tpu.dma_semaphore, #tpu.memory_space<semaphore_mem>>) src(%dma_wait3A_73 : memref<1000xi32, #tpu.memory_space<hbm>>) dst(%arg9 : memref<1000xi32, #tpu.memory_space<vmem>>)
    %dma_start3A_74 = arith.constant 0 : i32
    %dma_start3A_75 = arith.constant 0 : i32
    %dma_start3A_76 = tpu.memref_slice %arg2[%dma_start3A_74, %dma_start3A_75] : memref<10000x16xf32, #tpu.memory_space<hbm>> -> memref<10000x16xf32, #tpu.memory_space<hbm>>
    tpu.enqueue_indirect_dma source(%dma_start3A_76 : memref<10000x16xf32, #tpu.memory_space<hbm>>) target(%arg11 : memref<1000x16xf32, #tpu.memory_space<vmem>>) offsets(%arg7 : memref<1000xi32, #tpu.memory_space<vmem>>) semaphore(%arg16 : memref<!tpu.dma_semaphore, #tpu.memory_space<semaphore_mem>>)
    %dma_wait3A_77 = arith.constant 0 : i32
    %dma_wait3A_78 = arith.constant 0 : i32
    %dma_wait3A_79 = tpu.memref_slice %arg2[%dma_wait3A_77, %dma_wait3A_78] : memref<10000x16xf32, #tpu.memory_space<hbm>> -> memref<10000x16xf32, #tpu.memory_space<hbm>>
    tpu.wait_indirect_dma semaphore(%arg17 : memref<!tpu.dma_semaphore, #tpu.memory_space<semaphore_mem>>) src(%dma_wait3A_79 : memref<10000x16xf32, #tpu.memory_space<hbm>>) dst(%arg12 : memref<1000x16xf32, #tpu.memory_space<vmem>>)
    "tpu.region"() ({
      %run_scoped3A = tpu.sem_alloc : memref<!tpu.dma_semaphore, #tpu.memory_space<semaphore_mem>>
      %dma_start3A_164 = arith.constant 0 : i32
      %dma_start3A_165 = arith.constant 0 : i32
      %dma_start3A_166 = tpu.memref_slice %arg13[%dma_start3A_164, %dma_start3A_165] : memref<10240x16xf32, #tpu.memory_space<vmem_shared>> -> memref<10240x16xf32, #tpu.memory_space<vmem_shared>>
      tpu.enqueue_indirect_dma source(%arg12 : memref<1000x16xf32, #tpu.memory_space<vmem>>) target(%dma_start3A_166 : memref<10240x16xf32, #tpu.memory_space<vmem_shared>>) offsets(%arg10 : memref<1000xi32, #tpu.memory_space<vmem>>) semaphore(%run_scoped3A : memref<!tpu.dma_semaphore, #tpu.memory_space<semaphore_mem>>) {add = true}
      %dma_wait3A_167 = arith.constant 0 : i32
      %dma_wait3A_168 = arith.constant 0 : i32
      %dma_wait3A_169 = tpu.memref_slice %arg13[%dma_wait3A_167, %dma_wait3A_168] : memref<10240x16xf32, #tpu.memory_space<vmem_shared>> -> memref<10240x16xf32, #tpu.memory_space<vmem_shared>>
      tpu.wait_indirect_dma semaphore(%run_scoped3A : memref<!tpu.dma_semaphore, #tpu.memory_space<semaphore_mem>>) src(%arg12 : memref<1000x16xf32, #tpu.memory_space<vmem>>) dst(%dma_wait3A_169 : memref<10240x16xf32, #tpu.memory_space<vmem_shared>>)
      tpu.yield
    }) : () -> ()
    %add3A_80 = arith.constant 5000 : i32
    %add3A_81 = arith.addi %add3A, %add3A_80 : i32
    %dma_start3A_82 = tpu.memref_slice %arg3[%add3A_81] : memref<320000xi32, #tpu.memory_space<hbm>> -> memref<1000xi32, #tpu.memory_space<hbm>>
    %dma_start3A_83 = tpu.memref_slice %arg3[%add3A_81] : memref<320000xi32, #tpu.memory_space<hbm>> -> memref<1000xi32, #tpu.memory_space<hbm>>
    tpu.enqueue_dma source(%dma_start3A_83 : memref<1000xi32, #tpu.memory_space<hbm>>) target(%arg8 : memref<1000xi32, #tpu.memory_space<vmem>>) target_semaphore(%arg15 : memref<!tpu.dma_semaphore, #tpu.memory_space<semaphore_mem>>)
    %dma_start3A_84 = tpu.memref_slice %arg4[%add3A_81] : memref<320000xi32, #tpu.memory_space<hbm>> -> memref<1000xi32, #tpu.memory_space<hbm>>
    %dma_start3A_85 = tpu.memref_slice %arg4[%add3A_81] : memref<320000xi32, #tpu.memory_space<hbm>> -> memref<1000xi32, #tpu.memory_space<hbm>>
    tpu.enqueue_dma source(%dma_start3A_85 : memref<1000xi32, #tpu.memory_space<hbm>>) target(%arg10 : memref<1000xi32, #tpu.memory_space<vmem>>) target_semaphore(%arg15 : memref<!tpu.dma_semaphore, #tpu.memory_space<semaphore_mem>>)
    %dma_wait3A_86 = tpu.memref_slice %arg3[%add3A_81] : memref<320000xi32, #tpu.memory_space<hbm>> -> memref<1000xi32, #tpu.memory_space<hbm>>
    %dma_wait3A_87 = tpu.memref_slice %arg3[%add3A_81] : memref<320000xi32, #tpu.memory_space<hbm>> -> memref<1000xi32, #tpu.memory_space<hbm>>
    tpu.wait_dma2 semaphore(%arg15 : memref<!tpu.dma_semaphore, #tpu.memory_space<semaphore_mem>>) src(%dma_wait3A_87 : memref<1000xi32, #tpu.memory_space<hbm>>) dst(%arg8 : memref<1000xi32, #tpu.memory_space<vmem>>)
    %dma_wait3A_88 = tpu.memref_slice %arg4[%add3A_81] : memref<320000xi32, #tpu.memory_space<hbm>> -> memref<1000xi32, #tpu.memory_space<hbm>>
    %dma_wait3A_89 = tpu.memref_slice %arg4[%add3A_81] : memref<320000xi32, #tpu.memory_space<hbm>> -> memref<1000xi32, #tpu.memory_space<hbm>>
    tpu.wait_dma2 semaphore(%arg15 : memref<!tpu.dma_semaphore, #tpu.memory_space<semaphore_mem>>) src(%dma_wait3A_89 : memref<1000xi32, #tpu.memory_space<hbm>>) dst(%arg10 : memref<1000xi32, #tpu.memory_space<vmem>>)
    %dma_start3A_90 = arith.constant 0 : i32
    %dma_start3A_91 = arith.constant 0 : i32
    %dma_start3A_92 = tpu.memref_slice %arg2[%dma_start3A_90, %dma_start3A_91] : memref<10000x16xf32, #tpu.memory_space<hbm>> -> memref<10000x16xf32, #tpu.memory_space<hbm>>
    tpu.enqueue_indirect_dma source(%dma_start3A_92 : memref<10000x16xf32, #tpu.memory_space<hbm>>) target(%arg12 : memref<1000x16xf32, #tpu.memory_space<vmem>>) offsets(%arg8 : memref<1000xi32, #tpu.memory_space<vmem>>) semaphore(%arg17 : memref<!tpu.dma_semaphore, #tpu.memory_space<semaphore_mem>>)
    %dma_wait3A_93 = arith.constant 0 : i32
    %dma_wait3A_94 = arith.constant 0 : i32
    %dma_wait3A_95 = tpu.memref_slice %arg2[%dma_wait3A_93, %dma_wait3A_94] : memref<10000x16xf32, #tpu.memory_space<hbm>> -> memref<10000x16xf32, #tpu.memory_space<hbm>>
    tpu.wait_indirect_dma semaphore(%arg16 : memref<!tpu.dma_semaphore, #tpu.memory_space<semaphore_mem>>) src(%dma_wait3A_95 : memref<10000x16xf32, #tpu.memory_space<hbm>>) dst(%arg11 : memref<1000x16xf32, #tpu.memory_space<vmem>>)
    "tpu.region"() ({
      %run_scoped3A = tpu.sem_alloc : memref<!tpu.dma_semaphore, #tpu.memory_space<semaphore_mem>>
      %dma_start3A_164 = arith.constant 0 : i32
      %dma_start3A_165 = arith.constant 0 : i32
      %dma_start3A_166 = tpu.memref_slice %arg13[%dma_start3A_164, %dma_start3A_165] : memref<10240x16xf32, #tpu.memory_space<vmem_shared>> -> memref<10240x16xf32, #tpu.memory_space<vmem_shared>>
      tpu.enqueue_indirect_dma source(%arg11 : memref<1000x16xf32, #tpu.memory_space<vmem>>) target(%dma_start3A_166 : memref<10240x16xf32, #tpu.memory_space<vmem_shared>>) offsets(%arg9 : memref<1000xi32, #tpu.memory_space<vmem>>) semaphore(%run_scoped3A : memref<!tpu.dma_semaphore, #tpu.memory_space<semaphore_mem>>) {add = true}
      %dma_wait3A_167 = arith.constant 0 : i32
      %dma_wait3A_168 = arith.constant 0 : i32
      %dma_wait3A_169 = tpu.memref_slice %arg13[%dma_wait3A_167, %dma_wait3A_168] : memref<10240x16xf32, #tpu.memory_space<vmem_shared>> -> memref<10240x16xf32, #tpu.memory_space<vmem_shared>>
      tpu.wait_indirect_dma semaphore(%run_scoped3A : memref<!tpu.dma_semaphore, #tpu.memory_space<semaphore_mem>>) src(%arg11 : memref<1000x16xf32, #tpu.memory_space<vmem>>) dst(%dma_wait3A_169 : memref<10240x16xf32, #tpu.memory_space<vmem_shared>>)
      tpu.yield
    }) : () -> ()
    %add3A_96 = arith.constant 6000 : i32
    %add3A_97 = arith.addi %add3A, %add3A_96 : i32
    %dma_start3A_98 = tpu.memref_slice %arg3[%add3A_97] : memref<320000xi32, #tpu.memory_space<hbm>> -> memref<1000xi32, #tpu.memory_space<hbm>>
    %dma_start3A_99 = tpu.memref_slice %arg3[%add3A_97] : memref<320000xi32, #tpu.memory_space<hbm>> -> memref<1000xi32, #tpu.memory_space<hbm>>
    tpu.enqueue_dma source(%dma_start3A_99 : memref<1000xi32, #tpu.memory_space<hbm>>) target(%arg7 : memref<1000xi32, #tpu.memory_space<vmem>>) target_semaphore(%arg14 : memref<!tpu.dma_semaphore, #tpu.memory_space<semaphore_mem>>)
    %dma_start3A_100 = tpu.memref_slice %arg4[%add3A_97] : memref<320000xi32, #tpu.memory_space<hbm>> -> memref<1000xi32, #tpu.memory_space<hbm>>
    %dma_start3A_101 = tpu.memref_slice %arg4[%add3A_97] : memref<320000xi32, #tpu.memory_space<hbm>> -> memref<1000xi32, #tpu.memory_space<hbm>>
    tpu.enqueue_dma source(%dma_start3A_101 : memref<1000xi32, #tpu.memory_space<hbm>>) target(%arg9 : memref<1000xi32, #tpu.memory_space<vmem>>) target_semaphore(%arg14 : memref<!tpu.dma_semaphore, #tpu.memory_space<semaphore_mem>>)
    %dma_wait3A_102 = tpu.memref_slice %arg3[%add3A_97] : memref<320000xi32, #tpu.memory_space<hbm>> -> memref<1000xi32, #tpu.memory_space<hbm>>
    %dma_wait3A_103 = tpu.memref_slice %arg3[%add3A_97] : memref<320000xi32, #tpu.memory_space<hbm>> -> memref<1000xi32, #tpu.memory_space<hbm>>
    tpu.wait_dma2 semaphore(%arg14 : memref<!tpu.dma_semaphore, #tpu.memory_space<semaphore_mem>>) src(%dma_wait3A_103 : memref<1000xi32, #tpu.memory_space<hbm>>) dst(%arg7 : memref<1000xi32, #tpu.memory_space<vmem>>)
    %dma_wait3A_104 = tpu.memref_slice %arg4[%add3A_97] : memref<320000xi32, #tpu.memory_space<hbm>> -> memref<1000xi32, #tpu.memory_space<hbm>>
    %dma_wait3A_105 = tpu.memref_slice %arg4[%add3A_97] : memref<320000xi32, #tpu.memory_space<hbm>> -> memref<1000xi32, #tpu.memory_space<hbm>>
    tpu.wait_dma2 semaphore(%arg14 : memref<!tpu.dma_semaphore, #tpu.memory_space<semaphore_mem>>) src(%dma_wait3A_105 : memref<1000xi32, #tpu.memory_space<hbm>>) dst(%arg9 : memref<1000xi32, #tpu.memory_space<vmem>>)
    %dma_start3A_106 = arith.constant 0 : i32
    %dma_start3A_107 = arith.constant 0 : i32
    %dma_start3A_108 = tpu.memref_slice %arg2[%dma_start3A_106, %dma_start3A_107] : memref<10000x16xf32, #tpu.memory_space<hbm>> -> memref<10000x16xf32, #tpu.memory_space<hbm>>
    tpu.enqueue_indirect_dma source(%dma_start3A_108 : memref<10000x16xf32, #tpu.memory_space<hbm>>) target(%arg11 : memref<1000x16xf32, #tpu.memory_space<vmem>>) offsets(%arg7 : memref<1000xi32, #tpu.memory_space<vmem>>) semaphore(%arg16 : memref<!tpu.dma_semaphore, #tpu.memory_space<semaphore_mem>>)
    %dma_wait3A_109 = arith.constant 0 : i32
    %dma_wait3A_110 = arith.constant 0 : i32
    %dma_wait3A_111 = tpu.memref_slice %arg2[%dma_wait3A_109, %dma_wait3A_110] : memref<10000x16xf32, #tpu.memory_space<hbm>> -> memref<10000x16xf32, #tpu.memory_space<hbm>>
    tpu.wait_indirect_dma semaphore(%arg17 : memref<!tpu.dma_semaphore, #tpu.memory_space<semaphore_mem>>) src(%dma_wait3A_111 : memref<10000x16xf32, #tpu.memory_space<hbm>>) dst(%arg12 : memref<1000x16xf32, #tpu.memory_space<vmem>>)
    "tpu.region"() ({
      %run_scoped3A = tpu.sem_alloc : memref<!tpu.dma_semaphore, #tpu.memory_space<semaphore_mem>>
      %dma_start3A_164 = arith.constant 0 : i32
      %dma_start3A_165 = arith.constant 0 : i32
      %dma_start3A_166 = tpu.memref_slice %arg13[%dma_start3A_164, %dma_start3A_165] : memref<10240x16xf32, #tpu.memory_space<vmem_shared>> -> memref<10240x16xf32, #tpu.memory_space<vmem_shared>>
      tpu.enqueue_indirect_dma source(%arg12 : memref<1000x16xf32, #tpu.memory_space<vmem>>) target(%dma_start3A_166 : memref<10240x16xf32, #tpu.memory_space<vmem_shared>>) offsets(%arg10 : memref<1000xi32, #tpu.memory_space<vmem>>) semaphore(%run_scoped3A : memref<!tpu.dma_semaphore, #tpu.memory_space<semaphore_mem>>) {add = true}
      %dma_wait3A_167 = arith.constant 0 : i32
      %dma_wait3A_168 = arith.constant 0 : i32
      %dma_wait3A_169 = tpu.memref_slice %arg13[%dma_wait3A_167, %dma_wait3A_168] : memref<10240x16xf32, #tpu.memory_space<vmem_shared>> -> memref<10240x16xf32, #tpu.memory_space<vmem_shared>>
      tpu.wait_indirect_dma semaphore(%run_scoped3A : memref<!tpu.dma_semaphore, #tpu.memory_space<semaphore_mem>>) src(%arg12 : memref<1000x16xf32, #tpu.memory_space<vmem>>) dst(%dma_wait3A_169 : memref<10240x16xf32, #tpu.memory_space<vmem_shared>>)
      tpu.yield
    }) : () -> ()
    %add3A_112 = arith.constant 7000 : i32
    %add3A_113 = arith.addi %add3A, %add3A_112 : i32
    %dma_start3A_114 = tpu.memref_slice %arg3[%add3A_113] : memref<320000xi32, #tpu.memory_space<hbm>> -> memref<1000xi32, #tpu.memory_space<hbm>>
    %dma_start3A_115 = tpu.memref_slice %arg3[%add3A_113] : memref<320000xi32, #tpu.memory_space<hbm>> -> memref<1000xi32, #tpu.memory_space<hbm>>
    tpu.enqueue_dma source(%dma_start3A_115 : memref<1000xi32, #tpu.memory_space<hbm>>) target(%arg8 : memref<1000xi32, #tpu.memory_space<vmem>>) target_semaphore(%arg15 : memref<!tpu.dma_semaphore, #tpu.memory_space<semaphore_mem>>)
    %dma_start3A_116 = tpu.memref_slice %arg4[%add3A_113] : memref<320000xi32, #tpu.memory_space<hbm>> -> memref<1000xi32, #tpu.memory_space<hbm>>
    %dma_start3A_117 = tpu.memref_slice %arg4[%add3A_113] : memref<320000xi32, #tpu.memory_space<hbm>> -> memref<1000xi32, #tpu.memory_space<hbm>>
    tpu.enqueue_dma source(%dma_start3A_117 : memref<1000xi32, #tpu.memory_space<hbm>>) target(%arg10 : memref<1000xi32, #tpu.memory_space<vmem>>) target_semaphore(%arg15 : memref<!tpu.dma_semaphore, #tpu.memory_space<semaphore_mem>>)
    %dma_wait3A_118 = tpu.memref_slice %arg3[%add3A_113] : memref<320000xi32, #tpu.memory_space<hbm>> -> memref<1000xi32, #tpu.memory_space<hbm>>
    %dma_wait3A_119 = tpu.memref_slice %arg3[%add3A_113] : memref<320000xi32, #tpu.memory_space<hbm>> -> memref<1000xi32, #tpu.memory_space<hbm>>
    tpu.wait_dma2 semaphore(%arg15 : memref<!tpu.dma_semaphore, #tpu.memory_space<semaphore_mem>>) src(%dma_wait3A_119 : memref<1000xi32, #tpu.memory_space<hbm>>) dst(%arg8 : memref<1000xi32, #tpu.memory_space<vmem>>)
    %dma_wait3A_120 = tpu.memref_slice %arg4[%add3A_113] : memref<320000xi32, #tpu.memory_space<hbm>> -> memref<1000xi32, #tpu.memory_space<hbm>>
    %dma_wait3A_121 = tpu.memref_slice %arg4[%add3A_113] : memref<320000xi32, #tpu.memory_space<hbm>> -> memref<1000xi32, #tpu.memory_space<hbm>>
    tpu.wait_dma2 semaphore(%arg15 : memref<!tpu.dma_semaphore, #tpu.memory_space<semaphore_mem>>) src(%dma_wait3A_121 : memref<1000xi32, #tpu.memory_space<hbm>>) dst(%arg10 : memref<1000xi32, #tpu.memory_space<vmem>>)
    %dma_start3A_122 = arith.constant 0 : i32
    %dma_start3A_123 = arith.constant 0 : i32
    %dma_start3A_124 = tpu.memref_slice %arg2[%dma_start3A_122, %dma_start3A_123] : memref<10000x16xf32, #tpu.memory_space<hbm>> -> memref<10000x16xf32, #tpu.memory_space<hbm>>
    tpu.enqueue_indirect_dma source(%dma_start3A_124 : memref<10000x16xf32, #tpu.memory_space<hbm>>) target(%arg12 : memref<1000x16xf32, #tpu.memory_space<vmem>>) offsets(%arg8 : memref<1000xi32, #tpu.memory_space<vmem>>) semaphore(%arg17 : memref<!tpu.dma_semaphore, #tpu.memory_space<semaphore_mem>>)
    %dma_wait3A_125 = arith.constant 0 : i32
    %dma_wait3A_126 = arith.constant 0 : i32
    %dma_wait3A_127 = tpu.memref_slice %arg2[%dma_wait3A_125, %dma_wait3A_126] : memref<10000x16xf32, #tpu.memory_space<hbm>> -> memref<10000x16xf32, #tpu.memory_space<hbm>>
    tpu.wait_indirect_dma semaphore(%arg16 : memref<!tpu.dma_semaphore, #tpu.memory_space<semaphore_mem>>) src(%dma_wait3A_127 : memref<10000x16xf32, #tpu.memory_space<hbm>>) dst(%arg11 : memref<1000x16xf32, #tpu.memory_space<vmem>>)
    "tpu.region"() ({
      %run_scoped3A = tpu.sem_alloc : memref<!tpu.dma_semaphore, #tpu.memory_space<semaphore_mem>>
      %dma_start3A_164 = arith.constant 0 : i32
      %dma_start3A_165 = arith.constant 0 : i32
      %dma_start3A_166 = tpu.memref_slice %arg13[%dma_start3A_164, %dma_start3A_165] : memref<10240x16xf32, #tpu.memory_space<vmem_shared>> -> memref<10240x16xf32, #tpu.memory_space<vmem_shared>>
      tpu.enqueue_indirect_dma source(%arg11 : memref<1000x16xf32, #tpu.memory_space<vmem>>) target(%dma_start3A_166 : memref<10240x16xf32, #tpu.memory_space<vmem_shared>>) offsets(%arg9 : memref<1000xi32, #tpu.memory_space<vmem>>) semaphore(%run_scoped3A : memref<!tpu.dma_semaphore, #tpu.memory_space<semaphore_mem>>) {add = true}
      %dma_wait3A_167 = arith.constant 0 : i32
      %dma_wait3A_168 = arith.constant 0 : i32
      %dma_wait3A_169 = tpu.memref_slice %arg13[%dma_wait3A_167, %dma_wait3A_168] : memref<10240x16xf32, #tpu.memory_space<vmem_shared>> -> memref<10240x16xf32, #tpu.memory_space<vmem_shared>>
      tpu.wait_indirect_dma semaphore(%run_scoped3A : memref<!tpu.dma_semaphore, #tpu.memory_space<semaphore_mem>>) src(%arg11 : memref<1000x16xf32, #tpu.memory_space<vmem>>) dst(%dma_wait3A_169 : memref<10240x16xf32, #tpu.memory_space<vmem_shared>>)
      tpu.yield
    }) : () -> ()
    %add3A_128 = arith.constant 8000 : i32
    %add3A_129 = arith.addi %add3A, %add3A_128 : i32
    %dma_start3A_130 = tpu.memref_slice %arg3[%add3A_129] : memref<320000xi32, #tpu.memory_space<hbm>> -> memref<1000xi32, #tpu.memory_space<hbm>>
    %dma_start3A_131 = tpu.memref_slice %arg3[%add3A_129] : memref<320000xi32, #tpu.memory_space<hbm>> -> memref<1000xi32, #tpu.memory_space<hbm>>
    tpu.enqueue_dma source(%dma_start3A_131 : memref<1000xi32, #tpu.memory_space<hbm>>) target(%arg7 : memref<1000xi32, #tpu.memory_space<vmem>>) target_semaphore(%arg14 : memref<!tpu.dma_semaphore, #tpu.memory_space<semaphore_mem>>)
    %dma_start3A_132 = tpu.memref_slice %arg4[%add3A_129] : memref<320000xi32, #tpu.memory_space<hbm>> -> memref<1000xi32, #tpu.memory_space<hbm>>
    %dma_start3A_133 = tpu.memref_slice %arg4[%add3A_129] : memref<320000xi32, #tpu.memory_space<hbm>> -> memref<1000xi32, #tpu.memory_space<hbm>>
    tpu.enqueue_dma source(%dma_start3A_133 : memref<1000xi32, #tpu.memory_space<hbm>>) target(%arg9 : memref<1000xi32, #tpu.memory_space<vmem>>) target_semaphore(%arg14 : memref<!tpu.dma_semaphore, #tpu.memory_space<semaphore_mem>>)
    %dma_wait3A_134 = tpu.memref_slice %arg3[%add3A_129] : memref<320000xi32, #tpu.memory_space<hbm>> -> memref<1000xi32, #tpu.memory_space<hbm>>
    %dma_wait3A_135 = tpu.memref_slice %arg3[%add3A_129] : memref<320000xi32, #tpu.memory_space<hbm>> -> memref<1000xi32, #tpu.memory_space<hbm>>
    tpu.wait_dma2 semaphore(%arg14 : memref<!tpu.dma_semaphore, #tpu.memory_space<semaphore_mem>>) src(%dma_wait3A_135 : memref<1000xi32, #tpu.memory_space<hbm>>) dst(%arg7 : memref<1000xi32, #tpu.memory_space<vmem>>)
    %dma_wait3A_136 = tpu.memref_slice %arg4[%add3A_129] : memref<320000xi32, #tpu.memory_space<hbm>> -> memref<1000xi32, #tpu.memory_space<hbm>>
    %dma_wait3A_137 = tpu.memref_slice %arg4[%add3A_129] : memref<320000xi32, #tpu.memory_space<hbm>> -> memref<1000xi32, #tpu.memory_space<hbm>>
    tpu.wait_dma2 semaphore(%arg14 : memref<!tpu.dma_semaphore, #tpu.memory_space<semaphore_mem>>) src(%dma_wait3A_137 : memref<1000xi32, #tpu.memory_space<hbm>>) dst(%arg9 : memref<1000xi32, #tpu.memory_space<vmem>>)
    %dma_start3A_138 = arith.constant 0 : i32
    %dma_start3A_139 = arith.constant 0 : i32
    %dma_start3A_140 = tpu.memref_slice %arg2[%dma_start3A_138, %dma_start3A_139] : memref<10000x16xf32, #tpu.memory_space<hbm>> -> memref<10000x16xf32, #tpu.memory_space<hbm>>
    tpu.enqueue_indirect_dma source(%dma_start3A_140 : memref<10000x16xf32, #tpu.memory_space<hbm>>) target(%arg11 : memref<1000x16xf32, #tpu.memory_space<vmem>>) offsets(%arg7 : memref<1000xi32, #tpu.memory_space<vmem>>) semaphore(%arg16 : memref<!tpu.dma_semaphore, #tpu.memory_space<semaphore_mem>>)
    %dma_wait3A_141 = arith.constant 0 : i32
    %dma_wait3A_142 = arith.constant 0 : i32
    %dma_wait3A_143 = tpu.memref_slice %arg2[%dma_wait3A_141, %dma_wait3A_142] : memref<10000x16xf32, #tpu.memory_space<hbm>> -> memref<10000x16xf32, #tpu.memory_space<hbm>>
    tpu.wait_indirect_dma semaphore(%arg17 : memref<!tpu.dma_semaphore, #tpu.memory_space<semaphore_mem>>) src(%dma_wait3A_143 : memref<10000x16xf32, #tpu.memory_space<hbm>>) dst(%arg12 : memref<1000x16xf32, #tpu.memory_space<vmem>>)
    "tpu.region"() ({
      %run_scoped3A = tpu.sem_alloc : memref<!tpu.dma_semaphore, #tpu.memory_space<semaphore_mem>>
      %dma_start3A_164 = arith.constant 0 : i32
      %dma_start3A_165 = arith.constant 0 : i32
      %dma_start3A_166 = tpu.memref_slice %arg13[%dma_start3A_164, %dma_start3A_165] : memref<10240x16xf32, #tpu.memory_space<vmem_shared>> -> memref<10240x16xf32, #tpu.memory_space<vmem_shared>>
      tpu.enqueue_indirect_dma source(%arg12 : memref<1000x16xf32, #tpu.memory_space<vmem>>) target(%dma_start3A_166 : memref<10240x16xf32, #tpu.memory_space<vmem_shared>>) offsets(%arg10 : memref<1000xi32, #tpu.memory_space<vmem>>) semaphore(%run_scoped3A : memref<!tpu.dma_semaphore, #tpu.memory_space<semaphore_mem>>) {add = true}
      %dma_wait3A_167 = arith.constant 0 : i32
      %dma_wait3A_168 = arith.constant 0 : i32
      %dma_wait3A_169 = tpu.memref_slice %arg13[%dma_wait3A_167, %dma_wait3A_168] : memref<10240x16xf32, #tpu.memory_space<vmem_shared>> -> memref<10240x16xf32, #tpu.memory_space<vmem_shared>>
      tpu.wait_indirect_dma semaphore(%run_scoped3A : memref<!tpu.dma_semaphore, #tpu.memory_space<semaphore_mem>>) src(%arg12 : memref<1000x16xf32, #tpu.memory_space<vmem>>) dst(%dma_wait3A_169 : memref<10240x16xf32, #tpu.memory_space<vmem_shared>>)
      tpu.yield
    }) : () -> ()
    %add3A_144 = arith.constant 9000 : i32
    %add3A_145 = arith.addi %add3A, %add3A_144 : i32
    %dma_start3A_146 = tpu.memref_slice %arg3[%add3A_145] : memref<320000xi32, #tpu.memory_space<hbm>> -> memref<1000xi32, #tpu.memory_space<hbm>>
    %dma_start3A_147 = tpu.memref_slice %arg3[%add3A_145] : memref<320000xi32, #tpu.memory_space<hbm>> -> memref<1000xi32, #tpu.memory_space<hbm>>
    tpu.enqueue_dma source(%dma_start3A_147 : memref<1000xi32, #tpu.memory_space<hbm>>) target(%arg8 : memref<1000xi32, #tpu.memory_space<vmem>>) target_semaphore(%arg15 : memref<!tpu.dma_semaphore, #tpu.memory_space<semaphore_mem>>)
    %dma_start3A_148 = tpu.memref_slice %arg4[%add3A_145] : memref<320000xi32, #tpu.memory_space<hbm>> -> memref<1000xi32, #tpu.memory_space<hbm>>
    %dma_start3A_149 = tpu.memref_slice %arg4[%add3A_145] : memref<320000xi32, #tpu.memory_space<hbm>> -> memref<1000xi32, #tpu.memory_space<hbm>>
    tpu.enqueue_dma source(%dma_start3A_149 : memref<1000xi32, #tpu.memory_space<hbm>>) target(%arg10 : memref<1000xi32, #tpu.memory_space<vmem>>) target_semaphore(%arg15 : memref<!tpu.dma_semaphore, #tpu.memory_space<semaphore_mem>>)
    %dma_wait3A_150 = tpu.memref_slice %arg3[%add3A_145] : memref<320000xi32, #tpu.memory_space<hbm>> -> memref<1000xi32, #tpu.memory_space<hbm>>
    %dma_wait3A_151 = tpu.memref_slice %arg3[%add3A_145] : memref<320000xi32, #tpu.memory_space<hbm>> -> memref<1000xi32, #tpu.memory_space<hbm>>
    tpu.wait_dma2 semaphore(%arg15 : memref<!tpu.dma_semaphore, #tpu.memory_space<semaphore_mem>>) src(%dma_wait3A_151 : memref<1000xi32, #tpu.memory_space<hbm>>) dst(%arg8 : memref<1000xi32, #tpu.memory_space<vmem>>)
    %dma_wait3A_152 = tpu.memref_slice %arg4[%add3A_145] : memref<320000xi32, #tpu.memory_space<hbm>> -> memref<1000xi32, #tpu.memory_space<hbm>>
    %dma_wait3A_153 = tpu.memref_slice %arg4[%add3A_145] : memref<320000xi32, #tpu.memory_space<hbm>> -> memref<1000xi32, #tpu.memory_space<hbm>>
    tpu.wait_dma2 semaphore(%arg15 : memref<!tpu.dma_semaphore, #tpu.memory_space<semaphore_mem>>) src(%dma_wait3A_153 : memref<1000xi32, #tpu.memory_space<hbm>>) dst(%arg10 : memref<1000xi32, #tpu.memory_space<vmem>>)
    %dma_start3A_154 = arith.constant 0 : i32
    %dma_start3A_155 = arith.constant 0 : i32
    %dma_start3A_156 = tpu.memref_slice %arg2[%dma_start3A_154, %dma_start3A_155] : memref<10000x16xf32, #tpu.memory_space<hbm>> -> memref<10000x16xf32, #tpu.memory_space<hbm>>
    tpu.enqueue_indirect_dma source(%dma_start3A_156 : memref<10000x16xf32, #tpu.memory_space<hbm>>) target(%arg12 : memref<1000x16xf32, #tpu.memory_space<vmem>>) offsets(%arg8 : memref<1000xi32, #tpu.memory_space<vmem>>) semaphore(%arg17 : memref<!tpu.dma_semaphore, #tpu.memory_space<semaphore_mem>>)
    %dma_wait3A_157 = arith.constant 0 : i32
    %dma_wait3A_158 = arith.constant 0 : i32
    %dma_wait3A_159 = tpu.memref_slice %arg2[%dma_wait3A_157, %dma_wait3A_158] : memref<10000x16xf32, #tpu.memory_space<hbm>> -> memref<10000x16xf32, #tpu.memory_space<hbm>>
    tpu.wait_indirect_dma semaphore(%arg16 : memref<!tpu.dma_semaphore, #tpu.memory_space<semaphore_mem>>) src(%dma_wait3A_159 : memref<10000x16xf32, #tpu.memory_space<hbm>>) dst(%arg11 : memref<1000x16xf32, #tpu.memory_space<vmem>>)
    "tpu.region"() ({
      %run_scoped3A = tpu.sem_alloc : memref<!tpu.dma_semaphore, #tpu.memory_space<semaphore_mem>>
      %dma_start3A_164 = arith.constant 0 : i32
      %dma_start3A_165 = arith.constant 0 : i32
      %dma_start3A_166 = tpu.memref_slice %arg13[%dma_start3A_164, %dma_start3A_165] : memref<10240x16xf32, #tpu.memory_space<vmem_shared>> -> memref<10240x16xf32, #tpu.memory_space<vmem_shared>>
      tpu.enqueue_indirect_dma source(%arg11 : memref<1000x16xf32, #tpu.memory_space<vmem>>) target(%dma_start3A_166 : memref<10240x16xf32, #tpu.memory_space<vmem_shared>>) offsets(%arg9 : memref<1000xi32, #tpu.memory_space<vmem>>) semaphore(%run_scoped3A : memref<!tpu.dma_semaphore, #tpu.memory_space<semaphore_mem>>) {add = true}
      %dma_wait3A_167 = arith.constant 0 : i32
      %dma_wait3A_168 = arith.constant 0 : i32
      %dma_wait3A_169 = tpu.memref_slice %arg13[%dma_wait3A_167, %dma_wait3A_168] : memref<10240x16xf32, #tpu.memory_space<vmem_shared>> -> memref<10240x16xf32, #tpu.memory_space<vmem_shared>>
      tpu.wait_indirect_dma semaphore(%run_scoped3A : memref<!tpu.dma_semaphore, #tpu.memory_space<semaphore_mem>>) src(%arg11 : memref<1000x16xf32, #tpu.memory_space<vmem>>) dst(%dma_wait3A_169 : memref<10240x16xf32, #tpu.memory_space<vmem_shared>>)
      tpu.yield
    }) : () -> ()
    %dma_wait3A_160 = arith.constant 0 : i32
    %dma_wait3A_161 = arith.constant 0 : i32
    %dma_wait3A_162 = tpu.memref_slice %arg2[%dma_wait3A_160, %dma_wait3A_161] : memref<10000x16xf32, #tpu.memory_space<hbm>> -> memref<10000x16xf32, #tpu.memory_space<hbm>>
    tpu.wait_indirect_dma semaphore(%arg17 : memref<!tpu.dma_semaphore, #tpu.memory_space<semaphore_mem>>) src(%dma_wait3A_162 : memref<10000x16xf32, #tpu.memory_space<hbm>>) dst(%arg12 : memref<1000x16xf32, #tpu.memory_space<vmem>>)
    "tpu.region"() ({
      %run_scoped3A = tpu.sem_alloc : memref<!tpu.dma_semaphore, #tpu.memory_space<semaphore_mem>>
      %dma_start3A_164 = arith.constant 0 : i32
      %dma_start3A_165 = arith.constant 0 : i32
      %dma_start3A_166 = tpu.memref_slice %arg13[%dma_start3A_164, %dma_start3A_165] : memref<10240x16xf32, #tpu.memory_space<vmem_shared>> -> memref<10240x16xf32, #tpu.memory_space<vmem_shared>>
      tpu.enqueue_indirect_dma source(%arg12 : memref<1000x16xf32, #tpu.memory_space<vmem>>) target(%dma_start3A_166 : memref<10240x16xf32, #tpu.memory_space<vmem_shared>>) offsets(%arg10 : memref<1000xi32, #tpu.memory_space<vmem>>) semaphore(%run_scoped3A : memref<!tpu.dma_semaphore, #tpu.memory_space<semaphore_mem>>) {add = true}
      %dma_wait3A_167 = arith.constant 0 : i32
      %dma_wait3A_168 = arith.constant 0 : i32
      %dma_wait3A_169 = tpu.memref_slice %arg13[%dma_wait3A_167, %dma_wait3A_168] : memref<10240x16xf32, #tpu.memory_space<vmem_shared>> -> memref<10240x16xf32, #tpu.memory_space<vmem_shared>>
      tpu.wait_indirect_dma semaphore(%run_scoped3A : memref<!tpu.dma_semaphore, #tpu.memory_space<semaphore_mem>>) src(%arg12 : memref<1000x16xf32, #tpu.memory_space<vmem>>) dst(%dma_wait3A_169 : memref<10240x16xf32, #tpu.memory_space<vmem_shared>>)
      tpu.yield
    }) : () -> ()
    %barrier3A_163 = arith.constant 0 : index
    tpu.barrier barrier_id(%barrier3A_163)
    "tpu.region"() ({
      %run_scoped3A = tpu.sem_alloc : memref<!tpu.dma_semaphore, #tpu.memory_space<semaphore_mem>>
      %dma_start3A_164 = arith.constant 0 : i32
      %dma_start3A_165 = arith.constant 0 : i32
      %dma_start3A_166 = tpu.memref_slice %arg6[%arg0, %dma_start3A_164, %dma_start3A_165] : memref<2x10240x16xf32, #tpu.memory_space<hbm>> -> memref<1x10240x16xf32, #tpu.memory_space<hbm>>
      %dma_start3A_167 = tpu.memref_squeeze %dma_start3A_166 : memref<1x10240x16xf32, #tpu.memory_space<hbm>> -> memref<10240x16xf32, #tpu.memory_space<hbm>>
      %dma_start3A_168 = arith.constant 0 : i32
      %dma_start3A_169 = tpu.memref_slice %dma_start3A_167[%mul3A_0, %dma_start3A_168] : memref<10240x16xf32, #tpu.memory_space<hbm>> -> memref<640x16xf32, #tpu.memory_space<hbm>>
      %dma_start3A_170 = arith.constant 0 : i32
      %dma_start3A_171 = tpu.memref_slice %arg13[%mul3A_0, %dma_start3A_170] : memref<10240x16xf32, #tpu.memory_space<vmem_shared>> -> memref<640x16xf32, #tpu.memory_space<vmem_shared>>
      tpu.enqueue_dma source(%dma_start3A_171 : memref<640x16xf32, #tpu.memory_space<vmem_shared>>) target(%dma_start3A_169 : memref<640x16xf32, #tpu.memory_space<hbm>>) target_semaphore(%run_scoped3A : memref<!tpu.dma_semaphore, #tpu.memory_space<semaphore_mem>>)
      %dma_wait3A_172 = arith.constant 0 : i32
      %dma_wait3A_173 = arith.constant 0 : i32
      %dma_wait3A_174 = tpu.memref_slice %arg6[%arg0, %dma_wait3A_172, %dma_wait3A_173] : memref<2x10240x16xf32, #tpu.memory_space<hbm>> -> memref<1x10240x16xf32, #tpu.memory_space<hbm>>
      %dma_wait3A_175 = tpu.memref_squeeze %dma_wait3A_174 : memref<1x10240x16xf32, #tpu.memory_space<hbm>> -> memref<10240x16xf32, #tpu.memory_space<hbm>>
      %dma_wait3A_176 = arith.constant 0 : i32
      %dma_wait3A_177 = tpu.memref_slice %dma_wait3A_175[%mul3A_0, %dma_wait3A_176] : memref<10240x16xf32, #tpu.memory_space<hbm>> -> memref<640x16xf32, #tpu.memory_space<hbm>>
      %dma_wait3A_178 = arith.constant 0 : i32
      %dma_wait3A_179 = tpu.memref_slice %arg13[%mul3A_0, %dma_wait3A_178] : memref<10240x16xf32, #tpu.memory_space<vmem_shared>> -> memref<640x16xf32, #tpu.memory_space<vmem_shared>>
      tpu.wait_dma2 semaphore(%run_scoped3A : memref<!tpu.dma_semaphore, #tpu.memory_space<semaphore_mem>>) src(%dma_wait3A_179 : memref<640x16xf32, #tpu.memory_space<vmem_shared>>) dst(%dma_wait3A_177 : memref<640x16xf32, #tpu.memory_space<hbm>>)
      tpu.yield
    }) : () -> ()
    return
  }
}

#map = affine_map<(d0, d1) -> (0, 0)>
#map1 = affine_map<(d0, d1) -> (0)>
#map2 = affine_map<(d0, d1) -> (0, 0, 0)>
module attributes {stable_mosaic.version = 14 : i64} {
  func.func @k(%arg0: i32, %arg1: i32, %arg2: memref<10000x32xf32, #tpu.memory_space<hbm>>, %arg3: memref<320000xi32, #tpu.memory_space<hbm>>, %arg4: memref<320000xi32, #tpu.memory_space<hbm>>, %arg5: memref<10240x32xf32, #tpu.memory_space<hbm>>, %arg6: memref<2x10240x32xf32, #tpu.memory_space<hbm>>, %arg7: memref<1000xi32, #tpu.memory_space<vmem>>, %arg8: memref<1000xi32, #tpu.memory_space<vmem>>, %arg9: memref<1000xi32, #tpu.memory_space<vmem>>, %arg10: memref<1000xi32, #tpu.memory_space<vmem>>, %arg11: memref<1000x32xf32, #tpu.memory_space<vmem>>, %arg12: memref<1000x32xf32, #tpu.memory_space<vmem>>, %arg13: memref<10240x32xf32, #tpu.memory_space<vmem_shared>>, %arg14: memref<!tpu.dma_semaphore, #tpu.memory_space<semaphore_mem>>, %arg15: memref<!tpu.dma_semaphore, #tpu.memory_space<semaphore_mem>>, %arg16: memref<!tpu.dma_semaphore, #tpu.memory_space<semaphore_mem>>, %arg17: memref<!tpu.dma_semaphore, #tpu.memory_space<semaphore_mem>>) attributes {dimension_semantics = [#tpu.dimension_semantics<core_parallel>, #tpu.dimension_semantics<subcore_parallel>], iteration_bounds = array<i64: 2, 16>, scalar_prefetch = 0 : i64, scratch_operands = 11 : i64, tpu.core_type = #tpu.core_type<sc_vector_subcore>, window_params = [{transform_indices = #map}, {transform_indices = #map1}, {transform_indices = #map1}, {transform_indices = #map}, {transform_indices = #map2}]} {
    %mul3A = arith.constant 640 : i32
    %mul3A_0 = arith.muli %arg1, %mul3A : i32
    %mul3A_1 = arith.constant 160000 : i32
    %mul3A_2 = arith.muli %arg0, %mul3A_1 : i32
    %mul3A_3 = arith.constant 10000 : i32
    %mul3A_4 = arith.muli %arg1, %mul3A_3 : i32
    %add3A = arith.addi %mul3A_2, %mul3A_4 : i32
    %add3A_5 = arith.constant 0 : i32
    %add3A_6 = arith.addi %add3A, %add3A_5 : i32
    %dma_start3A = tpu.memref_slice %arg3[%add3A_6] : memref<320000xi32, #tpu.memory_space<hbm>> -> memref<1000xi32, #tpu.memory_space<hbm>>
    %dma_start3A_7 = tpu.memref_slice %arg3[%add3A_6] : memref<320000xi32, #tpu.memory_space<hbm>> -> memref<1000xi32, #tpu.memory_space<hbm>>
    tpu.enqueue_dma source(%dma_start3A_7 : memref<1000xi32, #tpu.memory_space<hbm>>) target(%arg7 : memref<1000xi32, #tpu.memory_space<vmem>>) target_semaphore(%arg14 : memref<!tpu.dma_semaphore, #tpu.memory_space<semaphore_mem>>)
    %dma_start3A_8 = tpu.memref_slice %arg4[%add3A_6] : memref<320000xi32, #tpu.memory_space<hbm>> -> memref<1000xi32, #tpu.memory_space<hbm>>
    %dma_start3A_9 = tpu.memref_slice %arg4[%add3A_6] : memref<320000xi32, #tpu.memory_space<hbm>> -> memref<1000xi32, #tpu.memory_space<hbm>>
    tpu.enqueue_dma source(%dma_start3A_9 : memref<1000xi32, #tpu.memory_space<hbm>>) target(%arg9 : memref<1000xi32, #tpu.memory_space<vmem>>) target_semaphore(%arg14 : memref<!tpu.dma_semaphore, #tpu.memory_space<semaphore_mem>>)
    %dma_wait3A = tpu.memref_slice %arg3[%add3A_6] : memref<320000xi32, #tpu.memory_space<hbm>> -> memref<1000xi32, #tpu.memory_space<hbm>>
    %dma_wait3A_10 = tpu.memref_slice %arg3[%add3A_6] : memref<320000xi32, #tpu.memory_space<hbm>> -> memref<1000xi32, #tpu.memory_space<hbm>>
    tpu.wait_dma2 semaphore(%arg14 : memref<!tpu.dma_semaphore, #tpu.memory_space<semaphore_mem>>) src(%dma_wait3A_10 : memref<1000xi32, #tpu.memory_space<hbm>>) dst(%arg7 : memref<1000xi32, #tpu.memory_space<vmem>>)
    %dma_wait3A_11 = tpu.memref_slice %arg4[%add3A_6] : memref<320000xi32, #tpu.memory_space<hbm>> -> memref<1000xi32, #tpu.memory_space<hbm>>
    %dma_wait3A_12 = tpu.memref_slice %arg4[%add3A_6] : memref<320000xi32, #tpu.memory_space<hbm>> -> memref<1000xi32, #tpu.memory_space<hbm>>
    tpu.wait_dma2 semaphore(%arg14 : memref<!tpu.dma_semaphore, #tpu.memory_space<semaphore_mem>>) src(%dma_wait3A_12 : memref<1000xi32, #tpu.memory_space<hbm>>) dst(%arg9 : memref<1000xi32, #tpu.memory_space<vmem>>)
    %dma_start3A_13 = arith.constant 0 : i32
    %dma_start3A_14 = arith.constant 0 : i32
    %dma_start3A_15 = tpu.memref_slice %arg2[%dma_start3A_13, %dma_start3A_14] : memref<10000x32xf32, #tpu.memory_space<hbm>> -> memref<10000x32xf32, #tpu.memory_space<hbm>>
    tpu.enqueue_indirect_dma source(%dma_start3A_15 : memref<10000x32xf32, #tpu.memory_space<hbm>>) target(%arg11 : memref<1000x32xf32, #tpu.memory_space<vmem>>) offsets(%arg7 : memref<1000xi32, #tpu.memory_space<vmem>>) semaphore(%arg16 : memref<!tpu.dma_semaphore, #tpu.memory_space<semaphore_mem>>)
    %add3A_16 = arith.constant 1000 : i32
    %add3A_17 = arith.addi %add3A, %add3A_16 : i32
    %dma_start3A_18 = tpu.memref_slice %arg3[%add3A_17] : memref<320000xi32, #tpu.memory_space<hbm>> -> memref<1000xi32, #tpu.memory_space<hbm>>
    %dma_start3A_19 = tpu.memref_slice %arg3[%add3A_17] : memref<320000xi32, #tpu.memory_space<hbm>> -> memref<1000xi32, #tpu.memory_space<hbm>>
    tpu.enqueue_dma source(%dma_start3A_19 : memref<1000xi32, #tpu.memory_space<hbm>>) target(%arg8 : memref<1000xi32, #tpu.memory_space<vmem>>) target_semaphore(%arg15 : memref<!tpu.dma_semaphore, #tpu.memory_space<semaphore_mem>>)
    %dma_start3A_20 = tpu.memref_slice %arg4[%add3A_17] : memref<320000xi32, #tpu.memory_space<hbm>> -> memref<1000xi32, #tpu.memory_space<hbm>>
    %dma_start3A_21 = tpu.memref_slice %arg4[%add3A_17] : memref<320000xi32, #tpu.memory_space<hbm>> -> memref<1000xi32, #tpu.memory_space<hbm>>
    tpu.enqueue_dma source(%dma_start3A_21 : memref<1000xi32, #tpu.memory_space<hbm>>) target(%arg10 : memref<1000xi32, #tpu.memory_space<vmem>>) target_semaphore(%arg15 : memref<!tpu.dma_semaphore, #tpu.memory_space<semaphore_mem>>)
    "tpu.region"() ({
      %run_scoped3A = tpu.sem_alloc : memref<!tpu.dma_semaphore, #tpu.memory_space<semaphore_mem>>
      %dma_start3A_164 = arith.constant 0 : i32
      %dma_start3A_165 = tpu.memref_slice %arg13[%mul3A_0, %dma_start3A_164] : memref<10240x32xf32, #tpu.memory_space<vmem_shared>> -> memref<640x32xf32, #tpu.memory_space<vmem_shared>>
      %dma_start3A_166 = arith.constant 0 : i32
      %dma_start3A_167 = tpu.memref_slice %arg5[%mul3A_0, %dma_start3A_166] : memref<10240x32xf32, #tpu.memory_space<hbm>> -> memref<640x32xf32, #tpu.memory_space<hbm>>
      tpu.enqueue_dma source(%dma_start3A_167 : memref<640x32xf32, #tpu.memory_space<hbm>>) target(%dma_start3A_165 : memref<640x32xf32, #tpu.memory_space<vmem_shared>>) target_semaphore(%run_scoped3A : memref<!tpu.dma_semaphore, #tpu.memory_space<semaphore_mem>>)
      %dma_wait3A_168 = arith.constant 0 : i32
      %dma_wait3A_169 = tpu.memref_slice %arg13[%mul3A_0, %dma_wait3A_168] : memref<10240x32xf32, #tpu.memory_space<vmem_shared>> -> memref<640x32xf32, #tpu.memory_space<vmem_shared>>
      %dma_wait3A_170 = arith.constant 0 : i32
      %dma_wait3A_171 = tpu.memref_slice %arg5[%mul3A_0, %dma_wait3A_170] : memref<10240x32xf32, #tpu.memory_space<hbm>> -> memref<640x32xf32, #tpu.memory_space<hbm>>
      tpu.wait_dma2 semaphore(%run_scoped3A : memref<!tpu.dma_semaphore, #tpu.memory_space<semaphore_mem>>) src(%dma_wait3A_171 : memref<640x32xf32, #tpu.memory_space<hbm>>) dst(%dma_wait3A_169 : memref<640x32xf32, #tpu.memory_space<vmem_shared>>)
      tpu.yield
    }) : () -> ()
    %barrier3A = arith.constant 0 : index
    tpu.barrier barrier_id(%barrier3A)
    %dma_wait3A_22 = tpu.memref_slice %arg3[%add3A_17] : memref<320000xi32, #tpu.memory_space<hbm>> -> memref<1000xi32, #tpu.memory_space<hbm>>
    %dma_wait3A_23 = tpu.memref_slice %arg3[%add3A_17] : memref<320000xi32, #tpu.memory_space<hbm>> -> memref<1000xi32, #tpu.memory_space<hbm>>
    tpu.wait_dma2 semaphore(%arg15 : memref<!tpu.dma_semaphore, #tpu.memory_space<semaphore_mem>>) src(%dma_wait3A_23 : memref<1000xi32, #tpu.memory_space<hbm>>) dst(%arg8 : memref<1000xi32, #tpu.memory_space<vmem>>)
    %dma_wait3A_24 = tpu.memref_slice %arg4[%add3A_17] : memref<320000xi32, #tpu.memory_space<hbm>> -> memref<1000xi32, #tpu.memory_space<hbm>>
    %dma_wait3A_25 = tpu.memref_slice %arg4[%add3A_17] : memref<320000xi32, #tpu.memory_space<hbm>> -> memref<1000xi32, #tpu.memory_space<hbm>>
    tpu.wait_dma2 semaphore(%arg15 : memref<!tpu.dma_semaphore, #tpu.memory_space<semaphore_mem>>) src(%dma_wait3A_25 : memref<1000xi32, #tpu.memory_space<hbm>>) dst(%arg10 : memref<1000xi32, #tpu.memory_space<vmem>>)
    %dma_start3A_26 = arith.constant 0 : i32
    %dma_start3A_27 = arith.constant 0 : i32
    %dma_start3A_28 = tpu.memref_slice %arg2[%dma_start3A_26, %dma_start3A_27] : memref<10000x32xf32, #tpu.memory_space<hbm>> -> memref<10000x32xf32, #tpu.memory_space<hbm>>
    tpu.enqueue_indirect_dma source(%dma_start3A_28 : memref<10000x32xf32, #tpu.memory_space<hbm>>) target(%arg12 : memref<1000x32xf32, #tpu.memory_space<vmem>>) offsets(%arg8 : memref<1000xi32, #tpu.memory_space<vmem>>) semaphore(%arg17 : memref<!tpu.dma_semaphore, #tpu.memory_space<semaphore_mem>>)
    %dma_wait3A_29 = arith.constant 0 : i32
    %dma_wait3A_30 = arith.constant 0 : i32
    %dma_wait3A_31 = tpu.memref_slice %arg2[%dma_wait3A_29, %dma_wait3A_30] : memref<10000x32xf32, #tpu.memory_space<hbm>> -> memref<10000x32xf32, #tpu.memory_space<hbm>>
    tpu.wait_indirect_dma semaphore(%arg16 : memref<!tpu.dma_semaphore, #tpu.memory_space<semaphore_mem>>) src(%dma_wait3A_31 : memref<10000x32xf32, #tpu.memory_space<hbm>>) dst(%arg11 : memref<1000x32xf32, #tpu.memory_space<vmem>>)
    "tpu.region"() ({
      %run_scoped3A = tpu.sem_alloc : memref<!tpu.dma_semaphore, #tpu.memory_space<semaphore_mem>>
      %dma_start3A_164 = arith.constant 0 : i32
      %dma_start3A_165 = arith.constant 0 : i32
      %dma_start3A_166 = tpu.memref_slice %arg13[%dma_start3A_164, %dma_start3A_165] : memref<10240x32xf32, #tpu.memory_space<vmem_shared>> -> memref<10240x32xf32, #tpu.memory_space<vmem_shared>>
      tpu.enqueue_indirect_dma source(%arg11 : memref<1000x32xf32, #tpu.memory_space<vmem>>) target(%dma_start3A_166 : memref<10240x32xf32, #tpu.memory_space<vmem_shared>>) offsets(%arg9 : memref<1000xi32, #tpu.memory_space<vmem>>) semaphore(%run_scoped3A : memref<!tpu.dma_semaphore, #tpu.memory_space<semaphore_mem>>) {add = true}
      %dma_wait3A_167 = arith.constant 0 : i32
      %dma_wait3A_168 = arith.constant 0 : i32
      %dma_wait3A_169 = tpu.memref_slice %arg13[%dma_wait3A_167, %dma_wait3A_168] : memref<10240x32xf32, #tpu.memory_space<vmem_shared>> -> memref<10240x32xf32, #tpu.memory_space<vmem_shared>>
      tpu.wait_indirect_dma semaphore(%run_scoped3A : memref<!tpu.dma_semaphore, #tpu.memory_space<semaphore_mem>>) src(%arg11 : memref<1000x32xf32, #tpu.memory_space<vmem>>) dst(%dma_wait3A_169 : memref<10240x32xf32, #tpu.memory_space<vmem_shared>>)
      tpu.yield
    }) : () -> ()
    %add3A_32 = arith.constant 2000 : i32
    %add3A_33 = arith.addi %add3A, %add3A_32 : i32
    %dma_start3A_34 = tpu.memref_slice %arg3[%add3A_33] : memref<320000xi32, #tpu.memory_space<hbm>> -> memref<1000xi32, #tpu.memory_space<hbm>>
    %dma_start3A_35 = tpu.memref_slice %arg3[%add3A_33] : memref<320000xi32, #tpu.memory_space<hbm>> -> memref<1000xi32, #tpu.memory_space<hbm>>
    tpu.enqueue_dma source(%dma_start3A_35 : memref<1000xi32, #tpu.memory_space<hbm>>) target(%arg7 : memref<1000xi32, #tpu.memory_space<vmem>>) target_semaphore(%arg14 : memref<!tpu.dma_semaphore, #tpu.memory_space<semaphore_mem>>)
    %dma_start3A_36 = tpu.memref_slice %arg4[%add3A_33] : memref<320000xi32, #tpu.memory_space<hbm>> -> memref<1000xi32, #tpu.memory_space<hbm>>
    %dma_start3A_37 = tpu.memref_slice %arg4[%add3A_33] : memref<320000xi32, #tpu.memory_space<hbm>> -> memref<1000xi32, #tpu.memory_space<hbm>>
    tpu.enqueue_dma source(%dma_start3A_37 : memref<1000xi32, #tpu.memory_space<hbm>>) target(%arg9 : memref<1000xi32, #tpu.memory_space<vmem>>) target_semaphore(%arg14 : memref<!tpu.dma_semaphore, #tpu.memory_space<semaphore_mem>>)
    %dma_wait3A_38 = tpu.memref_slice %arg3[%add3A_33] : memref<320000xi32, #tpu.memory_space<hbm>> -> memref<1000xi32, #tpu.memory_space<hbm>>
    %dma_wait3A_39 = tpu.memref_slice %arg3[%add3A_33] : memref<320000xi32, #tpu.memory_space<hbm>> -> memref<1000xi32, #tpu.memory_space<hbm>>
    tpu.wait_dma2 semaphore(%arg14 : memref<!tpu.dma_semaphore, #tpu.memory_space<semaphore_mem>>) src(%dma_wait3A_39 : memref<1000xi32, #tpu.memory_space<hbm>>) dst(%arg7 : memref<1000xi32, #tpu.memory_space<vmem>>)
    %dma_wait3A_40 = tpu.memref_slice %arg4[%add3A_33] : memref<320000xi32, #tpu.memory_space<hbm>> -> memref<1000xi32, #tpu.memory_space<hbm>>
    %dma_wait3A_41 = tpu.memref_slice %arg4[%add3A_33] : memref<320000xi32, #tpu.memory_space<hbm>> -> memref<1000xi32, #tpu.memory_space<hbm>>
    tpu.wait_dma2 semaphore(%arg14 : memref<!tpu.dma_semaphore, #tpu.memory_space<semaphore_mem>>) src(%dma_wait3A_41 : memref<1000xi32, #tpu.memory_space<hbm>>) dst(%arg9 : memref<1000xi32, #tpu.memory_space<vmem>>)
    %dma_start3A_42 = arith.constant 0 : i32
    %dma_start3A_43 = arith.constant 0 : i32
    %dma_start3A_44 = tpu.memref_slice %arg2[%dma_start3A_42, %dma_start3A_43] : memref<10000x32xf32, #tpu.memory_space<hbm>> -> memref<10000x32xf32, #tpu.memory_space<hbm>>
    tpu.enqueue_indirect_dma source(%dma_start3A_44 : memref<10000x32xf32, #tpu.memory_space<hbm>>) target(%arg11 : memref<1000x32xf32, #tpu.memory_space<vmem>>) offsets(%arg7 : memref<1000xi32, #tpu.memory_space<vmem>>) semaphore(%arg16 : memref<!tpu.dma_semaphore, #tpu.memory_space<semaphore_mem>>)
    %dma_wait3A_45 = arith.constant 0 : i32
    %dma_wait3A_46 = arith.constant 0 : i32
    %dma_wait3A_47 = tpu.memref_slice %arg2[%dma_wait3A_45, %dma_wait3A_46] : memref<10000x32xf32, #tpu.memory_space<hbm>> -> memref<10000x32xf32, #tpu.memory_space<hbm>>
    tpu.wait_indirect_dma semaphore(%arg17 : memref<!tpu.dma_semaphore, #tpu.memory_space<semaphore_mem>>) src(%dma_wait3A_47 : memref<10000x32xf32, #tpu.memory_space<hbm>>) dst(%arg12 : memref<1000x32xf32, #tpu.memory_space<vmem>>)
    "tpu.region"() ({
      %run_scoped3A = tpu.sem_alloc : memref<!tpu.dma_semaphore, #tpu.memory_space<semaphore_mem>>
      %dma_start3A_164 = arith.constant 0 : i32
      %dma_start3A_165 = arith.constant 0 : i32
      %dma_start3A_166 = tpu.memref_slice %arg13[%dma_start3A_164, %dma_start3A_165] : memref<10240x32xf32, #tpu.memory_space<vmem_shared>> -> memref<10240x32xf32, #tpu.memory_space<vmem_shared>>
      tpu.enqueue_indirect_dma source(%arg12 : memref<1000x32xf32, #tpu.memory_space<vmem>>) target(%dma_start3A_166 : memref<10240x32xf32, #tpu.memory_space<vmem_shared>>) offsets(%arg10 : memref<1000xi32, #tpu.memory_space<vmem>>) semaphore(%run_scoped3A : memref<!tpu.dma_semaphore, #tpu.memory_space<semaphore_mem>>) {add = true}
      %dma_wait3A_167 = arith.constant 0 : i32
      %dma_wait3A_168 = arith.constant 0 : i32
      %dma_wait3A_169 = tpu.memref_slice %arg13[%dma_wait3A_167, %dma_wait3A_168] : memref<10240x32xf32, #tpu.memory_space<vmem_shared>> -> memref<10240x32xf32, #tpu.memory_space<vmem_shared>>
      tpu.wait_indirect_dma semaphore(%run_scoped3A : memref<!tpu.dma_semaphore, #tpu.memory_space<semaphore_mem>>) src(%arg12 : memref<1000x32xf32, #tpu.memory_space<vmem>>) dst(%dma_wait3A_169 : memref<10240x32xf32, #tpu.memory_space<vmem_shared>>)
      tpu.yield
    }) : () -> ()
    %add3A_48 = arith.constant 3000 : i32
    %add3A_49 = arith.addi %add3A, %add3A_48 : i32
    %dma_start3A_50 = tpu.memref_slice %arg3[%add3A_49] : memref<320000xi32, #tpu.memory_space<hbm>> -> memref<1000xi32, #tpu.memory_space<hbm>>
    %dma_start3A_51 = tpu.memref_slice %arg3[%add3A_49] : memref<320000xi32, #tpu.memory_space<hbm>> -> memref<1000xi32, #tpu.memory_space<hbm>>
    tpu.enqueue_dma source(%dma_start3A_51 : memref<1000xi32, #tpu.memory_space<hbm>>) target(%arg8 : memref<1000xi32, #tpu.memory_space<vmem>>) target_semaphore(%arg15 : memref<!tpu.dma_semaphore, #tpu.memory_space<semaphore_mem>>)
    %dma_start3A_52 = tpu.memref_slice %arg4[%add3A_49] : memref<320000xi32, #tpu.memory_space<hbm>> -> memref<1000xi32, #tpu.memory_space<hbm>>
    %dma_start3A_53 = tpu.memref_slice %arg4[%add3A_49] : memref<320000xi32, #tpu.memory_space<hbm>> -> memref<1000xi32, #tpu.memory_space<hbm>>
    tpu.enqueue_dma source(%dma_start3A_53 : memref<1000xi32, #tpu.memory_space<hbm>>) target(%arg10 : memref<1000xi32, #tpu.memory_space<vmem>>) target_semaphore(%arg15 : memref<!tpu.dma_semaphore, #tpu.memory_space<semaphore_mem>>)
    %dma_wait3A_54 = tpu.memref_slice %arg3[%add3A_49] : memref<320000xi32, #tpu.memory_space<hbm>> -> memref<1000xi32, #tpu.memory_space<hbm>>
    %dma_wait3A_55 = tpu.memref_slice %arg3[%add3A_49] : memref<320000xi32, #tpu.memory_space<hbm>> -> memref<1000xi32, #tpu.memory_space<hbm>>
    tpu.wait_dma2 semaphore(%arg15 : memref<!tpu.dma_semaphore, #tpu.memory_space<semaphore_mem>>) src(%dma_wait3A_55 : memref<1000xi32, #tpu.memory_space<hbm>>) dst(%arg8 : memref<1000xi32, #tpu.memory_space<vmem>>)
    %dma_wait3A_56 = tpu.memref_slice %arg4[%add3A_49] : memref<320000xi32, #tpu.memory_space<hbm>> -> memref<1000xi32, #tpu.memory_space<hbm>>
    %dma_wait3A_57 = tpu.memref_slice %arg4[%add3A_49] : memref<320000xi32, #tpu.memory_space<hbm>> -> memref<1000xi32, #tpu.memory_space<hbm>>
    tpu.wait_dma2 semaphore(%arg15 : memref<!tpu.dma_semaphore, #tpu.memory_space<semaphore_mem>>) src(%dma_wait3A_57 : memref<1000xi32, #tpu.memory_space<hbm>>) dst(%arg10 : memref<1000xi32, #tpu.memory_space<vmem>>)
    %dma_start3A_58 = arith.constant 0 : i32
    %dma_start3A_59 = arith.constant 0 : i32
    %dma_start3A_60 = tpu.memref_slice %arg2[%dma_start3A_58, %dma_start3A_59] : memref<10000x32xf32, #tpu.memory_space<hbm>> -> memref<10000x32xf32, #tpu.memory_space<hbm>>
    tpu.enqueue_indirect_dma source(%dma_start3A_60 : memref<10000x32xf32, #tpu.memory_space<hbm>>) target(%arg12 : memref<1000x32xf32, #tpu.memory_space<vmem>>) offsets(%arg8 : memref<1000xi32, #tpu.memory_space<vmem>>) semaphore(%arg17 : memref<!tpu.dma_semaphore, #tpu.memory_space<semaphore_mem>>)
    %dma_wait3A_61 = arith.constant 0 : i32
    %dma_wait3A_62 = arith.constant 0 : i32
    %dma_wait3A_63 = tpu.memref_slice %arg2[%dma_wait3A_61, %dma_wait3A_62] : memref<10000x32xf32, #tpu.memory_space<hbm>> -> memref<10000x32xf32, #tpu.memory_space<hbm>>
    tpu.wait_indirect_dma semaphore(%arg16 : memref<!tpu.dma_semaphore, #tpu.memory_space<semaphore_mem>>) src(%dma_wait3A_63 : memref<10000x32xf32, #tpu.memory_space<hbm>>) dst(%arg11 : memref<1000x32xf32, #tpu.memory_space<vmem>>)
    "tpu.region"() ({
      %run_scoped3A = tpu.sem_alloc : memref<!tpu.dma_semaphore, #tpu.memory_space<semaphore_mem>>
      %dma_start3A_164 = arith.constant 0 : i32
      %dma_start3A_165 = arith.constant 0 : i32
      %dma_start3A_166 = tpu.memref_slice %arg13[%dma_start3A_164, %dma_start3A_165] : memref<10240x32xf32, #tpu.memory_space<vmem_shared>> -> memref<10240x32xf32, #tpu.memory_space<vmem_shared>>
      tpu.enqueue_indirect_dma source(%arg11 : memref<1000x32xf32, #tpu.memory_space<vmem>>) target(%dma_start3A_166 : memref<10240x32xf32, #tpu.memory_space<vmem_shared>>) offsets(%arg9 : memref<1000xi32, #tpu.memory_space<vmem>>) semaphore(%run_scoped3A : memref<!tpu.dma_semaphore, #tpu.memory_space<semaphore_mem>>) {add = true}
      %dma_wait3A_167 = arith.constant 0 : i32
      %dma_wait3A_168 = arith.constant 0 : i32
      %dma_wait3A_169 = tpu.memref_slice %arg13[%dma_wait3A_167, %dma_wait3A_168] : memref<10240x32xf32, #tpu.memory_space<vmem_shared>> -> memref<10240x32xf32, #tpu.memory_space<vmem_shared>>
      tpu.wait_indirect_dma semaphore(%run_scoped3A : memref<!tpu.dma_semaphore, #tpu.memory_space<semaphore_mem>>) src(%arg11 : memref<1000x32xf32, #tpu.memory_space<vmem>>) dst(%dma_wait3A_169 : memref<10240x32xf32, #tpu.memory_space<vmem_shared>>)
      tpu.yield
    }) : () -> ()
    %add3A_64 = arith.constant 4000 : i32
    %add3A_65 = arith.addi %add3A, %add3A_64 : i32
    %dma_start3A_66 = tpu.memref_slice %arg3[%add3A_65] : memref<320000xi32, #tpu.memory_space<hbm>> -> memref<1000xi32, #tpu.memory_space<hbm>>
    %dma_start3A_67 = tpu.memref_slice %arg3[%add3A_65] : memref<320000xi32, #tpu.memory_space<hbm>> -> memref<1000xi32, #tpu.memory_space<hbm>>
    tpu.enqueue_dma source(%dma_start3A_67 : memref<1000xi32, #tpu.memory_space<hbm>>) target(%arg7 : memref<1000xi32, #tpu.memory_space<vmem>>) target_semaphore(%arg14 : memref<!tpu.dma_semaphore, #tpu.memory_space<semaphore_mem>>)
    %dma_start3A_68 = tpu.memref_slice %arg4[%add3A_65] : memref<320000xi32, #tpu.memory_space<hbm>> -> memref<1000xi32, #tpu.memory_space<hbm>>
    %dma_start3A_69 = tpu.memref_slice %arg4[%add3A_65] : memref<320000xi32, #tpu.memory_space<hbm>> -> memref<1000xi32, #tpu.memory_space<hbm>>
    tpu.enqueue_dma source(%dma_start3A_69 : memref<1000xi32, #tpu.memory_space<hbm>>) target(%arg9 : memref<1000xi32, #tpu.memory_space<vmem>>) target_semaphore(%arg14 : memref<!tpu.dma_semaphore, #tpu.memory_space<semaphore_mem>>)
    %dma_wait3A_70 = tpu.memref_slice %arg3[%add3A_65] : memref<320000xi32, #tpu.memory_space<hbm>> -> memref<1000xi32, #tpu.memory_space<hbm>>
    %dma_wait3A_71 = tpu.memref_slice %arg3[%add3A_65] : memref<320000xi32, #tpu.memory_space<hbm>> -> memref<1000xi32, #tpu.memory_space<hbm>>
    tpu.wait_dma2 semaphore(%arg14 : memref<!tpu.dma_semaphore, #tpu.memory_space<semaphore_mem>>) src(%dma_wait3A_71 : memref<1000xi32, #tpu.memory_space<hbm>>) dst(%arg7 : memref<1000xi32, #tpu.memory_space<vmem>>)
    %dma_wait3A_72 = tpu.memref_slice %arg4[%add3A_65] : memref<320000xi32, #tpu.memory_space<hbm>> -> memref<1000xi32, #tpu.memory_space<hbm>>
    %dma_wait3A_73 = tpu.memref_slice %arg4[%add3A_65] : memref<320000xi32, #tpu.memory_space<hbm>> -> memref<1000xi32, #tpu.memory_space<hbm>>
    tpu.wait_dma2 semaphore(%arg14 : memref<!tpu.dma_semaphore, #tpu.memory_space<semaphore_mem>>) src(%dma_wait3A_73 : memref<1000xi32, #tpu.memory_space<hbm>>) dst(%arg9 : memref<1000xi32, #tpu.memory_space<vmem>>)
    %dma_start3A_74 = arith.constant 0 : i32
    %dma_start3A_75 = arith.constant 0 : i32
    %dma_start3A_76 = tpu.memref_slice %arg2[%dma_start3A_74, %dma_start3A_75] : memref<10000x32xf32, #tpu.memory_space<hbm>> -> memref<10000x32xf32, #tpu.memory_space<hbm>>
    tpu.enqueue_indirect_dma source(%dma_start3A_76 : memref<10000x32xf32, #tpu.memory_space<hbm>>) target(%arg11 : memref<1000x32xf32, #tpu.memory_space<vmem>>) offsets(%arg7 : memref<1000xi32, #tpu.memory_space<vmem>>) semaphore(%arg16 : memref<!tpu.dma_semaphore, #tpu.memory_space<semaphore_mem>>)
    %dma_wait3A_77 = arith.constant 0 : i32
    %dma_wait3A_78 = arith.constant 0 : i32
    %dma_wait3A_79 = tpu.memref_slice %arg2[%dma_wait3A_77, %dma_wait3A_78] : memref<10000x32xf32, #tpu.memory_space<hbm>> -> memref<10000x32xf32, #tpu.memory_space<hbm>>
    tpu.wait_indirect_dma semaphore(%arg17 : memref<!tpu.dma_semaphore, #tpu.memory_space<semaphore_mem>>) src(%dma_wait3A_79 : memref<10000x32xf32, #tpu.memory_space<hbm>>) dst(%arg12 : memref<1000x32xf32, #tpu.memory_space<vmem>>)
    "tpu.region"() ({
      %run_scoped3A = tpu.sem_alloc : memref<!tpu.dma_semaphore, #tpu.memory_space<semaphore_mem>>
      %dma_start3A_164 = arith.constant 0 : i32
      %dma_start3A_165 = arith.constant 0 : i32
      %dma_start3A_166 = tpu.memref_slice %arg13[%dma_start3A_164, %dma_start3A_165] : memref<10240x32xf32, #tpu.memory_space<vmem_shared>> -> memref<10240x32xf32, #tpu.memory_space<vmem_shared>>
      tpu.enqueue_indirect_dma source(%arg12 : memref<1000x32xf32, #tpu.memory_space<vmem>>) target(%dma_start3A_166 : memref<10240x32xf32, #tpu.memory_space<vmem_shared>>) offsets(%arg10 : memref<1000xi32, #tpu.memory_space<vmem>>) semaphore(%run_scoped3A : memref<!tpu.dma_semaphore, #tpu.memory_space<semaphore_mem>>) {add = true}
      %dma_wait3A_167 = arith.constant 0 : i32
      %dma_wait3A_168 = arith.constant 0 : i32
      %dma_wait3A_169 = tpu.memref_slice %arg13[%dma_wait3A_167, %dma_wait3A_168] : memref<10240x32xf32, #tpu.memory_space<vmem_shared>> -> memref<10240x32xf32, #tpu.memory_space<vmem_shared>>
      tpu.wait_indirect_dma semaphore(%run_scoped3A : memref<!tpu.dma_semaphore, #tpu.memory_space<semaphore_mem>>) src(%arg12 : memref<1000x32xf32, #tpu.memory_space<vmem>>) dst(%dma_wait3A_169 : memref<10240x32xf32, #tpu.memory_space<vmem_shared>>)
      tpu.yield
    }) : () -> ()
    %add3A_80 = arith.constant 5000 : i32
    %add3A_81 = arith.addi %add3A, %add3A_80 : i32
    %dma_start3A_82 = tpu.memref_slice %arg3[%add3A_81] : memref<320000xi32, #tpu.memory_space<hbm>> -> memref<1000xi32, #tpu.memory_space<hbm>>
    %dma_start3A_83 = tpu.memref_slice %arg3[%add3A_81] : memref<320000xi32, #tpu.memory_space<hbm>> -> memref<1000xi32, #tpu.memory_space<hbm>>
    tpu.enqueue_dma source(%dma_start3A_83 : memref<1000xi32, #tpu.memory_space<hbm>>) target(%arg8 : memref<1000xi32, #tpu.memory_space<vmem>>) target_semaphore(%arg15 : memref<!tpu.dma_semaphore, #tpu.memory_space<semaphore_mem>>)
    %dma_start3A_84 = tpu.memref_slice %arg4[%add3A_81] : memref<320000xi32, #tpu.memory_space<hbm>> -> memref<1000xi32, #tpu.memory_space<hbm>>
    %dma_start3A_85 = tpu.memref_slice %arg4[%add3A_81] : memref<320000xi32, #tpu.memory_space<hbm>> -> memref<1000xi32, #tpu.memory_space<hbm>>
    tpu.enqueue_dma source(%dma_start3A_85 : memref<1000xi32, #tpu.memory_space<hbm>>) target(%arg10 : memref<1000xi32, #tpu.memory_space<vmem>>) target_semaphore(%arg15 : memref<!tpu.dma_semaphore, #tpu.memory_space<semaphore_mem>>)
    %dma_wait3A_86 = tpu.memref_slice %arg3[%add3A_81] : memref<320000xi32, #tpu.memory_space<hbm>> -> memref<1000xi32, #tpu.memory_space<hbm>>
    %dma_wait3A_87 = tpu.memref_slice %arg3[%add3A_81] : memref<320000xi32, #tpu.memory_space<hbm>> -> memref<1000xi32, #tpu.memory_space<hbm>>
    tpu.wait_dma2 semaphore(%arg15 : memref<!tpu.dma_semaphore, #tpu.memory_space<semaphore_mem>>) src(%dma_wait3A_87 : memref<1000xi32, #tpu.memory_space<hbm>>) dst(%arg8 : memref<1000xi32, #tpu.memory_space<vmem>>)
    %dma_wait3A_88 = tpu.memref_slice %arg4[%add3A_81] : memref<320000xi32, #tpu.memory_space<hbm>> -> memref<1000xi32, #tpu.memory_space<hbm>>
    %dma_wait3A_89 = tpu.memref_slice %arg4[%add3A_81] : memref<320000xi32, #tpu.memory_space<hbm>> -> memref<1000xi32, #tpu.memory_space<hbm>>
    tpu.wait_dma2 semaphore(%arg15 : memref<!tpu.dma_semaphore, #tpu.memory_space<semaphore_mem>>) src(%dma_wait3A_89 : memref<1000xi32, #tpu.memory_space<hbm>>) dst(%arg10 : memref<1000xi32, #tpu.memory_space<vmem>>)
    %dma_start3A_90 = arith.constant 0 : i32
    %dma_start3A_91 = arith.constant 0 : i32
    %dma_start3A_92 = tpu.memref_slice %arg2[%dma_start3A_90, %dma_start3A_91] : memref<10000x32xf32, #tpu.memory_space<hbm>> -> memref<10000x32xf32, #tpu.memory_space<hbm>>
    tpu.enqueue_indirect_dma source(%dma_start3A_92 : memref<10000x32xf32, #tpu.memory_space<hbm>>) target(%arg12 : memref<1000x32xf32, #tpu.memory_space<vmem>>) offsets(%arg8 : memref<1000xi32, #tpu.memory_space<vmem>>) semaphore(%arg17 : memref<!tpu.dma_semaphore, #tpu.memory_space<semaphore_mem>>)
    %dma_wait3A_93 = arith.constant 0 : i32
    %dma_wait3A_94 = arith.constant 0 : i32
    %dma_wait3A_95 = tpu.memref_slice %arg2[%dma_wait3A_93, %dma_wait3A_94] : memref<10000x32xf32, #tpu.memory_space<hbm>> -> memref<10000x32xf32, #tpu.memory_space<hbm>>
    tpu.wait_indirect_dma semaphore(%arg16 : memref<!tpu.dma_semaphore, #tpu.memory_space<semaphore_mem>>) src(%dma_wait3A_95 : memref<10000x32xf32, #tpu.memory_space<hbm>>) dst(%arg11 : memref<1000x32xf32, #tpu.memory_space<vmem>>)
    "tpu.region"() ({
      %run_scoped3A = tpu.sem_alloc : memref<!tpu.dma_semaphore, #tpu.memory_space<semaphore_mem>>
      %dma_start3A_164 = arith.constant 0 : i32
      %dma_start3A_165 = arith.constant 0 : i32
      %dma_start3A_166 = tpu.memref_slice %arg13[%dma_start3A_164, %dma_start3A_165] : memref<10240x32xf32, #tpu.memory_space<vmem_shared>> -> memref<10240x32xf32, #tpu.memory_space<vmem_shared>>
      tpu.enqueue_indirect_dma source(%arg11 : memref<1000x32xf32, #tpu.memory_space<vmem>>) target(%dma_start3A_166 : memref<10240x32xf32, #tpu.memory_space<vmem_shared>>) offsets(%arg9 : memref<1000xi32, #tpu.memory_space<vmem>>) semaphore(%run_scoped3A : memref<!tpu.dma_semaphore, #tpu.memory_space<semaphore_mem>>) {add = true}
      %dma_wait3A_167 = arith.constant 0 : i32
      %dma_wait3A_168 = arith.constant 0 : i32
      %dma_wait3A_169 = tpu.memref_slice %arg13[%dma_wait3A_167, %dma_wait3A_168] : memref<10240x32xf32, #tpu.memory_space<vmem_shared>> -> memref<10240x32xf32, #tpu.memory_space<vmem_shared>>
      tpu.wait_indirect_dma semaphore(%run_scoped3A : memref<!tpu.dma_semaphore, #tpu.memory_space<semaphore_mem>>) src(%arg11 : memref<1000x32xf32, #tpu.memory_space<vmem>>) dst(%dma_wait3A_169 : memref<10240x32xf32, #tpu.memory_space<vmem_shared>>)
      tpu.yield
    }) : () -> ()
    %add3A_96 = arith.constant 6000 : i32
    %add3A_97 = arith.addi %add3A, %add3A_96 : i32
    %dma_start3A_98 = tpu.memref_slice %arg3[%add3A_97] : memref<320000xi32, #tpu.memory_space<hbm>> -> memref<1000xi32, #tpu.memory_space<hbm>>
    %dma_start3A_99 = tpu.memref_slice %arg3[%add3A_97] : memref<320000xi32, #tpu.memory_space<hbm>> -> memref<1000xi32, #tpu.memory_space<hbm>>
    tpu.enqueue_dma source(%dma_start3A_99 : memref<1000xi32, #tpu.memory_space<hbm>>) target(%arg7 : memref<1000xi32, #tpu.memory_space<vmem>>) target_semaphore(%arg14 : memref<!tpu.dma_semaphore, #tpu.memory_space<semaphore_mem>>)
    %dma_start3A_100 = tpu.memref_slice %arg4[%add3A_97] : memref<320000xi32, #tpu.memory_space<hbm>> -> memref<1000xi32, #tpu.memory_space<hbm>>
    %dma_start3A_101 = tpu.memref_slice %arg4[%add3A_97] : memref<320000xi32, #tpu.memory_space<hbm>> -> memref<1000xi32, #tpu.memory_space<hbm>>
    tpu.enqueue_dma source(%dma_start3A_101 : memref<1000xi32, #tpu.memory_space<hbm>>) target(%arg9 : memref<1000xi32, #tpu.memory_space<vmem>>) target_semaphore(%arg14 : memref<!tpu.dma_semaphore, #tpu.memory_space<semaphore_mem>>)
    %dma_wait3A_102 = tpu.memref_slice %arg3[%add3A_97] : memref<320000xi32, #tpu.memory_space<hbm>> -> memref<1000xi32, #tpu.memory_space<hbm>>
    %dma_wait3A_103 = tpu.memref_slice %arg3[%add3A_97] : memref<320000xi32, #tpu.memory_space<hbm>> -> memref<1000xi32, #tpu.memory_space<hbm>>
    tpu.wait_dma2 semaphore(%arg14 : memref<!tpu.dma_semaphore, #tpu.memory_space<semaphore_mem>>) src(%dma_wait3A_103 : memref<1000xi32, #tpu.memory_space<hbm>>) dst(%arg7 : memref<1000xi32, #tpu.memory_space<vmem>>)
    %dma_wait3A_104 = tpu.memref_slice %arg4[%add3A_97] : memref<320000xi32, #tpu.memory_space<hbm>> -> memref<1000xi32, #tpu.memory_space<hbm>>
    %dma_wait3A_105 = tpu.memref_slice %arg4[%add3A_97] : memref<320000xi32, #tpu.memory_space<hbm>> -> memref<1000xi32, #tpu.memory_space<hbm>>
    tpu.wait_dma2 semaphore(%arg14 : memref<!tpu.dma_semaphore, #tpu.memory_space<semaphore_mem>>) src(%dma_wait3A_105 : memref<1000xi32, #tpu.memory_space<hbm>>) dst(%arg9 : memref<1000xi32, #tpu.memory_space<vmem>>)
    %dma_start3A_106 = arith.constant 0 : i32
    %dma_start3A_107 = arith.constant 0 : i32
    %dma_start3A_108 = tpu.memref_slice %arg2[%dma_start3A_106, %dma_start3A_107] : memref<10000x32xf32, #tpu.memory_space<hbm>> -> memref<10000x32xf32, #tpu.memory_space<hbm>>
    tpu.enqueue_indirect_dma source(%dma_start3A_108 : memref<10000x32xf32, #tpu.memory_space<hbm>>) target(%arg11 : memref<1000x32xf32, #tpu.memory_space<vmem>>) offsets(%arg7 : memref<1000xi32, #tpu.memory_space<vmem>>) semaphore(%arg16 : memref<!tpu.dma_semaphore, #tpu.memory_space<semaphore_mem>>)
    %dma_wait3A_109 = arith.constant 0 : i32
    %dma_wait3A_110 = arith.constant 0 : i32
    %dma_wait3A_111 = tpu.memref_slice %arg2[%dma_wait3A_109, %dma_wait3A_110] : memref<10000x32xf32, #tpu.memory_space<hbm>> -> memref<10000x32xf32, #tpu.memory_space<hbm>>
    tpu.wait_indirect_dma semaphore(%arg17 : memref<!tpu.dma_semaphore, #tpu.memory_space<semaphore_mem>>) src(%dma_wait3A_111 : memref<10000x32xf32, #tpu.memory_space<hbm>>) dst(%arg12 : memref<1000x32xf32, #tpu.memory_space<vmem>>)
    "tpu.region"() ({
      %run_scoped3A = tpu.sem_alloc : memref<!tpu.dma_semaphore, #tpu.memory_space<semaphore_mem>>
      %dma_start3A_164 = arith.constant 0 : i32
      %dma_start3A_165 = arith.constant 0 : i32
      %dma_start3A_166 = tpu.memref_slice %arg13[%dma_start3A_164, %dma_start3A_165] : memref<10240x32xf32, #tpu.memory_space<vmem_shared>> -> memref<10240x32xf32, #tpu.memory_space<vmem_shared>>
      tpu.enqueue_indirect_dma source(%arg12 : memref<1000x32xf32, #tpu.memory_space<vmem>>) target(%dma_start3A_166 : memref<10240x32xf32, #tpu.memory_space<vmem_shared>>) offsets(%arg10 : memref<1000xi32, #tpu.memory_space<vmem>>) semaphore(%run_scoped3A : memref<!tpu.dma_semaphore, #tpu.memory_space<semaphore_mem>>) {add = true}
      %dma_wait3A_167 = arith.constant 0 : i32
      %dma_wait3A_168 = arith.constant 0 : i32
      %dma_wait3A_169 = tpu.memref_slice %arg13[%dma_wait3A_167, %dma_wait3A_168] : memref<10240x32xf32, #tpu.memory_space<vmem_shared>> -> memref<10240x32xf32, #tpu.memory_space<vmem_shared>>
      tpu.wait_indirect_dma semaphore(%run_scoped3A : memref<!tpu.dma_semaphore, #tpu.memory_space<semaphore_mem>>) src(%arg12 : memref<1000x32xf32, #tpu.memory_space<vmem>>) dst(%dma_wait3A_169 : memref<10240x32xf32, #tpu.memory_space<vmem_shared>>)
      tpu.yield
    }) : () -> ()
    %add3A_112 = arith.constant 7000 : i32
    %add3A_113 = arith.addi %add3A, %add3A_112 : i32
    %dma_start3A_114 = tpu.memref_slice %arg3[%add3A_113] : memref<320000xi32, #tpu.memory_space<hbm>> -> memref<1000xi32, #tpu.memory_space<hbm>>
    %dma_start3A_115 = tpu.memref_slice %arg3[%add3A_113] : memref<320000xi32, #tpu.memory_space<hbm>> -> memref<1000xi32, #tpu.memory_space<hbm>>
    tpu.enqueue_dma source(%dma_start3A_115 : memref<1000xi32, #tpu.memory_space<hbm>>) target(%arg8 : memref<1000xi32, #tpu.memory_space<vmem>>) target_semaphore(%arg15 : memref<!tpu.dma_semaphore, #tpu.memory_space<semaphore_mem>>)
    %dma_start3A_116 = tpu.memref_slice %arg4[%add3A_113] : memref<320000xi32, #tpu.memory_space<hbm>> -> memref<1000xi32, #tpu.memory_space<hbm>>
    %dma_start3A_117 = tpu.memref_slice %arg4[%add3A_113] : memref<320000xi32, #tpu.memory_space<hbm>> -> memref<1000xi32, #tpu.memory_space<hbm>>
    tpu.enqueue_dma source(%dma_start3A_117 : memref<1000xi32, #tpu.memory_space<hbm>>) target(%arg10 : memref<1000xi32, #tpu.memory_space<vmem>>) target_semaphore(%arg15 : memref<!tpu.dma_semaphore, #tpu.memory_space<semaphore_mem>>)
    %dma_wait3A_118 = tpu.memref_slice %arg3[%add3A_113] : memref<320000xi32, #tpu.memory_space<hbm>> -> memref<1000xi32, #tpu.memory_space<hbm>>
    %dma_wait3A_119 = tpu.memref_slice %arg3[%add3A_113] : memref<320000xi32, #tpu.memory_space<hbm>> -> memref<1000xi32, #tpu.memory_space<hbm>>
    tpu.wait_dma2 semaphore(%arg15 : memref<!tpu.dma_semaphore, #tpu.memory_space<semaphore_mem>>) src(%dma_wait3A_119 : memref<1000xi32, #tpu.memory_space<hbm>>) dst(%arg8 : memref<1000xi32, #tpu.memory_space<vmem>>)
    %dma_wait3A_120 = tpu.memref_slice %arg4[%add3A_113] : memref<320000xi32, #tpu.memory_space<hbm>> -> memref<1000xi32, #tpu.memory_space<hbm>>
    %dma_wait3A_121 = tpu.memref_slice %arg4[%add3A_113] : memref<320000xi32, #tpu.memory_space<hbm>> -> memref<1000xi32, #tpu.memory_space<hbm>>
    tpu.wait_dma2 semaphore(%arg15 : memref<!tpu.dma_semaphore, #tpu.memory_space<semaphore_mem>>) src(%dma_wait3A_121 : memref<1000xi32, #tpu.memory_space<hbm>>) dst(%arg10 : memref<1000xi32, #tpu.memory_space<vmem>>)
    %dma_start3A_122 = arith.constant 0 : i32
    %dma_start3A_123 = arith.constant 0 : i32
    %dma_start3A_124 = tpu.memref_slice %arg2[%dma_start3A_122, %dma_start3A_123] : memref<10000x32xf32, #tpu.memory_space<hbm>> -> memref<10000x32xf32, #tpu.memory_space<hbm>>
    tpu.enqueue_indirect_dma source(%dma_start3A_124 : memref<10000x32xf32, #tpu.memory_space<hbm>>) target(%arg12 : memref<1000x32xf32, #tpu.memory_space<vmem>>) offsets(%arg8 : memref<1000xi32, #tpu.memory_space<vmem>>) semaphore(%arg17 : memref<!tpu.dma_semaphore, #tpu.memory_space<semaphore_mem>>)
    %dma_wait3A_125 = arith.constant 0 : i32
    %dma_wait3A_126 = arith.constant 0 : i32
    %dma_wait3A_127 = tpu.memref_slice %arg2[%dma_wait3A_125, %dma_wait3A_126] : memref<10000x32xf32, #tpu.memory_space<hbm>> -> memref<10000x32xf32, #tpu.memory_space<hbm>>
    tpu.wait_indirect_dma semaphore(%arg16 : memref<!tpu.dma_semaphore, #tpu.memory_space<semaphore_mem>>) src(%dma_wait3A_127 : memref<10000x32xf32, #tpu.memory_space<hbm>>) dst(%arg11 : memref<1000x32xf32, #tpu.memory_space<vmem>>)
    "tpu.region"() ({
      %run_scoped3A = tpu.sem_alloc : memref<!tpu.dma_semaphore, #tpu.memory_space<semaphore_mem>>
      %dma_start3A_164 = arith.constant 0 : i32
      %dma_start3A_165 = arith.constant 0 : i32
      %dma_start3A_166 = tpu.memref_slice %arg13[%dma_start3A_164, %dma_start3A_165] : memref<10240x32xf32, #tpu.memory_space<vmem_shared>> -> memref<10240x32xf32, #tpu.memory_space<vmem_shared>>
      tpu.enqueue_indirect_dma source(%arg11 : memref<1000x32xf32, #tpu.memory_space<vmem>>) target(%dma_start3A_166 : memref<10240x32xf32, #tpu.memory_space<vmem_shared>>) offsets(%arg9 : memref<1000xi32, #tpu.memory_space<vmem>>) semaphore(%run_scoped3A : memref<!tpu.dma_semaphore, #tpu.memory_space<semaphore_mem>>) {add = true}
      %dma_wait3A_167 = arith.constant 0 : i32
      %dma_wait3A_168 = arith.constant 0 : i32
      %dma_wait3A_169 = tpu.memref_slice %arg13[%dma_wait3A_167, %dma_wait3A_168] : memref<10240x32xf32, #tpu.memory_space<vmem_shared>> -> memref<10240x32xf32, #tpu.memory_space<vmem_shared>>
      tpu.wait_indirect_dma semaphore(%run_scoped3A : memref<!tpu.dma_semaphore, #tpu.memory_space<semaphore_mem>>) src(%arg11 : memref<1000x32xf32, #tpu.memory_space<vmem>>) dst(%dma_wait3A_169 : memref<10240x32xf32, #tpu.memory_space<vmem_shared>>)
      tpu.yield
    }) : () -> ()
    %add3A_128 = arith.constant 8000 : i32
    %add3A_129 = arith.addi %add3A, %add3A_128 : i32
    %dma_start3A_130 = tpu.memref_slice %arg3[%add3A_129] : memref<320000xi32, #tpu.memory_space<hbm>> -> memref<1000xi32, #tpu.memory_space<hbm>>
    %dma_start3A_131 = tpu.memref_slice %arg3[%add3A_129] : memref<320000xi32, #tpu.memory_space<hbm>> -> memref<1000xi32, #tpu.memory_space<hbm>>
    tpu.enqueue_dma source(%dma_start3A_131 : memref<1000xi32, #tpu.memory_space<hbm>>) target(%arg7 : memref<1000xi32, #tpu.memory_space<vmem>>) target_semaphore(%arg14 : memref<!tpu.dma_semaphore, #tpu.memory_space<semaphore_mem>>)
    %dma_start3A_132 = tpu.memref_slice %arg4[%add3A_129] : memref<320000xi32, #tpu.memory_space<hbm>> -> memref<1000xi32, #tpu.memory_space<hbm>>
    %dma_start3A_133 = tpu.memref_slice %arg4[%add3A_129] : memref<320000xi32, #tpu.memory_space<hbm>> -> memref<1000xi32, #tpu.memory_space<hbm>>
    tpu.enqueue_dma source(%dma_start3A_133 : memref<1000xi32, #tpu.memory_space<hbm>>) target(%arg9 : memref<1000xi32, #tpu.memory_space<vmem>>) target_semaphore(%arg14 : memref<!tpu.dma_semaphore, #tpu.memory_space<semaphore_mem>>)
    %dma_wait3A_134 = tpu.memref_slice %arg3[%add3A_129] : memref<320000xi32, #tpu.memory_space<hbm>> -> memref<1000xi32, #tpu.memory_space<hbm>>
    %dma_wait3A_135 = tpu.memref_slice %arg3[%add3A_129] : memref<320000xi32, #tpu.memory_space<hbm>> -> memref<1000xi32, #tpu.memory_space<hbm>>
    tpu.wait_dma2 semaphore(%arg14 : memref<!tpu.dma_semaphore, #tpu.memory_space<semaphore_mem>>) src(%dma_wait3A_135 : memref<1000xi32, #tpu.memory_space<hbm>>) dst(%arg7 : memref<1000xi32, #tpu.memory_space<vmem>>)
    %dma_wait3A_136 = tpu.memref_slice %arg4[%add3A_129] : memref<320000xi32, #tpu.memory_space<hbm>> -> memref<1000xi32, #tpu.memory_space<hbm>>
    %dma_wait3A_137 = tpu.memref_slice %arg4[%add3A_129] : memref<320000xi32, #tpu.memory_space<hbm>> -> memref<1000xi32, #tpu.memory_space<hbm>>
    tpu.wait_dma2 semaphore(%arg14 : memref<!tpu.dma_semaphore, #tpu.memory_space<semaphore_mem>>) src(%dma_wait3A_137 : memref<1000xi32, #tpu.memory_space<hbm>>) dst(%arg9 : memref<1000xi32, #tpu.memory_space<vmem>>)
    %dma_start3A_138 = arith.constant 0 : i32
    %dma_start3A_139 = arith.constant 0 : i32
    %dma_start3A_140 = tpu.memref_slice %arg2[%dma_start3A_138, %dma_start3A_139] : memref<10000x32xf32, #tpu.memory_space<hbm>> -> memref<10000x32xf32, #tpu.memory_space<hbm>>
    tpu.enqueue_indirect_dma source(%dma_start3A_140 : memref<10000x32xf32, #tpu.memory_space<hbm>>) target(%arg11 : memref<1000x32xf32, #tpu.memory_space<vmem>>) offsets(%arg7 : memref<1000xi32, #tpu.memory_space<vmem>>) semaphore(%arg16 : memref<!tpu.dma_semaphore, #tpu.memory_space<semaphore_mem>>)
    %dma_wait3A_141 = arith.constant 0 : i32
    %dma_wait3A_142 = arith.constant 0 : i32
    %dma_wait3A_143 = tpu.memref_slice %arg2[%dma_wait3A_141, %dma_wait3A_142] : memref<10000x32xf32, #tpu.memory_space<hbm>> -> memref<10000x32xf32, #tpu.memory_space<hbm>>
    tpu.wait_indirect_dma semaphore(%arg17 : memref<!tpu.dma_semaphore, #tpu.memory_space<semaphore_mem>>) src(%dma_wait3A_143 : memref<10000x32xf32, #tpu.memory_space<hbm>>) dst(%arg12 : memref<1000x32xf32, #tpu.memory_space<vmem>>)
    "tpu.region"() ({
      %run_scoped3A = tpu.sem_alloc : memref<!tpu.dma_semaphore, #tpu.memory_space<semaphore_mem>>
      %dma_start3A_164 = arith.constant 0 : i32
      %dma_start3A_165 = arith.constant 0 : i32
      %dma_start3A_166 = tpu.memref_slice %arg13[%dma_start3A_164, %dma_start3A_165] : memref<10240x32xf32, #tpu.memory_space<vmem_shared>> -> memref<10240x32xf32, #tpu.memory_space<vmem_shared>>
      tpu.enqueue_indirect_dma source(%arg12 : memref<1000x32xf32, #tpu.memory_space<vmem>>) target(%dma_start3A_166 : memref<10240x32xf32, #tpu.memory_space<vmem_shared>>) offsets(%arg10 : memref<1000xi32, #tpu.memory_space<vmem>>) semaphore(%run_scoped3A : memref<!tpu.dma_semaphore, #tpu.memory_space<semaphore_mem>>) {add = true}
      %dma_wait3A_167 = arith.constant 0 : i32
      %dma_wait3A_168 = arith.constant 0 : i32
      %dma_wait3A_169 = tpu.memref_slice %arg13[%dma_wait3A_167, %dma_wait3A_168] : memref<10240x32xf32, #tpu.memory_space<vmem_shared>> -> memref<10240x32xf32, #tpu.memory_space<vmem_shared>>
      tpu.wait_indirect_dma semaphore(%run_scoped3A : memref<!tpu.dma_semaphore, #tpu.memory_space<semaphore_mem>>) src(%arg12 : memref<1000x32xf32, #tpu.memory_space<vmem>>) dst(%dma_wait3A_169 : memref<10240x32xf32, #tpu.memory_space<vmem_shared>>)
      tpu.yield
    }) : () -> ()
    %add3A_144 = arith.constant 9000 : i32
    %add3A_145 = arith.addi %add3A, %add3A_144 : i32
    %dma_start3A_146 = tpu.memref_slice %arg3[%add3A_145] : memref<320000xi32, #tpu.memory_space<hbm>> -> memref<1000xi32, #tpu.memory_space<hbm>>
    %dma_start3A_147 = tpu.memref_slice %arg3[%add3A_145] : memref<320000xi32, #tpu.memory_space<hbm>> -> memref<1000xi32, #tpu.memory_space<hbm>>
    tpu.enqueue_dma source(%dma_start3A_147 : memref<1000xi32, #tpu.memory_space<hbm>>) target(%arg8 : memref<1000xi32, #tpu.memory_space<vmem>>) target_semaphore(%arg15 : memref<!tpu.dma_semaphore, #tpu.memory_space<semaphore_mem>>)
    %dma_start3A_148 = tpu.memref_slice %arg4[%add3A_145] : memref<320000xi32, #tpu.memory_space<hbm>> -> memref<1000xi32, #tpu.memory_space<hbm>>
    %dma_start3A_149 = tpu.memref_slice %arg4[%add3A_145] : memref<320000xi32, #tpu.memory_space<hbm>> -> memref<1000xi32, #tpu.memory_space<hbm>>
    tpu.enqueue_dma source(%dma_start3A_149 : memref<1000xi32, #tpu.memory_space<hbm>>) target(%arg10 : memref<1000xi32, #tpu.memory_space<vmem>>) target_semaphore(%arg15 : memref<!tpu.dma_semaphore, #tpu.memory_space<semaphore_mem>>)
    %dma_wait3A_150 = tpu.memref_slice %arg3[%add3A_145] : memref<320000xi32, #tpu.memory_space<hbm>> -> memref<1000xi32, #tpu.memory_space<hbm>>
    %dma_wait3A_151 = tpu.memref_slice %arg3[%add3A_145] : memref<320000xi32, #tpu.memory_space<hbm>> -> memref<1000xi32, #tpu.memory_space<hbm>>
    tpu.wait_dma2 semaphore(%arg15 : memref<!tpu.dma_semaphore, #tpu.memory_space<semaphore_mem>>) src(%dma_wait3A_151 : memref<1000xi32, #tpu.memory_space<hbm>>) dst(%arg8 : memref<1000xi32, #tpu.memory_space<vmem>>)
    %dma_wait3A_152 = tpu.memref_slice %arg4[%add3A_145] : memref<320000xi32, #tpu.memory_space<hbm>> -> memref<1000xi32, #tpu.memory_space<hbm>>
    %dma_wait3A_153 = tpu.memref_slice %arg4[%add3A_145] : memref<320000xi32, #tpu.memory_space<hbm>> -> memref<1000xi32, #tpu.memory_space<hbm>>
    tpu.wait_dma2 semaphore(%arg15 : memref<!tpu.dma_semaphore, #tpu.memory_space<semaphore_mem>>) src(%dma_wait3A_153 : memref<1000xi32, #tpu.memory_space<hbm>>) dst(%arg10 : memref<1000xi32, #tpu.memory_space<vmem>>)
    %dma_start3A_154 = arith.constant 0 : i32
    %dma_start3A_155 = arith.constant 0 : i32
    %dma_start3A_156 = tpu.memref_slice %arg2[%dma_start3A_154, %dma_start3A_155] : memref<10000x32xf32, #tpu.memory_space<hbm>> -> memref<10000x32xf32, #tpu.memory_space<hbm>>
    tpu.enqueue_indirect_dma source(%dma_start3A_156 : memref<10000x32xf32, #tpu.memory_space<hbm>>) target(%arg12 : memref<1000x32xf32, #tpu.memory_space<vmem>>) offsets(%arg8 : memref<1000xi32, #tpu.memory_space<vmem>>) semaphore(%arg17 : memref<!tpu.dma_semaphore, #tpu.memory_space<semaphore_mem>>)
    %dma_wait3A_157 = arith.constant 0 : i32
    %dma_wait3A_158 = arith.constant 0 : i32
    %dma_wait3A_159 = tpu.memref_slice %arg2[%dma_wait3A_157, %dma_wait3A_158] : memref<10000x32xf32, #tpu.memory_space<hbm>> -> memref<10000x32xf32, #tpu.memory_space<hbm>>
    tpu.wait_indirect_dma semaphore(%arg16 : memref<!tpu.dma_semaphore, #tpu.memory_space<semaphore_mem>>) src(%dma_wait3A_159 : memref<10000x32xf32, #tpu.memory_space<hbm>>) dst(%arg11 : memref<1000x32xf32, #tpu.memory_space<vmem>>)
    "tpu.region"() ({
      %run_scoped3A = tpu.sem_alloc : memref<!tpu.dma_semaphore, #tpu.memory_space<semaphore_mem>>
      %dma_start3A_164 = arith.constant 0 : i32
      %dma_start3A_165 = arith.constant 0 : i32
      %dma_start3A_166 = tpu.memref_slice %arg13[%dma_start3A_164, %dma_start3A_165] : memref<10240x32xf32, #tpu.memory_space<vmem_shared>> -> memref<10240x32xf32, #tpu.memory_space<vmem_shared>>
      tpu.enqueue_indirect_dma source(%arg11 : memref<1000x32xf32, #tpu.memory_space<vmem>>) target(%dma_start3A_166 : memref<10240x32xf32, #tpu.memory_space<vmem_shared>>) offsets(%arg9 : memref<1000xi32, #tpu.memory_space<vmem>>) semaphore(%run_scoped3A : memref<!tpu.dma_semaphore, #tpu.memory_space<semaphore_mem>>) {add = true}
      %dma_wait3A_167 = arith.constant 0 : i32
      %dma_wait3A_168 = arith.constant 0 : i32
      %dma_wait3A_169 = tpu.memref_slice %arg13[%dma_wait3A_167, %dma_wait3A_168] : memref<10240x32xf32, #tpu.memory_space<vmem_shared>> -> memref<10240x32xf32, #tpu.memory_space<vmem_shared>>
      tpu.wait_indirect_dma semaphore(%run_scoped3A : memref<!tpu.dma_semaphore, #tpu.memory_space<semaphore_mem>>) src(%arg11 : memref<1000x32xf32, #tpu.memory_space<vmem>>) dst(%dma_wait3A_169 : memref<10240x32xf32, #tpu.memory_space<vmem_shared>>)
      tpu.yield
    }) : () -> ()
    %dma_wait3A_160 = arith.constant 0 : i32
    %dma_wait3A_161 = arith.constant 0 : i32
    %dma_wait3A_162 = tpu.memref_slice %arg2[%dma_wait3A_160, %dma_wait3A_161] : memref<10000x32xf32, #tpu.memory_space<hbm>> -> memref<10000x32xf32, #tpu.memory_space<hbm>>
    tpu.wait_indirect_dma semaphore(%arg17 : memref<!tpu.dma_semaphore, #tpu.memory_space<semaphore_mem>>) src(%dma_wait3A_162 : memref<10000x32xf32, #tpu.memory_space<hbm>>) dst(%arg12 : memref<1000x32xf32, #tpu.memory_space<vmem>>)
    "tpu.region"() ({
      %run_scoped3A = tpu.sem_alloc : memref<!tpu.dma_semaphore, #tpu.memory_space<semaphore_mem>>
      %dma_start3A_164 = arith.constant 0 : i32
      %dma_start3A_165 = arith.constant 0 : i32
      %dma_start3A_166 = tpu.memref_slice %arg13[%dma_start3A_164, %dma_start3A_165] : memref<10240x32xf32, #tpu.memory_space<vmem_shared>> -> memref<10240x32xf32, #tpu.memory_space<vmem_shared>>
      tpu.enqueue_indirect_dma source(%arg12 : memref<1000x32xf32, #tpu.memory_space<vmem>>) target(%dma_start3A_166 : memref<10240x32xf32, #tpu.memory_space<vmem_shared>>) offsets(%arg10 : memref<1000xi32, #tpu.memory_space<vmem>>) semaphore(%run_scoped3A : memref<!tpu.dma_semaphore, #tpu.memory_space<semaphore_mem>>) {add = true}
      %dma_wait3A_167 = arith.constant 0 : i32
      %dma_wait3A_168 = arith.constant 0 : i32
      %dma_wait3A_169 = tpu.memref_slice %arg13[%dma_wait3A_167, %dma_wait3A_168] : memref<10240x32xf32, #tpu.memory_space<vmem_shared>> -> memref<10240x32xf32, #tpu.memory_space<vmem_shared>>
      tpu.wait_indirect_dma semaphore(%run_scoped3A : memref<!tpu.dma_semaphore, #tpu.memory_space<semaphore_mem>>) src(%arg12 : memref<1000x32xf32, #tpu.memory_space<vmem>>) dst(%dma_wait3A_169 : memref<10240x32xf32, #tpu.memory_space<vmem_shared>>)
      tpu.yield
    }) : () -> ()
    %barrier3A_163 = arith.constant 0 : index
    tpu.barrier barrier_id(%barrier3A_163)
    "tpu.region"() ({
      %run_scoped3A = tpu.sem_alloc : memref<!tpu.dma_semaphore, #tpu.memory_space<semaphore_mem>>
      %dma_start3A_164 = arith.constant 0 : i32
      %dma_start3A_165 = arith.constant 0 : i32
      %dma_start3A_166 = tpu.memref_slice %arg6[%arg0, %dma_start3A_164, %dma_start3A_165] : memref<2x10240x32xf32, #tpu.memory_space<hbm>> -> memref<1x10240x32xf32, #tpu.memory_space<hbm>>
      %dma_start3A_167 = tpu.memref_squeeze %dma_start3A_166 : memref<1x10240x32xf32, #tpu.memory_space<hbm>> -> memref<10240x32xf32, #tpu.memory_space<hbm>>
      %dma_start3A_168 = arith.constant 0 : i32
      %dma_start3A_169 = tpu.memref_slice %dma_start3A_167[%mul3A_0, %dma_start3A_168] : memref<10240x32xf32, #tpu.memory_space<hbm>> -> memref<640x32xf32, #tpu.memory_space<hbm>>
      %dma_start3A_170 = arith.constant 0 : i32
      %dma_start3A_171 = tpu.memref_slice %arg13[%mul3A_0, %dma_start3A_170] : memref<10240x32xf32, #tpu.memory_space<vmem_shared>> -> memref<640x32xf32, #tpu.memory_space<vmem_shared>>
      tpu.enqueue_dma source(%dma_start3A_171 : memref<640x32xf32, #tpu.memory_space<vmem_shared>>) target(%dma_start3A_169 : memref<640x32xf32, #tpu.memory_space<hbm>>) target_semaphore(%run_scoped3A : memref<!tpu.dma_semaphore, #tpu.memory_space<semaphore_mem>>)
      %dma_wait3A_172 = arith.constant 0 : i32
      %dma_wait3A_173 = arith.constant 0 : i32
      %dma_wait3A_174 = tpu.memref_slice %arg6[%arg0, %dma_wait3A_172, %dma_wait3A_173] : memref<2x10240x32xf32, #tpu.memory_space<hbm>> -> memref<1x10240x32xf32, #tpu.memory_space<hbm>>
      %dma_wait3A_175 = tpu.memref_squeeze %dma_wait3A_174 : memref<1x10240x32xf32, #tpu.memory_space<hbm>> -> memref<10240x32xf32, #tpu.memory_space<hbm>>
      %dma_wait3A_176 = arith.constant 0 : i32
      %dma_wait3A_177 = tpu.memref_slice %dma_wait3A_175[%mul3A_0, %dma_wait3A_176] : memref<10240x32xf32, #tpu.memory_space<hbm>> -> memref<640x32xf32, #tpu.memory_space<hbm>>
      %dma_wait3A_178 = arith.constant 0 : i32
      %dma_wait3A_179 = tpu.memref_slice %arg13[%mul3A_0, %dma_wait3A_178] : memref<10240x32xf32, #tpu.memory_space<vmem_shared>> -> memref<640x32xf32, #tpu.memory_space<vmem_shared>>
      tpu.wait_dma2 semaphore(%run_scoped3A : memref<!tpu.dma_semaphore, #tpu.memory_space<semaphore_mem>>) src(%dma_wait3A_179 : memref<640x32xf32, #tpu.memory_space<vmem_shared>>) dst(%dma_wait3A_177 : memref<640x32xf32, #tpu.memory_space<hbm>>)
      tpu.yield
    }) : () -> ()
    return
  }
}

#map = affine_map<(d0, d1) -> (0)>
#map1 = affine_map<(d0, d1) -> (0, 0)>
#map2 = affine_map<(d0, d1) -> (0, 0, 0)>
module attributes {stable_mosaic.version = 14 : i64} {
  func.func @k(%arg0: i32, %arg1: i32, %arg2: memref<320000xi32, #tpu.memory_space<hbm>>, %arg3: memref<10240x1xf32, #tpu.memory_space<hbm>>, %arg4: memref<2000x1xf32, #tpu.memory_space<hbm>>, %arg5: memref<2x10240x1xf32, #tpu.memory_space<hbm>>, %arg6: memref<2000xi32, #tpu.memory_space<vmem>>, %arg7: memref<2000xi32, #tpu.memory_space<vmem>>, %arg8: memref<2000x1xf32, #tpu.memory_space<vmem>>, %arg9: memref<10240x1xf32, #tpu.memory_space<vmem_shared>>, %arg10: memref<!tpu.dma_semaphore, #tpu.memory_space<semaphore_mem>>, %arg11: memref<!tpu.dma_semaphore, #tpu.memory_space<semaphore_mem>>) attributes {dimension_semantics = [#tpu.dimension_semantics<core_parallel>, #tpu.dimension_semantics<subcore_parallel>], iteration_bounds = array<i64: 2, 16>, scalar_prefetch = 0 : i64, scratch_operands = 6 : i64, tpu.core_type = #tpu.core_type<sc_vector_subcore>, window_params = [{transform_indices = #map}, {transform_indices = #map1}, {transform_indices = #map1}, {transform_indices = #map2}]} {
    %mul3A = arith.constant 640 : i32
    %mul3A_0 = arith.muli %arg1, %mul3A : i32
    %mul3A_1 = arith.constant 16 : i32
    %mul3A_2 = arith.muli %arg0, %mul3A_1 : i32
    %add3A = arith.addi %mul3A_2, %arg1 : i32
    %mul3A_3 = arith.constant 10000 : i32
    %mul3A_4 = arith.muli %add3A, %mul3A_3 : i32
    %add3A_5 = arith.constant 0 : i32
    %add3A_6 = arith.addi %mul3A_4, %add3A_5 : i32
    %dma_start3A = tpu.memref_slice %arg2[%add3A_6] : memref<320000xi32, #tpu.memory_space<hbm>> -> memref<2000xi32, #tpu.memory_space<hbm>>
    %dma_start3A_7 = tpu.memref_slice %arg2[%add3A_6] : memref<320000xi32, #tpu.memory_space<hbm>> -> memref<2000xi32, #tpu.memory_space<hbm>>
    tpu.enqueue_dma source(%dma_start3A_7 : memref<2000xi32, #tpu.memory_space<hbm>>) target(%arg6 : memref<2000xi32, #tpu.memory_space<vmem>>) target_semaphore(%arg10 : memref<!tpu.dma_semaphore, #tpu.memory_space<semaphore_mem>>)
    %add3A_8 = arith.constant 2000 : i32
    %add3A_9 = arith.addi %mul3A_4, %add3A_8 : i32
    %dma_start3A_10 = tpu.memref_slice %arg2[%add3A_9] : memref<320000xi32, #tpu.memory_space<hbm>> -> memref<2000xi32, #tpu.memory_space<hbm>>
    %dma_start3A_11 = tpu.memref_slice %arg2[%add3A_9] : memref<320000xi32, #tpu.memory_space<hbm>> -> memref<2000xi32, #tpu.memory_space<hbm>>
    tpu.enqueue_dma source(%dma_start3A_11 : memref<2000xi32, #tpu.memory_space<hbm>>) target(%arg7 : memref<2000xi32, #tpu.memory_space<vmem>>) target_semaphore(%arg11 : memref<!tpu.dma_semaphore, #tpu.memory_space<semaphore_mem>>)
    "tpu.region"() ({
      %run_scoped3A = tpu.sem_alloc : memref<!tpu.dma_semaphore, #tpu.memory_space<semaphore_mem>>
      %dma_start3A_34 = arith.constant 0 : i32
      %dma_start3A_35 = tpu.memref_slice %arg9[%mul3A_0, %dma_start3A_34] : memref<10240x1xf32, #tpu.memory_space<vmem_shared>> -> memref<640x1xf32, #tpu.memory_space<vmem_shared>>
      %dma_start3A_36 = arith.constant 0 : i32
      %dma_start3A_37 = tpu.memref_slice %arg3[%mul3A_0, %dma_start3A_36] : memref<10240x1xf32, #tpu.memory_space<hbm>> -> memref<640x1xf32, #tpu.memory_space<hbm>>
      tpu.enqueue_dma source(%dma_start3A_37 : memref<640x1xf32, #tpu.memory_space<hbm>>) target(%dma_start3A_35 : memref<640x1xf32, #tpu.memory_space<vmem_shared>>) target_semaphore(%run_scoped3A : memref<!tpu.dma_semaphore, #tpu.memory_space<semaphore_mem>>)
      %dma_wait3A_38 = arith.constant 0 : i32
      %dma_wait3A_39 = tpu.memref_slice %arg9[%mul3A_0, %dma_wait3A_38] : memref<10240x1xf32, #tpu.memory_space<vmem_shared>> -> memref<640x1xf32, #tpu.memory_space<vmem_shared>>
      %dma_wait3A_40 = arith.constant 0 : i32
      %dma_wait3A_41 = tpu.memref_slice %arg3[%mul3A_0, %dma_wait3A_40] : memref<10240x1xf32, #tpu.memory_space<hbm>> -> memref<640x1xf32, #tpu.memory_space<hbm>>
      tpu.wait_dma2 semaphore(%run_scoped3A : memref<!tpu.dma_semaphore, #tpu.memory_space<semaphore_mem>>) src(%dma_wait3A_41 : memref<640x1xf32, #tpu.memory_space<hbm>>) dst(%dma_wait3A_39 : memref<640x1xf32, #tpu.memory_space<vmem_shared>>)
      tpu.yield
    }) : () -> ()
    "tpu.region"() ({
      %run_scoped3A = tpu.sem_alloc : memref<!tpu.dma_semaphore, #tpu.memory_space<semaphore_mem>>
      tpu.enqueue_dma source(%arg4 : memref<2000x1xf32, #tpu.memory_space<hbm>>) target(%arg8 : memref<2000x1xf32, #tpu.memory_space<vmem>>) target_semaphore(%run_scoped3A : memref<!tpu.dma_semaphore, #tpu.memory_space<semaphore_mem>>)
      tpu.wait_dma2 semaphore(%run_scoped3A : memref<!tpu.dma_semaphore, #tpu.memory_space<semaphore_mem>>) src(%arg4 : memref<2000x1xf32, #tpu.memory_space<hbm>>) dst(%arg8 : memref<2000x1xf32, #tpu.memory_space<vmem>>)
      tpu.yield
    }) : () -> ()
    %barrier3A = arith.constant 0 : index
    tpu.barrier barrier_id(%barrier3A)
    %dma_wait3A = tpu.memref_slice %arg2[%add3A_6] : memref<320000xi32, #tpu.memory_space<hbm>> -> memref<2000xi32, #tpu.memory_space<hbm>>
    %dma_wait3A_12 = tpu.memref_slice %arg2[%add3A_6] : memref<320000xi32, #tpu.memory_space<hbm>> -> memref<2000xi32, #tpu.memory_space<hbm>>
    tpu.wait_dma2 semaphore(%arg10 : memref<!tpu.dma_semaphore, #tpu.memory_space<semaphore_mem>>) src(%dma_wait3A_12 : memref<2000xi32, #tpu.memory_space<hbm>>) dst(%arg6 : memref<2000xi32, #tpu.memory_space<vmem>>)
    "tpu.region"() ({
      %run_scoped3A = tpu.sem_alloc : memref<!tpu.dma_semaphore, #tpu.memory_space<semaphore_mem>>
      %dma_start3A_34 = arith.constant 0 : i32
      %dma_start3A_35 = arith.constant 0 : i32
      %dma_start3A_36 = tpu.memref_slice %arg9[%dma_start3A_34, %dma_start3A_35] : memref<10240x1xf32, #tpu.memory_space<vmem_shared>> -> memref<10240x1xf32, #tpu.memory_space<vmem_shared>>
      tpu.enqueue_indirect_dma source(%arg8 : memref<2000x1xf32, #tpu.memory_space<vmem>>) target(%dma_start3A_36 : memref<10240x1xf32, #tpu.memory_space<vmem_shared>>) offsets(%arg6 : memref<2000xi32, #tpu.memory_space<vmem>>) semaphore(%run_scoped3A : memref<!tpu.dma_semaphore, #tpu.memory_space<semaphore_mem>>) {add = true}
      %dma_wait3A_37 = arith.constant 0 : i32
      %dma_wait3A_38 = arith.constant 0 : i32
      %dma_wait3A_39 = tpu.memref_slice %arg9[%dma_wait3A_37, %dma_wait3A_38] : memref<10240x1xf32, #tpu.memory_space<vmem_shared>> -> memref<10240x1xf32, #tpu.memory_space<vmem_shared>>
      tpu.wait_indirect_dma semaphore(%run_scoped3A : memref<!tpu.dma_semaphore, #tpu.memory_space<semaphore_mem>>) src(%arg8 : memref<2000x1xf32, #tpu.memory_space<vmem>>) dst(%dma_wait3A_39 : memref<10240x1xf32, #tpu.memory_space<vmem_shared>>)
      tpu.yield
    }) : () -> ()
    %add3A_13 = arith.constant 4000 : i32
    %add3A_14 = arith.addi %mul3A_4, %add3A_13 : i32
    %dma_start3A_15 = tpu.memref_slice %arg2[%add3A_14] : memref<320000xi32, #tpu.memory_space<hbm>> -> memref<2000xi32, #tpu.memory_space<hbm>>
    %dma_start3A_16 = tpu.memref_slice %arg2[%add3A_14] : memref<320000xi32, #tpu.memory_space<hbm>> -> memref<2000xi32, #tpu.memory_space<hbm>>
    tpu.enqueue_dma source(%dma_start3A_16 : memref<2000xi32, #tpu.memory_space<hbm>>) target(%arg6 : memref<2000xi32, #tpu.memory_space<vmem>>) target_semaphore(%arg10 : memref<!tpu.dma_semaphore, #tpu.memory_space<semaphore_mem>>)
    %dma_wait3A_17 = tpu.memref_slice %arg2[%add3A_9] : memref<320000xi32, #tpu.memory_space<hbm>> -> memref<2000xi32, #tpu.memory_space<hbm>>
    %dma_wait3A_18 = tpu.memref_slice %arg2[%add3A_9] : memref<320000xi32, #tpu.memory_space<hbm>> -> memref<2000xi32, #tpu.memory_space<hbm>>
    tpu.wait_dma2 semaphore(%arg11 : memref<!tpu.dma_semaphore, #tpu.memory_space<semaphore_mem>>) src(%dma_wait3A_18 : memref<2000xi32, #tpu.memory_space<hbm>>) dst(%arg7 : memref<2000xi32, #tpu.memory_space<vmem>>)
    "tpu.region"() ({
      %run_scoped3A = tpu.sem_alloc : memref<!tpu.dma_semaphore, #tpu.memory_space<semaphore_mem>>
      %dma_start3A_34 = arith.constant 0 : i32
      %dma_start3A_35 = arith.constant 0 : i32
      %dma_start3A_36 = tpu.memref_slice %arg9[%dma_start3A_34, %dma_start3A_35] : memref<10240x1xf32, #tpu.memory_space<vmem_shared>> -> memref<10240x1xf32, #tpu.memory_space<vmem_shared>>
      tpu.enqueue_indirect_dma source(%arg8 : memref<2000x1xf32, #tpu.memory_space<vmem>>) target(%dma_start3A_36 : memref<10240x1xf32, #tpu.memory_space<vmem_shared>>) offsets(%arg7 : memref<2000xi32, #tpu.memory_space<vmem>>) semaphore(%run_scoped3A : memref<!tpu.dma_semaphore, #tpu.memory_space<semaphore_mem>>) {add = true}
      %dma_wait3A_37 = arith.constant 0 : i32
      %dma_wait3A_38 = arith.constant 0 : i32
      %dma_wait3A_39 = tpu.memref_slice %arg9[%dma_wait3A_37, %dma_wait3A_38] : memref<10240x1xf32, #tpu.memory_space<vmem_shared>> -> memref<10240x1xf32, #tpu.memory_space<vmem_shared>>
      tpu.wait_indirect_dma semaphore(%run_scoped3A : memref<!tpu.dma_semaphore, #tpu.memory_space<semaphore_mem>>) src(%arg8 : memref<2000x1xf32, #tpu.memory_space<vmem>>) dst(%dma_wait3A_39 : memref<10240x1xf32, #tpu.memory_space<vmem_shared>>)
      tpu.yield
    }) : () -> ()
    %add3A_19 = arith.constant 6000 : i32
    %add3A_20 = arith.addi %mul3A_4, %add3A_19 : i32
    %dma_start3A_21 = tpu.memref_slice %arg2[%add3A_20] : memref<320000xi32, #tpu.memory_space<hbm>> -> memref<2000xi32, #tpu.memory_space<hbm>>
    %dma_start3A_22 = tpu.memref_slice %arg2[%add3A_20] : memref<320000xi32, #tpu.memory_space<hbm>> -> memref<2000xi32, #tpu.memory_space<hbm>>
    tpu.enqueue_dma source(%dma_start3A_22 : memref<2000xi32, #tpu.memory_space<hbm>>) target(%arg7 : memref<2000xi32, #tpu.memory_space<vmem>>) target_semaphore(%arg11 : memref<!tpu.dma_semaphore, #tpu.memory_space<semaphore_mem>>)
    %dma_wait3A_23 = tpu.memref_slice %arg2[%add3A_14] : memref<320000xi32, #tpu.memory_space<hbm>> -> memref<2000xi32, #tpu.memory_space<hbm>>
    %dma_wait3A_24 = tpu.memref_slice %arg2[%add3A_14] : memref<320000xi32, #tpu.memory_space<hbm>> -> memref<2000xi32, #tpu.memory_space<hbm>>
    tpu.wait_dma2 semaphore(%arg10 : memref<!tpu.dma_semaphore, #tpu.memory_space<semaphore_mem>>) src(%dma_wait3A_24 : memref<2000xi32, #tpu.memory_space<hbm>>) dst(%arg6 : memref<2000xi32, #tpu.memory_space<vmem>>)
    "tpu.region"() ({
      %run_scoped3A = tpu.sem_alloc : memref<!tpu.dma_semaphore, #tpu.memory_space<semaphore_mem>>
      %dma_start3A_34 = arith.constant 0 : i32
      %dma_start3A_35 = arith.constant 0 : i32
      %dma_start3A_36 = tpu.memref_slice %arg9[%dma_start3A_34, %dma_start3A_35] : memref<10240x1xf32, #tpu.memory_space<vmem_shared>> -> memref<10240x1xf32, #tpu.memory_space<vmem_shared>>
      tpu.enqueue_indirect_dma source(%arg8 : memref<2000x1xf32, #tpu.memory_space<vmem>>) target(%dma_start3A_36 : memref<10240x1xf32, #tpu.memory_space<vmem_shared>>) offsets(%arg6 : memref<2000xi32, #tpu.memory_space<vmem>>) semaphore(%run_scoped3A : memref<!tpu.dma_semaphore, #tpu.memory_space<semaphore_mem>>) {add = true}
      %dma_wait3A_37 = arith.constant 0 : i32
      %dma_wait3A_38 = arith.constant 0 : i32
      %dma_wait3A_39 = tpu.memref_slice %arg9[%dma_wait3A_37, %dma_wait3A_38] : memref<10240x1xf32, #tpu.memory_space<vmem_shared>> -> memref<10240x1xf32, #tpu.memory_space<vmem_shared>>
      tpu.wait_indirect_dma semaphore(%run_scoped3A : memref<!tpu.dma_semaphore, #tpu.memory_space<semaphore_mem>>) src(%arg8 : memref<2000x1xf32, #tpu.memory_space<vmem>>) dst(%dma_wait3A_39 : memref<10240x1xf32, #tpu.memory_space<vmem_shared>>)
      tpu.yield
    }) : () -> ()
    %add3A_25 = arith.constant 8000 : i32
    %add3A_26 = arith.addi %mul3A_4, %add3A_25 : i32
    %dma_start3A_27 = tpu.memref_slice %arg2[%add3A_26] : memref<320000xi32, #tpu.memory_space<hbm>> -> memref<2000xi32, #tpu.memory_space<hbm>>
    %dma_start3A_28 = tpu.memref_slice %arg2[%add3A_26] : memref<320000xi32, #tpu.memory_space<hbm>> -> memref<2000xi32, #tpu.memory_space<hbm>>
    tpu.enqueue_dma source(%dma_start3A_28 : memref<2000xi32, #tpu.memory_space<hbm>>) target(%arg6 : memref<2000xi32, #tpu.memory_space<vmem>>) target_semaphore(%arg10 : memref<!tpu.dma_semaphore, #tpu.memory_space<semaphore_mem>>)
    %dma_wait3A_29 = tpu.memref_slice %arg2[%add3A_20] : memref<320000xi32, #tpu.memory_space<hbm>> -> memref<2000xi32, #tpu.memory_space<hbm>>
    %dma_wait3A_30 = tpu.memref_slice %arg2[%add3A_20] : memref<320000xi32, #tpu.memory_space<hbm>> -> memref<2000xi32, #tpu.memory_space<hbm>>
    tpu.wait_dma2 semaphore(%arg11 : memref<!tpu.dma_semaphore, #tpu.memory_space<semaphore_mem>>) src(%dma_wait3A_30 : memref<2000xi32, #tpu.memory_space<hbm>>) dst(%arg7 : memref<2000xi32, #tpu.memory_space<vmem>>)
    "tpu.region"() ({
      %run_scoped3A = tpu.sem_alloc : memref<!tpu.dma_semaphore, #tpu.memory_space<semaphore_mem>>
      %dma_start3A_34 = arith.constant 0 : i32
      %dma_start3A_35 = arith.constant 0 : i32
      %dma_start3A_36 = tpu.memref_slice %arg9[%dma_start3A_34, %dma_start3A_35] : memref<10240x1xf32, #tpu.memory_space<vmem_shared>> -> memref<10240x1xf32, #tpu.memory_space<vmem_shared>>
      tpu.enqueue_indirect_dma source(%arg8 : memref<2000x1xf32, #tpu.memory_space<vmem>>) target(%dma_start3A_36 : memref<10240x1xf32, #tpu.memory_space<vmem_shared>>) offsets(%arg7 : memref<2000xi32, #tpu.memory_space<vmem>>) semaphore(%run_scoped3A : memref<!tpu.dma_semaphore, #tpu.memory_space<semaphore_mem>>) {add = true}
      %dma_wait3A_37 = arith.constant 0 : i32
      %dma_wait3A_38 = arith.constant 0 : i32
      %dma_wait3A_39 = tpu.memref_slice %arg9[%dma_wait3A_37, %dma_wait3A_38] : memref<10240x1xf32, #tpu.memory_space<vmem_shared>> -> memref<10240x1xf32, #tpu.memory_space<vmem_shared>>
      tpu.wait_indirect_dma semaphore(%run_scoped3A : memref<!tpu.dma_semaphore, #tpu.memory_space<semaphore_mem>>) src(%arg8 : memref<2000x1xf32, #tpu.memory_space<vmem>>) dst(%dma_wait3A_39 : memref<10240x1xf32, #tpu.memory_space<vmem_shared>>)
      tpu.yield
    }) : () -> ()
    %dma_wait3A_31 = tpu.memref_slice %arg2[%add3A_26] : memref<320000xi32, #tpu.memory_space<hbm>> -> memref<2000xi32, #tpu.memory_space<hbm>>
    %dma_wait3A_32 = tpu.memref_slice %arg2[%add3A_26] : memref<320000xi32, #tpu.memory_space<hbm>> -> memref<2000xi32, #tpu.memory_space<hbm>>
    tpu.wait_dma2 semaphore(%arg10 : memref<!tpu.dma_semaphore, #tpu.memory_space<semaphore_mem>>) src(%dma_wait3A_32 : memref<2000xi32, #tpu.memory_space<hbm>>) dst(%arg6 : memref<2000xi32, #tpu.memory_space<vmem>>)
    "tpu.region"() ({
      %run_scoped3A = tpu.sem_alloc : memref<!tpu.dma_semaphore, #tpu.memory_space<semaphore_mem>>
      %dma_start3A_34 = arith.constant 0 : i32
      %dma_start3A_35 = arith.constant 0 : i32
      %dma_start3A_36 = tpu.memref_slice %arg9[%dma_start3A_34, %dma_start3A_35] : memref<10240x1xf32, #tpu.memory_space<vmem_shared>> -> memref<10240x1xf32, #tpu.memory_space<vmem_shared>>
      tpu.enqueue_indirect_dma source(%arg8 : memref<2000x1xf32, #tpu.memory_space<vmem>>) target(%dma_start3A_36 : memref<10240x1xf32, #tpu.memory_space<vmem_shared>>) offsets(%arg6 : memref<2000xi32, #tpu.memory_space<vmem>>) semaphore(%run_scoped3A : memref<!tpu.dma_semaphore, #tpu.memory_space<semaphore_mem>>) {add = true}
      %dma_wait3A_37 = arith.constant 0 : i32
      %dma_wait3A_38 = arith.constant 0 : i32
      %dma_wait3A_39 = tpu.memref_slice %arg9[%dma_wait3A_37, %dma_wait3A_38] : memref<10240x1xf32, #tpu.memory_space<vmem_shared>> -> memref<10240x1xf32, #tpu.memory_space<vmem_shared>>
      tpu.wait_indirect_dma semaphore(%run_scoped3A : memref<!tpu.dma_semaphore, #tpu.memory_space<semaphore_mem>>) src(%arg8 : memref<2000x1xf32, #tpu.memory_space<vmem>>) dst(%dma_wait3A_39 : memref<10240x1xf32, #tpu.memory_space<vmem_shared>>)
      tpu.yield
    }) : () -> ()
    %barrier3A_33 = arith.constant 0 : index
    tpu.barrier barrier_id(%barrier3A_33)
    "tpu.region"() ({
      %run_scoped3A = tpu.sem_alloc : memref<!tpu.dma_semaphore, #tpu.memory_space<semaphore_mem>>
      %dma_start3A_34 = arith.constant 0 : i32
      %dma_start3A_35 = arith.constant 0 : i32
      %dma_start3A_36 = tpu.memref_slice %arg5[%arg0, %dma_start3A_34, %dma_start3A_35] : memref<2x10240x1xf32, #tpu.memory_space<hbm>> -> memref<1x10240x1xf32, #tpu.memory_space<hbm>>
      %dma_start3A_37 = tpu.memref_squeeze %dma_start3A_36 : memref<1x10240x1xf32, #tpu.memory_space<hbm>> -> memref<10240x1xf32, #tpu.memory_space<hbm>>
      %dma_start3A_38 = arith.constant 0 : i32
      %dma_start3A_39 = tpu.memref_slice %dma_start3A_37[%mul3A_0, %dma_start3A_38] : memref<10240x1xf32, #tpu.memory_space<hbm>> -> memref<640x1xf32, #tpu.memory_space<hbm>>
      %dma_start3A_40 = arith.constant 0 : i32
      %dma_start3A_41 = tpu.memref_slice %arg9[%mul3A_0, %dma_start3A_40] : memref<10240x1xf32, #tpu.memory_space<vmem_shared>> -> memref<640x1xf32, #tpu.memory_space<vmem_shared>>
      tpu.enqueue_dma source(%dma_start3A_41 : memref<640x1xf32, #tpu.memory_space<vmem_shared>>) target(%dma_start3A_39 : memref<640x1xf32, #tpu.memory_space<hbm>>) target_semaphore(%run_scoped3A : memref<!tpu.dma_semaphore, #tpu.memory_space<semaphore_mem>>)
      %dma_wait3A_42 = arith.constant 0 : i32
      %dma_wait3A_43 = arith.constant 0 : i32
      %dma_wait3A_44 = tpu.memref_slice %arg5[%arg0, %dma_wait3A_42, %dma_wait3A_43] : memref<2x10240x1xf32, #tpu.memory_space<hbm>> -> memref<1x10240x1xf32, #tpu.memory_space<hbm>>
      %dma_wait3A_45 = tpu.memref_squeeze %dma_wait3A_44 : memref<1x10240x1xf32, #tpu.memory_space<hbm>> -> memref<10240x1xf32, #tpu.memory_space<hbm>>
      %dma_wait3A_46 = arith.constant 0 : i32
      %dma_wait3A_47 = tpu.memref_slice %dma_wait3A_45[%mul3A_0, %dma_wait3A_46] : memref<10240x1xf32, #tpu.memory_space<hbm>> -> memref<640x1xf32, #tpu.memory_space<hbm>>
      %dma_wait3A_48 = arith.constant 0 : i32
      %dma_wait3A_49 = tpu.memref_slice %arg9[%mul3A_0, %dma_wait3A_48] : memref<10240x1xf32, #tpu.memory_space<vmem_shared>> -> memref<640x1xf32, #tpu.memory_space<vmem_shared>>
      tpu.wait_dma2 semaphore(%run_scoped3A : memref<!tpu.dma_semaphore, #tpu.memory_space<semaphore_mem>>) src(%dma_wait3A_49 : memref<640x1xf32, #tpu.memory_space<vmem_shared>>) dst(%dma_wait3A_47 : memref<640x1xf32, #tpu.memory_space<hbm>>)
      tpu.yield
    }) : () -> ()
    return
  }
}

module attributes {stable_mosaic.version = 14 : i64} {
  func.func @body(%arg0: i32, %arg1: memref<400x6526xf32, #tpu.memory_space<vmem>>, %arg2: memref<6526x32xf32, #tpu.memory_space<vmem>>, %arg3: memref<1x400x1xf32, #tpu.memory_space<vmem>>, %arg4: memref<1x400x1xf32, #tpu.memory_space<vmem>>, %arg5: memref<400x32xf32, #tpu.memory_space<vmem>>) attributes {dimension_semantics = [#tpu.dimension_semantics<arbitrary>], iteration_bounds = array<i64: 25>, scalar_prefetch = 0 : i64, scratch_operands = 0 : i64, tpu.core_type = #tpu.core_type<tc>, window_params = [{transform_indices = @transform_0, window_bounds = array<i64: 400, 6526>}, {pipeline_mode = #tpu.pipeline_mode<synchronous>, transform_indices = @transform_1, window_bounds = array<i64: 6526, 32>}, {transform_indices = @transform_2, window_bounds = array<i64: 1, 400, 1>}, {transform_indices = @transform_3, window_bounds = array<i64: 1, 400, 1>}, {transform_indices = @transform_4, window_bounds = array<i64: 400, 32>}]} {
    %get3A = arith.constant 0 : index
    %get3A_0 = arith.constant 0 : index
    %get3A_1 = arith.constant 0 : index
    %get3A_2 = vector.load %arg3[%get3A, %get3A_0, %get3A_1] : memref<1x400x1xf32, #tpu.memory_space<vmem>>, vector<1x400x1xf32>
    %get3A_3 = vector.shape_cast %get3A_2 : vector<1x400x1xf32> to vector<400x1xf32>
    %add3A = arith.constant 1.000000e+00 : f32
    %add3A_4 = vector.broadcast %add3A : f32 to vector<400x1xf32>
    %add3A_5 = arith.addf %add3A_4, %get3A_3 : vector<400x1xf32>
    %get3A_6 = arith.constant 0 : index
    %get3A_7 = arith.constant 0 : index
    %get3A_8 = arith.constant 0 : index
    %get3A_9 = vector.load %arg4[%get3A_6, %get3A_7, %get3A_8] : memref<1x400x1xf32, #tpu.memory_space<vmem>>, vector<1x400x1xf32>
    %get3A_10 = vector.shape_cast %get3A_9 : vector<1x400x1xf32> to vector<400x1xf32>
    %add3A_11 = arith.addf %add3A_5, %get3A_10 : vector<400x1xf32>
    %rsqrt3A = math.rsqrt %add3A_11 : vector<400x1xf32>
    %get3A_12 = arith.constant 0 : index
    %get3A_13 = arith.constant 0 : index
    %get3A_14 = vector.load %arg1[%get3A_12, %get3A_13] : memref<400x6526xf32, #tpu.memory_space<vmem>>, vector<400x6526xf32>
    %get3A_15 = arith.constant 0 : index
    %get3A_16 = arith.constant 0 : index
    %get3A_17 = vector.load %arg2[%get3A_15, %get3A_16] : memref<6526x32xf32, #tpu.memory_space<vmem>>, vector<6526x32xf32>
    %dot_general3A = arith.constant dense<0.000000e+00> : vector<400x32xf32>
    %dot_general3A_18 = tpu.matmul %get3A_14, %get3A_17, %dot_general3A {dimension_numbers = #tpu.dot_dimension_numbers<[1], [0], [0], [1], [0, 0, 1, 1], [], []>, transpose_lhs_hint = false} : vector<400x6526xf32>, vector<6526x32xf32>, vector<400x32xf32> -> vector<400x32xf32>
    %mul3A = vector.broadcast %rsqrt3A : vector<400x1xf32> to vector<400x32xf32>
    %mul3A_19 = arith.mulf %dot_general3A_18, %mul3A : vector<400x32xf32>
    %swap3A = arith.constant 0 : index
    %swap3A_20 = arith.constant 0 : index
    %swap3A_21 = vector.load %arg5[%swap3A, %swap3A_20] : memref<400x32xf32, #tpu.memory_space<vmem>>, vector<400x32xf32>
    tpu.vector_store %arg5[%swap3A, %swap3A_20], %mul3A_19 {strides = array<i32>} : memref<400x32xf32, #tpu.memory_space<vmem>>, vector<400x32xf32>,
    return
  }
  func.func @transform_0(%arg0: i32) -> (i32, i32) {
    %c0_i32 = arith.constant 0 : i32
    %c0_i32_0 = arith.constant 0 : i32
    return %arg0, %c0_i32 : i32, i32
  }
  func.func @transform_1(%arg0: i32) -> (i32, i32) {
    %c0_i32 = arith.constant 0 : i32
    %c0_i32_0 = arith.constant 0 : i32
    %c0_i32_1 = arith.constant 0 : i32
    return %c0_i32, %c0_i32_0 : i32, i32
  }
  func.func @transform_2(%arg0: i32) -> (i32, i32, i32) {
    %c0_i32 = arith.constant 0 : i32
    %c0_i32_0 = arith.constant 0 : i32
    %c0_i32_1 = arith.constant 0 : i32
    return %c0_i32, %arg0, %c0_i32_0 : i32, i32, i32
  }
  func.func @transform_3(%arg0: i32) -> (i32, i32, i32) {
    %c1_i32 = arith.constant 1 : i32
    %c0_i32 = arith.constant 0 : i32
    %c0_i32_0 = arith.constant 0 : i32
    return %c1_i32, %arg0, %c0_i32 : i32, i32, i32
  }
  func.func @transform_4(%arg0: i32) -> (i32, i32) {
    %c0_i32 = arith.constant 0 : i32
    %c0_i32_0 = arith.constant 0 : i32
    return %arg0, %c0_i32 : i32, i32
  }
}

module attributes {stable_mosaic.version = 14 : i64} {
  func.func @body(%arg0: i32, %arg1: memref<1x400x32xf32, #tpu.memory_space<vmem>>, %arg2: memref<1x400x32xf32, #tpu.memory_space<vmem>>, %arg3: memref<400x32xf32, #tpu.memory_space<vmem>>, %arg4: memref<1x400x1xf32, #tpu.memory_space<vmem>>, %arg5: memref<1x400x1xf32, #tpu.memory_space<vmem>>, %arg6: memref<32xf32, #tpu.memory_space<vmem>>, %arg7: memref<32x16xf32, #tpu.memory_space<vmem>>, %arg8: memref<400x16xf32, #tpu.memory_space<vmem>>) attributes {dimension_semantics = [#tpu.dimension_semantics<arbitrary>], iteration_bounds = array<i64: 25>, scalar_prefetch = 0 : i64, scratch_operands = 0 : i64, tpu.core_type = #tpu.core_type<tc>, window_params = [{transform_indices = @transform_0, window_bounds = array<i64: 1, 400, 32>}, {transform_indices = @transform_1, window_bounds = array<i64: 1, 400, 32>}, {transform_indices = @transform_2, window_bounds = array<i64: 400, 32>}, {transform_indices = @transform_3, window_bounds = array<i64: 1, 400, 1>}, {transform_indices = @transform_4, window_bounds = array<i64: 1, 400, 1>}, {pipeline_mode = #tpu.pipeline_mode<synchronous>, transform_indices = @transform_5, window_bounds = array<i64: 32>}, {pipeline_mode = #tpu.pipeline_mode<synchronous>, transform_indices = @transform_6, window_bounds = array<i64: 32, 16>}, {transform_indices = @transform_7, window_bounds = array<i64: 400, 16>}]} {
    %get3A = arith.constant 0 : index
    %get3A_0 = arith.constant 0 : index
    %get3A_1 = arith.constant 0 : index
    %get3A_2 = vector.load %arg4[%get3A, %get3A_0, %get3A_1] : memref<1x400x1xf32, #tpu.memory_space<vmem>>, vector<1x400x1xf32>
    %get3A_3 = vector.shape_cast %get3A_2 : vector<1x400x1xf32> to vector<400x1xf32>
    %add3A = arith.constant 1.000000e+00 : f32
    %add3A_4 = vector.broadcast %add3A : f32 to vector<400x1xf32>
    %add3A_5 = arith.addf %add3A_4, %get3A_3 : vector<400x1xf32>
    %get3A_6 = arith.constant 0 : index
    %get3A_7 = arith.constant 0 : index
    %get3A_8 = arith.constant 0 : index
    %get3A_9 = vector.load %arg5[%get3A_6, %get3A_7, %get3A_8] : memref<1x400x1xf32, #tpu.memory_space<vmem>>, vector<1x400x1xf32>
    %get3A_10 = vector.shape_cast %get3A_9 : vector<1x400x1xf32> to vector<400x1xf32>
    %add3A_11 = arith.addf %add3A_5, %get3A_10 : vector<400x1xf32>
    %rsqrt3A = math.rsqrt %add3A_11 : vector<400x1xf32>
    %get3A_12 = arith.constant 0 : index
    %get3A_13 = arith.constant 0 : index
    %get3A_14 = vector.load %arg3[%get3A_12, %get3A_13] : memref<400x32xf32, #tpu.memory_space<vmem>>, vector<400x32xf32>
    %get3A_15 = arith.constant 0 : index
    %get3A_16 = arith.constant 0 : index
    %get3A_17 = arith.constant 0 : index
    %get3A_18 = vector.load %arg1[%get3A_15, %get3A_16, %get3A_17] : memref<1x400x32xf32, #tpu.memory_space<vmem>>, vector<1x400x32xf32>
    %get3A_19 = vector.shape_cast %get3A_18 : vector<1x400x32xf32> to vector<400x32xf32>
    %add3A_20 = arith.addf %get3A_14, %get3A_19 : vector<400x32xf32>
    %get3A_21 = arith.constant 0 : index
    %get3A_22 = arith.constant 0 : index
    %get3A_23 = arith.constant 0 : index
    %get3A_24 = vector.load %arg2[%get3A_21, %get3A_22, %get3A_23] : memref<1x400x32xf32, #tpu.memory_space<vmem>>, vector<1x400x32xf32>
    %get3A_25 = vector.shape_cast %get3A_24 : vector<1x400x32xf32> to vector<400x32xf32>
    %add3A_26 = arith.addf %add3A_20, %get3A_25 : vector<400x32xf32>
    %mul3A = vector.broadcast %rsqrt3A : vector<400x1xf32> to vector<400x32xf32>
    %mul3A_27 = arith.mulf %add3A_26, %mul3A : vector<400x32xf32>
    %get3A_28 = arith.constant 0 : index
    %get3A_29 = vector.load %arg6[%get3A_28] : memref<32xf32, #tpu.memory_space<vmem>>, vector<32xf32>
    %broadcast_in_dim3A = vector.shape_cast %get3A_29 : vector<32xf32> to vector<1x32xf32>
    %add3A_30 = vector.broadcast %broadcast_in_dim3A : vector<1x32xf32> to vector<400x32xf32>
    %add3A_31 = arith.addf %mul3A_27, %add3A_30 : vector<400x32xf32>
    %max3A = arith.constant 0.000000e+00 : f32
    %max3A_32 = vector.broadcast %max3A : f32 to vector<400x32xf32>
    %max3A_33 = arith.maximumf %add3A_31, %max3A_32 : vector<400x32xf32>
    %get3A_34 = arith.constant 0 : index
    %get3A_35 = arith.constant 0 : index
    %get3A_36 = vector.load %arg7[%get3A_34, %get3A_35] : memref<32x16xf32, #tpu.memory_space<vmem>>, vector<32x16xf32>
    %dot_general3A = arith.constant dense<0.000000e+00> : vector<400x16xf32>
    %dot_general3A_37 = tpu.matmul %max3A_33, %get3A_36, %dot_general3A {dimension_numbers = #tpu.dot_dimension_numbers<[1], [0], [0], [1], [0, 0, 1, 1], [], []>, transpose_lhs_hint = false} : vector<400x32xf32>, vector<32x16xf32>, vector<400x16xf32> -> vector<400x16xf32>
    %mul3A_38 = vector.broadcast %rsqrt3A : vector<400x1xf32> to vector<400x16xf32>
    %mul3A_39 = arith.mulf %dot_general3A_37, %mul3A_38 : vector<400x16xf32>
    %swap3A = arith.constant 0 : index
    %swap3A_40 = arith.constant 0 : index
    %swap3A_41 = vector.load %arg8[%swap3A, %swap3A_40] : memref<400x16xf32, #tpu.memory_space<vmem>>, vector<400x16xf32>
    tpu.vector_store %arg8[%swap3A, %swap3A_40], %mul3A_39 {strides = array<i32>} : memref<400x16xf32, #tpu.memory_space<vmem>>, vector<400x16xf32>,
    return
  }
  func.func @transform_0(%arg0: i32) -> (i32, i32, i32) {
    %c0_i32 = arith.constant 0 : i32
    %c0_i32_0 = arith.constant 0 : i32
    %c0_i32_1 = arith.constant 0 : i32
    return %c0_i32, %arg0, %c0_i32_0 : i32, i32, i32
  }
  func.func @transform_1(%arg0: i32) -> (i32, i32, i32) {
    %c1_i32 = arith.constant 1 : i32
    %c0_i32 = arith.constant 0 : i32
    %c0_i32_0 = arith.constant 0 : i32
    return %c1_i32, %arg0, %c0_i32 : i32, i32, i32
  }
  func.func @transform_2(%arg0: i32) -> (i32, i32) {
    %c0_i32 = arith.constant 0 : i32
    %c0_i32_0 = arith.constant 0 : i32
    return %arg0, %c0_i32 : i32, i32
  }
  func.func @transform_3(%arg0: i32) -> (i32, i32, i32) {
    %c0_i32 = arith.constant 0 : i32
    %c0_i32_0 = arith.constant 0 : i32
    %c0_i32_1 = arith.constant 0 : i32
    return %c0_i32, %arg0, %c0_i32_0 : i32, i32, i32
  }
  func.func @transform_4(%arg0: i32) -> (i32, i32, i32) {
    %c1_i32 = arith.constant 1 : i32
    %c0_i32 = arith.constant 0 : i32
    %c0_i32_0 = arith.constant 0 : i32
    return %c1_i32, %arg0, %c0_i32 : i32, i32, i32
  }
  func.func @transform_5(%arg0: i32) -> i32 {
    %c0_i32 = arith.constant 0 : i32
    %c0_i32_0 = arith.constant 0 : i32
    return %c0_i32 : i32
  }
  func.func @transform_6(%arg0: i32) -> (i32, i32) {
    %c0_i32 = arith.constant 0 : i32
    %c0_i32_0 = arith.constant 0 : i32
    %c0_i32_1 = arith.constant 0 : i32
    return %c0_i32, %c0_i32_0 : i32, i32
  }
  func.func @transform_7(%arg0: i32) -> (i32, i32) {
    %c0_i32 = arith.constant 0 : i32
    %c0_i32_0 = arith.constant 0 : i32
    return %arg0, %c0_i32 : i32, i32
  }
}

module attributes {stable_mosaic.version = 14 : i64} {
  func.func @body(%arg0: i32, %arg1: memref<1x1000x16xf32, #tpu.memory_space<vmem>>, %arg2: memref<1x1000x16xf32, #tpu.memory_space<vmem>>, %arg3: memref<1000x16xf32, #tpu.memory_space<vmem>>, %arg4: memref<1x1000x1xf32, #tpu.memory_space<vmem>>, %arg5: memref<1x1000x1xf32, #tpu.memory_space<vmem>>, %arg6: memref<16xf32, #tpu.memory_space<vmem>>, %arg7: memref<1000x16xf32, #tpu.memory_space<vmem>>) attributes {dimension_semantics = [#tpu.dimension_semantics<arbitrary>], iteration_bounds = array<i64: 10>, scalar_prefetch = 0 : i64, scratch_operands = 0 : i64, tpu.core_type = #tpu.core_type<tc>, window_params = [{transform_indices = @transform_0, window_bounds = array<i64: 1, 1000, 16>}, {transform_indices = @transform_1, window_bounds = array<i64: 1, 1000, 16>}, {transform_indices = @transform_2, window_bounds = array<i64: 1000, 16>}, {transform_indices = @transform_3, window_bounds = array<i64: 1, 1000, 1>}, {transform_indices = @transform_4, window_bounds = array<i64: 1, 1000, 1>}, {pipeline_mode = #tpu.pipeline_mode<synchronous>, transform_indices = @transform_5, window_bounds = array<i64: 16>}, {transform_indices = @transform_6, window_bounds = array<i64: 1000, 16>}]} {
    %get3A = arith.constant 0 : index
    %get3A_0 = arith.constant 0 : index
    %get3A_1 = arith.constant 0 : index
    %get3A_2 = vector.load %arg4[%get3A, %get3A_0, %get3A_1] : memref<1x1000x1xf32, #tpu.memory_space<vmem>>, vector<1x1000x1xf32>
    %get3A_3 = vector.shape_cast %get3A_2 : vector<1x1000x1xf32> to vector<1000x1xf32>
    %add3A = arith.constant 1.000000e+00 : f32
    %add3A_4 = vector.broadcast %add3A : f32 to vector<1000x1xf32>
    %add3A_5 = arith.addf %add3A_4, %get3A_3 : vector<1000x1xf32>
    %get3A_6 = arith.constant 0 : index
    %get3A_7 = arith.constant 0 : index
    %get3A_8 = arith.constant 0 : index
    %get3A_9 = vector.load %arg5[%get3A_6, %get3A_7, %get3A_8] : memref<1x1000x1xf32, #tpu.memory_space<vmem>>, vector<1x1000x1xf32>
    %get3A_10 = vector.shape_cast %get3A_9 : vector<1x1000x1xf32> to vector<1000x1xf32>
    %add3A_11 = arith.addf %add3A_5, %get3A_10 : vector<1000x1xf32>
    %rsqrt3A = math.rsqrt %add3A_11 : vector<1000x1xf32>
    %get3A_12 = arith.constant 0 : index
    %get3A_13 = arith.constant 0 : index
    %get3A_14 = vector.load %arg3[%get3A_12, %get3A_13] : memref<1000x16xf32, #tpu.memory_space<vmem>>, vector<1000x16xf32>
    %get3A_15 = arith.constant 0 : index
    %get3A_16 = arith.constant 0 : index
    %get3A_17 = arith.constant 0 : index
    %get3A_18 = vector.load %arg1[%get3A_15, %get3A_16, %get3A_17] : memref<1x1000x16xf32, #tpu.memory_space<vmem>>, vector<1x1000x16xf32>
    %get3A_19 = vector.shape_cast %get3A_18 : vector<1x1000x16xf32> to vector<1000x16xf32>
    %add3A_20 = arith.addf %get3A_14, %get3A_19 : vector<1000x16xf32>
    %get3A_21 = arith.constant 0 : index
    %get3A_22 = arith.constant 0 : index
    %get3A_23 = arith.constant 0 : index
    %get3A_24 = vector.load %arg2[%get3A_21, %get3A_22, %get3A_23] : memref<1x1000x16xf32, #tpu.memory_space<vmem>>, vector<1x1000x16xf32>
    %get3A_25 = vector.shape_cast %get3A_24 : vector<1x1000x16xf32> to vector<1000x16xf32>
    %add3A_26 = arith.addf %add3A_20, %get3A_25 : vector<1000x16xf32>
    %mul3A = vector.broadcast %rsqrt3A : vector<1000x1xf32> to vector<1000x16xf32>
    %mul3A_27 = arith.mulf %add3A_26, %mul3A : vector<1000x16xf32>
    %get3A_28 = arith.constant 0 : index
    %get3A_29 = vector.load %arg6[%get3A_28] : memref<16xf32, #tpu.memory_space<vmem>>, vector<16xf32>
    %broadcast_in_dim3A = vector.shape_cast %get3A_29 : vector<16xf32> to vector<1x16xf32>
    %add3A_30 = vector.broadcast %broadcast_in_dim3A : vector<1x16xf32> to vector<1000x16xf32>
    %add3A_31 = arith.addf %mul3A_27, %add3A_30 : vector<1000x16xf32>
    %swap3A = arith.constant 0 : index
    %swap3A_32 = arith.constant 0 : index
    %swap3A_33 = vector.load %arg7[%swap3A, %swap3A_32] : memref<1000x16xf32, #tpu.memory_space<vmem>>, vector<1000x16xf32>
    tpu.vector_store %arg7[%swap3A, %swap3A_32], %add3A_31 {strides = array<i32>} : memref<1000x16xf32, #tpu.memory_space<vmem>>, vector<1000x16xf32>,
    return
  }
  func.func @transform_0(%arg0: i32) -> (i32, i32, i32) {
    %c0_i32 = arith.constant 0 : i32
    %c0_i32_0 = arith.constant 0 : i32
    %c0_i32_1 = arith.constant 0 : i32
    return %c0_i32, %arg0, %c0_i32_0 : i32, i32, i32
  }
  func.func @transform_1(%arg0: i32) -> (i32, i32, i32) {
    %c1_i32 = arith.constant 1 : i32
    %c0_i32 = arith.constant 0 : i32
    %c0_i32_0 = arith.constant 0 : i32
    return %c1_i32, %arg0, %c0_i32 : i32, i32, i32
  }
  func.func @transform_2(%arg0: i32) -> (i32, i32) {
    %c0_i32 = arith.constant 0 : i32
    %c0_i32_0 = arith.constant 0 : i32
    return %arg0, %c0_i32 : i32, i32
  }
  func.func @transform_3(%arg0: i32) -> (i32, i32, i32) {
    %c0_i32 = arith.constant 0 : i32
    %c0_i32_0 = arith.constant 0 : i32
    %c0_i32_1 = arith.constant 0 : i32
    return %c0_i32, %arg0, %c0_i32_0 : i32, i32, i32
  }
  func.func @transform_4(%arg0: i32) -> (i32, i32, i32) {
    %c1_i32 = arith.constant 1 : i32
    %c0_i32 = arith.constant 0 : i32
    %c0_i32_0 = arith.constant 0 : i32
    return %c1_i32, %arg0, %c0_i32 : i32, i32, i32
  }
  func.func @transform_5(%arg0: i32) -> i32 {
    %c0_i32 = arith.constant 0 : i32
    %c0_i32_0 = arith.constant 0 : i32
    return %c0_i32 : i32
  }
  func.func @transform_6(%arg0: i32) -> (i32, i32) {
    %c0_i32 = arith.constant 0 : i32
    %c0_i32_0 = arith.constant 0 : i32
    return %arg0, %c0_i32 : i32, i32
  }
}

</mosaic_0001>

<sc_bundles>
// kernel: kernel.12.cloned.1.call-start
scs
__scs_entry_jumppad:
0x0: {  	(pc) =	sbr.rel $0x88, $3  }
0x1: {  	(tag) =	ssettag $0x0;
	lr =	simm.s32 $0x1  }
0x2: {  	[smem:$0x3F99] =	sst lr;
	_ =	strace $0xD0000000  }
0x3: {  	_ = 	snop  }
0x4: {  	_ = 	snop  }
0x5: {  	_ = 	snop  }
0x6: {  	_ = 	snop  }
0x7: {  	_ = 	snop  }
__scs_overlays_trampoline_lowered:
0x8: {  	[smem:$0x3FA8] =	sst s0  }
0x9: {  	[smem:$0x3FA9] =	sst s1  }
0xa: {  	[smem:$0x3FAA] =	sst s2  }
0xb: {  	[smem:$0x3FAB] =	sst s3  }
0xc: {  	[smem:$0x3FAC] =	sst s4  }
0xd: {  	[smem:$0x3FAD] =	sst s5  }
0xe: {  	[smem:$0x3FAE] =	sst s6  }
0xf: {  	[smem:$0x3FAF] =	sst s7  }
0x10: {  	[smem:$0x3FB0] =	sst s8  }
0x11: {  	[smem:$0x3FB1] =	sst s9;
	s0 =	simm.s32 @!p0 $0x0  }
0x12: {  	s1 =	sld [smem:$0x3F97];
	s0 =	simm.s32 @p0 $0x1  }
0x13: {  	[smem:$0x3FB2] =	sst s0;
	s0 =	simm.s32 @!p1 $0x0  }
0x14: {  	s2 =	sld [smem:$0x3F96];
	s0 =	simm.s32 @p1 $0x1  }
0x15: {  	[smem:$0x3FB3] =	sst s0;
	s0 =	simm.s32 @!p2 $0x0  }
0x16: {  	s3 =	sld [smem:$0x3FDB];
	s0 =	simm.s32 @p2 $0x1  }
0x17: {  	s4 =	simm.s32 $0x1BF5;
	[smem:$0x3FB5] =	sst s0  }
0x18: {  	s0 =	sld [smem:$0x3F98];
	_ =	swait.ge [sflag:s4], $0x0  }
0x19: {  	s7 =	sld [smem:$0x3F99]  }
0x1a: {  	s8 =	sadd.s32 $0xFFFFE003, lr  }
0x1b: {  	s9 =	sadd.s32 $0xFFFFFEF7, lr;
	s5 =	simm.s32 $0xFFFFFFFF;
	p2 =	slt.u32 s8, $0xFFFFF086  }
0x1c: {  	p1 =	slt.u32 s9, $0xF7A;
	s5 =	simm.s32 @!p2 $0x0  }
0x1d: {  	s5 =	simm.s32 @p1 $0x1;
	p0 =	seq.s32 s7, s2  }
0x1e: {  	s7 =	smul.u32 @!p0 $0xF7A, s2;
	p2 =	seq.s32 @!p0 s5, $0x0  }
0x1f: {  	s9 =	smul.u32 $0xF7A, s1;
	s8 =	simm.s32 @!p0 $0x1BF5;
	p2 =	por !p2, p0  }
0x20: {  	[sflag:s8] =	ssyncset.s32 @!p0 $0xFFFFF086;
	s6 =	sadd.s32 @!p0 s3, s7;
	s7 =	simm.s32 @!p0 $0x108  }
0x21: {  	s3 =	sadd.s32 s3, s9;
	s6 =	sadd.s32 @!p0 $0x88, s6;
	s7 =	simm.s32 @p2 $0x1082  }
0x22: {  	[simem:s7], [sflag:s8] =	dma.local @!p0 [hbm:s6], $0xF7A  }
0x23: {  	s9 =	sor.u32 $0xD0000000, s2;
	s6 =	simm.s32 $0x108;
	_ =	swait.ge @!p0 [sflag:s8], $0x0  }
0x24: {  	s3 =	sadd.s32 $0x88, s3;
	s6 =	simm.s32 @!p1 $0x1082;
	[sflag:s4] =	ssyncset.s32 $0xFFFFF086  }
0x25: {  	[simem:s6], [sflag:s4] =	dma.local [hbm:s3], $0xF7A  }
0x26: {  	[smem:$0x3F99] =	sst s1;
	(tag) =	ssettag s2;
	_ =	strace s9  }
0x27: {  	s1 =	sld [smem:$0x3FA9]  }
0x28: {  	s2 =	sld [smem:$0x3FAA]  }
0x29: {  	s4 =	sld [smem:$0x3FAC]  }
0x2a: {  	p0 =	seq.s32 s5, $0x0;
	s5 =	sld [smem:$0x3FAD]  }
0x2b: {  	s6 =	sld [smem:$0x3FAE]  }
0x2c: {  	s7 =	sld [smem:$0x3FAF]  }
0x2d: {  	s3 =	simm.s32 $0x108;
	s8 =	sld [smem:$0x3FB0]  }
0x2e: {  	s3 =	simm.s32 @!p0 $0x1082;
	s9 =	sld [smem:$0x3FB1]  }
0x2f: {  	lr =	sadd.s32 s0, s3;
	s0 =	sld [smem:$0x3FA8]  }
0x30: {  	s3 =	sld [smem:$0x3FAB]  }
0x31: {  	[smem:$0x3FB4] =	sst s10  }
0x32: {  	s10 =	sld [smem:$0x3FB2];
	_ =	sdelay $0x3  }
0x33: {  	p0 =	seq.s32 s10, $0x1;
	s10 =	sld [smem:$0x3FB4];
	_ =	sdelay $0x3  }
0x34: {  	[smem:$0x3FB4] =	sst s10  }
0x35: {  	s10 =	sld [smem:$0x3FB3];
	_ =	sdelay $0x3  }
0x36: {  	p1 =	seq.s32 s10, $0x1;
	s10 =	sld [smem:$0x3FB4];
	_ =	sdelay $0x3  }
0x37: {  	[smem:$0x3FB4] =	sst s10  }
0x38: {  	s10 =	sld [smem:$0x3FB5]  }
0x39: {  	_ = 	snop;
	(pc) =	sbr.ind lr, $3  }
0x3a: {  	_ = 	snop  }
0x3b: {  	_ = 	snop  }
0x3c: {  	p2 =	seq.s32 s10, $0x1;
	s10 =	sld [smem:$0x3FB4]  }
0x3d: {  	_ =	shalt  }
0x3e: {  	_ =	shalt  }
0x3f: {  	_ =	shalt  }
0x40: {  	_ =	shalt  }
0x41: {  	_ =	shalt  }
0x42: {  	_ =	shalt  }
0x43: {  	_ =	shalt  }
0x44: {  	_ =	shalt  }
0x45: {  	_ =	shalt  }
0x46: {  	_ =	shalt  }
0x47: {  	_ =	shalt  }
0x48: {  	_ =	shalt  }
0x49: {  	_ =	shalt  }
0x4a: {  	_ =	shalt  }
0x4b: {  	_ =	shalt  }
0x4c: {  	_ =	shalt  }
0x4d: {  	_ =	shalt  }
0x4e: {  	_ =	shalt  }
0x4f: {  	_ =	shalt  }
0x50: {  	_ =	shalt  }
0x51: {  	_ =	shalt  }
0x52: {  	_ =	shalt  }
0x53: {  	_ =	shalt  }
0x54: {  	_ =	shalt  }
0x55: {  	_ =	shalt  }
0x56: {  	_ =	shalt  }
0x57: {  	_ =	shalt  }
0x58: {  	_ =	shalt  }
0x59: {  	_ =	shalt  }
0x5a: {  	_ =	shalt  }
0x5b: {  	_ =	shalt  }
0x5c: {  	_ =	shalt  }
0x5d: {  	_ =	shalt  }
0x5e: {  	_ =	shalt  }
0x5f: {  	_ =	shalt  }
0x60: {  	_ =	shalt  }
0x61: {  	_ =	shalt  }
0x62: {  	_ =	shalt  }
0x63: {  	_ =	shalt  }
0x64: {  	_ =	shalt  }
0x65: {  	_ =	shalt  }
0x66: {  	_ =	shalt  }
0x67: {  	_ =	shalt  }
0x68: {  	_ =	shalt  }
0x69: {  	_ =	shalt  }
0x6a: {  	_ =	shalt  }
0x6b: {  	_ =	shalt  }
0x6c: {  	_ =	shalt  }
0x6d: {  	_ =	shalt  }
0x6e: {  	_ =	shalt  }
0x6f: {  	_ =	shalt  }
0x70: {  	_ =	shalt  }
0x71: {  	_ =	shalt  }
0x72: {  	_ =	shalt  }
0x73: {  	_ =	shalt  }
0x74: {  	_ =	shalt  }
0x75: {  	_ =	shalt  }
0x76: {  	_ =	shalt  }
0x77: {  	_ =	shalt  }
0x78: {  	_ =	shalt  }
0x79: {  	_ =	shalt  }
0x7a: {  	_ =	shalt  }
0x7b: {  	_ =	shalt  }
0x7c: {  	_ =	shalt  }
0x7d: {  	_ =	shalt  }
0x7e: {  	_ =	shalt  }
0x7f: {  	_ =	shalt  }
0x80: {  	_ =	shalt  }
0x81: {  	_ =	shalt  }
0x82: {  	_ =	shalt  }
0x83: {  	_ =	shalt  }
0x84: {  	_ =	shalt  }
0x85: {  	_ =	shalt  }
0x86: {  	_ =	shalt  }
0x87: {  	_ =	shalt  }
.Lfunc_end0:
.L_simem_size_0:
called_computation.1_lowered:
.L_overlay_start_0:
0x88: {  	s2 =	sld [smem:$0x3FD9]  }
0x89: {  	s3 =	sld [smem:$0x3FFE];
	_ =	sdelay $0x1  }
0x8a: {  	s1 =	srdreg.scid  }
0x8b: {  	s0 =	sand.u32 $0x1, s1  }
0x8c: {  	s16 =	sshll.u32 s0, $0xA;
	s2 =	sadd.s32 s3, s2  }
0x8d: {  	s2 =	sadd.s32 s2, s16  }
0x8e: {  	[smem:$0x3FC0] =	sst s2  }
0x8f: {  	_ = 	snop  }
0x90: {  	(tm) =	ssettm $0x1  }
0x91: {  	s17 =	sld [smem:$0x3FFB];
	_ =	sdelay $0x3  }
0x92: {  	_ =	strace s17  }
0x93: {  	s2 =	sld [smem:$0x3FFC];
	_ =	sdelay $0x3  }
0x94: {  	_ =	strace s2  }
0x95: {  	s2 =	sld [smem:$0x3FFD];
	_ =	sdelay $0x3  }
0x96: {  	_ =	strace s2  }
0x97: {  	_ =	strace $0x8FFFFFFF  }
0x98: {  	s18 =	sld [smem:$0x3FDB];
	_ =	sdelay $0x1  }
0x99: {  	s19 =	simm.s32 $_scs_section_size  }
0x9a: {  	s4 =	simm.s32 $_size__tile_overlayer_lowered;
	s5 =	simm.s32 $_tile_overlayer_lowered  }
0x9b: {  	s22 =	simm.s32 $0x1BFF;
	s21 =	sshll.u32 s5, $0x1;
	s2 =	sadd.s32 s19, s18  }
0x9c: {  	s6 =	simm.s32 $0x0;
	s20 =	sshll.u32 s4, $0x1;
	s4 =	sadd.s32 s21, s2  }
0x9d: {  	[timem:s6], [sflag:s22] =	dma.local [hbm:s4], s20  }
0x9e: {  	_ =	swait.ge [sflag:s22], s20  }
0x9f: {  	s3 =	ssub.s32 $0x0, s20;
	[sflag:s22] =	ssyncset.done $0x0  }
0xa0: {  	[sflag:s22] =	ssyncadd.s32 s3;
	_ =	sdelay $0x1  }
0xa1: {  	s23 =	simm.s32 $0x1B8B  }
0xa2: {  	_ =	swait.ge [sflag:s23], $0x1  }
0xa3: {  	[sflag:s23] =	ssyncset.done $0x0  }
0xa4: {  	s25 =	simm.s32 $0x1B8E;
	s24 =	sld [smem:$0x3FFE];
	[sflag:s23] =	ssyncadd.s32 $0xFFFFFFFF  }
0xa5: {  	s26 =	simm.s32 $execute0_lowered;
	[smem:$0x3FD2] =	sst s25  }
0xa6: {  	s4 =	sshll.u32 s26, $0x1;
	_ =	strace $0x80000049;
	[dreg:$0x1] =	wrdreg $0xFFFFFFFF  }
0xa7: {  	s28 =	simm.s32 $_size_execute0_lowered;
	s2 =	sadd.s32 s2, s4;
	[dreg:$0x0] =	wrdreg $0x0  }
0xa8: {  	s4 =	sshll.u32 s28, $0x1;
	[dreg:$0x2] =	wrdreg s2  }
0xa9: {  	[dreg:$0x3] =	wrdreg s4  }
0xaa: {  	[dreg:$0x4] =	wrdreg $0xC0  }
0xab: {  	_ =	task [dreg:s6], $0x5FFFF  }
0xac: {  	[dreg:$0x1] =	wrdreg $0xFFFFFFFF  }
0xad: {  	[dreg:$0x0] =	wrdreg $0x60  }
0xae: {  	[dreg:$0x2] =	wrdreg s24  }
0xaf: {  	[dreg:$0x3] =	wrdreg $0x109A00  }
0xb0: {  	[dreg:$0x4] =	wrdreg $0x9  }
0xb1: {  	_ =	task.clear_ibuf [dreg:s6], $0x5FFFF;
	_ =	strace $0x90000049  }
0xb2: {  	s29 =	simm.s32 $0x9;
	_ =	strace $0x8000004B  }
0xb3: {  	_ =	swait.ge [sflag:s29], $0x1  }
0xb4: {  	[sflag:s29] =	ssyncadd.s32 $0xFFFFFFFF  }
0xb5: {  	_ =	strace $0x9000004B  }
0xb6: {  	_ =	sfence  }
0xb7: {  	s30 =	sld [smem:$0x0];
	_ =	sdelay $0x2  }
0xb8: {  	s31 =	sshll.u32 s1, $0xD;
	s1 =	sshrl.u32 s1, $0x2  }
0xb9: {  	s3 =	sand.u32 $0x4000, s31;
	s1 =	sadd.s32 s1, s30  }
0xba: {  	s0 =	sor.u32 s3, s0;
	s1 =	sshll.u32 s1, $0x11  }
0xbb: {  	s0 =	sor.u32 s1, s0  }
0xbc: {  	s0 =	sadd.s32 $0x8F2B, s0  }
0xbd: {  	[sflag:s0] =	ssyncadd.remote.s32 $0x1  }
0xbe: {  	_ =	sfence.sel $0xFFFF  }
0xbf: {  	[dreg:$0x0] =	wrdreg $0xFFFFFFFF;
	(pc) =	sbr.abs _section_cstart, $3  }
0xc0: {  	[dreg:$0x1] =	wrdreg $0xFFFFFFFF  }
0xc1: {  	_ =	task.clear_ibuf [dreg:s6], $0x2FFFF;
	_ =	strace $0x9FFFFFFF  }
0xc2: {  	(tm) =	ssettm $0x7FFFFFFF  }
0xc3: {  	_ =	shalt  }
tec
execute0_lowered:
.L_overlay_start_1:
0x0: {  	(tag) =	ssettag $0x1  }
0x1: {  	s0 =	srdreg.scid;
	s1 =	stileid.u32  }
0x2: {  	s30 =	sand.u32 $0x1, s0;
	s4 =	smul.u32 $0x2710, s1  }
0x3: {  	s29 =	rddreg [dreg:$0x0];
	s0 =	smul.u32 $0x27100, s30  }
0x4: {  	s2 =	rddreg [dreg:$0x1];
	s3 =	simm.s32 $0x0  }
0x5: {  	[smem:$0x7FF] =	sst s3;
	s0 =	sadd.s32 s4, s0  }
0x6: {  	s26 =	sadd.s32 $0xA00, s29;
	s28 =	sadd.s32 $0xA800, s29;
	s24 =	sshrl.u32 s0, $0x3  }
0x7: {  	_ =	strace $0x8000004A;
	s5 =	sadd.s32 $0x3E8, s0;
	s31 =	sadd.s32 s26, s24  }
0x8: {  	s6 =	sadd.s32 s28, s24;
	s5 =	sshrl.u32 s5, $0x3;
	[dreg:$0x3] =	wrdreg s31  }
0x9: {  	[dreg:$0x4] =	wrdreg s6;
	s7 =	sadd.s32 s26, s5  }
0xa: {  	s11 =	sadd.s32 $0xFA, s24;
	s8 =	sadd.s32 s28, s5;
	[dreg:$0x5] =	wrdreg s7  }
0xb: {  	s13 =	sadd.s32 $0xBB8, s0;
	s12 =	sadd.s32 s26, s11;
	[dreg:$0x6] =	wrdreg s8  }
0xc: {  	s15 =	sshrl.u32 s13, $0x3;
	s14 =	sadd.s32 s28, s11;
	[dreg:$0x8] =	wrdreg s12  }
0xd: {  	s9 =	smul.u32 $0x5000, s1;
	s16 =	sadd.s32 s26, s15;
	[dreg:$0x9] =	wrdreg s14  }
0xe: {  	[dreg:$0xa] =	wrdreg s16  }
0xf: {  	s31 =	sshrl.u32 s9, $0x3;
	s17 =	sadd.s32 s28, s15;
	s18 =	rddreg [dreg:$0x3]  }
0x10: {  	s6 =	sadd.s32 s31, s29;
	[dreg:$0xb] =	wrdreg s17  }
0x11: {  	s17 =	sadd.s32 $0x1F4, s24;
	s20 =	rddreg [dreg:$0x4];
	s10 =	sadd.s32 $0x95600, s6  }
0x12: {  	[tilespmem:s3], [sflag:$0x1] =	stream.linear.gather [hbm4b:s18+s3], $0x3E8, $0x38;
	[tilespmem:$0x159A0] =	vst v63  }
0x13: {  	s19 =	sadd.s32 s26, s17;
	[dreg:$0x7] =	wrdreg s10  }
0x14: {  	s4 =	simm.s32 $0x7D0;
	s5 =	simm.s32 $0x1;
	[dreg:$0xc] =	wrdreg s19  }
0x15: {  	[tilespmem:s4], [sflag:$0x1] =	stream.linear.gather [hbm4b:s20+s3], $0x3E8, $0x38;
	[tilespmem:$0x159A0] =	vst v63  }
0x16: {  	_ =	swait.ge [sflag:s5], $0x3E8  }
0x17: {  	[sflag:s5] =	ssyncset.done $0x0  }
0x18: {  	[sflag:s5] =	ssyncadd.s32 $0xFFFFFC18  }
0x19: {  	_ =	swait.ge [sflag:s5], $0x3E8  }
0x1a: {  	s7 =	simm.s32 $0x3E8;
	[sflag:s5] =	ssyncset.done $0x0  }
0x1b: {  	s8 =	simm.s32 $0xFA0;
	s6 =	sadd.s32 $0x8B800, s29;
	[sflag:s5] =	ssyncadd.s32 $0xFFFFFC18  }
0x1c: {  	[tilespmem:s8], [sflag:$0x3] =	stream.indirect.gather [hbm4b:s6+s7], $0x20, s3, s7, $0xb8;
	[tilespmem:$0x159A0] =	vst v63  }
0x1d: {  	s11 =	sadd.s32 s9, s2;
	s9 =	simm.s32 $0xBB8;
	s10 =	rddreg [dreg:$0x5]  }
0x1e: {  	[tilespmem:s7], [sflag:$0x2] =	stream.linear.gather [hbm4b:s10+s3], $0x3E8, $0x38;
	[tilespmem:$0x159A0] =	vst v63  }
0x1f: {  	s14 =	sshll.u32 s1, $0x6;
	s11 =	sshrl.u32 s11, $0x3;
	s12 =	rddreg [dreg:$0x6]  }
0x20: {  	[tilespmem:s9], [sflag:$0x2] =	stream.linear.gather [hbm4b:s12+s3], $0x3E8, $0x38;
	[tilespmem:$0x159A0] =	vst v63  }
0x21: {  	s13 =	rddreg [dreg:$0x7];
	s10 =	simm.s32 $0x5;
	s12 =	sor.u32 $0x1C05, s14  }
0x22: {  	[spmem:s11], [sflag:s12] =	dma.local [hbm:s13], $0xA00  }
0x23: {  	_ =	swait.ge [sflag:s10], $0xA00  }
0x24: {  	[sflag:s10] =	ssyncset.done $0x0  }
0x25: {  	[sflag:s10] =	ssyncadd.s32 $0xFFFFF600  }
0x26: {  	s13 =	simm.s32 $0x2;
	[bflag:$0x0] =	sbarrier.arrive $0xFFFF  }
0x27: {  	_ =	swait.ge [sflag:s13], $0x3E8  }
0x28: {  	[sflag:s13] =	ssyncset.done $0x0  }
0x29: {  	[sflag:s13] =	ssyncadd.s32 $0xFFFFFC18  }
0x2a: {  	_ =	swait.ge [sflag:s13], $0x3E8  }
0x2b: {  	[sflag:s13] =	ssyncset.done $0x0  }
0x2c: {  	s15 =	simm.s32 $0x3;
	s14 =	simm.s32 $0x8CA0;
	[sflag:s13] =	ssyncadd.s32 $0xFFFFFC18  }
0x2d: {  	[tilespmem:s14], [sflag:$0x4] =	stream.indirect.gather [hbm4b:s6+s7], $0x20, s7, s7, $0xb8;
	[tilespmem:$0x159A0] =	vst v63  }
0x2e: {  	_ =	swait.ge [sflag:s15], $0x7D00  }
0x2f: {  	[sflag:s15] =	ssyncset.done $0x0  }
0x30: {  	[sflag:s15] =	ssyncadd.s32 $0xFFFF8300  }
0x31: {  	[spmem:s2] =	stream.indirect.scatter.add.f32 [tilespmem:s8], [sflag:$0x5], $0x20, s4, s7, $0xb8;
	[tilespmem:$0x159A0] =	vst v63  }
0x32: {  	_ =	swait.ge [sflag:s10], $0x7D00  }
0x33: {  	[sflag:s10] =	ssyncset.done $0x0  }
0x34: {  	s16 =	rddreg [dreg:$0x8];
	[sflag:s10] =	ssyncadd.s32 $0xFFFF8300  }
0x35: {  	[tilespmem:s3], [sflag:$0x1] =	stream.linear.gather [hbm4b:s16+s3], $0x3E8, $0x38;
	[tilespmem:$0x159A0] =	vst v63  }
0x36: {  	s18 =	rddreg [dreg:$0x9]  }
0x37: {  	[tilespmem:s4], [sflag:$0x1] =	stream.linear.gather [hbm4b:s18+s3], $0x3E8, $0x38;
	[tilespmem:$0x159A0] =	vst v63  }
0x38: {  	_ =	swait.ge [sflag:s5], $0x3E8  }
0x39: {  	[sflag:s5] =	ssyncset.done $0x0  }
0x3a: {  	[sflag:s5] =	ssyncadd.s32 $0xFFFFFC18  }
0x3b: {  	_ =	swait.ge [sflag:s5], $0x3E8  }
0x3c: {  	[sflag:s5] =	ssyncset.done $0x0  }
0x3d: {  	s16 =	simm.s32 $0x4;
	[sflag:s5] =	ssyncadd.s32 $0xFFFFFC18  }
0x3e: {  	[tilespmem:s8], [sflag:$0x3] =	stream.indirect.gather [hbm4b:s6+s7], $0x20, s3, s7, $0xb8;
	[tilespmem:$0x159A0] =	vst v63  }
0x3f: {  	_ =	swait.ge [sflag:s16], $0x7D00  }
0x40: {  	[sflag:s16] =	ssyncset.done $0x0  }
0x41: {  	[sflag:s16] =	ssyncadd.s32 $0xFFFF8300  }
0x42: {  	[spmem:s2] =	stream.indirect.scatter.add.f32 [tilespmem:s14], [sflag:$0x5], $0x20, s9, s7, $0xb8;
	[tilespmem:$0x159A0] =	vst v63  }
0x43: {  	_ =	swait.ge [sflag:s10], $0x7D00  }
0x44: {  	[sflag:s10] =	ssyncset.done $0x0  }
0x45: {  	s21 =	rddreg [dreg:$0xa];
	[sflag:s10] =	ssyncadd.s32 $0xFFFF8300  }
0x46: {  	[tilespmem:s7], [sflag:$0x2] =	stream.linear.gather [hbm4b:s21+s3], $0x3E8, $0x38;
	[tilespmem:$0x159A0] =	vst v63  }
0x47: {  	s19 =	rddreg [dreg:$0xb]  }
0x48: {  	[tilespmem:s9], [sflag:$0x2] =	stream.linear.gather [hbm4b:s19+s3], $0x3E8, $0x38;
	[tilespmem:$0x159A0] =	vst v63  }
0x49: {  	_ =	swait.ge [sflag:s13], $0x3E8  }
0x4a: {  	[sflag:s13] =	ssyncset.done $0x0  }
0x4b: {  	[sflag:s13] =	ssyncadd.s32 $0xFFFFFC18  }
0x4c: {  	_ =	swait.ge [sflag:s13], $0x3E8  }
0x4d: {  	[sflag:s13] =	ssyncset.done $0x0  }
0x4e: {  	[sflag:s13] =	ssyncadd.s32 $0xFFFFFC18  }
0x4f: {  	[tilespmem:s14], [sflag:$0x4] =	stream.indirect.gather [hbm4b:s6+s7], $0x20, s7, s7, $0xb8;
	[tilespmem:$0x159A0] =	vst v63  }
0x50: {  	_ =	swait.ge [sflag:s15], $0x7D00  }
0x51: {  	[sflag:s15] =	ssyncset.done $0x0  }
0x52: {  	[sflag:s15] =	ssyncadd.s32 $0xFFFF8300  }
0x53: {  	[spmem:s2] =	stream.indirect.scatter.add.f32 [tilespmem:s8], [sflag:$0x5], $0x20, s4, s7, $0xb8;
	[tilespmem:$0x159A0] =	vst v63  }
0x54: {  	_ =	swait.ge [sflag:s10], $0x7D00  }
0x55: {  	[sflag:s10] =	ssyncset.done $0x0  }
0x56: {  	s22 =	rddreg [dreg:$0xc];
	[sflag:s10] =	ssyncadd.s32 $0xFFFF8300  }
0x57: {  	[tilespmem:s3], [sflag:$0x1] =	stream.linear.gather [hbm4b:s22+s3], $0x3E8, $0x38;
	[tilespmem:$0x159A0] =	vst v63  }
0x58: {  	s17 =	sadd.s32 s28, s17  }
0x59: {  	[tilespmem:s4], [sflag:$0x1] =	stream.linear.gather [hbm4b:s17+s3], $0x3E8, $0x38;
	[tilespmem:$0x159A0] =	vst v63  }
0x5a: {  	_ =	swait.ge [sflag:s5], $0x3E8  }
0x5b: {  	[sflag:s5] =	ssyncset.done $0x0  }
0x5c: {  	[sflag:s5] =	ssyncadd.s32 $0xFFFFFC18  }
0x5d: {  	_ =	swait.ge [sflag:s5], $0x3E8  }
0x5e: {  	[sflag:s5] =	ssyncset.done $0x0  }
0x5f: {  	[sflag:s5] =	ssyncadd.s32 $0xFFFFFC18  }
0x60: {  	[tilespmem:s8], [sflag:$0x3] =	stream.indirect.gather [hbm4b:s6+s7], $0x20, s3, s7, $0xb8;
	[tilespmem:$0x159A0] =	vst v63  }
0x61: {  	_ =	swait.ge [sflag:s16], $0x7D00  }
0x62: {  	[sflag:s16] =	ssyncset.done $0x0  }
0x63: {  	[sflag:s16] =	ssyncadd.s32 $0xFFFF8300  }
0x64: {  	[spmem:s2] =	stream.indirect.scatter.add.f32 [tilespmem:s14], [sflag:$0x5], $0x20, s9, s7, $0xb8;
	[tilespmem:$0x159A0] =	vst v63  }
0x65: {  	s23 =	sadd.s32 $0x1388, s0;
	_ =	swait.ge [sflag:s10], $0x7D00  }
0x66: {  	s25 =	sshrl.u32 s23, $0x3;
	[sflag:s10] =	ssyncset.done $0x0  }
0x67: {  	s18 =	sadd.s32 s26, s25;
	[sflag:s10] =	ssyncadd.s32 $0xFFFF8300  }
0x68: {  	[tilespmem:s7], [sflag:$0x2] =	stream.linear.gather [hbm4b:s18+s3], $0x3E8, $0x38;
	[tilespmem:$0x159A0] =	vst v63  }
0x69: {  	s19 =	sadd.s32 s28, s25  }
0x6a: {  	[tilespmem:s9], [sflag:$0x2] =	stream.linear.gather [hbm4b:s19+s3], $0x3E8, $0x38;
	[tilespmem:$0x159A0] =	vst v63  }
0x6b: {  	_ =	swait.ge [sflag:s13], $0x3E8  }
0x6c: {  	[sflag:s13] =	ssyncset.done $0x0  }
0x6d: {  	[sflag:s13] =	ssyncadd.s32 $0xFFFFFC18  }
0x6e: {  	_ =	swait.ge [sflag:s13], $0x3E8  }
0x6f: {  	[sflag:s13] =	ssyncset.done $0x0  }
0x70: {  	[sflag:s13] =	ssyncadd.s32 $0xFFFFFC18  }
0x71: {  	[tilespmem:s14], [sflag:$0x4] =	stream.indirect.gather [hbm4b:s6+s7], $0x20, s7, s7, $0xb8;
	[tilespmem:$0x159A0] =	vst v63  }
0x72: {  	_ =	swait.ge [sflag:s15], $0x7D00  }
0x73: {  	[sflag:s15] =	ssyncset.done $0x0  }
0x74: {  	[sflag:s15] =	ssyncadd.s32 $0xFFFF8300  }
0x75: {  	[spmem:s2] =	stream.indirect.scatter.add.f32 [tilespmem:s8], [sflag:$0x5], $0x20, s4, s7, $0xb8;
	[tilespmem:$0x159A0] =	vst v63  }
0x76: {  	_ =	swait.ge [sflag:s10], $0x7D00  }
0x77: {  	s21 =	sadd.s32 $0x2EE, s24;
	[sflag:s10] =	ssyncset.done $0x0  }
0x78: {  	s20 =	sadd.s32 s26, s21;
	[sflag:s10] =	ssyncadd.s32 $0xFFFF8300  }
0x79: {  	[tilespmem:s3], [sflag:$0x1] =	stream.linear.gather [hbm4b:s20+s3], $0x3E8, $0x38;
	[tilespmem:$0x159A0] =	vst v63  }
0x7a: {  	s21 =	sadd.s32 s28, s21  }
0x7b: {  	[tilespmem:s4], [sflag:$0x1] =	stream.linear.gather [hbm4b:s21+s3], $0x3E8, $0x38;
	[tilespmem:$0x159A0] =	vst v63  }
0x7c: {  	_ =	swait.ge [sflag:s5], $0x3E8  }
0x7d: {  	[sflag:s5] =	ssyncset.done $0x0  }
0x7e: {  	[sflag:s5] =	ssyncadd.s32 $0xFFFFFC18  }
0x7f: {  	_ =	swait.ge [sflag:s5], $0x3E8  }
0x80: {  	[sflag:s5] =	ssyncset.done $0x0  }
0x81: {  	[sflag:s5] =	ssyncadd.s32 $0xFFFFFC18  }
0x82: {  	[tilespmem:s8], [sflag:$0x3] =	stream.indirect.gather [hbm4b:s6+s7], $0x20, s3, s7, $0xb8;
	[tilespmem:$0x159A0] =	vst v63  }
0x83: {  	_ =	swait.ge [sflag:s16], $0x7D00  }
0x84: {  	[sflag:s16] =	ssyncset.done $0x0  }
0x85: {  	[sflag:s16] =	ssyncadd.s32 $0xFFFF8300  }
0x86: {  	[spmem:s2] =	stream.indirect.scatter.add.f32 [tilespmem:s14], [sflag:$0x5], $0x20, s9, s7, $0xb8;
	[tilespmem:$0x159A0] =	vst v63  }
0x87: {  	s22 =	sadd.s32 $0x1B58, s0;
	_ =	swait.ge [sflag:s10], $0x7D00  }
0x88: {  	s23 =	sshrl.u32 s22, $0x3;
	[sflag:s10] =	ssyncset.done $0x0  }
0x89: {  	s22 =	sadd.s32 s26, s23;
	[sflag:s10] =	ssyncadd.s32 $0xFFFF8300  }
0x8a: {  	[tilespmem:s7], [sflag:$0x2] =	stream.linear.gather [hbm4b:s22+s3], $0x3E8, $0x38;
	[tilespmem:$0x159A0] =	vst v63  }
0x8b: {  	s23 =	sadd.s32 s28, s23  }
0x8c: {  	[tilespmem:s9], [sflag:$0x2] =	stream.linear.gather [hbm4b:s23+s3], $0x3E8, $0x38;
	[tilespmem:$0x159A0] =	vst v63  }
0x8d: {  	_ =	swait.ge [sflag:s13], $0x3E8  }
0x8e: {  	[sflag:s13] =	ssyncset.done $0x0  }
0x8f: {  	[sflag:s13] =	ssyncadd.s32 $0xFFFFFC18  }
0x90: {  	_ =	swait.ge [sflag:s13], $0x3E8  }
0x91: {  	[sflag:s13] =	ssyncset.done $0x0  }
0x92: {  	[sflag:s13] =	ssyncadd.s32 $0xFFFFFC18  }
0x93: {  	[tilespmem:s14], [sflag:$0x4] =	stream.indirect.gather [hbm4b:s6+s7], $0x20, s7, s7, $0xb8;
	[tilespmem:$0x159A0] =	vst v63  }
0x94: {  	_ =	swait.ge [sflag:s15], $0x7D00  }
0x95: {  	[sflag:s15] =	ssyncset.done $0x0  }
0x96: {  	[sflag:s15] =	ssyncadd.s32 $0xFFFF8300  }
0x97: {  	[spmem:s2] =	stream.indirect.scatter.add.f32 [tilespmem:s8], [sflag:$0x5], $0x20, s4, s7, $0xb8;
	[tilespmem:$0x159A0] =	vst v63  }
0x98: {  	_ =	swait.ge [sflag:s10], $0x7D00  }
0x99: {  	s25 =	sadd.s32 $0x3E8, s24;
	[sflag:s10] =	ssyncset.done $0x0  }
0x9a: {  	s24 =	sadd.s32 s26, s25;
	[sflag:s10] =	ssyncadd.s32 $0xFFFF8300  }
0x9b: {  	[tilespmem:s3], [sflag:$0x1] =	stream.linear.gather [hbm4b:s24+s3], $0x3E8, $0x38;
	[tilespmem:$0x159A0] =	vst v63  }
0x9c: {  	s25 =	sadd.s32 s28, s25  }
0x9d: {  	[tilespmem:s4], [sflag:$0x1] =	stream.linear.gather [hbm4b:s25+s3], $0x3E8, $0x38;
	[tilespmem:$0x159A0] =	vst v63  }
0x9e: {  	_ =	swait.ge [sflag:s5], $0x3E8  }
0x9f: {  	[sflag:s5] =	ssyncset.done $0x0  }
0xa0: {  	[sflag:s5] =	ssyncadd.s32 $0xFFFFFC18  }
0xa1: {  	_ =	swait.ge [sflag:s5], $0x3E8  }
0xa2: {  	[sflag:s5] =	ssyncset.done $0x0  }
0xa3: {  	[sflag:s5] =	ssyncadd.s32 $0xFFFFFC18  }
0xa4: {  	[tilespmem:s8], [sflag:$0x3] =	stream.indirect.gather [hbm4b:s6+s7], $0x20, s3, s7, $0xb8;
	[tilespmem:$0x159A0] =	vst v63  }
0xa5: {  	_ =	swait.ge [sflag:s16], $0x7D00  }
0xa6: {  	[sflag:s16] =	ssyncset.done $0x0  }
0xa7: {  	[sflag:s16] =	ssyncadd.s32 $0xFFFF8300  }
0xa8: {  	[spmem:s2] =	stream.indirect.scatter.add.f32 [tilespmem:s14], [sflag:$0x5], $0x20, s9, s7, $0xb8;
	[tilespmem:$0x159A0] =	vst v63  }
0xa9: {  	s0 =	sadd.s32 $0x2328, s0;
	_ =	swait.ge [sflag:s10], $0x7D00  }
0xaa: {  	s0 =	sshrl.u32 s0, $0x3;
	[sflag:s10] =	ssyncset.done $0x0  }
0xab: {  	s26 =	sadd.s32 s26, s0;
	[sflag:s10] =	ssyncadd.s32 $0xFFFF8300  }
0xac: {  	[tilespmem:s7], [sflag:$0x2] =	stream.linear.gather [hbm4b:s26+s3], $0x3E8, $0x38;
	[tilespmem:$0x159A0] =	vst v63  }
0xad: {  	s28 =	sadd.s32 s28, s0  }
0xae: {  	[tilespmem:s9], [sflag:$0x2] =	stream.linear.gather [hbm4b:s28+s3], $0x3E8, $0x38;
	[tilespmem:$0x159A0] =	vst v63  }
0xaf: {  	_ =	swait.ge [sflag:s13], $0x3E8  }
0xb0: {  	[sflag:s13] =	ssyncset.done $0x0  }
0xb1: {  	[sflag:s13] =	ssyncadd.s32 $0xFFFFFC18  }
0xb2: {  	_ =	swait.ge [sflag:s13], $0x3E8  }
0xb3: {  	[sflag:s13] =	ssyncset.done $0x0  }
0xb4: {  	[sflag:s13] =	ssyncadd.s32 $0xFFFFFC18  }
0xb5: {  	[tilespmem:s14], [sflag:$0x4] =	stream.indirect.gather [hbm4b:s6+s7], $0x20, s7, s7, $0xb8;
	[tilespmem:$0x159A0] =	vst v63  }
0xb6: {  	_ =	swait.ge [sflag:s15], $0x7D00  }
0xb7: {  	[sflag:s15] =	ssyncset.done $0x0  }
0xb8: {  	[sflag:s15] =	ssyncadd.s32 $0xFFFF8300  }
0xb9: {  	[spmem:s2] =	stream.indirect.scatter.add.f32 [tilespmem:s8], [sflag:$0x5], $0x20, s4, s7, $0xb8;
	[tilespmem:$0x159A0] =	vst v63  }
0xba: {  	_ =	swait.ge [sflag:s10], $0x7D00  }
0xbb: {  	s1 =	smul.u32 $0xA000, s30;
	[sflag:s10] =	ssyncset.done $0x0  }
0xbc: {  	s30 =	ssub.s32 $0x2, s30;
	[sflag:s10] =	ssyncadd.s32 $0xFFFF8300  }
0xbd: {  	s0 =	sadd.s32 s1, s29;
	s29 =	sshrl.u32 s30, $0x1;
	_ =	swait.ge [sflag:s16], $0x7D00  }
0xbe: {  	s30 =	ssub.s32 s30, s29;
	s0 =	sadd.s32 $0x9F600, s0;
	[sflag:s16] =	ssyncset.done $0x0  }
0xbf: {  	s29 =	sadd.s32 s31, s0;
	s31 =	smax.u32 s30, $0x1;
	[sflag:s16] =	ssyncadd.s32 $0xFFFF8300  }
0xc0: {  	[spmem:s2] =	stream.indirect.scatter.add.f32 [tilespmem:s14], [sflag:$0x5], $0x20, s9, s7, $0xb8;
	[tilespmem:$0x159A0] =	vst v63  }
0xc1: {  	p0 =	sne.s32 s31, $0x1;
	_ =	swait.ge [sflag:s10], $0x7D00  }
.Ltmp0:
0xc2: {  	[sflag:s10] =	ssyncset.done $0x0;
	(pc) =	sbr.rel @!p0 .LBB2_2-.Ltmp0, $4  }
0xc3: {  	[sflag:s10] =	ssyncadd.s32 $0xFFFF8300  }
0xc4: {  	[bflag:$0x0] =	sbarrier.arrive $0xFFFF  }
0xc5: {  	[hbm:s29], [sflag:s12] =	dma.local [spmem:s11], $0xA00  }
0xc6: {  	s30 =	sadd.s32 $0xFFFFFFFF, s31;
	_ =	swait.ge [sflag:s10], $0xA00  }
.LBB2_1:
0xc7: {  	[sflag:s10] =	ssyncset.done $0x0  }
0xc8: {  	s0 =	rddreg [dreg:$0x3];
	[sflag:s10] =	ssyncadd.s32 $0xFFFFF600  }
0xc9: {  	[tilespmem:s3], [sflag:$0x1] =	stream.linear.gather [hbm4b:s0+s3], $0x3E8, $0x38;
	[tilespmem:$0x159A0] =	vst v63  }
0xca: {  	s31 =	rddreg [dreg:$0x4]  }
0xcb: {  	[tilespmem:s4], [sflag:$0x1] =	stream.linear.gather [hbm4b:s31+s3], $0x3E8, $0x38;
	[tilespmem:$0x159A0] =	vst v63  }
0xcc: {  	_ =	swait.ge [sflag:s5], $0x3E8  }
0xcd: {  	[sflag:s5] =	ssyncset.done $0x0  }
0xce: {  	[sflag:s5] =	ssyncadd.s32 $0xFFFFFC18  }
0xcf: {  	_ =	swait.ge [sflag:s5], $0x3E8  }
0xd0: {  	[sflag:s5] =	ssyncset.done $0x0  }
0xd1: {  	s0 =	rddreg [dreg:$0x7];
	[sflag:s5] =	ssyncadd.s32 $0xFFFFFC18  }
0xd2: {  	[tilespmem:s8], [sflag:$0x3] =	stream.indirect.gather [hbm4b:s6+s7], $0x20, s3, s7, $0xb8;
	[tilespmem:$0x159A0] =	vst v63  }
0xd3: {  	s31 =	rddreg [dreg:$0x5]  }
0xd4: {  	[tilespmem:s7], [sflag:$0x2] =	stream.linear.gather [hbm4b:s31+s3], $0x3E8, $0x38;
	[tilespmem:$0x159A0] =	vst v63  }
0xd5: {  	s1 =	rddreg [dreg:$0x6]  }
0xd6: {  	[tilespmem:s9], [sflag:$0x2] =	stream.linear.gather [hbm4b:s1+s3], $0x3E8, $0x38;
	[tilespmem:$0x159A0] =	vst v63  }
0xd7: {  	[spmem:s11], [sflag:s12] =	dma.local [hbm:s0], $0xA00  }
0xd8: {  	_ =	swait.ge [sflag:s10], $0xA00  }
0xd9: {  	[sflag:s10] =	ssyncset.done $0x0  }
0xda: {  	[sflag:s10] =	ssyncadd.s32 $0xFFFFF600  }
0xdb: {  	[bflag:$0x0] =	sbarrier.arrive $0xFFFF  }
0xdc: {  	_ =	swait.ge [sflag:s13], $0x3E8  }
0xdd: {  	[sflag:s13] =	ssyncset.done $0x0  }
0xde: {  	[sflag:s13] =	ssyncadd.s32 $0xFFFFFC18  }
0xdf: {  	_ =	swait.ge [sflag:s13], $0x3E8  }
0xe0: {  	[sflag:s13] =	ssyncset.done $0x0  }
0xe1: {  	[sflag:s13] =	ssyncadd.s32 $0xFFFFFC18  }
0xe2: {  	[tilespmem:s14], [sflag:$0x4] =	stream.indirect.gather [hbm4b:s6+s7], $0x20, s7, s7, $0xb8;
	[tilespmem:$0x159A0] =	vst v63  }
0xe3: {  	_ =	swait.ge [sflag:s15], $0x7D00  }
0xe4: {  	[sflag:s15] =	ssyncset.done $0x0  }
0xe5: {  	[sflag:s15] =	ssyncadd.s32 $0xFFFF8300  }
0xe6: {  	[spmem:s2] =	stream.indirect.scatter.add.f32 [tilespmem:s8], [sflag:$0x5], $0x20, s4, s7, $0xb8;
	[tilespmem:$0x159A0] =	vst v63  }
0xe7: {  	_ =	swait.ge [sflag:s10], $0x7D00  }
0xe8: {  	[sflag:s10] =	ssyncset.done $0x0  }
0xe9: {  	s1 =	rddreg [dreg:$0x8];
	[sflag:s10] =	ssyncadd.s32 $0xFFFF8300  }
0xea: {  	[tilespmem:s3], [sflag:$0x1] =	stream.linear.gather [hbm4b:s1+s3], $0x3E8, $0x38;
	[tilespmem:$0x159A0] =	vst v63  }
0xeb: {  	s31 =	rddreg [dreg:$0x9]  }
0xec: {  	[tilespmem:s4], [sflag:$0x1] =	stream.linear.gather [hbm4b:s31+s3], $0x3E8, $0x38;
	[tilespmem:$0x159A0] =	vst v63  }
0xed: {  	_ =	swait.ge [sflag:s5], $0x3E8  }
0xee: {  	[sflag:s5] =	ssyncset.done $0x0  }
0xef: {  	[sflag:s5] =	ssyncadd.s32 $0xFFFFFC18  }
0xf0: {  	_ =	swait.ge [sflag:s5], $0x3E8  }
0xf1: {  	[sflag:s5] =	ssyncset.done $0x0  }
0xf2: {  	[sflag:s5] =	ssyncadd.s32 $0xFFFFFC18  }
0xf3: {  	[tilespmem:s8], [sflag:$0x3] =	stream.indirect.gather [hbm4b:s6+s7], $0x20, s3, s7, $0xb8;
	[tilespmem:$0x159A0] =	vst v63  }
0xf4: {  	_ =	swait.ge [sflag:s16], $0x7D00  }
0xf5: {  	[sflag:s16] =	ssyncset.done $0x0  }
0xf6: {  	[sflag:s16] =	ssyncadd.s32 $0xFFFF8300  }
0xf7: {  	[spmem:s2] =	stream.indirect.scatter.add.f32 [tilespmem:s14], [sflag:$0x5], $0x20, s9, s7, $0xb8;
	[tilespmem:$0x159A0] =	vst v63  }
0xf8: {  	_ =	swait.ge [sflag:s10], $0x7D00  }
0xf9: {  	[sflag:s10] =	ssyncset.done $0x0  }
0xfa: {  	s1 =	rddreg [dreg:$0xa];
	[sflag:s10] =	ssyncadd.s32 $0xFFFF8300  }
0xfb: {  	[tilespmem:s7], [sflag:$0x2] =	stream.linear.gather [hbm4b:s1+s3], $0x3E8, $0x38;
	[tilespmem:$0x159A0] =	vst v63  }
0xfc: {  	s31 =	rddreg [dreg:$0xb]  }
0xfd: {  	[tilespmem:s9], [sflag:$0x2] =	stream.linear.gather [hbm4b:s31+s3], $0x3E8, $0x38;
	[tilespmem:$0x159A0] =	vst v63  }
0xfe: {  	_ =	swait.ge [sflag:s13], $0x3E8  }
0xff: {  	[sflag:s13] =	ssyncset.done $0x0  }
0x100: {  	[sflag:s13] =	ssyncadd.s32 $0xFFFFFC18  }
0x101: {  	_ =	swait.ge [sflag:s13], $0x3E8  }
0x102: {  	[sflag:s13] =	ssyncset.done $0x0  }
0x103: {  	[sflag:s13] =	ssyncadd.s32 $0xFFFFFC18  }
0x104: {  	[tilespmem:s14], [sflag:$0x4] =	stream.indirect.gather [hbm4b:s6+s7], $0x20, s7, s7, $0xb8;
	[tilespmem:$0x159A0] =	vst v63  }
0x105: {  	_ =	swait.ge [sflag:s15], $0x7D00  }
0x106: {  	[sflag:s15] =	ssyncset.done $0x0  }
0x107: {  	[sflag:s15] =	ssyncadd.s32 $0xFFFF8300  }
0x108: {  	[spmem:s2] =	stream.indirect.scatter.add.f32 [tilespmem:s8], [sflag:$0x5], $0x20, s4, s7, $0xb8;
	[tilespmem:$0x159A0] =	vst v63  }
0x109: {  	_ =	swait.ge [sflag:s10], $0x7D00  }
0x10a: {  	[sflag:s10] =	ssyncset.done $0x0  }
0x10b: {  	s31 =	rddreg [dreg:$0xc];
	[sflag:s10] =	ssyncadd.s32 $0xFFFF8300  }
0x10c: {  	[tilespmem:s3], [sflag:$0x1] =	stream.linear.gather [hbm4b:s31+s3], $0x3E8, $0x38;
	[tilespmem:$0x159A0] =	vst v63  }
0x10d: {  	_ = 	snop  }
0x10e: {  	[tilespmem:s4], [sflag:$0x1] =	stream.linear.gather [hbm4b:s17+s3], $0x3E8, $0x38;
	[tilespmem:$0x159A0] =	vst v63  }
0x10f: {  	_ =	swait.ge [sflag:s5], $0x3E8  }
0x110: {  	[sflag:s5] =	ssyncset.done $0x0  }
0x111: {  	[sflag:s5] =	ssyncadd.s32 $0xFFFFFC18  }
0x112: {  	_ =	swait.ge [sflag:s5], $0x3E8  }
0x113: {  	[sflag:s5] =	ssyncset.done $0x0  }
0x114: {  	[sflag:s5] =	ssyncadd.s32 $0xFFFFFC18  }
0x115: {  	[tilespmem:s8], [sflag:$0x3] =	stream.indirect.gather [hbm4b:s6+s7], $0x20, s3, s7, $0xb8;
	[tilespmem:$0x159A0] =	vst v63  }
0x116: {  	_ =	swait.ge [sflag:s16], $0x7D00  }
0x117: {  	[sflag:s16] =	ssyncset.done $0x0  }
0x118: {  	[sflag:s16] =	ssyncadd.s32 $0xFFFF8300  }
0x119: {  	[spmem:s2] =	stream.indirect.scatter.add.f32 [tilespmem:s14], [sflag:$0x5], $0x20, s9, s7, $0xb8;
	[tilespmem:$0x159A0] =	vst v63  }
0x11a: {  	_ =	swait.ge [sflag:s10], $0x7D00  }
0x11b: {  	[sflag:s10] =	ssyncset.done $0x0  }
0x11c: {  	[sflag:s10] =	ssyncadd.s32 $0xFFFF8300  }
0x11d: {  	[tilespmem:s7], [sflag:$0x2] =	stream.linear.gather [hbm4b:s18+s3], $0x3E8, $0x38;
	[tilespmem:$0x159A0] =	vst v63  }
0x11e: {  	_ = 	snop  }
0x11f: {  	[tilespmem:s9], [sflag:$0x2] =	stream.linear.gather [hbm4b:s19+s3], $0x3E8, $0x38;
	[tilespmem:$0x159A0] =	vst v63  }
0x120: {  	_ =	swait.ge [sflag:s13], $0x3E8  }
0x121: {  	[sflag:s13] =	ssyncset.done $0x0  }
0x122: {  	[sflag:s13] =	ssyncadd.s32 $0xFFFFFC18  }
0x123: {  	_ =	swait.ge [sflag:s13], $0x3E8  }
0x124: {  	[sflag:s13] =	ssyncset.done $0x0  }
0x125: {  	[sflag:s13] =	ssyncadd.s32 $0xFFFFFC18  }
0x126: {  	[tilespmem:s14], [sflag:$0x4] =	stream.indirect.gather [hbm4b:s6+s7], $0x20, s7, s7, $0xb8;
	[tilespmem:$0x159A0] =	vst v63  }
0x127: {  	_ =	swait.ge [sflag:s15], $0x7D00  }
0x128: {  	[sflag:s15] =	ssyncset.done $0x0  }
0x129: {  	[sflag:s15] =	ssyncadd.s32 $0xFFFF8300  }
0x12a: {  	[spmem:s2] =	stream.indirect.scatter.add.f32 [tilespmem:s8], [sflag:$0x5], $0x20, s4, s7, $0xb8;
	[tilespmem:$0x159A0] =	vst v63  }
0x12b: {  	_ =	swait.ge [sflag:s10], $0x7D00  }
0x12c: {  	[sflag:s10] =	ssyncset.done $0x0  }
0x12d: {  	[sflag:s10] =	ssyncadd.s32 $0xFFFF8300  }
0x12e: {  	[tilespmem:s3], [sflag:$0x1] =	stream.linear.gather [hbm4b:s20+s3], $0x3E8, $0x38;
	[tilespmem:$0x159A0] =	vst v63  }
0x12f: {  	_ = 	snop  }
0x130: {  	[tilespmem:s4], [sflag:$0x1] =	stream.linear.gather [hbm4b:s21+s3], $0x3E8, $0x38;
	[tilespmem:$0x159A0] =	vst v63  }
0x131: {  	_ =	swait.ge [sflag:s5], $0x3E8  }
0x132: {  	[sflag:s5] =	ssyncset.done $0x0  }
0x133: {  	[sflag:s5] =	ssyncadd.s32 $0xFFFFFC18  }
0x134: {  	_ =	swait.ge [sflag:s5], $0x3E8  }
0x135: {  	[sflag:s5] =	ssyncset.done $0x0  }
0x136: {  	[sflag:s5] =	ssyncadd.s32 $0xFFFFFC18  }
0x137: {  	[tilespmem:s8], [sflag:$0x3] =	stream.indirect.gather [hbm4b:s6+s7], $0x20, s3, s7, $0xb8;
	[tilespmem:$0x159A0] =	vst v63  }
0x138: {  	_ =	swait.ge [sflag:s16], $0x7D00  }
0x139: {  	[sflag:s16] =	ssyncset.done $0x0  }
0x13a: {  	[sflag:s16] =	ssyncadd.s32 $0xFFFF8300  }
0x13b: {  	[spmem:s2] =	stream.indirect.scatter.add.f32 [tilespmem:s14], [sflag:$0x5], $0x20, s9, s7, $0xb8;
	[tilespmem:$0x159A0] =	vst v63  }
0x13c: {  	_ =	swait.ge [sflag:s10], $0x7D00  }
0x13d: {  	[sflag:s10] =	ssyncset.done $0x0  }
0x13e: {  	[sflag:s10] =	ssyncadd.s32 $0xFFFF8300  }
0x13f: {  	[tilespmem:s7], [sflag:$0x2] =	stream.linear.gather [hbm4b:s22+s3], $0x3E8, $0x38;
	[tilespmem:$0x159A0] =	vst v63  }
0x140: {  	_ = 	snop  }
0x141: {  	[tilespmem:s9], [sflag:$0x2] =	stream.linear.gather [hbm4b:s23+s3], $0x3E8, $0x38;
	[tilespmem:$0x159A0] =	vst v63  }
0x142: {  	_ =	swait.ge [sflag:s13], $0x3E8  }
0x143: {  	[sflag:s13] =	ssyncset.done $0x0  }
0x144: {  	[sflag:s13] =	ssyncadd.s32 $0xFFFFFC18  }
0x145: {  	_ =	swait.ge [sflag:s13], $0x3E8  }
0x146: {  	[sflag:s13] =	ssyncset.done $0x0  }
0x147: {  	[sflag:s13] =	ssyncadd.s32 $0xFFFFFC18  }
0x148: {  	[tilespmem:s14], [sflag:$0x4] =	stream.indirect.gather [hbm4b:s6+s7], $0x20, s7, s7, $0xb8;
	[tilespmem:$0x159A0] =	vst v63  }
0x149: {  	_ =	swait.ge [sflag:s15], $0x7D00  }
0x14a: {  	[sflag:s15] =	ssyncset.done $0x0  }
0x14b: {  	[sflag:s15] =	ssyncadd.s32 $0xFFFF8300  }
0x14c: {  	[spmem:s2] =	stream.indirect.scatter.add.f32 [tilespmem:s8], [sflag:$0x5], $0x20, s4, s7, $0xb8;
	[tilespmem:$0x159A0] =	vst v63  }
0x14d: {  	_ =	swait.ge [sflag:s10], $0x7D00  }
0x14e: {  	[sflag:s10] =	ssyncset.done $0x0  }
0x14f: {  	[sflag:s10] =	ssyncadd.s32 $0xFFFF8300  }
0x150: {  	[tilespmem:s3], [sflag:$0x1] =	stream.linear.gather [hbm4b:s24+s3], $0x3E8, $0x38;
	[tilespmem:$0x159A0] =	vst v63  }
0x151: {  	_ = 	snop  }
0x152: {  	[tilespmem:s4], [sflag:$0x1] =	stream.linear.gather [hbm4b:s25+s3], $0x3E8, $0x38;
	[tilespmem:$0x159A0] =	vst v63  }
0x153: {  	_ =	swait.ge [sflag:s5], $0x3E8  }
0x154: {  	[sflag:s5] =	ssyncset.done $0x0  }
0x155: {  	[sflag:s5] =	ssyncadd.s32 $0xFFFFFC18  }
0x156: {  	_ =	swait.ge [sflag:s5], $0x3E8  }
0x157: {  	[sflag:s5] =	ssyncset.done $0x0  }
0x158: {  	[sflag:s5] =	ssyncadd.s32 $0xFFFFFC18  }
0x159: {  	[tilespmem:s8], [sflag:$0x3] =	stream.indirect.gather [hbm4b:s6+s7], $0x20, s3, s7, $0xb8;
	[tilespmem:$0x159A0] =	vst v63  }
0x15a: {  	_ =	swait.ge [sflag:s16], $0x7D00  }
0x15b: {  	[sflag:s16] =	ssyncset.done $0x0  }
0x15c: {  	[sflag:s16] =	ssyncadd.s32 $0xFFFF8300  }
0x15d: {  	[spmem:s2] =	stream.indirect.scatter.add.f32 [tilespmem:s14], [sflag:$0x5], $0x20, s9, s7, $0xb8;
	[tilespmem:$0x159A0] =	vst v63  }
0x15e: {  	_ =	swait.ge [sflag:s10], $0x7D00  }
0x15f: {  	[sflag:s10] =	ssyncset.done $0x0  }
0x160: {  	[sflag:s10] =	ssyncadd.s32 $0xFFFF8300  }
0x161: {  	[tilespmem:s7], [sflag:$0x2] =	stream.linear.gather [hbm4b:s26+s3], $0x3E8, $0x38;
	[tilespmem:$0x159A0] =	vst v63  }
0x162: {  	_ = 	snop  }
0x163: {  	[tilespmem:s9], [sflag:$0x2] =	stream.linear.gather [hbm4b:s28+s3], $0x3E8, $0x38;
	[tilespmem:$0x159A0] =	vst v63  }
0x164: {  	_ =	swait.ge [sflag:s13], $0x3E8  }
0x165: {  	[sflag:s13] =	ssyncset.done $0x0  }
0x166: {  	[sflag:s13] =	ssyncadd.s32 $0xFFFFFC18  }
0x167: {  	_ =	swait.ge [sflag:s13], $0x3E8  }
0x168: {  	[sflag:s13] =	ssyncset.done $0x0  }
0x169: {  	[sflag:s13] =	ssyncadd.s32 $0xFFFFFC18  }
0x16a: {  	[tilespmem:s14], [sflag:$0x4] =	stream.indirect.gather [hbm4b:s6+s7], $0x20, s7, s7, $0xb8;
	[tilespmem:$0x159A0] =	vst v63  }
0x16b: {  	_ =	swait.ge [sflag:s15], $0x7D00  }
0x16c: {  	[sflag:s15] =	ssyncset.done $0x0  }
0x16d: {  	[sflag:s15] =	ssyncadd.s32 $0xFFFF8300  }
0x16e: {  	[spmem:s2] =	stream.indirect.scatter.add.f32 [tilespmem:s8], [sflag:$0x5], $0x20, s4, s7, $0xb8;
	[tilespmem:$0x159A0] =	vst v63  }
0x16f: {  	_ =	swait.ge [sflag:s10], $0x7D00  }
0x170: {  	[sflag:s10] =	ssyncset.done $0x0  }
0x171: {  	[sflag:s10] =	ssyncadd.s32 $0xFFFF8300  }
0x172: {  	_ =	swait.ge [sflag:s16], $0x7D00  }
0x173: {  	[sflag:s16] =	ssyncset.done $0x0  }
0x174: {  	[sflag:s16] =	ssyncadd.s32 $0xFFFF8300  }
0x175: {  	[spmem:s2] =	stream.indirect.scatter.add.f32 [tilespmem:s14], [sflag:$0x5], $0x20, s9, s7, $0xb8;
	[tilespmem:$0x159A0] =	vst v63  }
0x176: {  	p0 =	sne.s32 s30, $0x1;
	_ =	swait.ge [sflag:s10], $0x7D00  }
.Ltmp1:
0x177: {  	[sflag:s10] =	ssyncset.done $0x0;
	(pc) =	sbr.rel @p0 .LBB2_1-.Ltmp1, $4  }
0x178: {  	[sflag:s10] =	ssyncadd.s32 $0xFFFF8300  }
0x179: {  	[bflag:$0x0] =	sbarrier.arrive $0xFFFF  }
0x17a: {  	[hbm:s29], [sflag:s12] =	dma.local [spmem:s11], $0xA00  }
0x17b: {  	s30 =	sadd.s32 $0xFFFFFFFF, s30;
	_ =	swait.ge [sflag:s10], $0xA00  }
.LBB2_2:
0x17c: {  	[sflag:s10] =	ssyncset.done $0x0  }
0x17d: {  	[sflag:s10] =	ssyncadd.s32 $0xFFFFF600  }
0x17e: {  	_ =	sfence.sel $0x180000  }
0x17f: {  	[bflag:$0x0] =	sbarrier.arrive $0xFFFF  }
0x180: {  	_ =	strace $0x9000004A  }
0x181: {  	s0 =	stileid.u32;
	[bflag:$0x2] =	sbarrier.arrive $0xFFFF  }
0x182: {  	p0 =	sne.s32 s0, $0x0;
	s0 =	rddreg [dreg:$0x2]  }
0x183: {  	s0 =	sadd.s32 @!p0 $0x100000, s0  }
0x184: {  	[sflag:s0] =	ssyncadd.tile.s32 @!p0 $0x1;
	_ =	shalt  }
.Lfunc_end2:
_tile_overlayer_lowered:
.L_overlay_start_2:
0x185: {  	(tag) =	ssettag $0x2  }
0x186: {  	s0 =	rddreg [dreg:$0x0];
	s2 =	stileid.u32  }
0x187: {  	s1 =	rddreg [dreg:$0x1];
	p0 =	sne.s32 s2, $0x0  }
0x188: {  	s3 =	rddreg [dreg:$0x2];
	[bflag:$0x3] =	sbarrier.arrive $0xFFFF;
	s2 =	simm.s32 @!p0 $0x1C05  }
0x189: {  	[timem:s3], [sflag:s2] =	dma.local @!p0 [hbm:s0], s1  }
0x18a: {  	s0 =	simm.s32 @!p0 $0x5  }
0x18b: {  	_ =	swait.ge @!p0 [sflag:s0], s1  }
0x18c: {  	s1 =	ssub.s32 @!p0 $0x0, s1;
	[sflag:s0] =	ssyncset.done @!p0 $0x0  }
0x18d: {  	[sflag:s0] =	ssyncadd.s32 @!p0 s1  }
0x18e: {  	[bflag:$0x3] =	sbarrier.arrive $0xFFFF  }
0x18f: {  	_ =	shalt  }

// kernel: kernel.15.cloned.1.call-start
scs
__scs_entry_jumppad:
0x0: {  	(pc) =	sbr.rel $0x88, $3  }
0x1: {  	(tag) =	ssettag $0x0;
	lr =	simm.s32 $0x1  }
0x2: {  	[smem:$0x3F99] =	sst lr;
	_ =	strace $0xD0000000  }
0x3: {  	_ = 	snop  }
0x4: {  	_ = 	snop  }
0x5: {  	_ = 	snop  }
0x6: {  	_ = 	snop  }
0x7: {  	_ = 	snop  }
__scs_overlays_trampoline_lowered:
0x8: {  	[smem:$0x3FA8] =	sst s0  }
0x9: {  	[smem:$0x3FA9] =	sst s1  }
0xa: {  	[smem:$0x3FAA] =	sst s2  }
0xb: {  	[smem:$0x3FAB] =	sst s3  }
0xc: {  	[smem:$0x3FAC] =	sst s4  }
0xd: {  	[smem:$0x3FAD] =	sst s5  }
0xe: {  	[smem:$0x3FAE] =	sst s6  }
0xf: {  	[smem:$0x3FAF] =	sst s7  }
0x10: {  	[smem:$0x3FB0] =	sst s8  }
0x11: {  	[smem:$0x3FB1] =	sst s9;
	s0 =	simm.s32 @!p0 $0x0  }
0x12: {  	s1 =	sld [smem:$0x3F97];
	s0 =	simm.s32 @p0 $0x1  }
0x13: {  	[smem:$0x3FB2] =	sst s0;
	s0 =	simm.s32 @!p1 $0x0  }
0x14: {  	s2 =	sld [smem:$0x3F96];
	s0 =	simm.s32 @p1 $0x1  }
0x15: {  	[smem:$0x3FB3] =	sst s0;
	s0 =	simm.s32 @!p2 $0x0  }
0x16: {  	s3 =	sld [smem:$0x3FDB];
	s0 =	simm.s32 @p2 $0x1  }
0x17: {  	s4 =	simm.s32 $0x1BF5;
	[smem:$0x3FB5] =	sst s0  }
0x18: {  	s0 =	sld [smem:$0x3F98];
	_ =	swait.ge [sflag:s4], $0x0  }
0x19: {  	s7 =	sld [smem:$0x3F99]  }
0x1a: {  	s8 =	sadd.s32 $0xFFFFE003, lr  }
0x1b: {  	s9 =	sadd.s32 $0xFFFFFEF7, lr;
	s5 =	simm.s32 $0xFFFFFFFF;
	p2 =	slt.u32 s8, $0xFFFFF086  }
0x1c: {  	p1 =	slt.u32 s9, $0xF7A;
	s5 =	simm.s32 @!p2 $0x0  }
0x1d: {  	s5 =	simm.s32 @p1 $0x1;
	p0 =	seq.s32 s7, s2  }
0x1e: {  	s7 =	smul.u32 @!p0 $0xF7A, s2;
	p2 =	seq.s32 @!p0 s5, $0x0  }
0x1f: {  	s9 =	smul.u32 $0xF7A, s1;
	s8 =	simm.s32 @!p0 $0x1BF5;
	p2 =	por !p2, p0  }
0x20: {  	[sflag:s8] =	ssyncset.s32 @!p0 $0xFFFFF086;
	s6 =	sadd.s32 @!p0 s3, s7;
	s7 =	simm.s32 @!p0 $0x108  }
0x21: {  	s3 =	sadd.s32 s3, s9;
	s6 =	sadd.s32 @!p0 $0x88, s6;
	s7 =	simm.s32 @p2 $0x1082  }
0x22: {  	[simem:s7], [sflag:s8] =	dma.local @!p0 [hbm:s6], $0xF7A  }
0x23: {  	s9 =	sor.u32 $0xD0000000, s2;
	s6 =	simm.s32 $0x108;
	_ =	swait.ge @!p0 [sflag:s8], $0x0  }
0x24: {  	s3 =	sadd.s32 $0x88, s3;
	s6 =	simm.s32 @!p1 $0x1082;
	[sflag:s4] =	ssyncset.s32 $0xFFFFF086  }
0x25: {  	[simem:s6], [sflag:s4] =	dma.local [hbm:s3], $0xF7A  }
0x26: {  	[smem:$0x3F99] =	sst s1;
	(tag) =	ssettag s2;
	_ =	strace s9  }
0x27: {  	s1 =	sld [smem:$0x3FA9]  }
0x28: {  	s2 =	sld [smem:$0x3FAA]  }
0x29: {  	s4 =	sld [smem:$0x3FAC]  }
0x2a: {  	p0 =	seq.s32 s5, $0x0;
	s5 =	sld [smem:$0x3FAD]  }
0x2b: {  	s6 =	sld [smem:$0x3FAE]  }
0x2c: {  	s7 =	sld [smem:$0x3FAF]  }
0x2d: {  	s3 =	simm.s32 $0x108;
	s8 =	sld [smem:$0x3FB0]  }
0x2e: {  	s3 =	simm.s32 @!p0 $0x1082;
	s9 =	sld [smem:$0x3FB1]  }
0x2f: {  	lr =	sadd.s32 s0, s3;
	s0 =	sld [smem:$0x3FA8]  }
0x30: {  	s3 =	sld [smem:$0x3FAB]  }
0x31: {  	[smem:$0x3FB4] =	sst s10  }
0x32: {  	s10 =	sld [smem:$0x3FB2];
	_ =	sdelay $0x3  }
0x33: {  	p0 =	seq.s32 s10, $0x1;
	s10 =	sld [smem:$0x3FB4];
	_ =	sdelay $0x3  }
0x34: {  	[smem:$0x3FB4] =	sst s10  }
0x35: {  	s10 =	sld [smem:$0x3FB3];
	_ =	sdelay $0x3  }
0x36: {  	p1 =	seq.s32 s10, $0x1;
	s10 =	sld [smem:$0x3FB4];
	_ =	sdelay $0x3  }
0x37: {  	[smem:$0x3FB4] =	sst s10  }
0x38: {  	s10 =	sld [smem:$0x3FB5]  }
0x39: {  	_ = 	snop;
	(pc) =	sbr.ind lr, $3  }
0x3a: {  	_ = 	snop  }
0x3b: {  	_ = 	snop  }
0x3c: {  	p2 =	seq.s32 s10, $0x1;
	s10 =	sld [smem:$0x3FB4]  }
0x3d: {  	_ =	shalt  }
0x3e: {  	_ =	shalt  }
0x3f: {  	_ =	shalt  }
0x40: {  	_ =	shalt  }
0x41: {  	_ =	shalt  }
0x42: {  	_ =	shalt  }
0x43: {  	_ =	shalt  }
0x44: {  	_ =	shalt  }
0x45: {  	_ =	shalt  }
0x46: {  	_ =	shalt  }
0x47: {  	_ =	shalt  }
0x48: {  	_ =	shalt  }
0x49: {  	_ =	shalt  }
0x4a: {  	_ =	shalt  }
0x4b: {  	_ =	shalt  }
0x4c: {  	_ =	shalt  }
0x4d: {  	_ =	shalt  }
0x4e: {  	_ =	shalt  }
0x4f: {  	_ =	shalt  }
0x50: {  	_ =	shalt  }
0x51: {  	_ =	shalt  }
0x52: {  	_ =	shalt  }
0x53: {  	_ =	shalt  }
0x54: {  	_ =	shalt  }
0x55: {  	_ =	shalt  }
0x56: {  	_ =	shalt  }
0x57: {  	_ =	shalt  }
0x58: {  	_ =	shalt  }
0x59: {  	_ =	shalt  }
0x5a: {  	_ =	shalt  }
0x5b: {  	_ =	shalt  }
0x5c: {  	_ =	shalt  }
0x5d: {  	_ =	shalt  }
0x5e: {  	_ =	shalt  }
0x5f: {  	_ =	shalt  }
0x60: {  	_ =	shalt  }
0x61: {  	_ =	shalt  }
0x62: {  	_ =	shalt  }
0x63: {  	_ =	shalt  }
0x64: {  	_ =	shalt  }
0x65: {  	_ =	shalt  }
0x66: {  	_ =	shalt  }
0x67: {  	_ =	shalt  }
0x68: {  	_ =	shalt  }
0x69: {  	_ =	shalt  }
0x6a: {  	_ =	shalt  }
0x6b: {  	_ =	shalt  }
0x6c: {  	_ =	shalt  }
0x6d: {  	_ =	shalt  }
0x6e: {  	_ =	shalt  }
0x6f: {  	_ =	shalt  }
0x70: {  	_ =	shalt  }
0x71: {  	_ =	shalt  }
0x72: {  	_ =	shalt  }
0x73: {  	_ =	shalt  }
0x74: {  	_ =	shalt  }
0x75: {  	_ =	shalt  }
0x76: {  	_ =	shalt  }
0x77: {  	_ =	shalt  }
0x78: {  	_ =	shalt  }
0x79: {  	_ =	shalt  }
0x7a: {  	_ =	shalt  }
0x7b: {  	_ =	shalt  }
0x7c: {  	_ =	shalt  }
0x7d: {  	_ =	shalt  }
0x7e: {  	_ =	shalt  }
0x7f: {  	_ =	shalt  }
0x80: {  	_ =	shalt  }
0x81: {  	_ =	shalt  }
0x82: {  	_ =	shalt  }
0x83: {  	_ =	shalt  }
0x84: {  	_ =	shalt  }
0x85: {  	_ =	shalt  }
0x86: {  	_ =	shalt  }
0x87: {  	_ =	shalt  }
.Lfunc_end0:
.L_simem_size_0:
called_computation.2_lowered:
.L_overlay_start_0:
0x88: {  	s2 =	sld [smem:$0x3FD9]  }
0x89: {  	s3 =	sld [smem:$0x3FFE];
	_ =	sdelay $0x1  }
0x8a: {  	s1 =	srdreg.scid  }
0x8b: {  	s0 =	sand.u32 $0x1, s1  }
0x8c: {  	s17 =	sshll.u32 s0, $0xA;
	s2 =	sadd.s32 s3, s2  }
0x8d: {  	s2 =	sadd.s32 s2, s17  }
0x8e: {  	[smem:$0x3FC0] =	sst s2  }
0x8f: {  	_ = 	snop  }
0x90: {  	s2 =	sld [smem:$0x3FD0];
	(tm) =	ssettm $0x1  }
0x91: {  	s18 =	sld [smem:$0x3FFB];
	_ =	sdelay $0x3  }
0x92: {  	_ =	strace s18  }
0x93: {  	s3 =	sld [smem:$0x3FFC];
	_ =	sdelay $0x3  }
0x94: {  	_ =	strace s3  }
0x95: {  	s3 =	sld [smem:$0x3FFD];
	_ =	sdelay $0x3  }
0x96: {  	_ =	strace s3  }
0x97: {  	_ =	strace $0x8FFFFFFF  }
0x98: {  	s19 =	sld [smem:$0x3FDB];
	_ =	sdelay $0x1  }
0x99: {  	s4 =	simm.s32 $_scs_section_size  }
0x9a: {  	s5 =	simm.s32 $_size__tile_overlayer_lowered;
	s6 =	simm.s32 $_tile_overlayer_lowered  }
0x9b: {  	s22 =	simm.s32 $0x1BFF;
	s21 =	sshll.u32 s6, $0x1;
	s3 =	sadd.s32 s4, s19  }
0x9c: {  	s7 =	simm.s32 $0x0;
	s20 =	sshll.u32 s5, $0x1;
	s5 =	sadd.s32 s21, s3  }
0x9d: {  	[timem:s7], [sflag:s22] =	dma.local [hbm:s5], s20  }
0x9e: {  	_ =	swait.ge [sflag:s22], s20  }
0x9f: {  	s4 =	ssub.s32 $0x0, s20;
	[sflag:s22] =	ssyncset.done $0x0  }
0xa0: {  	[sflag:s22] =	ssyncadd.s32 s4;
	_ =	sdelay $0x1  }
0xa1: {  	s23 =	simm.s32 $0x1B8B  }
0xa2: {  	_ =	swait.ge [sflag:s23], $0x1  }
0xa3: {  	[sflag:s23] =	ssyncset.done $0x0  }
0xa4: {  	s25 =	simm.s32 $0x1B8E;
	s24 =	sld [smem:$0x3FFE];
	[sflag:s23] =	ssyncadd.s32 $0xFFFFFFFF  }
0xa5: {  	s26 =	simm.s32 $execute0_lowered;
	[smem:$0x3FD2] =	sst s25  }
0xa6: {  	s5 =	sshll.u32 s26, $0x1;
	_ =	strace $0x8000004C;
	[dreg:$0x1] =	wrdreg $0xFFFFFFFF  }
0xa7: {  	s28 =	simm.s32 $_size_execute0_lowered;
	s3 =	sadd.s32 s3, s5;
	[dreg:$0x0] =	wrdreg $0x0  }
0xa8: {  	s5 =	sshll.u32 s28, $0x1;
	[dreg:$0x2] =	wrdreg s3  }
0xa9: {  	[dreg:$0x3] =	wrdreg s5  }
0xaa: {  	[dreg:$0x4] =	wrdreg $0xC0  }
0xab: {  	_ =	task [dreg:s7], $0x5FFFF  }
0xac: {  	[dreg:$0x1] =	wrdreg $0xFFFFFFFF  }
0xad: {  	[dreg:$0x0] =	wrdreg $0x60  }
0xae: {  	[dreg:$0x2] =	wrdreg s24  }
0xaf: {  	[dreg:$0x3] =	wrdreg s2  }
0xb0: {  	[dreg:$0x4] =	wrdreg $0x8CA00  }
0xb1: {  	[dreg:$0x5] =	wrdreg $0x9  }
0xb2: {  	_ =	task.clear_ibuf [dreg:s7], $0x6FFFF;
	_ =	strace $0x9000004C  }
0xb3: {  	s29 =	simm.s32 $0x9;
	_ =	strace $0x8000004E  }
0xb4: {  	_ =	swait.ge [sflag:s29], $0x1  }
0xb5: {  	[sflag:s29] =	ssyncadd.s32 $0xFFFFFFFF  }
0xb6: {  	_ =	strace $0x9000004E  }
0xb7: {  	_ =	sfence  }
0xb8: {  	s30 =	sld [smem:$0x0];
	_ =	sdelay $0x2  }
0xb9: {  	s31 =	sshll.u32 s1, $0xD;
	s1 =	sshrl.u32 s1, $0x2  }
0xba: {  	s3 =	sand.u32 $0x4000, s31;
	s1 =	sadd.s32 s1, s30  }
0xbb: {  	s0 =	sor.u32 s3, s0;
	s1 =	sshll.u32 s1, $0x11  }
0xbc: {  	s0 =	sor.u32 s1, s0  }
0xbd: {  	s0 =	sadd.s32 $0x8F2B, s0  }
0xbe: {  	[sflag:s0] =	ssyncadd.remote.s32 $0x1  }
0xbf: {  	_ =	sfence.sel $0xFFFF  }
0xc0: {  	[dreg:$0x0] =	wrdreg $0xFFFFFFFF;
	(pc) =	sbr.abs _section_cstart, $3  }
0xc1: {  	[dreg:$0x1] =	wrdreg $0xFFFFFFFF  }
0xc2: {  	_ =	task.clear_ibuf [dreg:s7], $0x2FFFF;
	_ =	strace $0x9FFFFFFF  }
0xc3: {  	(tm) =	ssettm $0x7FFFFFFF  }
tec
execute0_lowered:
.L_overlay_start_1:
0x0: {  	(tag) =	ssettag $0x1  }
0x1: {  	s0 =	srdreg.scid;
	s25 =	stileid.u32  }
0x2: {  	s29 =	rddreg [dreg:$0x0];
	s30 =	sand.u32 $0x1, s0;
	s5 =	smul.u32 $0x2710, s25  }
0x3: {  	s4 =	rddreg [dreg:$0x1];
	s1 =	smul.u32 $0x27100, s30  }
0x4: {  	s2 =	rddreg [dreg:$0x2];
	s3 =	simm.s32 $0x0  }
0x5: {  	[smem:$0x7FF] =	sst s3;
	s1 =	sadd.s32 s5, s1  }
0x6: {  	s26 =	sadd.s32 $0xA00, s29;
	s28 =	sadd.s32 $0xA800, s29;
	s24 =	sshrl.u32 s1, $0x3  }
0x7: {  	_ =	strace $0x8000004D;
	s9 =	sadd.s32 $0x3E8, s1;
	s8 =	sadd.s32 s26, s24  }
0x8: {  	s6 =	sadd.s32 s28, s24;
	s5 =	sshrl.u32 s9, $0x3;
	[dreg:$0x4] =	wrdreg s8  }
0x9: {  	[dreg:$0x5] =	wrdreg s6;
	s10 =	sadd.s32 s26, s5  }
0xa: {  	s11 =	sadd.s32 $0xFA, s24;
	s5 =	sadd.s32 s28, s5;
	[dreg:$0x6] =	wrdreg s10  }
0xb: {  	s13 =	sadd.s32 $0xBB8, s1;
	s12 =	sadd.s32 s26, s11;
	[dreg:$0x7] =	wrdreg s5  }
0xc: {  	s15 =	sshrl.u32 s13, $0x3;
	s14 =	sadd.s32 s28, s11;
	[dreg:$0x9] =	wrdreg s12  }
0xd: {  	s16 =	sadd.s32 s26, s15;
	[dreg:$0xa] =	wrdreg s14  }
0xe: {  	s9 =	smul.u32 $0x2800, s25;
	[dreg:$0xb] =	wrdreg s16  }
0xf: {  	s17 =	sadd.s32 s28, s15;
	s18 =	rddreg [dreg:$0x4]  }
0x10: {  	s31 =	sshrl.u32 s9, $0x3;
	[dreg:$0xc] =	wrdreg s17  }
0x11: {  	s17 =	sadd.s32 $0x1F4, s24;
	s20 =	rddreg [dreg:$0x5];
	s4 =	sadd.s32 s4, s31  }
0x12: {  	[tilespmem:s3], [sflag:$0x1] =	stream.linear.gather [hbm4b:s18+s3], $0x3E8, $0x38;
	[tilespmem:$0xB4A0] =	vst v63  }
0x13: {  	s19 =	sadd.s32 s26, s17;
	[dreg:$0x8] =	wrdreg s4  }
0x14: {  	s5 =	simm.s32 $0x1;
	[dreg:$0xd] =	wrdreg s19;
	s4 =	simm.s32 $0x7D0  }
0x15: {  	[tilespmem:s4], [sflag:$0x1] =	stream.linear.gather [hbm4b:s20+s3], $0x3E8, $0x38;
	[tilespmem:$0xB4A0] =	vst v63  }
0x16: {  	_ =	swait.ge [sflag:s5], $0x3E8  }
0x17: {  	[sflag:s5] =	ssyncset.done $0x0  }
0x18: {  	[sflag:s5] =	ssyncadd.s32 $0xFFFFFC18  }
0x19: {  	_ =	swait.ge [sflag:s5], $0x3E8  }
0x1a: {  	s7 =	simm.s32 $0x3E8;
	[sflag:s5] =	ssyncset.done $0x0  }
0x1b: {  	s6 =	sadd.s32 $0x64600, s29;
	s8 =	simm.s32 $0xFA0;
	[sflag:s5] =	ssyncadd.s32 $0xFFFFFC18  }
0x1c: {  	[tilespmem:s8], [sflag:$0x3] =	stream.indirect.gather [hbm4b:s6+s7], $0x10, s3, s7, $0xb8;
	[tilespmem:$0xB4A0] =	vst v63  }
0x1d: {  	s11 =	sadd.s32 s9, s2;
	s9 =	simm.s32 $0xBB8;
	s10 =	rddreg [dreg:$0x6]  }
0x1e: {  	[tilespmem:s7], [sflag:$0x2] =	stream.linear.gather [hbm4b:s10+s3], $0x3E8, $0x38;
	[tilespmem:$0xB4A0] =	vst v63  }
0x1f: {  	s14 =	sshll.u32 s25, $0x6;
	s11 =	sshrl.u32 s11, $0x3;
	s12 =	rddreg [dreg:$0x7]  }
0x20: {  	[tilespmem:s9], [sflag:$0x2] =	stream.linear.gather [hbm4b:s12+s3], $0x3E8, $0x38;
	[tilespmem:$0xB4A0] =	vst v63  }
0x21: {  	s13 =	rddreg [dreg:$0x8];
	s10 =	simm.s32 $0x5;
	s12 =	sor.u32 $0x1C05, s14  }
0x22: {  	[spmem:s11], [sflag:s12] =	dma.local [hbm:s13], $0x500  }
0x23: {  	_ =	swait.ge [sflag:s10], $0x500  }
0x24: {  	[sflag:s10] =	ssyncset.done $0x0  }
0x25: {  	[sflag:s10] =	ssyncadd.s32 $0xFFFFFB00  }
0x26: {  	s13 =	simm.s32 $0x2;
	[bflag:$0x0] =	sbarrier.arrive $0xFFFF  }
0x27: {  	_ =	swait.ge [sflag:s13], $0x3E8  }
0x28: {  	[sflag:s13] =	ssyncset.done $0x0  }
0x29: {  	[sflag:s13] =	ssyncadd.s32 $0xFFFFFC18  }
0x2a: {  	_ =	swait.ge [sflag:s13], $0x3E8  }
0x2b: {  	[sflag:s13] =	ssyncset.done $0x0  }
0x2c: {  	s15 =	simm.s32 $0x3;
	s14 =	simm.s32 $0x4E20;
	[sflag:s13] =	ssyncadd.s32 $0xFFFFFC18  }
0x2d: {  	[tilespmem:s14], [sflag:$0x4] =	stream.indirect.gather [hbm4b:s6+s7], $0x10, s7, s7, $0xb8;
	[tilespmem:$0xB4A0] =	vst v63  }
0x2e: {  	_ =	swait.ge [sflag:s15], $0x3E80  }
0x2f: {  	[sflag:s15] =	ssyncset.done $0x0  }
0x30: {  	[sflag:s15] =	ssyncadd.s32 $0xFFFFC180  }
0x31: {  	[spmem:s2] =	stream.indirect.scatter.add.f32 [tilespmem:s8], [sflag:$0x5], $0x10, s4, s7, $0xb8;
	[tilespmem:$0xB4A0] =	vst v63  }
0x32: {  	_ =	swait.ge [sflag:s10], $0x3E80  }
0x33: {  	[sflag:s10] =	ssyncset.done $0x0  }
0x34: {  	s16 =	rddreg [dreg:$0x9];
	[sflag:s10] =	ssyncadd.s32 $0xFFFFC180  }
0x35: {  	[tilespmem:s3], [sflag:$0x1] =	stream.linear.gather [hbm4b:s16+s3], $0x3E8, $0x38;
	[tilespmem:$0xB4A0] =	vst v63  }
0x36: {  	s18 =	rddreg [dreg:$0xa]  }
0x37: {  	[tilespmem:s4], [sflag:$0x1] =	stream.linear.gather [hbm4b:s18+s3], $0x3E8, $0x38;
	[tilespmem:$0xB4A0] =	vst v63  }
0x38: {  	_ =	swait.ge [sflag:s5], $0x3E8  }
0x39: {  	[sflag:s5] =	ssyncset.done $0x0  }
0x3a: {  	[sflag:s5] =	ssyncadd.s32 $0xFFFFFC18  }
0x3b: {  	_ =	swait.ge [sflag:s5], $0x3E8  }
0x3c: {  	[sflag:s5] =	ssyncset.done $0x0  }
0x3d: {  	s16 =	simm.s32 $0x4;
	[sflag:s5] =	ssyncadd.s32 $0xFFFFFC18  }
0x3e: {  	[tilespmem:s8], [sflag:$0x3] =	stream.indirect.gather [hbm4b:s6+s7], $0x10, s3, s7, $0xb8;
	[tilespmem:$0xB4A0] =	vst v63  }
0x3f: {  	_ =	swait.ge [sflag:s16], $0x3E80  }
0x40: {  	[sflag:s16] =	ssyncset.done $0x0  }
0x41: {  	[sflag:s16] =	ssyncadd.s32 $0xFFFFC180  }
0x42: {  	[spmem:s2] =	stream.indirect.scatter.add.f32 [tilespmem:s14], [sflag:$0x5], $0x10, s9, s7, $0xb8;
	[tilespmem:$0xB4A0] =	vst v63  }
0x43: {  	_ =	swait.ge [sflag:s10], $0x3E80  }
0x44: {  	[sflag:s10] =	ssyncset.done $0x0  }
0x45: {  	s21 =	rddreg [dreg:$0xb];
	[sflag:s10] =	ssyncadd.s32 $0xFFFFC180  }
0x46: {  	[tilespmem:s7], [sflag:$0x2] =	stream.linear.gather [hbm4b:s21+s3], $0x3E8, $0x38;
	[tilespmem:$0xB4A0] =	vst v63  }
0x47: {  	s19 =	rddreg [dreg:$0xc]  }
0x48: {  	[tilespmem:s9], [sflag:$0x2] =	stream.linear.gather [hbm4b:s19+s3], $0x3E8, $0x38;
	[tilespmem:$0xB4A0] =	vst v63  }
0x49: {  	_ =	swait.ge [sflag:s13], $0x3E8  }
0x4a: {  	[sflag:s13] =	ssyncset.done $0x0  }
0x4b: {  	[sflag:s13] =	ssyncadd.s32 $0xFFFFFC18  }
0x4c: {  	_ =	swait.ge [sflag:s13], $0x3E8  }
0x4d: {  	[sflag:s13] =	ssyncset.done $0x0  }
0x4e: {  	[sflag:s13] =	ssyncadd.s32 $0xFFFFFC18  }
0x4f: {  	[tilespmem:s14], [sflag:$0x4] =	stream.indirect.gather [hbm4b:s6+s7], $0x10, s7, s7, $0xb8;
	[tilespmem:$0xB4A0] =	vst v63  }
0x50: {  	_ =	swait.ge [sflag:s15], $0x3E80  }
0x51: {  	[sflag:s15] =	ssyncset.done $0x0  }
0x52: {  	[sflag:s15] =	ssyncadd.s32 $0xFFFFC180  }
0x53: {  	[spmem:s2] =	stream.indirect.scatter.add.f32 [tilespmem:s8], [sflag:$0x5], $0x10, s4, s7, $0xb8;
	[tilespmem:$0xB4A0] =	vst v63  }
0x54: {  	_ =	swait.ge [sflag:s10], $0x3E80  }
0x55: {  	[sflag:s10] =	ssyncset.done $0x0  }
0x56: {  	s22 =	rddreg [dreg:$0xd];
	[sflag:s10] =	ssyncadd.s32 $0xFFFFC180  }
0x57: {  	[tilespmem:s3], [sflag:$0x1] =	stream.linear.gather [hbm4b:s22+s3], $0x3E8, $0x38;
	[tilespmem:$0xB4A0] =	vst v63  }
0x58: {  	s17 =	sadd.s32 s28, s17  }
0x59: {  	[tilespmem:s4], [sflag:$0x1] =	stream.linear.gather [hbm4b:s17+s3], $0x3E8, $0x38;
	[tilespmem:$0xB4A0] =	vst v63  }
0x5a: {  	_ =	swait.ge [sflag:s5], $0x3E8  }
0x5b: {  	[sflag:s5] =	ssyncset.done $0x0  }
0x5c: {  	[sflag:s5] =	ssyncadd.s32 $0xFFFFFC18  }
0x5d: {  	_ =	swait.ge [sflag:s5], $0x3E8  }
0x5e: {  	[sflag:s5] =	ssyncset.done $0x0  }
0x5f: {  	[sflag:s5] =	ssyncadd.s32 $0xFFFFFC18  }
0x60: {  	[tilespmem:s8], [sflag:$0x3] =	stream.indirect.gather [hbm4b:s6+s7], $0x10, s3, s7, $0xb8;
	[tilespmem:$0xB4A0] =	vst v63  }
0x61: {  	_ =	swait.ge [sflag:s16], $0x3E80  }
0x62: {  	[sflag:s16] =	ssyncset.done $0x0  }
0x63: {  	[sflag:s16] =	ssyncadd.s32 $0xFFFFC180  }
0x64: {  	[spmem:s2] =	stream.indirect.scatter.add.f32 [tilespmem:s14], [sflag:$0x5], $0x10, s9, s7, $0xb8;
	[tilespmem:$0xB4A0] =	vst v63  }
0x65: {  	s23 =	sadd.s32 $0x1388, s1;
	_ =	swait.ge [sflag:s10], $0x3E80  }
0x66: {  	s25 =	sshrl.u32 s23, $0x3;
	[sflag:s10] =	ssyncset.done $0x0  }
0x67: {  	s18 =	sadd.s32 s26, s25;
	[sflag:s10] =	ssyncadd.s32 $0xFFFFC180  }
0x68: {  	[tilespmem:s7], [sflag:$0x2] =	stream.linear.gather [hbm4b:s18+s3], $0x3E8, $0x38;
	[tilespmem:$0xB4A0] =	vst v63  }
0x69: {  	s19 =	sadd.s32 s28, s25  }
0x6a: {  	[tilespmem:s9], [sflag:$0x2] =	stream.linear.gather [hbm4b:s19+s3], $0x3E8, $0x38;
	[tilespmem:$0xB4A0] =	vst v63  }
0x6b: {  	_ =	swait.ge [sflag:s13], $0x3E8  }
0x6c: {  	[sflag:s13] =	ssyncset.done $0x0  }
0x6d: {  	[sflag:s13] =	ssyncadd.s32 $0xFFFFFC18  }
0x6e: {  	_ =	swait.ge [sflag:s13], $0x3E8  }
0x6f: {  	[sflag:s13] =	ssyncset.done $0x0  }
0x70: {  	[sflag:s13] =	ssyncadd.s32 $0xFFFFFC18  }
0x71: {  	[tilespmem:s14], [sflag:$0x4] =	stream.indirect.gather [hbm4b:s6+s7], $0x10, s7, s7, $0xb8;
	[tilespmem:$0xB4A0] =	vst v63  }
0x72: {  	_ =	swait.ge [sflag:s15], $0x3E80  }
0x73: {  	[sflag:s15] =	ssyncset.done $0x0  }
0x74: {  	[sflag:s15] =	ssyncadd.s32 $0xFFFFC180  }
0x75: {  	[spmem:s2] =	stream.indirect.scatter.add.f32 [tilespmem:s8], [sflag:$0x5], $0x10, s4, s7, $0xb8;
	[tilespmem:$0xB4A0] =	vst v63  }
0x76: {  	_ =	swait.ge [sflag:s10], $0x3E80  }
0x77: {  	s21 =	sadd.s32 $0x2EE, s24;
	[sflag:s10] =	ssyncset.done $0x0  }
0x78: {  	s20 =	sadd.s32 s26, s21;
	[sflag:s10] =	ssyncadd.s32 $0xFFFFC180  }
0x79: {  	[tilespmem:s3], [sflag:$0x1] =	stream.linear.gather [hbm4b:s20+s3], $0x3E8, $0x38;
	[tilespmem:$0xB4A0] =	vst v63  }
0x7a: {  	s21 =	sadd.s32 s28, s21  }
0x7b: {  	[tilespmem:s4], [sflag:$0x1] =	stream.linear.gather [hbm4b:s21+s3], $0x3E8, $0x38;
	[tilespmem:$0xB4A0] =	vst v63  }
0x7c: {  	_ =	swait.ge [sflag:s5], $0x3E8  }
0x7d: {  	[sflag:s5] =	ssyncset.done $0x0  }
0x7e: {  	[sflag:s5] =	ssyncadd.s32 $0xFFFFFC18  }
0x7f: {  	_ =	swait.ge [sflag:s5], $0x3E8  }
0x80: {  	[sflag:s5] =	ssyncset.done $0x0  }
0x81: {  	[sflag:s5] =	ssyncadd.s32 $0xFFFFFC18  }
0x82: {  	[tilespmem:s8], [sflag:$0x3] =	stream.indirect.gather [hbm4b:s6+s7], $0x10, s3, s7, $0xb8;
	[tilespmem:$0xB4A0] =	vst v63  }
0x83: {  	_ =	swait.ge [sflag:s16], $0x3E80  }
0x84: {  	[sflag:s16] =	ssyncset.done $0x0  }
0x85: {  	[sflag:s16] =	ssyncadd.s32 $0xFFFFC180  }
0x86: {  	[spmem:s2] =	stream.indirect.scatter.add.f32 [tilespmem:s14], [sflag:$0x5], $0x10, s9, s7, $0xb8;
	[tilespmem:$0xB4A0] =	vst v63  }
0x87: {  	s22 =	sadd.s32 $0x1B58, s1;
	_ =	swait.ge [sflag:s10], $0x3E80  }
0x88: {  	s23 =	sshrl.u32 s22, $0x3;
	[sflag:s10] =	ssyncset.done $0x0  }
0x89: {  	s22 =	sadd.s32 s26, s23;
	[sflag:s10] =	ssyncadd.s32 $0xFFFFC180  }
0x8a: {  	[tilespmem:s7], [sflag:$0x2] =	stream.linear.gather [hbm4b:s22+s3], $0x3E8, $0x38;
	[tilespmem:$0xB4A0] =	vst v63  }
0x8b: {  	s23 =	sadd.s32 s28, s23  }
0x8c: {  	[tilespmem:s9], [sflag:$0x2] =	stream.linear.gather [hbm4b:s23+s3], $0x3E8, $0x38;
	[tilespmem:$0xB4A0] =	vst v63  }
0x8d: {  	_ =	swait.ge [sflag:s13], $0x3E8  }
0x8e: {  	[sflag:s13] =	ssyncset.done $0x0  }
0x8f: {  	[sflag:s13] =	ssyncadd.s32 $0xFFFFFC18  }
0x90: {  	_ =	swait.ge [sflag:s13], $0x3E8  }
0x91: {  	[sflag:s13] =	ssyncset.done $0x0  }
0x92: {  	[sflag:s13] =	ssyncadd.s32 $0xFFFFFC18  }
0x93: {  	[tilespmem:s14], [sflag:$0x4] =	stream.indirect.gather [hbm4b:s6+s7], $0x10, s7, s7, $0xb8;
	[tilespmem:$0xB4A0] =	vst v63  }
0x94: {  	_ =	swait.ge [sflag:s15], $0x3E80  }
0x95: {  	[sflag:s15] =	ssyncset.done $0x0  }
0x96: {  	[sflag:s15] =	ssyncadd.s32 $0xFFFFC180  }
0x97: {  	[spmem:s2] =	stream.indirect.scatter.add.f32 [tilespmem:s8], [sflag:$0x5], $0x10, s4, s7, $0xb8;
	[tilespmem:$0xB4A0] =	vst v63  }
0x98: {  	_ =	swait.ge [sflag:s10], $0x3E80  }
0x99: {  	s25 =	sadd.s32 $0x3E8, s24;
	[sflag:s10] =	ssyncset.done $0x0  }
0x9a: {  	s24 =	sadd.s32 s26, s25;
	[sflag:s10] =	ssyncadd.s32 $0xFFFFC180  }
0x9b: {  	[tilespmem:s3], [sflag:$0x1] =	stream.linear.gather [hbm4b:s24+s3], $0x3E8, $0x38;
	[tilespmem:$0xB4A0] =	vst v63  }
0x9c: {  	s25 =	sadd.s32 s28, s25  }
0x9d: {  	[tilespmem:s4], [sflag:$0x1] =	stream.linear.gather [hbm4b:s25+s3], $0x3E8, $0x38;
	[tilespmem:$0xB4A0] =	vst v63  }
0x9e: {  	_ =	swait.ge [sflag:s5], $0x3E8  }
0x9f: {  	[sflag:s5] =	ssyncset.done $0x0  }
0xa0: {  	[sflag:s5] =	ssyncadd.s32 $0xFFFFFC18  }
0xa1: {  	_ =	swait.ge [sflag:s5], $0x3E8  }
0xa2: {  	[sflag:s5] =	ssyncset.done $0x0  }
0xa3: {  	[sflag:s5] =	ssyncadd.s32 $0xFFFFFC18  }
0xa4: {  	[tilespmem:s8], [sflag:$0x3] =	stream.indirect.gather [hbm4b:s6+s7], $0x10, s3, s7, $0xb8;
	[tilespmem:$0xB4A0] =	vst v63  }
0xa5: {  	_ =	swait.ge [sflag:s16], $0x3E80  }
0xa6: {  	[sflag:s16] =	ssyncset.done $0x0  }
0xa7: {  	[sflag:s16] =	ssyncadd.s32 $0xFFFFC180  }
0xa8: {  	[spmem:s2] =	stream.indirect.scatter.add.f32 [tilespmem:s14], [sflag:$0x5], $0x10, s9, s7, $0xb8;
	[tilespmem:$0xB4A0] =	vst v63  }
0xa9: {  	s1 =	sadd.s32 $0x2328, s1;
	_ =	swait.ge [sflag:s10], $0x3E80  }
0xaa: {  	s1 =	sshrl.u32 s1, $0x3;
	[sflag:s10] =	ssyncset.done $0x0  }
0xab: {  	s26 =	sadd.s32 s26, s1;
	[sflag:s10] =	ssyncadd.s32 $0xFFFFC180  }
0xac: {  	[tilespmem:s7], [sflag:$0x2] =	stream.linear.gather [hbm4b:s26+s3], $0x3E8, $0x38;
	[tilespmem:$0xB4A0] =	vst v63  }
0xad: {  	s28 =	sadd.s32 s28, s1  }
0xae: {  	[tilespmem:s9], [sflag:$0x2] =	stream.linear.gather [hbm4b:s28+s3], $0x3E8, $0x38;
	[tilespmem:$0xB4A0] =	vst v63  }
0xaf: {  	_ =	swait.ge [sflag:s13], $0x3E8  }
0xb0: {  	[sflag:s13] =	ssyncset.done $0x0  }
0xb1: {  	[sflag:s13] =	ssyncadd.s32 $0xFFFFFC18  }
0xb2: {  	_ =	swait.ge [sflag:s13], $0x3E8  }
0xb3: {  	[sflag:s13] =	ssyncset.done $0x0  }
0xb4: {  	[sflag:s13] =	ssyncadd.s32 $0xFFFFFC18  }
0xb5: {  	[tilespmem:s14], [sflag:$0x4] =	stream.indirect.gather [hbm4b:s6+s7], $0x10, s7, s7, $0xb8;
	[tilespmem:$0xB4A0] =	vst v63  }
0xb6: {  	_ =	swait.ge [sflag:s15], $0x3E80  }
0xb7: {  	[sflag:s15] =	ssyncset.done $0x0  }
0xb8: {  	[sflag:s15] =	ssyncadd.s32 $0xFFFFC180  }
0xb9: {  	[spmem:s2] =	stream.indirect.scatter.add.f32 [tilespmem:s8], [sflag:$0x5], $0x10, s4, s7, $0xb8;
	[tilespmem:$0xB4A0] =	vst v63  }
0xba: {  	_ =	swait.ge [sflag:s10], $0x3E80  }
0xbb: {  	s0 =	smul.u32 $0x5000, s30;
	[sflag:s10] =	ssyncset.done $0x0  }
0xbc: {  	s30 =	ssub.s32 $0x2, s30;
	[sflag:s10] =	ssyncadd.s32 $0xFFFFC180  }
0xbd: {  	s1 =	sadd.s32 s0, s29;
	s29 =	sshrl.u32 s30, $0x1;
	_ =	swait.ge [sflag:s16], $0x3E80  }
0xbe: {  	s30 =	ssub.s32 s30, s29;
	s1 =	sadd.s32 $0x69600, s1;
	[sflag:s16] =	ssyncset.done $0x0  }
0xbf: {  	s29 =	sadd.s32 s31, s1;
	s31 =	smax.u32 s30, $0x1;
	[sflag:s16] =	ssyncadd.s32 $0xFFFFC180  }
0xc0: {  	[spmem:s2] =	stream.indirect.scatter.add.f32 [tilespmem:s14], [sflag:$0x5], $0x10, s9, s7, $0xb8;
	[tilespmem:$0xB4A0] =	vst v63  }
0xc1: {  	p0 =	sne.s32 s31, $0x1;
	_ =	swait.ge [sflag:s10], $0x3E80  }
.Ltmp0:
0xc2: {  	[sflag:s10] =	ssyncset.done $0x0;
	(pc) =	sbr.rel @!p0 .LBB2_2-.Ltmp0, $4  }
0xc3: {  	[sflag:s10] =	ssyncadd.s32 $0xFFFFC180  }
0xc4: {  	[bflag:$0x0] =	sbarrier.arrive $0xFFFF  }
0xc5: {  	[hbm:s29], [sflag:s12] =	dma.local [spmem:s11], $0x500  }
0xc6: {  	s30 =	sadd.s32 $0xFFFFFFFF, s31;
	_ =	swait.ge [sflag:s10], $0x500  }
.LBB2_1:
0xc7: {  	[sflag:s10] =	ssyncset.done $0x0  }
0xc8: {  	s1 =	rddreg [dreg:$0x4];
	[sflag:s10] =	ssyncadd.s32 $0xFFFFFB00  }
0xc9: {  	[tilespmem:s3], [sflag:$0x1] =	stream.linear.gather [hbm4b:s1+s3], $0x3E8, $0x38;
	[tilespmem:$0xB4A0] =	vst v63  }
0xca: {  	s31 =	rddreg [dreg:$0x5]  }
0xcb: {  	[tilespmem:s4], [sflag:$0x1] =	stream.linear.gather [hbm4b:s31+s3], $0x3E8, $0x38;
	[tilespmem:$0xB4A0] =	vst v63  }
0xcc: {  	_ =	swait.ge [sflag:s5], $0x3E8  }
0xcd: {  	[sflag:s5] =	ssyncset.done $0x0  }
0xce: {  	[sflag:s5] =	ssyncadd.s32 $0xFFFFFC18  }
0xcf: {  	_ =	swait.ge [sflag:s5], $0x3E8  }
0xd0: {  	[sflag:s5] =	ssyncset.done $0x0  }
0xd1: {  	s1 =	rddreg [dreg:$0x8];
	[sflag:s5] =	ssyncadd.s32 $0xFFFFFC18  }
0xd2: {  	[tilespmem:s8], [sflag:$0x3] =	stream.indirect.gather [hbm4b:s6+s7], $0x10, s3, s7, $0xb8;
	[tilespmem:$0xB4A0] =	vst v63  }
0xd3: {  	s31 =	rddreg [dreg:$0x6]  }
0xd4: {  	[tilespmem:s7], [sflag:$0x2] =	stream.linear.gather [hbm4b:s31+s3], $0x3E8, $0x38;
	[tilespmem:$0xB4A0] =	vst v63  }
0xd5: {  	s0 =	rddreg [dreg:$0x7]  }
0xd6: {  	[tilespmem:s9], [sflag:$0x2] =	stream.linear.gather [hbm4b:s0+s3], $0x3E8, $0x38;
	[tilespmem:$0xB4A0] =	vst v63  }
0xd7: {  	[spmem:s11], [sflag:s12] =	dma.local [hbm:s1], $0x500  }
0xd8: {  	_ =	swait.ge [sflag:s10], $0x500  }
0xd9: {  	[sflag:s10] =	ssyncset.done $0x0  }
0xda: {  	[sflag:s10] =	ssyncadd.s32 $0xFFFFFB00  }
0xdb: {  	[bflag:$0x0] =	sbarrier.arrive $0xFFFF  }
0xdc: {  	_ =	swait.ge [sflag:s13], $0x3E8  }
0xdd: {  	[sflag:s13] =	ssyncset.done $0x0  }
0xde: {  	[sflag:s13] =	ssyncadd.s32 $0xFFFFFC18  }
0xdf: {  	_ =	swait.ge [sflag:s13], $0x3E8  }
0xe0: {  	[sflag:s13] =	ssyncset.done $0x0  }
0xe1: {  	[sflag:s13] =	ssyncadd.s32 $0xFFFFFC18  }
0xe2: {  	[tilespmem:s14], [sflag:$0x4] =	stream.indirect.gather [hbm4b:s6+s7], $0x10, s7, s7, $0xb8;
	[tilespmem:$0xB4A0] =	vst v63  }
0xe3: {  	_ =	swait.ge [sflag:s15], $0x3E80  }
0xe4: {  	[sflag:s15] =	ssyncset.done $0x0  }
0xe5: {  	[sflag:s15] =	ssyncadd.s32 $0xFFFFC180  }
0xe6: {  	[spmem:s2] =	stream.indirect.scatter.add.f32 [tilespmem:s8], [sflag:$0x5], $0x10, s4, s7, $0xb8;
	[tilespmem:$0xB4A0] =	vst v63  }
0xe7: {  	_ =	swait.ge [sflag:s10], $0x3E80  }
0xe8: {  	[sflag:s10] =	ssyncset.done $0x0  }
0xe9: {  	s1 =	rddreg [dreg:$0x9];
	[sflag:s10] =	ssyncadd.s32 $0xFFFFC180  }
0xea: {  	[tilespmem:s3], [sflag:$0x1] =	stream.linear.gather [hbm4b:s1+s3], $0x3E8, $0x38;
	[tilespmem:$0xB4A0] =	vst v63  }
0xeb: {  	s31 =	rddreg [dreg:$0xa]  }
0xec: {  	[tilespmem:s4], [sflag:$0x1] =	stream.linear.gather [hbm4b:s31+s3], $0x3E8, $0x38;
	[tilespmem:$0xB4A0] =	vst v63  }
0xed: {  	_ =	swait.ge [sflag:s5], $0x3E8  }
0xee: {  	[sflag:s5] =	ssyncset.done $0x0  }
0xef: {  	[sflag:s5] =	ssyncadd.s32 $0xFFFFFC18  }
0xf0: {  	_ =	swait.ge [sflag:s5], $0x3E8  }
0xf1: {  	[sflag:s5] =	ssyncset.done $0x0  }
0xf2: {  	[sflag:s5] =	ssyncadd.s32 $0xFFFFFC18  }
0xf3: {  	[tilespmem:s8], [sflag:$0x3] =	stream.indirect.gather [hbm4b:s6+s7], $0x10, s3, s7, $0xb8;
	[tilespmem:$0xB4A0] =	vst v63  }
0xf4: {  	_ =	swait.ge [sflag:s16], $0x3E80  }
0xf5: {  	[sflag:s16] =	ssyncset.done $0x0  }
0xf6: {  	[sflag:s16] =	ssyncadd.s32 $0xFFFFC180  }
0xf7: {  	[spmem:s2] =	stream.indirect.scatter.add.f32 [tilespmem:s14], [sflag:$0x5], $0x10, s9, s7, $0xb8;
	[tilespmem:$0xB4A0] =	vst v63  }
0xf8: {  	_ =	swait.ge [sflag:s10], $0x3E80  }
0xf9: {  	[sflag:s10] =	ssyncset.done $0x0  }
0xfa: {  	s1 =	rddreg [dreg:$0xb];
	[sflag:s10] =	ssyncadd.s32 $0xFFFFC180  }
0xfb: {  	[tilespmem:s7], [sflag:$0x2] =	stream.linear.gather [hbm4b:s1+s3], $0x3E8, $0x38;
	[tilespmem:$0xB4A0] =	vst v63  }
0xfc: {  	s31 =	rddreg [dreg:$0xc]  }
0xfd: {  	[tilespmem:s9], [sflag:$0x2] =	stream.linear.gather [hbm4b:s31+s3], $0x3E8, $0x38;
	[tilespmem:$0xB4A0] =	vst v63  }
0xfe: {  	_ =	swait.ge [sflag:s13], $0x3E8  }
0xff: {  	[sflag:s13] =	ssyncset.done $0x0  }
0x100: {  	[sflag:s13] =	ssyncadd.s32 $0xFFFFFC18  }
0x101: {  	_ =	swait.ge [sflag:s13], $0x3E8  }
0x102: {  	[sflag:s13] =	ssyncset.done $0x0  }
0x103: {  	[sflag:s13] =	ssyncadd.s32 $0xFFFFFC18  }
0x104: {  	[tilespmem:s14], [sflag:$0x4] =	stream.indirect.gather [hbm4b:s6+s7], $0x10, s7, s7, $0xb8;
	[tilespmem:$0xB4A0] =	vst v63  }
0x105: {  	_ =	swait.ge [sflag:s15], $0x3E80  }
0x106: {  	[sflag:s15] =	ssyncset.done $0x0  }
0x107: {  	[sflag:s15] =	ssyncadd.s32 $0xFFFFC180  }
0x108: {  	[spmem:s2] =	stream.indirect.scatter.add.f32 [tilespmem:s8], [sflag:$0x5], $0x10, s4, s7, $0xb8;
	[tilespmem:$0xB4A0] =	vst v63  }
0x109: {  	_ =	swait.ge [sflag:s10], $0x3E80  }
0x10a: {  	[sflag:s10] =	ssyncset.done $0x0  }
0x10b: {  	s31 =	rddreg [dreg:$0xd];
	[sflag:s10] =	ssyncadd.s32 $0xFFFFC180  }
0x10c: {  	[tilespmem:s3], [sflag:$0x1] =	stream.linear.gather [hbm4b:s31+s3], $0x3E8, $0x38;
	[tilespmem:$0xB4A0] =	vst v63  }
0x10d: {  	_ = 	snop  }
0x10e: {  	[tilespmem:s4], [sflag:$0x1] =	stream.linear.gather [hbm4b:s17+s3], $0x3E8, $0x38;
	[tilespmem:$0xB4A0] =	vst v63  }
0x10f: {  	_ =	swait.ge [sflag:s5], $0x3E8  }
0x110: {  	[sflag:s5] =	ssyncset.done $0x0  }
0x111: {  	[sflag:s5] =	ssyncadd.s32 $0xFFFFFC18  }
0x112: {  	_ =	swait.ge [sflag:s5], $0x3E8  }
0x113: {  	[sflag:s5] =	ssyncset.done $0x0  }
0x114: {  	[sflag:s5] =	ssyncadd.s32 $0xFFFFFC18  }
0x115: {  	[tilespmem:s8], [sflag:$0x3] =	stream.indirect.gather [hbm4b:s6+s7], $0x10, s3, s7, $0xb8;
	[tilespmem:$0xB4A0] =	vst v63  }
0x116: {  	_ =	swait.ge [sflag:s16], $0x3E80  }
0x117: {  	[sflag:s16] =	ssyncset.done $0x0  }
0x118: {  	[sflag:s16] =	ssyncadd.s32 $0xFFFFC180  }
0x119: {  	[spmem:s2] =	stream.indirect.scatter.add.f32 [tilespmem:s14], [sflag:$0x5], $0x10, s9, s7, $0xb8;
	[tilespmem:$0xB4A0] =	vst v63  }
0x11a: {  	_ =	swait.ge [sflag:s10], $0x3E80  }
0x11b: {  	[sflag:s10] =	ssyncset.done $0x0  }
0x11c: {  	[sflag:s10] =	ssyncadd.s32 $0xFFFFC180  }
0x11d: {  	[tilespmem:s7], [sflag:$0x2] =	stream.linear.gather [hbm4b:s18+s3], $0x3E8, $0x38;
	[tilespmem:$0xB4A0] =	vst v63  }
0x11e: {  	_ = 	snop  }
0x11f: {  	[tilespmem:s9], [sflag:$0x2] =	stream.linear.gather [hbm4b:s19+s3], $0x3E8, $0x38;
	[tilespmem:$0xB4A0] =	vst v63  }
0x120: {  	_ =	swait.ge [sflag:s13], $0x3E8  }
0x121: {  	[sflag:s13] =	ssyncset.done $0x0  }
0x122: {  	[sflag:s13] =	ssyncadd.s32 $0xFFFFFC18  }
0x123: {  	_ =	swait.ge [sflag:s13], $0x3E8  }
0x124: {  	[sflag:s13] =	ssyncset.done $0x0  }
0x125: {  	[sflag:s13] =	ssyncadd.s32 $0xFFFFFC18  }
0x126: {  	[tilespmem:s14], [sflag:$0x4] =	stream.indirect.gather [hbm4b:s6+s7], $0x10, s7, s7, $0xb8;
	[tilespmem:$0xB4A0] =	vst v63  }
0x127: {  	_ =	swait.ge [sflag:s15], $0x3E80  }
0x128: {  	[sflag:s15] =	ssyncset.done $0x0  }
0x129: {  	[sflag:s15] =	ssyncadd.s32 $0xFFFFC180  }
0x12a: {  	[spmem:s2] =	stream.indirect.scatter.add.f32 [tilespmem:s8], [sflag:$0x5], $0x10, s4, s7, $0xb8;
	[tilespmem:$0xB4A0] =	vst v63  }
0x12b: {  	_ =	swait.ge [sflag:s10], $0x3E80  }
0x12c: {  	[sflag:s10] =	ssyncset.done $0x0  }
0x12d: {  	[sflag:s10] =	ssyncadd.s32 $0xFFFFC180  }
0x12e: {  	[tilespmem:s3], [sflag:$0x1] =	stream.linear.gather [hbm4b:s20+s3], $0x3E8, $0x38;
	[tilespmem:$0xB4A0] =	vst v63  }
0x12f: {  	_ = 	snop  }
0x130: {  	[tilespmem:s4], [sflag:$0x1] =	stream.linear.gather [hbm4b:s21+s3], $0x3E8, $0x38;
	[tilespmem:$0xB4A0] =	vst v63  }
0x131: {  	_ =	swait.ge [sflag:s5], $0x3E8  }
0x132: {  	[sflag:s5] =	ssyncset.done $0x0  }
0x133: {  	[sflag:s5] =	ssyncadd.s32 $0xFFFFFC18  }
0x134: {  	_ =	swait.ge [sflag:s5], $0x3E8  }
0x135: {  	[sflag:s5] =	ssyncset.done $0x0  }
0x136: {  	[sflag:s5] =	ssyncadd.s32 $0xFFFFFC18  }
0x137: {  	[tilespmem:s8], [sflag:$0x3] =	stream.indirect.gather [hbm4b:s6+s7], $0x10, s3, s7, $0xb8;
	[tilespmem:$0xB4A0] =	vst v63  }
0x138: {  	_ =	swait.ge [sflag:s16], $0x3E80  }
0x139: {  	[sflag:s16] =	ssyncset.done $0x0  }
0x13a: {  	[sflag:s16] =	ssyncadd.s32 $0xFFFFC180  }
0x13b: {  	[spmem:s2] =	stream.indirect.scatter.add.f32 [tilespmem:s14], [sflag:$0x5], $0x10, s9, s7, $0xb8;
	[tilespmem:$0xB4A0] =	vst v63  }
0x13c: {  	_ =	swait.ge [sflag:s10], $0x3E80  }
0x13d: {  	[sflag:s10] =	ssyncset.done $0x0  }
0x13e: {  	[sflag:s10] =	ssyncadd.s32 $0xFFFFC180  }
0x13f: {  	[tilespmem:s7], [sflag:$0x2] =	stream.linear.gather [hbm4b:s22+s3], $0x3E8, $0x38;
	[tilespmem:$0xB4A0] =	vst v63  }
0x140: {  	_ = 	snop  }
0x141: {  	[tilespmem:s9], [sflag:$0x2] =	stream.linear.gather [hbm4b:s23+s3], $0x3E8, $0x38;
	[tilespmem:$0xB4A0] =	vst v63  }
0x142: {  	_ =	swait.ge [sflag:s13], $0x3E8  }
0x143: {  	[sflag:s13] =	ssyncset.done $0x0  }
0x144: {  	[sflag:s13] =	ssyncadd.s32 $0xFFFFFC18  }
0x145: {  	_ =	swait.ge [sflag:s13], $0x3E8  }
0x146: {  	[sflag:s13] =	ssyncset.done $0x0  }
0x147: {  	[sflag:s13] =	ssyncadd.s32 $0xFFFFFC18  }
0x148: {  	[tilespmem:s14], [sflag:$0x4] =	stream.indirect.gather [hbm4b:s6+s7], $0x10, s7, s7, $0xb8;
	[tilespmem:$0xB4A0] =	vst v63  }
0x149: {  	_ =	swait.ge [sflag:s15], $0x3E80  }
0x14a: {  	[sflag:s15] =	ssyncset.done $0x0  }
0x14b: {  	[sflag:s15] =	ssyncadd.s32 $0xFFFFC180  }
0x14c: {  	[spmem:s2] =	stream.indirect.scatter.add.f32 [tilespmem:s8], [sflag:$0x5], $0x10, s4, s7, $0xb8;
	[tilespmem:$0xB4A0] =	vst v63  }
0x14d: {  	_ =	swait.ge [sflag:s10], $0x3E80  }
0x14e: {  	[sflag:s10] =	ssyncset.done $0x0  }
0x14f: {  	[sflag:s10] =	ssyncadd.s32 $0xFFFFC180  }
0x150: {  	[tilespmem:s3], [sflag:$0x1] =	stream.linear.gather [hbm4b:s24+s3], $0x3E8, $0x38;
	[tilespmem:$0xB4A0] =	vst v63  }
0x151: {  	_ = 	snop  }
0x152: {  	[tilespmem:s4], [sflag:$0x1] =	stream.linear.gather [hbm4b:s25+s3], $0x3E8, $0x38;
	[tilespmem:$0xB4A0] =	vst v63  }
0x153: {  	_ =	swait.ge [sflag:s5], $0x3E8  }
0x154: {  	[sflag:s5] =	ssyncset.done $0x0  }
0x155: {  	[sflag:s5] =	ssyncadd.s32 $0xFFFFFC18  }
0x156: {  	_ =	swait.ge [sflag:s5], $0x3E8  }
0x157: {  	[sflag:s5] =	ssyncset.done $0x0  }
0x158: {  	[sflag:s5] =	ssyncadd.s32 $0xFFFFFC18  }
0x159: {  	[tilespmem:s8], [sflag:$0x3] =	stream.indirect.gather [hbm4b:s6+s7], $0x10, s3, s7, $0xb8;
	[tilespmem:$0xB4A0] =	vst v63  }
0x15a: {  	_ =	swait.ge [sflag:s16], $0x3E80  }
0x15b: {  	[sflag:s16] =	ssyncset.done $0x0  }
0x15c: {  	[sflag:s16] =	ssyncadd.s32 $0xFFFFC180  }
0x15d: {  	[spmem:s2] =	stream.indirect.scatter.add.f32 [tilespmem:s14], [sflag:$0x5], $0x10, s9, s7, $0xb8;
	[tilespmem:$0xB4A0] =	vst v63  }
0x15e: {  	_ =	swait.ge [sflag:s10], $0x3E80  }
0x15f: {  	[sflag:s10] =	ssyncset.done $0x0  }
0x160: {  	[sflag:s10] =	ssyncadd.s32 $0xFFFFC180  }
0x161: {  	[tilespmem:s7], [sflag:$0x2] =	stream.linear.gather [hbm4b:s26+s3], $0x3E8, $0x38;
	[tilespmem:$0xB4A0] =	vst v63  }
0x162: {  	_ = 	snop  }
0x163: {  	[tilespmem:s9], [sflag:$0x2] =	stream.linear.gather [hbm4b:s28+s3], $0x3E8, $0x38;
	[tilespmem:$0xB4A0] =	vst v63  }
0x164: {  	_ =	swait.ge [sflag:s13], $0x3E8  }
0x165: {  	[sflag:s13] =	ssyncset.done $0x0  }
0x166: {  	[sflag:s13] =	ssyncadd.s32 $0xFFFFFC18  }
0x167: {  	_ =	swait.ge [sflag:s13], $0x3E8  }
0x168: {  	[sflag:s13] =	ssyncset.done $0x0  }
0x169: {  	[sflag:s13] =	ssyncadd.s32 $0xFFFFFC18  }
0x16a: {  	[tilespmem:s14], [sflag:$0x4] =	stream.indirect.gather [hbm4b:s6+s7], $0x10, s7, s7, $0xb8;
	[tilespmem:$0xB4A0] =	vst v63  }
0x16b: {  	_ =	swait.ge [sflag:s15], $0x3E80  }
0x16c: {  	[sflag:s15] =	ssyncset.done $0x0  }
0x16d: {  	[sflag:s15] =	ssyncadd.s32 $0xFFFFC180  }
0x16e: {  	[spmem:s2] =	stream.indirect.scatter.add.f32 [tilespmem:s8], [sflag:$0x5], $0x10, s4, s7, $0xb8;
	[tilespmem:$0xB4A0] =	vst v63  }
0x16f: {  	_ =	swait.ge [sflag:s10], $0x3E80  }
0x170: {  	[sflag:s10] =	ssyncset.done $0x0  }
0x171: {  	[sflag:s10] =	ssyncadd.s32 $0xFFFFC180  }
0x172: {  	_ =	swait.ge [sflag:s16], $0x3E80  }
0x173: {  	[sflag:s16] =	ssyncset.done $0x0  }
0x174: {  	[sflag:s16] =	ssyncadd.s32 $0xFFFFC180  }
0x175: {  	[spmem:s2] =	stream.indirect.scatter.add.f32 [tilespmem:s14], [sflag:$0x5], $0x10, s9, s7, $0xb8;
	[tilespmem:$0xB4A0] =	vst v63  }
0x176: {  	p0 =	sne.s32 s30, $0x1;
	_ =	swait.ge [sflag:s10], $0x3E80  }
.Ltmp1:
0x177: {  	[sflag:s10] =	ssyncset.done $0x0;
	(pc) =	sbr.rel @p0 .LBB2_1-.Ltmp1, $4  }
0x178: {  	[sflag:s10] =	ssyncadd.s32 $0xFFFFC180  }
0x179: {  	[bflag:$0x0] =	sbarrier.arrive $0xFFFF  }
0x17a: {  	[hbm:s29], [sflag:s12] =	dma.local [spmem:s11], $0x500  }
0x17b: {  	s30 =	sadd.s32 $0xFFFFFFFF, s30;
	_ =	swait.ge [sflag:s10], $0x500  }
.LBB2_2:
0x17c: {  	[sflag:s10] =	ssyncset.done $0x0  }
0x17d: {  	[sflag:s10] =	ssyncadd.s32 $0xFFFFFB00  }
0x17e: {  	_ =	sfence.sel $0x180000  }
0x17f: {  	[bflag:$0x0] =	sbarrier.arrive $0xFFFF  }
0x180: {  	_ =	strace $0x9000004D  }
0x181: {  	s0 =	stileid.u32;
	[bflag:$0x2] =	sbarrier.arrive $0xFFFF  }
0x182: {  	p0 =	sne.s32 s0, $0x0;
	s0 =	rddreg [dreg:$0x3]  }
0x183: {  	s0 =	sadd.s32 @!p0 $0x100000, s0  }
0x184: {  	[sflag:s0] =	ssyncadd.tile.s32 @!p0 $0x1;
	_ =	shalt  }
.Lfunc_end2:
_tile_overlayer_lowered:
.L_overlay_start_2:
0x185: {  	(tag) =	ssettag $0x2  }
0x186: {  	s0 =	rddreg [dreg:$0x0];
	s2 =	stileid.u32  }
0x187: {  	s1 =	rddreg [dreg:$0x1];
	p0 =	sne.s32 s2, $0x0  }
0x188: {  	s3 =	rddreg [dreg:$0x2];
	[bflag:$0x3] =	sbarrier.arrive $0xFFFF;
	s2 =	simm.s32 @!p0 $0x1C05  }
0x189: {  	[timem:s3], [sflag:s2] =	dma.local @!p0 [hbm:s0], s1  }
0x18a: {  	s0 =	simm.s32 @!p0 $0x5  }
0x18b: {  	_ =	swait.ge @!p0 [sflag:s0], s1  }
0x18c: {  	s1 =	ssub.s32 @!p0 $0x0, s1;
	[sflag:s0] =	ssyncset.done @!p0 $0x0  }
0x18d: {  	[sflag:s0] =	ssyncadd.s32 @!p0 s1  }
0x18e: {  	[bflag:$0x3] =	sbarrier.arrive $0xFFFF  }
0x18f: {  	_ =	shalt  }

// kernel: kernel.18.cloned.1.call-start
scs
__scs_entry_jumppad:
0x0: {  	(pc) =	sbr.rel $0x88, $3  }
0x1: {  	(tag) =	ssettag $0x0;
	lr =	simm.s32 $0x1  }
0x2: {  	[smem:$0x3F99] =	sst lr;
	_ =	strace $0xD0000000  }
0x3: {  	_ = 	snop  }
0x4: {  	_ = 	snop  }
0x5: {  	_ = 	snop  }
0x6: {  	_ = 	snop  }
0x7: {  	_ = 	snop  }
__scs_overlays_trampoline_lowered:
0x8: {  	[smem:$0x3FA8] =	sst s0  }
0x9: {  	[smem:$0x3FA9] =	sst s1  }
0xa: {  	[smem:$0x3FAA] =	sst s2  }
0xb: {  	[smem:$0x3FAB] =	sst s3  }
0xc: {  	[smem:$0x3FAC] =	sst s4  }
0xd: {  	[smem:$0x3FAD] =	sst s5  }
0xe: {  	[smem:$0x3FAE] =	sst s6  }
0xf: {  	[smem:$0x3FAF] =	sst s7  }
0x10: {  	[smem:$0x3FB0] =	sst s8  }
0x11: {  	[smem:$0x3FB1] =	sst s9;
	s0 =	simm.s32 @!p0 $0x0  }
0x12: {  	s1 =	sld [smem:$0x3F97];
	s0 =	simm.s32 @p0 $0x1  }
0x13: {  	[smem:$0x3FB2] =	sst s0;
	s0 =	simm.s32 @!p1 $0x0  }
0x14: {  	s2 =	sld [smem:$0x3F96];
	s0 =	simm.s32 @p1 $0x1  }
0x15: {  	[smem:$0x3FB3] =	sst s0;
	s0 =	simm.s32 @!p2 $0x0  }
0x16: {  	s3 =	sld [smem:$0x3FDB];
	s0 =	simm.s32 @p2 $0x1  }
0x17: {  	s4 =	simm.s32 $0x1BF5;
	[smem:$0x3FB5] =	sst s0  }
0x18: {  	s0 =	sld [smem:$0x3F98];
	_ =	swait.ge [sflag:s4], $0x0  }
0x19: {  	s7 =	sld [smem:$0x3F99]  }
0x1a: {  	s8 =	sadd.s32 $0xFFFFE003, lr  }
0x1b: {  	s9 =	sadd.s32 $0xFFFFFEF7, lr;
	s5 =	simm.s32 $0xFFFFFFFF;
	p2 =	slt.u32 s8, $0xFFFFF086  }
0x1c: {  	p1 =	slt.u32 s9, $0xF7A;
	s5 =	simm.s32 @!p2 $0x0  }
0x1d: {  	s5 =	simm.s32 @p1 $0x1;
	p0 =	seq.s32 s7, s2  }
0x1e: {  	s7 =	smul.u32 @!p0 $0xF7A, s2;
	p2 =	seq.s32 @!p0 s5, $0x0  }
0x1f: {  	s9 =	smul.u32 $0xF7A, s1;
	s8 =	simm.s32 @!p0 $0x1BF5;
	p2 =	por !p2, p0  }
0x20: {  	[sflag:s8] =	ssyncset.s32 @!p0 $0xFFFFF086;
	s6 =	sadd.s32 @!p0 s3, s7;
	s7 =	simm.s32 @!p0 $0x108  }
0x21: {  	s3 =	sadd.s32 s3, s9;
	s6 =	sadd.s32 @!p0 $0x88, s6;
	s7 =	simm.s32 @p2 $0x1082  }
0x22: {  	[simem:s7], [sflag:s8] =	dma.local @!p0 [hbm:s6], $0xF7A  }
0x23: {  	s9 =	sor.u32 $0xD0000000, s2;
	s6 =	simm.s32 $0x108;
	_ =	swait.ge @!p0 [sflag:s8], $0x0  }
0x24: {  	s3 =	sadd.s32 $0x88, s3;
	s6 =	simm.s32 @!p1 $0x1082;
	[sflag:s4] =	ssyncset.s32 $0xFFFFF086  }
0x25: {  	[simem:s6], [sflag:s4] =	dma.local [hbm:s3], $0xF7A  }
0x26: {  	[smem:$0x3F99] =	sst s1;
	(tag) =	ssettag s2;
	_ =	strace s9  }
0x27: {  	s1 =	sld [smem:$0x3FA9]  }
0x28: {  	s2 =	sld [smem:$0x3FAA]  }
0x29: {  	s4 =	sld [smem:$0x3FAC]  }
0x2a: {  	p0 =	seq.s32 s5, $0x0;
	s5 =	sld [smem:$0x3FAD]  }
0x2b: {  	s6 =	sld [smem:$0x3FAE]  }
0x2c: {  	s7 =	sld [smem:$0x3FAF]  }
0x2d: {  	s3 =	simm.s32 $0x108;
	s8 =	sld [smem:$0x3FB0]  }
0x2e: {  	s3 =	simm.s32 @!p0 $0x1082;
	s9 =	sld [smem:$0x3FB1]  }
0x2f: {  	lr =	sadd.s32 s0, s3;
	s0 =	sld [smem:$0x3FA8]  }
0x30: {  	s3 =	sld [smem:$0x3FAB]  }
0x31: {  	[smem:$0x3FB4] =	sst s10  }
0x32: {  	s10 =	sld [smem:$0x3FB2];
	_ =	sdelay $0x3  }
0x33: {  	p0 =	seq.s32 s10, $0x1;
	s10 =	sld [smem:$0x3FB4];
	_ =	sdelay $0x3  }
0x34: {  	[smem:$0x3FB4] =	sst s10  }
0x35: {  	s10 =	sld [smem:$0x3FB3];
	_ =	sdelay $0x3  }
0x36: {  	p1 =	seq.s32 s10, $0x1;
	s10 =	sld [smem:$0x3FB4];
	_ =	sdelay $0x3  }
0x37: {  	[smem:$0x3FB4] =	sst s10  }
0x38: {  	s10 =	sld [smem:$0x3FB5]  }
0x39: {  	_ = 	snop;
	(pc) =	sbr.ind lr, $3  }
0x3a: {  	_ = 	snop  }
0x3b: {  	_ = 	snop  }
0x3c: {  	p2 =	seq.s32 s10, $0x1;
	s10 =	sld [smem:$0x3FB4]  }
0x3d: {  	_ =	shalt  }
0x3e: {  	_ =	shalt  }
0x3f: {  	_ =	shalt  }
0x40: {  	_ =	shalt  }
0x41: {  	_ =	shalt  }
0x42: {  	_ =	shalt  }
0x43: {  	_ =	shalt  }
0x44: {  	_ =	shalt  }
0x45: {  	_ =	shalt  }
0x46: {  	_ =	shalt  }
0x47: {  	_ =	shalt  }
0x48: {  	_ =	shalt  }
0x49: {  	_ =	shalt  }
0x4a: {  	_ =	shalt  }
0x4b: {  	_ =	shalt  }
0x4c: {  	_ =	shalt  }
0x4d: {  	_ =	shalt  }
0x4e: {  	_ =	shalt  }
0x4f: {  	_ =	shalt  }
0x50: {  	_ =	shalt  }
0x51: {  	_ =	shalt  }
0x52: {  	_ =	shalt  }
0x53: {  	_ =	shalt  }
0x54: {  	_ =	shalt  }
0x55: {  	_ =	shalt  }
0x56: {  	_ =	shalt  }
0x57: {  	_ =	shalt  }
0x58: {  	_ =	shalt  }
0x59: {  	_ =	shalt  }
0x5a: {  	_ =	shalt  }
0x5b: {  	_ =	shalt  }
0x5c: {  	_ =	shalt  }
0x5d: {  	_ =	shalt  }
0x5e: {  	_ =	shalt  }
0x5f: {  	_ =	shalt  }
0x60: {  	_ =	shalt  }
0x61: {  	_ =	shalt  }
0x62: {  	_ =	shalt  }
0x63: {  	_ =	shalt  }
0x64: {  	_ =	shalt  }
0x65: {  	_ =	shalt  }
0x66: {  	_ =	shalt  }
0x67: {  	_ =	shalt  }
0x68: {  	_ =	shalt  }
0x69: {  	_ =	shalt  }
0x6a: {  	_ =	shalt  }
0x6b: {  	_ =	shalt  }
0x6c: {  	_ =	shalt  }
0x6d: {  	_ =	shalt  }
0x6e: {  	_ =	shalt  }
0x6f: {  	_ =	shalt  }
0x70: {  	_ =	shalt  }
0x71: {  	_ =	shalt  }
0x72: {  	_ =	shalt  }
0x73: {  	_ =	shalt  }
0x74: {  	_ =	shalt  }
0x75: {  	_ =	shalt  }
0x76: {  	_ =	shalt  }
0x77: {  	_ =	shalt  }
0x78: {  	_ =	shalt  }
0x79: {  	_ =	shalt  }
0x7a: {  	_ =	shalt  }
0x7b: {  	_ =	shalt  }
0x7c: {  	_ =	shalt  }
0x7d: {  	_ =	shalt  }
0x7e: {  	_ =	shalt  }
0x7f: {  	_ =	shalt  }
0x80: {  	_ =	shalt  }
0x81: {  	_ =	shalt  }
0x82: {  	_ =	shalt  }
0x83: {  	_ =	shalt  }
0x84: {  	_ =	shalt  }
0x85: {  	_ =	shalt  }
0x86: {  	_ =	shalt  }
0x87: {  	_ =	shalt  }
.Lfunc_end0:
.L_simem_size_0:
called_computation.3_lowered:
.L_overlay_start_0:
0x88: {  	s2 =	sld [smem:$0x3FD9]  }
0x89: {  	s3 =	sld [smem:$0x3FFE];
	_ =	sdelay $0x1  }
0x8a: {  	s1 =	srdreg.scid  }
0x8b: {  	s0 =	sand.u32 $0x1, s1  }
0x8c: {  	s17 =	sshll.u32 s0, $0xA;
	s2 =	sadd.s32 s3, s2  }
0x8d: {  	s2 =	sadd.s32 s2, s17  }
0x8e: {  	[smem:$0x3FC0] =	sst s2  }
0x8f: {  	_ = 	snop  }
0x90: {  	s2 =	sld [smem:$0x3FD0];
	(tm) =	ssettm $0x1  }
0x91: {  	s18 =	sld [smem:$0x3FFB];
	_ =	sdelay $0x3  }
0x92: {  	_ =	strace s18  }
0x93: {  	s3 =	sld [smem:$0x3FFC];
	_ =	sdelay $0x3  }
0x94: {  	_ =	strace s3  }
0x95: {  	s3 =	sld [smem:$0x3FFD];
	_ =	sdelay $0x3  }
0x96: {  	_ =	strace s3  }
0x97: {  	_ =	strace $0x8FFFFFFF  }
0x98: {  	s19 =	sld [smem:$0x3FDB];
	_ =	sdelay $0x1  }
0x99: {  	s4 =	simm.s32 $_scs_section_size  }
0x9a: {  	s5 =	simm.s32 $_size__tile_overlayer_lowered;
	s6 =	simm.s32 $_tile_overlayer_lowered  }
0x9b: {  	s22 =	simm.s32 $0x1BFF;
	s21 =	sshll.u32 s6, $0x1;
	s3 =	sadd.s32 s4, s19  }
0x9c: {  	s7 =	simm.s32 $0x0;
	s20 =	sshll.u32 s5, $0x1;
	s5 =	sadd.s32 s21, s3  }
0x9d: {  	[timem:s7], [sflag:s22] =	dma.local [hbm:s5], s20  }
0x9e: {  	_ =	swait.ge [sflag:s22], s20  }
0x9f: {  	s4 =	ssub.s32 $0x0, s20;
	[sflag:s22] =	ssyncset.done $0x0  }
0xa0: {  	[sflag:s22] =	ssyncadd.s32 s4;
	_ =	sdelay $0x1  }
0xa1: {  	s23 =	simm.s32 $0x1B8B  }
0xa2: {  	_ =	swait.ge [sflag:s23], $0x1  }
0xa3: {  	[sflag:s23] =	ssyncset.done $0x0  }
0xa4: {  	s25 =	simm.s32 $0x1B8E;
	s24 =	sld [smem:$0x3FFE];
	[sflag:s23] =	ssyncadd.s32 $0xFFFFFFFF  }
0xa5: {  	s26 =	simm.s32 $execute0_lowered;
	[smem:$0x3FD2] =	sst s25  }
0xa6: {  	s5 =	sshll.u32 s26, $0x1;
	_ =	strace $0x8000004F;
	[dreg:$0x1] =	wrdreg $0xFFFFFFFF  }
0xa7: {  	s28 =	simm.s32 $_size_execute0_lowered;
	s3 =	sadd.s32 s3, s5;
	[dreg:$0x0] =	wrdreg $0x0  }
0xa8: {  	s5 =	sshll.u32 s28, $0x1;
	[dreg:$0x2] =	wrdreg s3  }
0xa9: {  	[dreg:$0x3] =	wrdreg s5  }
0xaa: {  	[dreg:$0x4] =	wrdreg $0xC0  }
0xab: {  	_ =	task [dreg:s7], $0x5FFFF  }
0xac: {  	[dreg:$0x1] =	wrdreg $0xFFFFFFFF  }
0xad: {  	[dreg:$0x0] =	wrdreg $0x60  }
0xae: {  	[dreg:$0x2] =	wrdreg s2  }
0xaf: {  	[dreg:$0x3] =	wrdreg s24  }
0xb0: {  	[dreg:$0x4] =	wrdreg $0x1B5800  }
0xb1: {  	[dreg:$0x5] =	wrdreg $0x9  }
0xb2: {  	_ =	task.clear_ibuf [dreg:s7], $0x6FFFF;
	_ =	strace $0x9000004F  }
0xb3: {  	s29 =	simm.s32 $0x9;
	_ =	strace $0x80000051  }
0xb4: {  	_ =	swait.ge [sflag:s29], $0x1  }
0xb5: {  	[sflag:s29] =	ssyncadd.s32 $0xFFFFFFFF  }
0xb6: {  	_ =	strace $0x90000051  }
0xb7: {  	_ =	sfence  }
0xb8: {  	s30 =	sld [smem:$0x0];
	_ =	sdelay $0x2  }
0xb9: {  	s31 =	sshll.u32 s1, $0xD;
	s1 =	sshrl.u32 s1, $0x2  }
0xba: {  	s3 =	sand.u32 $0x4000, s31;
	s1 =	sadd.s32 s1, s30  }
0xbb: {  	s0 =	sor.u32 s3, s0;
	s1 =	sshll.u32 s1, $0x11  }
0xbc: {  	s0 =	sor.u32 s1, s0  }
0xbd: {  	s0 =	sadd.s32 $0x8F2B, s0  }
0xbe: {  	[sflag:s0] =	ssyncadd.remote.s32 $0x1  }
0xbf: {  	_ =	sfence.sel $0xFFFF  }
0xc0: {  	[dreg:$0x0] =	wrdreg $0xFFFFFFFF;
	(pc) =	sbr.abs _section_cstart, $3  }
0xc1: {  	[dreg:$0x1] =	wrdreg $0xFFFFFFFF  }
0xc2: {  	_ =	task.clear_ibuf [dreg:s7], $0x2FFFF;
	_ =	strace $0x9FFFFFFF  }
0xc3: {  	(tm) =	ssettm $0x7FFFFFFF  }
tec
execute0_lowered:
.L_overlay_start_1:
0x0: {  	(tag) =	ssettag $0x1  }
0x1: {  	s0 =	rddreg [dreg:$0x0]  }
0x2: {  	s2 =	rddreg [dreg:$0x1]  }
0x3: {  	s1 =	rddreg [dreg:$0x2];
	s3 =	srdreg.scid  }
0x4: {  	s9 =	stileid.u32;
	s19 =	simm.s32 $0xC80;
	s20 =	simm.s32 $0x640  }
0x5: {  	s28 =	simm.s32 $0x2;
	s29 =	simm.s32 $0x7D00;
	s30 =	simm.s32 $0x14500  }
0x6: {  	s31 =	simm.s32 $0x1A900;
	s4 =	sand.u32 $0x1, s3;
	s3 =	simm.s32 $0x0  }
0x7: {  	s6 =	sadd.s32 $0x79A00, s2;
	s7 =	sadd.s32 $0x73600, s2;
	s2 =	sadd.s32 $0xA00, s2  }
0x8: {  	s21 =	smul.u32 $0x2710, s9;
	s25 =	sshll.u32 s9, $0x6;
	s5 =	sshll.u32 s4, $0x4  }
0x9: {  	[smem:$0x7FF] =	sst s3;
	s4 =	ssub.s32 $0x2, s4;
	s5 =	sor.u32 s9, s5  }
0xa: {  	_ =	strace $0x80000050;
	s8 =	sshrl.u32 s4, $0x1;
	s9 =	sor.u32 $0x1C05, s25  }
0xb: {  	s5 =	smul.u32 $0x1900, s5;
	s4 =	ssub.s32 s4, s8;
	s8 =	sshrl.u32 s21, $0x3  }
0xc: {  	s25 =	simm.s32 $0x1900;
	s8 =	sadd.s32 s0, s8;
	s18 =	smax.u32 s4, $0x1  }
0xd: {  	s0 =	simm.s32 $0x1AF40;
	s4 =	simm.s32 $0x4;
	s5 =	sshrl.u32 s5, $0x3  }
0xe: {  	s15 =	sadd.s32 $0xC8, s5;
	s10 =	sadd.s32 s6, s5;
	s22 =	sadd.s32 s7, s5  }
0xf: {  	s16 =	sadd.s32 $0x190, s5;
	s26 =	sadd.s32 $0x258, s5;
	[dreg:$0x4] =	wrdreg s10  }
0x10: {  	s12 =	sadd.s32 s2, s5;
	s5 =	simm.s32 $0x0;
	[dreg:$0x5] =	wrdreg s22  }
0x11: {  	s23 =	sadd.s32 s6, s15;
	s24 =	sadd.s32 s7, s15;
	s22 =	sadd.s32 s21, s1  }
0x12: {  	s10 =	sadd.s32 s6, s16;
	s11 =	sadd.s32 s7, s16;
	s13 =	sadd.s32 s6, s26  }
0x13: {  	s14 =	sadd.s32 s7, s26;
	s15 =	sadd.s32 s2, s15;
	s16 =	sadd.s32 s2, s16  }
0x14: {  	v0 =	vlaneseq.u32;
	s17 =	sadd.s32 s2, s26;
	s21 =	simm.s32 $0x12C0;
	[dreg:$0x6] =	wrdreg s23  }
0x15: {  	v0 =	vmul.u32 $0x10, v0;
	s26 =	simm.s32 $0xE100;
	s2 =	simm.s32 $0x3;
	[dreg:$0x7] =	wrdreg s24  }
0x16: {  	s22 =	sshrl.u32 s22, $0x3;
	s23 =	simm.s32 $0x5;
	s24 =	simm.s32 $0x1  }
.LBB2_1:
0x17: {  	s6 =	rddreg [dreg:$0x4]  }
0x18: {  	[tilespmem:s3], [sflag:$0x1] =	stream.linear.gather [hbm4b:s6+s3], $0x640, $0x38;
	[tilespmem:$0x1DC90] =	vst v63  }
0x19: {  	s7 =	rddreg [dreg:$0x5]  }
0x1a: {  	[tilespmem:s19], [sflag:$0x1] =	stream.linear.gather [hbm4b:s7+s3], $0x640, $0x38;
	[tilespmem:$0x1DC90] =	vst v63  }
0x1b: {  	s7 =	rddreg [dreg:$0x6]  }
0x1c: {  	[tilespmem:s20], [sflag:$0x2] =	stream.linear.gather [hbm4b:s7+s3], $0x640, $0x38;
	[tilespmem:$0x1DC90] =	vst v63  }
0x1d: {  	s7 =	rddreg [dreg:$0x7]  }
0x1e: {  	[tilespmem:s21], [sflag:$0x2] =	stream.linear.gather [hbm4b:s7+s3], $0x640, $0x38;
	[tilespmem:$0x1DC90] =	vst v63  }
0x1f: {  	[spmem:s22], [sflag:s9] =	dma.local [hbm:s8], $0x4E2  }
0x20: {  	_ =	swait.ge [sflag:s23], $0x4E2  }
0x21: {  	[sflag:s23] =	ssyncset.done $0x0  }
0x22: {  	[sflag:s23] =	ssyncadd.s32 $0xFFFFFB1E  }
0x23: {  	[bflag:$0x0] =	sbarrier.arrive $0xFFFF  }
0x24: {  	_ =	swait.ge [sflag:s24], $0x640  }
0x25: {  	[sflag:s24] =	ssyncset.done $0x0  }
0x26: {  	[sflag:s24] =	ssyncadd.s32 $0xFFFFF9C0  }
0x27: {  	_ =	swait.ge [sflag:s24], $0x640  }
0x28: {  	[sflag:s24] =	ssyncset.done $0x0  }
0x29: {  	[sflag:s24] =	ssyncadd.s32 $0xFFFFF9C0  }
0x2a: {  	[tilespmem:s25], [sflag:$0x5] =	stream.indirect.gather [spmem:s1], $0x10, s3, s20, $0xb8;
	[tilespmem:$0x1DC90] =	vst v63  }
0x2b: {  	_ =	swait.ge [sflag:s23], $0x6400  }
0x2c: {  	[sflag:s23] =	ssyncset.done $0x0  }
0x2d: {  	[sflag:s23] =	ssyncadd.s32 $0xFFFF9C00  }
0x2e: {  	[tilespmem:s26], [sflag:$0x5] =	stream.indirect.gather [spmem:s1], $0x10, s19, s20, $0xb8;
	[tilespmem:$0x1DC90] =	vst v63  }
0x2f: {  	_ =	swait.ge [sflag:s23], $0x6400  }
0x30: {  	[sflag:s23] =	ssyncset.done $0x0  }
0x31: {  	[sflag:s23] =	ssyncadd.s32 $0xFFFF9C00  }
0x32: {  	_ =	swait.ge [sflag:s28], $0x640  }
0x33: {  	[sflag:s28] =	ssyncset.done $0x0  }
0x34: {  	[sflag:s28] =	ssyncadd.s32 $0xFFFFF9C0  }
0x35: {  	_ =	swait.ge [sflag:s28], $0x640  }
0x36: {  	[sflag:s28] =	ssyncset.done $0x0  }
0x37: {  	[sflag:s28] =	ssyncadd.s32 $0xFFFFF9C0  }
0x38: {  	[tilespmem:s29], [sflag:$0x5] =	stream.indirect.gather [spmem:s1], $0x10, s20, s20, $0xb8;
	[tilespmem:$0x1DC90] =	vst v63  }
0x39: {  	_ =	swait.ge [sflag:s23], $0x6400  }
0x3a: {  	[sflag:s23] =	ssyncset.done $0x0  }
0x3b: {  	[sflag:s23] =	ssyncadd.s32 $0xFFFF9C00  }
0x3c: {  	v1 =	vmov s3;
	[tilespmem:s30], [sflag:$0x5] =	stream.indirect.gather [spmem:s1], $0x10, s21, s20, $0xb8;
	[tilespmem:$0x1DC90] =	vst v63  }
0x3d: {  	v1 =	vshll.u32 v1, $0x4;
	_ =	swait.ge [sflag:s23], $0x6400  }
0x3e: {  	v1 =	vor.u32 v0, v1;
	[sflag:s23] =	ssyncset.done $0x0  }
0x3f: {  	[sflag:s23] =	ssyncadd.s32 $0xFFFF9C00  }
0x40: {  	v2 =	vor.u32 $0x1, v1;
	[tilespmem:s3], [sflag:$0x1] =	stream.linear.gather [hbm4b:s10+s3], $0x640, $0x38;
	[tilespmem:$0x1DC90] =	vst v63  }
0x41: {  	_ = 	snop  }
0x42: {  	v3 =	vor.u32 $0x2, v1;
	[tilespmem:s19], [sflag:$0x1] =	stream.linear.gather [hbm4b:s11+s3], $0x640, $0x38;
	[tilespmem:$0x1DC90] =	vst v63  }
0x43: {  	v4 =	vld.idx.msk [tilespmem:v1+s26+$0x0], $0xffff  }
0x44: {  	v6 =	vor.u32 $0x3, v1;
	v5 =	vld.idx.msk [tilespmem:v1+s25+$0x0], $0xffff  }
0x45: {  	v7 =	vld.idx.msk [tilespmem:v2+s25+$0x0], $0xffff  }
0x46: {  	v8 =	vor.u32 $0x4, v1;
	v2 =	vld.idx.msk [tilespmem:v2+s26+$0x0], $0xffff  }
0x47: {  	v9 =	vld.idx.msk [tilespmem:v3+s25+$0x0], $0xffff  }
0x48: {  	v10 =	vor.u32 $0x5, v1;
	v3 =	vld.idx.msk [tilespmem:v3+s26+$0x0], $0xffff  }
0x49: {  	v11 =	vld.idx.msk [tilespmem:v6+s25+$0x0], $0xffff;
	v4 =	vmul.f32 v4, v5  }
0x4a: {  	v5 =	vld.idx.msk [tilespmem:v6+s26+$0x0], $0xffff;
	v6 =	vor.u32 $0x6, v1  }
0x4b: {  	v12 =	vld.idx.msk [tilespmem:v8+s25+$0x0], $0xffff;
	v2 =	vmul.f32 v2, v7;
	v4 =	vadd.f32 $0.0e+00, v4  }
0x4c: {  	v29 =	vor.u32 $0x7, v1;
	v7 =	vld.idx.msk [tilespmem:v8+s26+$0x0], $0xffff  }
0x4d: {  	v13 =	vld.idx.msk [tilespmem:v10+s25+$0x0], $0xffff;
	v3 =	vmul.f32 v3, v9;
	v2 =	vadd.f32 v2, v4  }
0x4e: {  	v30 =	vor.u32 $0x8, v1;
	v4 =	vld.idx.msk [tilespmem:v10+s26+$0x0], $0xffff  }
0x4f: {  	v31 =	vld.idx.msk [tilespmem:v6+s25+$0x0], $0xffff;
	v2 =	vadd.f32 v3, v2;
	v3 =	vmul.f32 v5, v11  }
0x50: {  	v5 =	vld.idx.msk [tilespmem:v6+s26+$0x0], $0xffff;
	v6 =	vor.u32 $0x9, v1  }
0x51: {  	v32 =	vld.idx.msk [tilespmem:v29+s25+$0x0], $0xffff;
	v2 =	vadd.f32 v3, v2;
	v3 =	vmul.f32 v7, v12  }
0x52: {  	v33 =	vor.u32 $0xA, v1;
	v7 =	vld.idx.msk [tilespmem:v29+s26+$0x0], $0xffff  }
0x53: {  	v34 =	vld.idx.msk [tilespmem:v30+s25+$0x0], $0xffff;
	v2 =	vadd.f32 v3, v2;
	v3 =	vmul.f32 v4, v13  }
0x54: {  	v35 =	vor.u32 $0xB, v1;
	v4 =	vld.idx.msk [tilespmem:v30+s26+$0x0], $0xffff  }
0x55: {  	v36 =	vld.idx.msk [tilespmem:v6+s25+$0x0], $0xffff;
	v2 =	vadd.f32 v3, v2;
	v3 =	vmul.f32 v5, v31  }
0x56: {  	v5 =	vld.idx.msk [tilespmem:v6+s26+$0x0], $0xffff;
	v6 =	vor.u32 $0xC, v1  }
0x57: {  	v37 =	vld.idx.msk [tilespmem:v33+s25+$0x0], $0xffff;
	v2 =	vadd.f32 v3, v2;
	v3 =	vmul.f32 v7, v32  }
0x58: {  	v38 =	vor.u32 $0xD, v1;
	v7 =	vld.idx.msk [tilespmem:v33+s26+$0x0], $0xffff  }
0x59: {  	v39 =	vld.idx.msk [tilespmem:v35+s25+$0x0], $0xffff;
	v2 =	vadd.f32 v3, v2;
	v3 =	vmul.f32 v4, v34  }
0x5a: {  	v40 =	vor.u32 $0xE, v1;
	v4 =	vld.idx.msk [tilespmem:v35+s26+$0x0], $0xffff  }
0x5b: {  	v41 =	vld.idx.msk [tilespmem:v6+s25+$0x0], $0xffff;
	v2 =	vadd.f32 v3, v2;
	v3 =	vmul.f32 v5, v36  }
0x5c: {  	v1 =	vor.u32 $0xF, v1;
	v5 =	vld.idx.msk [tilespmem:v6+s26+$0x0], $0xffff  }
0x5d: {  	v6 =	vld.idx.msk [tilespmem:v38+s25+$0x0], $0xffff;
	v2 =	vadd.f32 v3, v2;
	v3 =	vmul.f32 v7, v37  }
0x5e: {  	v7 =	vld.idx.msk [tilespmem:v38+s26+$0x0], $0xffff  }
0x5f: {  	v42 =	vld.idx.msk [tilespmem:v40+s25+$0x0], $0xffff;
	v2 =	vadd.f32 v3, v2;
	v3 =	vmul.f32 v4, v39  }
0x60: {  	v4 =	vld.idx.msk [tilespmem:v40+s26+$0x0], $0xffff  }
0x61: {  	v43 =	vld.idx.msk [tilespmem:v1+s25+$0x0], $0xffff;
	v2 =	vadd.f32 v3, v2;
	v3 =	vmul.f32 v5, v41  }
0x62: {  	v1 =	vld.idx.msk [tilespmem:v1+s26+$0x0], $0xffff  }
0x63: {  	v2 =	vadd.f32 v3, v2;
	v3 =	vmul.f32 v7, v6  }
0x64: {  	s7 =	simm.s32 $0x10  }
0x65: {  	v5 =	vmov s7;
	v2 =	vadd.f32 v3, v2;
	v3 =	vmul.f32 v4, v42  }
0x66: {  	v4 =	vshll.u32 v5, $0x4  }
0x67: {  	v1 =	vmul.f32 v1, v43;
	v4 =	vor.u32 v0, v4;
	v2 =	vadd.f32 v3, v2;
	_ =	sdelay $0x1  }
0x68: {  	v3 =	vor.u32 $0x1, v4;
	v1 =	vadd.f32 v1, v2;
	_ =	sdelay $0x1  }
0x69: {  	v2 =	vor.u32 $0x2, v4;
	[tilespmem:s31+$0x0] =	vst v1  }
0x6a: {  	v1 =	vld.idx.msk [tilespmem:v4+s26+$0x0], $0xffff  }
0x6b: {  	v6 =	vor.u32 $0x3, v4;
	v5 =	vld.idx.msk [tilespmem:v4+s25+$0x0], $0xffff  }
0x6c: {  	v7 =	vld.idx.msk [tilespmem:v3+s25+$0x0], $0xffff  }
0x6d: {  	v44 =	vor.u32 $0x4, v4;
	v3 =	vld.idx.msk [tilespmem:v3+s26+$0x0], $0xffff  }
0x6e: {  	v45 =	vld.idx.msk [tilespmem:v2+s25+$0x0], $0xffff  }
0x6f: {  	v46 =	vor.u32 $0x5, v4;
	v2 =	vld.idx.msk [tilespmem:v2+s26+$0x0], $0xffff  }
0x70: {  	v47 =	vld.idx.msk [tilespmem:v6+s25+$0x0], $0xffff;
	v1 =	vmul.f32 v1, v5  }
0x71: {  	v5 =	vld.idx.msk [tilespmem:v6+s26+$0x0], $0xffff;
	v6 =	vor.u32 $0x6, v4  }
0x72: {  	v48 =	vld.idx.msk [tilespmem:v44+s25+$0x0], $0xffff;
	v3 =	vmul.f32 v3, v7;
	v1 =	vadd.f32 $0.0e+00, v1  }
0x73: {  	v49 =	vor.u32 $0x7, v4;
	v7 =	vld.idx.msk [tilespmem:v44+s26+$0x0], $0xffff  }
0x74: {  	v50 =	vld.idx.msk [tilespmem:v46+s25+$0x0], $0xffff;
	v2 =	vmul.f32 v2, v45;
	v1 =	vadd.f32 v3, v1  }
0x75: {  	v51 =	vor.u32 $0x8, v4;
	v3 =	vld.idx.msk [tilespmem:v46+s26+$0x0], $0xffff  }
0x76: {  	v52 =	vld.idx.msk [tilespmem:v6+s25+$0x0], $0xffff;
	v1 =	vadd.f32 v2, v1;
	v2 =	vmul.f32 v5, v47  }
0x77: {  	v5 =	vld.idx.msk [tilespmem:v6+s26+$0x0], $0xffff;
	v6 =	vor.u32 $0x9, v4  }
0x78: {  	v53 =	vld.idx.msk [tilespmem:v49+s25+$0x0], $0xffff;
	v1 =	vadd.f32 v2, v1;
	v2 =	vmul.f32 v7, v48  }
0x79: {  	v54 =	vor.u32 $0xA, v4;
	v7 =	vld.idx.msk [tilespmem:v49+s26+$0x0], $0xffff  }
0x7a: {  	v55 =	vld.idx.msk [tilespmem:v51+s25+$0x0], $0xffff;
	v1 =	vadd.f32 v2, v1;
	v2 =	vmul.f32 v3, v50  }
0x7b: {  	v56 =	vor.u32 $0xB, v4;
	v3 =	vld.idx.msk [tilespmem:v51+s26+$0x0], $0xffff  }
0x7c: {  	v57 =	vld.idx.msk [tilespmem:v6+s25+$0x0], $0xffff;
	v1 =	vadd.f32 v2, v1;
	v2 =	vmul.f32 v5, v52  }
0x7d: {  	v5 =	vld.idx.msk [tilespmem:v6+s26+$0x0], $0xffff;
	v6 =	vor.u32 $0xC, v4  }
0x7e: {  	v58 =	vld.idx.msk [tilespmem:v54+s25+$0x0], $0xffff;
	v1 =	vadd.f32 v2, v1;
	v2 =	vmul.f32 v7, v53  }
0x7f: {  	v7 =	vld.idx.msk [tilespmem:v54+s26+$0x0], $0xffff  }
0x80: {  	v60 =	vld.idx.msk [tilespmem:v56+s25+$0x0], $0xffff;
	v1 =	vadd.f32 v2, v1;
	v2 =	vmul.f32 v3, v55  }
0x81: {  	v59 =	vor.u32 $0xD, v4;
	v3 =	vld.idx.msk [tilespmem:v56+s26+$0x0], $0xffff  }
0x82: {  	v62 =	vld.idx.msk [tilespmem:v6+s25+$0x0], $0xffff;
	v1 =	vadd.f32 v2, v1;
	v2 =	vmul.f32 v5, v57  }
0x83: {  	v61 =	vor.u32 $0xE, v4;
	v5 =	vld.idx.msk [tilespmem:v6+s26+$0x0], $0xffff  }
0x84: {  	v1 =	vadd.f32 v2, v1;
	v2 =	vmul.f32 v7, v58  }
0x85: {  	v4 =	vor.u32 $0xF, v4  }
0x86: {  	v6 =	vld.idx.msk [tilespmem:v59+s25+$0x0], $0xffff;
	v1 =	vadd.f32 v2, v1;
	v2 =	vmul.f32 v3, v60  }
0x87: {  	v7 =	vld.idx.msk [tilespmem:v59+s26+$0x0], $0xffff  }
0x88: {  	v63 =	vld.idx.msk [tilespmem:v61+s25+$0x0], $0xffff;
	v1 =	vadd.f32 v2, v1;
	v2 =	vmul.f32 v5, v62  }
0x89: {  	v9 =	vld.idx.msk [tilespmem:v61+s26+$0x0], $0xffff  }
0x8a: {  	v3 =	vadd.f32 v2, v1;
	v1 =	vld.idx.msk [tilespmem:v4+s25+$0x0], $0xffff  }
0x8b: {  	v2 =	vld.idx.msk [tilespmem:v4+s26+$0x0], $0xffff  }
0x8c: {  	v5 =	vmul.f32 v7, v6  }
0x8d: {  	s7 =	simm.s32 $0x20  }
0x8e: {  	v6 =	vmov s7;
	v4 =	vmul.f32 v9, v63;
	v3 =	vadd.f32 v5, v3  }
0x8f: {  	s6 =	simm.s32 $0x1A900;
	s7 =	simm.s32 $0x30;
	v5 =	vshll.u32 v6, $0x4  }
.LBB2_2:
0x90: {  	p0 =	sne.s32 s7, $0x630;
	v5 =	vor.u32 v0, v5;
	v3 =	vadd.f32 v4, v3;
	v1 =	vmul.f32 v2, v1;
	_ =	sdelay $0x1  }
0x91: {  	v2 =	vor.u32 $0x1, v5;
	v1 =	vadd.f32 v1, v3  }
0x92: {  	s6 =	sadd.s32 $0x10, s6  }
0x93: {  	v3 =	vor.u32 $0x2, v5;
	[tilespmem:s6+$0x0] =	vst v1  }
0x94: {  	v1 =	vld.idx.msk [tilespmem:v5+s26+$0x0], $0xffff  }
0x95: {  	v6 =	vor.u32 $0x3, v5;
	v4 =	vld.idx.msk [tilespmem:v5+s25+$0x0], $0xffff  }
0x96: {  	v7 =	vld.idx.msk [tilespmem:v2+s25+$0x0], $0xffff  }
0x97: {  	v8 =	vor.u32 $0x4, v5;
	v2 =	vld.idx.msk [tilespmem:v2+s26+$0x0], $0xffff  }
0x98: {  	v9 =	vld.idx.msk [tilespmem:v3+s25+$0x0], $0xffff  }
0x99: {  	v10 =	vor.u32 $0x5, v5;
	v3 =	vld.idx.msk [tilespmem:v3+s26+$0x0], $0xffff  }
0x9a: {  	v11 =	vld.idx.msk [tilespmem:v6+s25+$0x0], $0xffff  }
0x9b: {  	v1 =	vmul.f32 v1, v4;
	v4 =	vld.idx.msk [tilespmem:v6+s26+$0x0], $0xffff;
	v6 =	vor.u32 $0x6, v5  }
0x9c: {  	v12 =	vld.idx.msk [tilespmem:v8+s25+$0x0], $0xffff  }
0x9d: {  	v1 =	vadd.f32 $0.0e+00, v1;
	v2 =	vmul.f32 v2, v7;
	v7 =	vld.idx.msk [tilespmem:v8+s26+$0x0], $0xffff;
	v8 =	vor.u32 $0x7, v5  }
0x9e: {  	v13 =	vld.idx.msk [tilespmem:v10+s25+$0x0], $0xffff  }
0x9f: {  	v1 =	vadd.f32 v2, v1;
	v2 =	vmul.f32 v3, v9;
	v9 =	vor.u32 $0x8, v5;
	v3 =	vld.idx.msk [tilespmem:v10+s26+$0x0], $0xffff  }
0xa0: {  	v10 =	vld.idx.msk [tilespmem:v6+s25+$0x0], $0xffff  }
0xa1: {  	v1 =	vadd.f32 v2, v1;
	v2 =	vmul.f32 v4, v11;
	v4 =	vld.idx.msk [tilespmem:v6+s26+$0x0], $0xffff;
	v6 =	vor.u32 $0x9, v5  }
0xa2: {  	v11 =	vld.idx.msk [tilespmem:v8+s25+$0x0], $0xffff  }
0xa3: {  	v1 =	vadd.f32 v2, v1;
	v2 =	vmul.f32 v7, v12;
	v7 =	vld.idx.msk [tilespmem:v8+s26+$0x0], $0xffff;
	v8 =	vor.u32 $0xA, v5  }
0xa4: {  	v12 =	vld.idx.msk [tilespmem:v9+s25+$0x0], $0xffff  }
0xa5: {  	v1 =	vadd.f32 v2, v1;
	v2 =	vmul.f32 v3, v13;
	v3 =	vld.idx.msk [tilespmem:v9+s26+$0x0], $0xffff;
	v9 =	vor.u32 $0xB, v5  }
0xa6: {  	v13 =	vld.idx.msk [tilespmem:v6+s25+$0x0], $0xffff  }
0xa7: {  	v1 =	vadd.f32 v2, v1;
	v2 =	vmul.f32 v4, v10;
	v4 =	vld.idx.msk [tilespmem:v6+s26+$0x0], $0xffff;
	v6 =	vor.u32 $0xC, v5  }
0xa8: {  	v10 =	vld.idx.msk [tilespmem:v8+s25+$0x0], $0xffff  }
0xa9: {  	v1 =	vadd.f32 v2, v1;
	v2 =	vmul.f32 v7, v11;
	v7 =	vld.idx.msk [tilespmem:v8+s26+$0x0], $0xffff;
	v8 =	vor.u32 $0xD, v5  }
0xaa: {  	v11 =	vld.idx.msk [tilespmem:v9+s25+$0x0], $0xffff  }
0xab: {  	v1 =	vadd.f32 v2, v1;
	v2 =	vmul.f32 v3, v12;
	v3 =	vld.idx.msk [tilespmem:v9+s26+$0x0], $0xffff;
	v9 =	vor.u32 $0xE, v5  }
0xac: {  	v12 =	vld.idx.msk [tilespmem:v6+s25+$0x0], $0xffff  }
0xad: {  	v5 =	vor.u32 $0xF, v5;
	v1 =	vadd.f32 v2, v1;
	v2 =	vmul.f32 v4, v13;
	v4 =	vld.idx.msk [tilespmem:v6+s26+$0x0], $0xffff  }
0xae: {  	v6 =	vld.idx.msk [tilespmem:v8+s25+$0x0], $0xffff  }
0xaf: {  	v1 =	vadd.f32 v2, v1;
	v2 =	vmul.f32 v7, v10;
	v7 =	vld.idx.msk [tilespmem:v8+s26+$0x0], $0xffff  }
0xb0: {  	v8 =	vld.idx.msk [tilespmem:v9+s25+$0x0], $0xffff  }
0xb1: {  	v2 =	vadd.f32 v2, v1;
	v3 =	vmul.f32 v3, v11;
	v9 =	vld.idx.msk [tilespmem:v9+s26+$0x0], $0xffff  }
0xb2: {  	v1 =	vld.idx.msk [tilespmem:v5+s25+$0x0], $0xffff  }
0xb3: {  	v3 =	vadd.f32 v3, v2;
	v4 =	vmul.f32 v4, v12;
	v2 =	vld.idx.msk [tilespmem:v5+s26+$0x0], $0xffff  }
.Ltmp0:
0xb4: {  	(pc) =	sbr.rel @p0 .LBB2_2-.Ltmp0, $3  }
0xb5: {  	v3 =	vadd.f32 v4, v3;
	v4 =	vmul.f32 v7, v6;
	_ =	sdelay $0x1  }
0xb6: {  	v5 =	vmov s7;
	v3 =	vadd.f32 v4, v3;
	v4 =	vmul.f32 v9, v8  }
0xb7: {  	s7 =	sadd.s32 $0x10, s7;
	v5 =	vshll.u32 v5, $0x4  }
0xb8: {  	v5 =	vor.u32 v0, v5;
	v3 =	vadd.f32 v4, v3;
	v1 =	vmul.f32 v2, v1;
	_ =	sdelay $0x1  }
0xb9: {  	v2 =	vor.u32 $0x1, v5;
	v1 =	vadd.f32 v1, v3  }
0xba: {  	s6 =	sadd.s32 $0x10, s6  }
0xbb: {  	v3 =	vor.u32 $0x2, v5;
	[tilespmem:s6+$0x0] =	vst v1  }
0xbc: {  	v1 =	vld.idx.msk [tilespmem:v5+s26+$0x0], $0xffff  }
0xbd: {  	v6 =	vor.u32 $0x3, v5;
	v4 =	vld.idx.msk [tilespmem:v5+s25+$0x0], $0xffff  }
0xbe: {  	v7 =	vld.idx.msk [tilespmem:v2+s25+$0x0], $0xffff  }
0xbf: {  	v8 =	vor.u32 $0x4, v5;
	v2 =	vld.idx.msk [tilespmem:v2+s26+$0x0], $0xffff  }
0xc0: {  	v9 =	vld.idx.msk [tilespmem:v3+s25+$0x0], $0xffff  }
0xc1: {  	v10 =	vor.u32 $0x5, v5;
	v3 =	vld.idx.msk [tilespmem:v3+s26+$0x0], $0xffff  }
0xc2: {  	v11 =	vld.idx.msk [tilespmem:v6+s25+$0x0], $0xffff;
	v1 =	vmul.f32 v1, v4  }
0xc3: {  	v4 =	vld.idx.msk [tilespmem:v6+s26+$0x0], $0xffff;
	v6 =	vor.u32 $0x6, v5  }
0xc4: {  	v12 =	vld.idx.msk [tilespmem:v8+s25+$0x0], $0xffff;
	v2 =	vmul.f32 v2, v7;
	v1 =	vadd.f32 $0.0e+00, v1  }
0xc5: {  	v56 =	vor.u32 $0x7, v5;
	v7 =	vld.idx.msk [tilespmem:v8+s26+$0x0], $0xffff  }
0xc6: {  	v13 =	vld.idx.msk [tilespmem:v10+s25+$0x0], $0xffff;
	v1 =	vadd.f32 v2, v1;
	v2 =	vmul.f32 v3, v9  }
0xc7: {  	v57 =	vor.u32 $0x8, v5;
	v3 =	vld.idx.msk [tilespmem:v10+s26+$0x0], $0xffff  }
0xc8: {  	v58 =	vld.idx.msk [tilespmem:v6+s25+$0x0], $0xffff;
	v1 =	vadd.f32 v2, v1;
	v2 =	vmul.f32 v4, v11  }
0xc9: {  	v4 =	vld.idx.msk [tilespmem:v6+s26+$0x0], $0xffff;
	v6 =	vor.u32 $0x9, v5  }
0xca: {  	v59 =	vld.idx.msk [tilespmem:v56+s25+$0x0], $0xffff;
	v1 =	vadd.f32 v2, v1;
	v2 =	vmul.f32 v7, v12  }
0xcb: {  	v60 =	vor.u32 $0xA, v5;
	v7 =	vld.idx.msk [tilespmem:v56+s26+$0x0], $0xffff  }
0xcc: {  	v61 =	vld.idx.msk [tilespmem:v57+s25+$0x0], $0xffff;
	v1 =	vadd.f32 v2, v1;
	v2 =	vmul.f32 v3, v13  }
0xcd: {  	v62 =	vor.u32 $0xB, v5;
	v3 =	vld.idx.msk [tilespmem:v57+s26+$0x0], $0xffff  }
0xce: {  	v63 =	vld.idx.msk [tilespmem:v6+s25+$0x0], $0xffff;
	v1 =	vadd.f32 v2, v1;
	v2 =	vmul.f32 v4, v58  }
0xcf: {  	v4 =	vld.idx.msk [tilespmem:v6+s26+$0x0], $0xffff;
	v6 =	vor.u32 $0xC, v5  }
0xd0: {  	v16 =	vld.idx.msk [tilespmem:v60+s25+$0x0], $0xffff;
	v1 =	vadd.f32 v2, v1;
	v2 =	vmul.f32 v7, v59  }
0xd1: {  	v17 =	vor.u32 $0xD, v5;
	v7 =	vld.idx.msk [tilespmem:v60+s26+$0x0], $0xffff  }
0xd2: {  	v18 =	vld.idx.msk [tilespmem:v62+s25+$0x0], $0xffff;
	v1 =	vadd.f32 v2, v1;
	v2 =	vmul.f32 v3, v61  }
0xd3: {  	v19 =	vor.u32 $0xE, v5;
	v3 =	vld.idx.msk [tilespmem:v62+s26+$0x0], $0xffff  }
0xd4: {  	v20 =	vld.idx.msk [tilespmem:v6+s25+$0x0], $0xffff;
	v1 =	vadd.f32 v2, v1;
	v2 =	vmul.f32 v4, v63  }
0xd5: {  	v5 =	vor.u32 $0xF, v5;
	v4 =	vld.idx.msk [tilespmem:v6+s26+$0x0], $0xffff  }
0xd6: {  	v6 =	vld.idx.msk [tilespmem:v17+s25+$0x0], $0xffff;
	v1 =	vadd.f32 v2, v1;
	v2 =	vmul.f32 v7, v16  }
0xd7: {  	v7 =	vld.idx.msk [tilespmem:v17+s26+$0x0], $0xffff  }
0xd8: {  	v21 =	vld.idx.msk [tilespmem:v19+s25+$0x0], $0xffff;
	v1 =	vadd.f32 v2, v1;
	v2 =	vmul.f32 v3, v18  }
0xd9: {  	v3 =	vld.idx.msk [tilespmem:v19+s26+$0x0], $0xffff  }
0xda: {  	v22 =	vld.idx.msk [tilespmem:v5+s25+$0x0], $0xffff;
	v1 =	vadd.f32 v2, v1;
	v2 =	vmul.f32 v4, v20  }
0xdb: {  	v4 =	vld.idx.msk [tilespmem:v5+s26+$0x0], $0xffff  }
0xdc: {  	v1 =	vadd.f32 v2, v1;
	v2 =	vmul.f32 v7, v6;
	_ =	sdelay $0x1  }
0xdd: {  	v1 =	vadd.f32 v2, v1;
	v2 =	vmul.f32 v3, v21;
	_ =	sdelay $0x1  }
0xde: {  	v1 =	vadd.f32 v2, v1;
	v2 =	vmul.f32 v4, v22;
	_ =	sdelay $0x1  }
0xdf: {  	v1 =	vadd.f32 v2, v1  }
0xe0: {  	s6 =	sadd.s32 $0x10, s6  }
0xe1: {  	s7 =	simm.s32 $0x0;
	[tilespmem:s6+$0x0] =	vst v1  }
0xe2: {  	[hbm4b:s12+s7] =	stream.linear.scatter [tilespmem:s31], [sflag:$0x3], $0x640, $0x38;
	[tilespmem:$0x1DC90] =	vst v63  }
0xe3: {  	_ =	swait.ge [sflag:s24], $0x640  }
0xe4: {  	[sflag:s24] =	ssyncset.done $0x0  }
0xe5: {  	[sflag:s24] =	ssyncadd.s32 $0xFFFFF9C0  }
0xe6: {  	_ =	swait.ge [sflag:s24], $0x640  }
0xe7: {  	[sflag:s24] =	ssyncset.done $0x0  }
0xe8: {  	[sflag:s24] =	ssyncadd.s32 $0xFFFFF9C0  }
0xe9: {  	[tilespmem:s25], [sflag:$0x5] =	stream.indirect.gather [spmem:s1], $0x10, s7, s20, $0xb8;
	[tilespmem:$0x1DC90] =	vst v63  }
0xea: {  	_ =	swait.ge [sflag:s23], $0x6400  }
0xeb: {  	[sflag:s23] =	ssyncset.done $0x0  }
0xec: {  	[sflag:s23] =	ssyncadd.s32 $0xFFFF9C00  }
0xed: {  	v1 =	vmov s7;
	[tilespmem:s26], [sflag:$0x5] =	stream.indirect.gather [spmem:s1], $0x10, s19, s20, $0xb8;
	[tilespmem:$0x1DC90] =	vst v63  }
0xee: {  	v1 =	vshll.u32 v1, $0x4;
	_ =	swait.ge [sflag:s23], $0x6400  }
0xef: {  	v1 =	vor.u32 v0, v1;
	[sflag:s23] =	ssyncset.done $0x0  }
0xf0: {  	[sflag:s23] =	ssyncadd.s32 $0xFFFF9C00  }
0xf1: {  	v2 =	vor.u32 $0x1, v1;
	[tilespmem:s20], [sflag:$0x2] =	stream.linear.gather [hbm4b:s13+s7], $0x640, $0x38;
	[tilespmem:$0x1DC90] =	vst v63  }
0xf2: {  	_ = 	snop  }
0xf3: {  	v3 =	vor.u32 $0x2, v1;
	[tilespmem:s21], [sflag:$0x2] =	stream.linear.gather [hbm4b:s14+s7], $0x640, $0x38;
	[tilespmem:$0x1DC90] =	vst v63  }
0xf4: {  	v4 =	vld.idx.msk [tilespmem:v1+s30+$0x0], $0xffff  }
0xf5: {  	v6 =	vor.u32 $0x3, v1;
	v5 =	vld.idx.msk [tilespmem:v1+s29+$0x0], $0xffff  }
0xf6: {  	v7 =	vld.idx.msk [tilespmem:v2+s29+$0x0], $0xffff  }
0xf7: {  	v23 =	vor.u32 $0x4, v1;
	v2 =	vld.idx.msk [tilespmem:v2+s30+$0x0], $0xffff  }
0xf8: {  	v24 =	vld.idx.msk [tilespmem:v3+s29+$0x0], $0xffff  }
0xf9: {  	v25 =	vor.u32 $0x5, v1;
	v3 =	vld.idx.msk [tilespmem:v3+s30+$0x0], $0xffff  }
0xfa: {  	v26 =	vld.idx.msk [tilespmem:v6+s29+$0x0], $0xffff;
	v4 =	vmul.f32 v4, v5  }
0xfb: {  	v5 =	vld.idx.msk [tilespmem:v6+s30+$0x0], $0xffff;
	v6 =	vor.u32 $0x6, v1  }
0xfc: {  	v27 =	vld.idx.msk [tilespmem:v23+s29+$0x0], $0xffff;
	v2 =	vmul.f32 v2, v7;
	v4 =	vadd.f32 $0.0e+00, v4  }
0xfd: {  	v28 =	vor.u32 $0x7, v1;
	v7 =	vld.idx.msk [tilespmem:v23+s30+$0x0], $0xffff  }
0xfe: {  	v29 =	vld.idx.msk [tilespmem:v25+s29+$0x0], $0xffff;
	v3 =	vmul.f32 v3, v24;
	v2 =	vadd.f32 v2, v4  }
0xff: {  	v30 =	vor.u32 $0x8, v1;
	v4 =	vld.idx.msk [tilespmem:v25+s30+$0x0], $0xffff  }
0x100: {  	v31 =	vld.idx.msk [tilespmem:v6+s29+$0x0], $0xffff;
	v2 =	vadd.f32 v3, v2;
	v3 =	vmul.f32 v5, v26  }
0x101: {  	v5 =	vld.idx.msk [tilespmem:v6+s30+$0x0], $0xffff;
	v6 =	vor.u32 $0x9, v1  }
0x102: {  	v32 =	vld.idx.msk [tilespmem:v28+s29+$0x0], $0xffff;
	v2 =	vadd.f32 v3, v2;
	v3 =	vmul.f32 v7, v27  }
0x103: {  	v33 =	vor.u32 $0xA, v1;
	v7 =	vld.idx.msk [tilespmem:v28+s30+$0x0], $0xffff  }
0x104: {  	v34 =	vld.idx.msk [tilespmem:v30+s29+$0x0], $0xffff;
	v2 =	vadd.f32 v3, v2;
	v3 =	vmul.f32 v4, v29  }
0x105: {  	v35 =	vor.u32 $0xB, v1;
	v4 =	vld.idx.msk [tilespmem:v30+s30+$0x0], $0xffff  }
0x106: {  	v36 =	vld.idx.msk [tilespmem:v6+s29+$0x0], $0xffff;
	v2 =	vadd.f32 v3, v2;
	v3 =	vmul.f32 v5, v31  }
0x107: {  	v5 =	vld.idx.msk [tilespmem:v6+s30+$0x0], $0xffff;
	v6 =	vor.u32 $0xC, v1  }
0x108: {  	v37 =	vld.idx.msk [tilespmem:v33+s29+$0x0], $0xffff;
	v2 =	vadd.f32 v3, v2;
	v3 =	vmul.f32 v7, v32  }
0x109: {  	v38 =	vor.u32 $0xD, v1;
	v7 =	vld.idx.msk [tilespmem:v33+s30+$0x0], $0xffff  }
0x10a: {  	v39 =	vld.idx.msk [tilespmem:v35+s29+$0x0], $0xffff;
	v2 =	vadd.f32 v3, v2;
	v3 =	vmul.f32 v4, v34  }
0x10b: {  	v40 =	vor.u32 $0xE, v1;
	v4 =	vld.idx.msk [tilespmem:v35+s30+$0x0], $0xffff  }
0x10c: {  	v41 =	vld.idx.msk [tilespmem:v6+s29+$0x0], $0xffff;
	v2 =	vadd.f32 v3, v2;
	v3 =	vmul.f32 v5, v36  }
0x10d: {  	v1 =	vor.u32 $0xF, v1;
	v5 =	vld.idx.msk [tilespmem:v6+s30+$0x0], $0xffff  }
0x10e: {  	v6 =	vld.idx.msk [tilespmem:v38+s29+$0x0], $0xffff;
	v2 =	vadd.f32 v3, v2;
	v3 =	vmul.f32 v7, v37  }
0x10f: {  	v7 =	vld.idx.msk [tilespmem:v38+s30+$0x0], $0xffff  }
0x110: {  	v42 =	vld.idx.msk [tilespmem:v40+s29+$0x0], $0xffff;
	v2 =	vadd.f32 v3, v2;
	v3 =	vmul.f32 v4, v39  }
0x111: {  	v4 =	vld.idx.msk [tilespmem:v40+s30+$0x0], $0xffff  }
0x112: {  	v43 =	vld.idx.msk [tilespmem:v1+s29+$0x0], $0xffff;
	v2 =	vadd.f32 v3, v2;
	v3 =	vmul.f32 v5, v41  }
0x113: {  	v1 =	vld.idx.msk [tilespmem:v1+s30+$0x0], $0xffff  }
0x114: {  	v2 =	vadd.f32 v3, v2;
	v3 =	vmul.f32 v7, v6  }
0x115: {  	s7 =	simm.s32 $0x10  }
0x116: {  	v5 =	vmov s7;
	v2 =	vadd.f32 v3, v2;
	v3 =	vmul.f32 v4, v42  }
0x117: {  	v4 =	vshll.u32 v5, $0x4  }
0x118: {  	v1 =	vmul.f32 v1, v43;
	v4 =	vor.u32 v0, v4;
	v2 =	vadd.f32 v3, v2;
	_ =	sdelay $0x1  }
0x119: {  	v3 =	vor.u32 $0x1, v4;
	v1 =	vadd.f32 v1, v2  }
0x11a: {  	s6 =	simm.s32 $0x1AF40  }
0x11b: {  	v2 =	vor.u32 $0x2, v4;
	[tilespmem:s6+$0x0] =	vst v1  }
0x11c: {  	v1 =	vld.idx.msk [tilespmem:v4+s30+$0x0], $0xffff  }
0x11d: {  	v6 =	vor.u32 $0x3, v4;
	v5 =	vld.idx.msk [tilespmem:v4+s29+$0x0], $0xffff  }
0x11e: {  	v7 =	vld.idx.msk [tilespmem:v3+s29+$0x0], $0xffff  }
0x11f: {  	v44 =	vor.u32 $0x4, v4;
	v3 =	vld.idx.msk [tilespmem:v3+s30+$0x0], $0xffff  }
0x120: {  	v45 =	vld.idx.msk [tilespmem:v2+s29+$0x0], $0xffff  }
0x121: {  	v46 =	vor.u32 $0x5, v4;
	v2 =	vld.idx.msk [tilespmem:v2+s30+$0x0], $0xffff  }
0x122: {  	v47 =	vld.idx.msk [tilespmem:v6+s29+$0x0], $0xffff;
	v1 =	vmul.f32 v1, v5  }
0x123: {  	v5 =	vld.idx.msk [tilespmem:v6+s30+$0x0], $0xffff;
	v6 =	vor.u32 $0x6, v4  }
0x124: {  	v48 =	vld.idx.msk [tilespmem:v44+s29+$0x0], $0xffff;
	v3 =	vmul.f32 v3, v7;
	v1 =	vadd.f32 $0.0e+00, v1  }
0x125: {  	v49 =	vor.u32 $0x7, v4;
	v7 =	vld.idx.msk [tilespmem:v44+s30+$0x0], $0xffff  }
0x126: {  	v50 =	vld.idx.msk [tilespmem:v46+s29+$0x0], $0xffff;
	v2 =	vmul.f32 v2, v45;
	v1 =	vadd.f32 v3, v1  }
0x127: {  	v51 =	vor.u32 $0x8, v4;
	v3 =	vld.idx.msk [tilespmem:v46+s30+$0x0], $0xffff  }
0x128: {  	v52 =	vld.idx.msk [tilespmem:v6+s29+$0x0], $0xffff;
	v1 =	vadd.f32 v2, v1;
	v2 =	vmul.f32 v5, v47  }
0x129: {  	v5 =	vld.idx.msk [tilespmem:v6+s30+$0x0], $0xffff;
	v6 =	vor.u32 $0x9, v4  }
0x12a: {  	v53 =	vld.idx.msk [tilespmem:v49+s29+$0x0], $0xffff;
	v1 =	vadd.f32 v2, v1;
	v2 =	vmul.f32 v7, v48  }
0x12b: {  	v54 =	vor.u32 $0xA, v4;
	v7 =	vld.idx.msk [tilespmem:v49+s30+$0x0], $0xffff  }
0x12c: {  	v55 =	vld.idx.msk [tilespmem:v51+s29+$0x0], $0xffff;
	v1 =	vadd.f32 v2, v1;
	v2 =	vmul.f32 v3, v50  }
0x12d: {  	v56 =	vor.u32 $0xB, v4;
	v3 =	vld.idx.msk [tilespmem:v51+s30+$0x0], $0xffff  }
0x12e: {  	v57 =	vld.idx.msk [tilespmem:v6+s29+$0x0], $0xffff;
	v1 =	vadd.f32 v2, v1;
	v2 =	vmul.f32 v5, v52  }
0x12f: {  	v5 =	vld.idx.msk [tilespmem:v6+s30+$0x0], $0xffff;
	v6 =	vor.u32 $0xC, v4  }
0x130: {  	v58 =	vld.idx.msk [tilespmem:v54+s29+$0x0], $0xffff;
	v1 =	vadd.f32 v2, v1;
	v2 =	vmul.f32 v7, v53  }
0x131: {  	v7 =	vld.idx.msk [tilespmem:v54+s30+$0x0], $0xffff  }
0x132: {  	v60 =	vld.idx.msk [tilespmem:v56+s29+$0x0], $0xffff;
	v1 =	vadd.f32 v2, v1;
	v2 =	vmul.f32 v3, v55  }
0x133: {  	v59 =	vor.u32 $0xD, v4;
	v3 =	vld.idx.msk [tilespmem:v56+s30+$0x0], $0xffff  }
0x134: {  	v62 =	vld.idx.msk [tilespmem:v6+s29+$0x0], $0xffff;
	v1 =	vadd.f32 v2, v1;
	v2 =	vmul.f32 v5, v57  }
0x135: {  	v61 =	vor.u32 $0xE, v4;
	v5 =	vld.idx.msk [tilespmem:v6+s30+$0x0], $0xffff  }
0x136: {  	v1 =	vadd.f32 v2, v1;
	v2 =	vmul.f32 v7, v58  }
0x137: {  	v4 =	vor.u32 $0xF, v4  }
0x138: {  	v6 =	vld.idx.msk [tilespmem:v59+s29+$0x0], $0xffff;
	v1 =	vadd.f32 v2, v1;
	v2 =	vmul.f32 v3, v60  }
0x139: {  	v7 =	vld.idx.msk [tilespmem:v59+s30+$0x0], $0xffff  }
0x13a: {  	v63 =	vld.idx.msk [tilespmem:v61+s29+$0x0], $0xffff;
	v1 =	vadd.f32 v2, v1;
	v2 =	vmul.f32 v5, v62  }
0x13b: {  	v9 =	vld.idx.msk [tilespmem:v61+s30+$0x0], $0xffff  }
0x13c: {  	v3 =	vadd.f32 v2, v1;
	v1 =	vld.idx.msk [tilespmem:v4+s29+$0x0], $0xffff  }
0x13d: {  	v2 =	vld.idx.msk [tilespmem:v4+s30+$0x0], $0xffff  }
0x13e: {  	v5 =	vmul.f32 v7, v6  }
0x13f: {  	s7 =	simm.s32 $0x20  }
0x140: {  	v6 =	vmov s7;
	v4 =	vmul.f32 v9, v63;
	v3 =	vadd.f32 v5, v3  }
0x141: {  	s7 =	simm.s32 $0x30;
	v5 =	vshll.u32 v6, $0x4  }
.LBB2_4:
0x142: {  	p0 =	sne.s32 s7, $0x630;
	v5 =	vor.u32 v0, v5;
	v3 =	vadd.f32 v4, v3;
	v1 =	vmul.f32 v2, v1;
	_ =	sdelay $0x1  }
0x143: {  	v2 =	vor.u32 $0x1, v5;
	v1 =	vadd.f32 v1, v3  }
0x144: {  	s6 =	sadd.s32 $0x10, s6  }
0x145: {  	v3 =	vor.u32 $0x2, v5;
	[tilespmem:s6+$0x0] =	vst v1  }
0x146: {  	v1 =	vld.idx.msk [tilespmem:v5+s30+$0x0], $0xffff  }
0x147: {  	v6 =	vor.u32 $0x3, v5;
	v4 =	vld.idx.msk [tilespmem:v5+s29+$0x0], $0xffff  }
0x148: {  	v7 =	vld.idx.msk [tilespmem:v2+s29+$0x0], $0xffff  }
0x149: {  	v8 =	vor.u32 $0x4, v5;
	v2 =	vld.idx.msk [tilespmem:v2+s30+$0x0], $0xffff  }
0x14a: {  	v9 =	vld.idx.msk [tilespmem:v3+s29+$0x0], $0xffff  }
0x14b: {  	v10 =	vor.u32 $0x5, v5;
	v3 =	vld.idx.msk [tilespmem:v3+s30+$0x0], $0xffff  }
0x14c: {  	v11 =	vld.idx.msk [tilespmem:v6+s29+$0x0], $0xffff  }
0x14d: {  	v1 =	vmul.f32 v1, v4;
	v4 =	vld.idx.msk [tilespmem:v6+s30+$0x0], $0xffff;
	v6 =	vor.u32 $0x6, v5  }
0x14e: {  	v12 =	vld.idx.msk [tilespmem:v8+s29+$0x0], $0xffff  }
0x14f: {  	v1 =	vadd.f32 $0.0e+00, v1;
	v2 =	vmul.f32 v2, v7;
	v7 =	vld.idx.msk [tilespmem:v8+s30+$0x0], $0xffff;
	v8 =	vor.u32 $0x7, v5  }
0x150: {  	v13 =	vld.idx.msk [tilespmem:v10+s29+$0x0], $0xffff  }
0x151: {  	v1 =	vadd.f32 v2, v1;
	v2 =	vmul.f32 v3, v9;
	v9 =	vor.u32 $0x8, v5;
	v3 =	vld.idx.msk [tilespmem:v10+s30+$0x0], $0xffff  }
0x152: {  	v10 =	vld.idx.msk [tilespmem:v6+s29+$0x0], $0xffff  }
0x153: {  	v1 =	vadd.f32 v2, v1;
	v2 =	vmul.f32 v4, v11;
	v4 =	vld.idx.msk [tilespmem:v6+s30+$0x0], $0xffff;
	v6 =	vor.u32 $0x9, v5  }
0x154: {  	v11 =	vld.idx.msk [tilespmem:v8+s29+$0x0], $0xffff  }
0x155: {  	v1 =	vadd.f32 v2, v1;
	v2 =	vmul.f32 v7, v12;
	v7 =	vld.idx.msk [tilespmem:v8+s30+$0x0], $0xffff;
	v8 =	vor.u32 $0xA, v5  }
0x156: {  	v12 =	vld.idx.msk [tilespmem:v9+s29+$0x0], $0xffff  }
0x157: {  	v1 =	vadd.f32 v2, v1;
	v2 =	vmul.f32 v3, v13;
	v3 =	vld.idx.msk [tilespmem:v9+s30+$0x0], $0xffff;
	v9 =	vor.u32 $0xB, v5  }
0x158: {  	v13 =	vld.idx.msk [tilespmem:v6+s29+$0x0], $0xffff  }
0x159: {  	v1 =	vadd.f32 v2, v1;
	v2 =	vmul.f32 v4, v10;
	v4 =	vld.idx.msk [tilespmem:v6+s30+$0x0], $0xffff;
	v6 =	vor.u32 $0xC, v5  }
0x15a: {  	v10 =	vld.idx.msk [tilespmem:v8+s29+$0x0], $0xffff  }
0x15b: {  	v1 =	vadd.f32 v2, v1;
	v2 =	vmul.f32 v7, v11;
	v7 =	vld.idx.msk [tilespmem:v8+s30+$0x0], $0xffff;
	v8 =	vor.u32 $0xD, v5  }
0x15c: {  	v11 =	vld.idx.msk [tilespmem:v9+s29+$0x0], $0xffff  }
0x15d: {  	v1 =	vadd.f32 v2, v1;
	v2 =	vmul.f32 v3, v12;
	v3 =	vld.idx.msk [tilespmem:v9+s30+$0x0], $0xffff;
	v9 =	vor.u32 $0xE, v5  }
0x15e: {  	v12 =	vld.idx.msk [tilespmem:v6+s29+$0x0], $0xffff  }
0x15f: {  	v5 =	vor.u32 $0xF, v5;
	v1 =	vadd.f32 v2, v1;
	v2 =	vmul.f32 v4, v13;
	v4 =	vld.idx.msk [tilespmem:v6+s30+$0x0], $0xffff  }
0x160: {  	v6 =	vld.idx.msk [tilespmem:v8+s29+$0x0], $0xffff  }
0x161: {  	v1 =	vadd.f32 v2, v1;
	v2 =	vmul.f32 v7, v10;
	v7 =	vld.idx.msk [tilespmem:v8+s30+$0x0], $0xffff  }
0x162: {  	v8 =	vld.idx.msk [tilespmem:v9+s29+$0x0], $0xffff  }
0x163: {  	v2 =	vadd.f32 v2, v1;
	v3 =	vmul.f32 v3, v11;
	v9 =	vld.idx.msk [tilespmem:v9+s30+$0x0], $0xffff  }
0x164: {  	v1 =	vld.idx.msk [tilespmem:v5+s29+$0x0], $0xffff  }
0x165: {  	v3 =	vadd.f32 v3, v2;
	v4 =	vmul.f32 v4, v12;
	v2 =	vld.idx.msk [tilespmem:v5+s30+$0x0], $0xffff  }
.Ltmp1:
0x166: {  	(pc) =	sbr.rel @p0 .LBB2_4-.Ltmp1, $3  }
0x167: {  	v3 =	vadd.f32 v4, v3;
	v4 =	vmul.f32 v7, v6;
	_ =	sdelay $0x1  }
0x168: {  	v5 =	vmov s7;
	v3 =	vadd.f32 v4, v3;
	v4 =	vmul.f32 v9, v8  }
0x169: {  	s7 =	sadd.s32 $0x10, s7;
	v5 =	vshll.u32 v5, $0x4  }
0x16a: {  	v5 =	vor.u32 v0, v5;
	v3 =	vadd.f32 v4, v3;
	v1 =	vmul.f32 v2, v1;
	_ =	sdelay $0x1  }
0x16b: {  	v2 =	vor.u32 $0x1, v5;
	v1 =	vadd.f32 v1, v3  }
0x16c: {  	s6 =	sadd.s32 $0x10, s6  }
0x16d: {  	v3 =	vor.u32 $0x2, v5;
	[tilespmem:s6+$0x0] =	vst v1  }
0x16e: {  	v1 =	vld.idx.msk [tilespmem:v5+s30+$0x0], $0xffff  }
0x16f: {  	v6 =	vor.u32 $0x3, v5;
	v4 =	vld.idx.msk [tilespmem:v5+s29+$0x0], $0xffff  }
0x170: {  	v7 =	vld.idx.msk [tilespmem:v2+s29+$0x0], $0xffff  }
0x171: {  	v8 =	vor.u32 $0x4, v5;
	v2 =	vld.idx.msk [tilespmem:v2+s30+$0x0], $0xffff  }
0x172: {  	v9 =	vld.idx.msk [tilespmem:v3+s29+$0x0], $0xffff  }
0x173: {  	v10 =	vor.u32 $0x5, v5;
	v3 =	vld.idx.msk [tilespmem:v3+s30+$0x0], $0xffff  }
0x174: {  	v11 =	vld.idx.msk [tilespmem:v6+s29+$0x0], $0xffff;
	v1 =	vmul.f32 v1, v4  }
0x175: {  	v4 =	vld.idx.msk [tilespmem:v6+s30+$0x0], $0xffff;
	v6 =	vor.u32 $0x6, v5  }
0x176: {  	v12 =	vld.idx.msk [tilespmem:v8+s29+$0x0], $0xffff;
	v2 =	vmul.f32 v2, v7;
	v1 =	vadd.f32 $0.0e+00, v1  }
0x177: {  	v56 =	vor.u32 $0x7, v5;
	v7 =	vld.idx.msk [tilespmem:v8+s30+$0x0], $0xffff  }
0x178: {  	v13 =	vld.idx.msk [tilespmem:v10+s29+$0x0], $0xffff;
	v1 =	vadd.f32 v2, v1;
	v2 =	vmul.f32 v3, v9  }
0x179: {  	v57 =	vor.u32 $0x8, v5;
	v3 =	vld.idx.msk [tilespmem:v10+s30+$0x0], $0xffff  }
0x17a: {  	v58 =	vld.idx.msk [tilespmem:v6+s29+$0x0], $0xffff;
	v1 =	vadd.f32 v2, v1;
	v2 =	vmul.f32 v4, v11  }
0x17b: {  	v4 =	vld.idx.msk [tilespmem:v6+s30+$0x0], $0xffff;
	v6 =	vor.u32 $0x9, v5  }
0x17c: {  	v59 =	vld.idx.msk [tilespmem:v56+s29+$0x0], $0xffff;
	v1 =	vadd.f32 v2, v1;
	v2 =	vmul.f32 v7, v12  }
0x17d: {  	v60 =	vor.u32 $0xA, v5;
	v7 =	vld.idx.msk [tilespmem:v56+s30+$0x0], $0xffff  }
0x17e: {  	v61 =	vld.idx.msk [tilespmem:v57+s29+$0x0], $0xffff;
	v1 =	vadd.f32 v2, v1;
	v2 =	vmul.f32 v3, v13  }
0x17f: {  	v62 =	vor.u32 $0xB, v5;
	v3 =	vld.idx.msk [tilespmem:v57+s30+$0x0], $0xffff  }
0x180: {  	v63 =	vld.idx.msk [tilespmem:v6+s29+$0x0], $0xffff;
	v1 =	vadd.f32 v2, v1;
	v2 =	vmul.f32 v4, v58  }
0x181: {  	v4 =	vld.idx.msk [tilespmem:v6+s30+$0x0], $0xffff;
	v6 =	vor.u32 $0xC, v5  }
0x182: {  	v16 =	vld.idx.msk [tilespmem:v60+s29+$0x0], $0xffff;
	v1 =	vadd.f32 v2, v1;
	v2 =	vmul.f32 v7, v59  }
0x183: {  	v17 =	vor.u32 $0xD, v5;
	v7 =	vld.idx.msk [tilespmem:v60+s30+$0x0], $0xffff  }
0x184: {  	v18 =	vld.idx.msk [tilespmem:v62+s29+$0x0], $0xffff;
	v1 =	vadd.f32 v2, v1;
	v2 =	vmul.f32 v3, v61  }
0x185: {  	v19 =	vor.u32 $0xE, v5;
	v3 =	vld.idx.msk [tilespmem:v62+s30+$0x0], $0xffff  }
0x186: {  	v20 =	vld.idx.msk [tilespmem:v6+s29+$0x0], $0xffff;
	v1 =	vadd.f32 v2, v1;
	v2 =	vmul.f32 v4, v63  }
0x187: {  	v5 =	vor.u32 $0xF, v5;
	v4 =	vld.idx.msk [tilespmem:v6+s30+$0x0], $0xffff  }
0x188: {  	v6 =	vld.idx.msk [tilespmem:v17+s29+$0x0], $0xffff;
	v1 =	vadd.f32 v2, v1;
	v2 =	vmul.f32 v7, v16  }
0x189: {  	v7 =	vld.idx.msk [tilespmem:v17+s30+$0x0], $0xffff  }
0x18a: {  	v21 =	vld.idx.msk [tilespmem:v19+s29+$0x0], $0xffff;
	v1 =	vadd.f32 v2, v1;
	v2 =	vmul.f32 v3, v18  }
0x18b: {  	v3 =	vld.idx.msk [tilespmem:v19+s30+$0x0], $0xffff  }
0x18c: {  	v22 =	vld.idx.msk [tilespmem:v5+s29+$0x0], $0xffff;
	v1 =	vadd.f32 v2, v1;
	v2 =	vmul.f32 v4, v20  }
0x18d: {  	v4 =	vld.idx.msk [tilespmem:v5+s30+$0x0], $0xffff  }
0x18e: {  	v1 =	vadd.f32 v2, v1;
	v2 =	vmul.f32 v7, v6;
	_ =	sdelay $0x1  }
0x18f: {  	v1 =	vadd.f32 v2, v1;
	v2 =	vmul.f32 v3, v21;
	_ =	sdelay $0x1  }
0x190: {  	v1 =	vadd.f32 v2, v1;
	v2 =	vmul.f32 v4, v22;
	_ =	sdelay $0x1  }
0x191: {  	v1 =	vadd.f32 v2, v1  }
0x192: {  	s6 =	sadd.s32 $0x10, s6  }
0x193: {  	s7 =	simm.s32 $0x0;
	[tilespmem:s6+$0x0] =	vst v1  }
0x194: {  	[hbm4b:s15+s7] =	stream.linear.scatter [tilespmem:s0], [sflag:$0x4], $0x640, $0x38;
	[tilespmem:$0x1DC90] =	vst v63  }
0x195: {  	_ =	swait.ge [sflag:s28], $0x640  }
0x196: {  	[sflag:s28] =	ssyncset.done $0x0  }
0x197: {  	[sflag:s28] =	ssyncadd.s32 $0xFFFFF9C0  }
0x198: {  	_ =	swait.ge [sflag:s28], $0x640  }
0x199: {  	[sflag:s28] =	ssyncset.done $0x0  }
0x19a: {  	[sflag:s28] =	ssyncadd.s32 $0xFFFFF9C0  }
0x19b: {  	[tilespmem:s29], [sflag:$0x5] =	stream.indirect.gather [spmem:s1], $0x10, s20, s20, $0xb8;
	[tilespmem:$0x1DC90] =	vst v63  }
0x19c: {  	_ =	swait.ge [sflag:s23], $0x6400  }
0x19d: {  	[sflag:s23] =	ssyncset.done $0x0  }
0x19e: {  	[sflag:s23] =	ssyncadd.s32 $0xFFFF9C00  }
0x19f: {  	v1 =	vmov s7;
	[tilespmem:s30], [sflag:$0x5] =	stream.indirect.gather [spmem:s1], $0x10, s21, s20, $0xb8;
	[tilespmem:$0x1DC90] =	vst v63  }
0x1a0: {  	v1 =	vshll.u32 v1, $0x4;
	_ =	swait.ge [sflag:s23], $0x6400  }
0x1a1: {  	v1 =	vor.u32 v0, v1;
	[sflag:s23] =	ssyncset.done $0x0  }
0x1a2: {  	[sflag:s23] =	ssyncadd.s32 $0xFFFF9C00  }
0x1a3: {  	v2 =	vor.u32 $0x1, v1;
	_ =	swait.ge [sflag:s2], $0x640  }
0x1a4: {  	[sflag:s2] =	ssyncset.done $0x0  }
0x1a5: {  	v3 =	vor.u32 $0x2, v1;
	[sflag:s2] =	ssyncadd.s32 $0xFFFFF9C0  }
0x1a6: {  	v4 =	vld.idx.msk [tilespmem:v1+s26+$0x0], $0xffff  }
0x1a7: {  	v6 =	vor.u32 $0x3, v1;
	v5 =	vld.idx.msk [tilespmem:v1+s25+$0x0], $0xffff  }
0x1a8: {  	v7 =	vld.idx.msk [tilespmem:v2+s25+$0x0], $0xffff  }
0x1a9: {  	v23 =	vor.u32 $0x4, v1;
	v2 =	vld.idx.msk [tilespmem:v2+s26+$0x0], $0xffff  }
0x1aa: {  	v24 =	vld.idx.msk [tilespmem:v3+s25+$0x0], $0xffff  }
0x1ab: {  	v25 =	vor.u32 $0x5, v1;
	v3 =	vld.idx.msk [tilespmem:v3+s26+$0x0], $0xffff  }
0x1ac: {  	v26 =	vld.idx.msk [tilespmem:v6+s25+$0x0], $0xffff;
	v4 =	vmul.f32 v4, v5  }
0x1ad: {  	v5 =	vld.idx.msk [tilespmem:v6+s26+$0x0], $0xffff;
	v6 =	vor.u32 $0x6, v1  }
0x1ae: {  	v27 =	vld.idx.msk [tilespmem:v23+s25+$0x0], $0xffff;
	v2 =	vmul.f32 v2, v7;
	v4 =	vadd.f32 $0.0e+00, v4  }
0x1af: {  	v28 =	vor.u32 $0x7, v1;
	v7 =	vld.idx.msk [tilespmem:v23+s26+$0x0], $0xffff  }
0x1b0: {  	v29 =	vld.idx.msk [tilespmem:v25+s25+$0x0], $0xffff;
	v3 =	vmul.f32 v3, v24;
	v2 =	vadd.f32 v2, v4  }
0x1b1: {  	v30 =	vor.u32 $0x8, v1;
	v4 =	vld.idx.msk [tilespmem:v25+s26+$0x0], $0xffff  }
0x1b2: {  	v31 =	vld.idx.msk [tilespmem:v6+s25+$0x0], $0xffff;
	v2 =	vadd.f32 v3, v2;
	v3 =	vmul.f32 v5, v26  }
0x1b3: {  	v5 =	vld.idx.msk [tilespmem:v6+s26+$0x0], $0xffff;
	v6 =	vor.u32 $0x9, v1  }
0x1b4: {  	v32 =	vld.idx.msk [tilespmem:v28+s25+$0x0], $0xffff;
	v2 =	vadd.f32 v3, v2;
	v3 =	vmul.f32 v7, v27  }
0x1b5: {  	v33 =	vor.u32 $0xA, v1;
	v7 =	vld.idx.msk [tilespmem:v28+s26+$0x0], $0xffff  }
0x1b6: {  	v34 =	vld.idx.msk [tilespmem:v30+s25+$0x0], $0xffff;
	v2 =	vadd.f32 v3, v2;
	v3 =	vmul.f32 v4, v29  }
0x1b7: {  	v35 =	vor.u32 $0xB, v1;
	v4 =	vld.idx.msk [tilespmem:v30+s26+$0x0], $0xffff  }
0x1b8: {  	v36 =	vld.idx.msk [tilespmem:v6+s25+$0x0], $0xffff;
	v2 =	vadd.f32 v3, v2;
	v3 =	vmul.f32 v5, v31  }
0x1b9: {  	v5 =	vld.idx.msk [tilespmem:v6+s26+$0x0], $0xffff;
	v6 =	vor.u32 $0xC, v1  }
0x1ba: {  	v37 =	vld.idx.msk [tilespmem:v33+s25+$0x0], $0xffff;
	v2 =	vadd.f32 v3, v2;
	v3 =	vmul.f32 v7, v32  }
0x1bb: {  	v38 =	vor.u32 $0xD, v1;
	v7 =	vld.idx.msk [tilespmem:v33+s26+$0x0], $0xffff  }
0x1bc: {  	v39 =	vld.idx.msk [tilespmem:v35+s25+$0x0], $0xffff;
	v2 =	vadd.f32 v3, v2;
	v3 =	vmul.f32 v4, v34  }
0x1bd: {  	v40 =	vor.u32 $0xE, v1;
	v4 =	vld.idx.msk [tilespmem:v35+s26+$0x0], $0xffff  }
0x1be: {  	v41 =	vld.idx.msk [tilespmem:v6+s25+$0x0], $0xffff;
	v2 =	vadd.f32 v3, v2;
	v3 =	vmul.f32 v5, v36  }
0x1bf: {  	v1 =	vor.u32 $0xF, v1;
	v5 =	vld.idx.msk [tilespmem:v6+s26+$0x0], $0xffff  }
0x1c0: {  	v6 =	vld.idx.msk [tilespmem:v38+s25+$0x0], $0xffff;
	v2 =	vadd.f32 v3, v2;
	v3 =	vmul.f32 v7, v37  }
0x1c1: {  	v7 =	vld.idx.msk [tilespmem:v38+s26+$0x0], $0xffff  }
0x1c2: {  	v42 =	vld.idx.msk [tilespmem:v40+s25+$0x0], $0xffff;
	v2 =	vadd.f32 v3, v2;
	v3 =	vmul.f32 v4, v39  }
0x1c3: {  	v4 =	vld.idx.msk [tilespmem:v40+s26+$0x0], $0xffff  }
0x1c4: {  	v43 =	vld.idx.msk [tilespmem:v1+s25+$0x0], $0xffff;
	v2 =	vadd.f32 v3, v2;
	v3 =	vmul.f32 v5, v41  }
0x1c5: {  	v1 =	vld.idx.msk [tilespmem:v1+s26+$0x0], $0xffff  }
0x1c6: {  	v2 =	vadd.f32 v3, v2;
	v3 =	vmul.f32 v7, v6  }
0x1c7: {  	s7 =	simm.s32 $0x10  }
0x1c8: {  	v5 =	vmov s7;
	v2 =	vadd.f32 v3, v2;
	v3 =	vmul.f32 v4, v42  }
0x1c9: {  	v4 =	vshll.u32 v5, $0x4  }
0x1ca: {  	v1 =	vmul.f32 v1, v43;
	v4 =	vor.u32 v0, v4;
	v2 =	vadd.f32 v3, v2;
	_ =	sdelay $0x1  }
0x1cb: {  	v3 =	vor.u32 $0x1, v4;
	v1 =	vadd.f32 v1, v2  }
0x1cc: {  	s6 =	simm.s32 $0x1A900  }
0x1cd: {  	v2 =	vor.u32 $0x2, v4;
	[tilespmem:s6+$0x0] =	vst v1  }
0x1ce: {  	v1 =	vld.idx.msk [tilespmem:v4+s26+$0x0], $0xffff  }
0x1cf: {  	v6 =	vor.u32 $0x3, v4;
	v5 =	vld.idx.msk [tilespmem:v4+s25+$0x0], $0xffff  }
0x1d0: {  	v7 =	vld.idx.msk [tilespmem:v3+s25+$0x0], $0xffff  }
0x1d1: {  	v44 =	vor.u32 $0x4, v4;
	v3 =	vld.idx.msk [tilespmem:v3+s26+$0x0], $0xffff  }
0x1d2: {  	v45 =	vld.idx.msk [tilespmem:v2+s25+$0x0], $0xffff  }
0x1d3: {  	v46 =	vor.u32 $0x5, v4;
	v2 =	vld.idx.msk [tilespmem:v2+s26+$0x0], $0xffff  }
0x1d4: {  	v47 =	vld.idx.msk [tilespmem:v6+s25+$0x0], $0xffff;
	v1 =	vmul.f32 v1, v5  }
0x1d5: {  	v5 =	vld.idx.msk [tilespmem:v6+s26+$0x0], $0xffff;
	v6 =	vor.u32 $0x6, v4  }
0x1d6: {  	v48 =	vld.idx.msk [tilespmem:v44+s25+$0x0], $0xffff;
	v3 =	vmul.f32 v3, v7;
	v1 =	vadd.f32 $0.0e+00, v1  }
0x1d7: {  	v49 =	vor.u32 $0x7, v4;
	v7 =	vld.idx.msk [tilespmem:v44+s26+$0x0], $0xffff  }
0x1d8: {  	v50 =	vld.idx.msk [tilespmem:v46+s25+$0x0], $0xffff;
	v2 =	vmul.f32 v2, v45;
	v1 =	vadd.f32 v3, v1  }
0x1d9: {  	v51 =	vor.u32 $0x8, v4;
	v3 =	vld.idx.msk [tilespmem:v46+s26+$0x0], $0xffff  }
0x1da: {  	v52 =	vld.idx.msk [tilespmem:v6+s25+$0x0], $0xffff;
	v1 =	vadd.f32 v2, v1;
	v2 =	vmul.f32 v5, v47  }
0x1db: {  	v5 =	vld.idx.msk [tilespmem:v6+s26+$0x0], $0xffff;
	v6 =	vor.u32 $0x9, v4  }
0x1dc: {  	v53 =	vld.idx.msk [tilespmem:v49+s25+$0x0], $0xffff;
	v1 =	vadd.f32 v2, v1;
	v2 =	vmul.f32 v7, v48  }
0x1dd: {  	v54 =	vor.u32 $0xA, v4;
	v7 =	vld.idx.msk [tilespmem:v49+s26+$0x0], $0xffff  }
0x1de: {  	v55 =	vld.idx.msk [tilespmem:v51+s25+$0x0], $0xffff;
	v1 =	vadd.f32 v2, v1;
	v2 =	vmul.f32 v3, v50  }
0x1df: {  	v56 =	vor.u32 $0xB, v4;
	v3 =	vld.idx.msk [tilespmem:v51+s26+$0x0], $0xffff  }
0x1e0: {  	v57 =	vld.idx.msk [tilespmem:v6+s25+$0x0], $0xffff;
	v1 =	vadd.f32 v2, v1;
	v2 =	vmul.f32 v5, v52  }
0x1e1: {  	v5 =	vld.idx.msk [tilespmem:v6+s26+$0x0], $0xffff;
	v6 =	vor.u32 $0xC, v4  }
0x1e2: {  	v58 =	vld.idx.msk [tilespmem:v54+s25+$0x0], $0xffff;
	v1 =	vadd.f32 v2, v1;
	v2 =	vmul.f32 v7, v53  }
0x1e3: {  	v7 =	vld.idx.msk [tilespmem:v54+s26+$0x0], $0xffff  }
0x1e4: {  	v60 =	vld.idx.msk [tilespmem:v56+s25+$0x0], $0xffff;
	v1 =	vadd.f32 v2, v1;
	v2 =	vmul.f32 v3, v55  }
0x1e5: {  	v59 =	vor.u32 $0xD, v4;
	v3 =	vld.idx.msk [tilespmem:v56+s26+$0x0], $0xffff  }
0x1e6: {  	v62 =	vld.idx.msk [tilespmem:v6+s25+$0x0], $0xffff;
	v1 =	vadd.f32 v2, v1;
	v2 =	vmul.f32 v5, v57  }
0x1e7: {  	v61 =	vor.u32 $0xE, v4;
	v5 =	vld.idx.msk [tilespmem:v6+s26+$0x0], $0xffff  }
0x1e8: {  	v1 =	vadd.f32 v2, v1;
	v2 =	vmul.f32 v7, v58  }
0x1e9: {  	v4 =	vor.u32 $0xF, v4  }
0x1ea: {  	v6 =	vld.idx.msk [tilespmem:v59+s25+$0x0], $0xffff;
	v1 =	vadd.f32 v2, v1;
	v2 =	vmul.f32 v3, v60  }
0x1eb: {  	v7 =	vld.idx.msk [tilespmem:v59+s26+$0x0], $0xffff  }
0x1ec: {  	v63 =	vld.idx.msk [tilespmem:v61+s25+$0x0], $0xffff;
	v1 =	vadd.f32 v2, v1;
	v2 =	vmul.f32 v5, v62  }
0x1ed: {  	v9 =	vld.idx.msk [tilespmem:v61+s26+$0x0], $0xffff  }
0x1ee: {  	v3 =	vadd.f32 v2, v1;
	v1 =	vld.idx.msk [tilespmem:v4+s25+$0x0], $0xffff  }
0x1ef: {  	v2 =	vld.idx.msk [tilespmem:v4+s26+$0x0], $0xffff  }
0x1f0: {  	v5 =	vmul.f32 v7, v6  }
0x1f1: {  	s7 =	simm.s32 $0x20  }
0x1f2: {  	v6 =	vmov s7;
	v4 =	vmul.f32 v9, v63;
	v3 =	vadd.f32 v5, v3  }
0x1f3: {  	s7 =	simm.s32 $0x30;
	v5 =	vshll.u32 v6, $0x4  }
.LBB2_6:
0x1f4: {  	p0 =	sne.s32 s7, $0x630;
	v5 =	vor.u32 v0, v5;
	v3 =	vadd.f32 v4, v3;
	v1 =	vmul.f32 v2, v1;
	_ =	sdelay $0x1  }
0x1f5: {  	v2 =	vor.u32 $0x1, v5;
	v1 =	vadd.f32 v1, v3  }
0x1f6: {  	s6 =	sadd.s32 $0x10, s6  }
0x1f7: {  	v3 =	vor.u32 $0x2, v5;
	[tilespmem:s6+$0x0] =	vst v1  }
0x1f8: {  	v1 =	vld.idx.msk [tilespmem:v5+s26+$0x0], $0xffff  }
0x1f9: {  	v6 =	vor.u32 $0x3, v5;
	v4 =	vld.idx.msk [tilespmem:v5+s25+$0x0], $0xffff  }
0x1fa: {  	v7 =	vld.idx.msk [tilespmem:v2+s25+$0x0], $0xffff  }
0x1fb: {  	v8 =	vor.u32 $0x4, v5;
	v2 =	vld.idx.msk [tilespmem:v2+s26+$0x0], $0xffff  }
0x1fc: {  	v9 =	vld.idx.msk [tilespmem:v3+s25+$0x0], $0xffff  }
0x1fd: {  	v10 =	vor.u32 $0x5, v5;
	v3 =	vld.idx.msk [tilespmem:v3+s26+$0x0], $0xffff  }
0x1fe: {  	v11 =	vld.idx.msk [tilespmem:v6+s25+$0x0], $0xffff  }
0x1ff: {  	v1 =	vmul.f32 v1, v4;
	v4 =	vld.idx.msk [tilespmem:v6+s26+$0x0], $0xffff;
	v6 =	vor.u32 $0x6, v5  }
0x200: {  	v12 =	vld.idx.msk [tilespmem:v8+s25+$0x0], $0xffff  }
0x201: {  	v1 =	vadd.f32 $0.0e+00, v1;
	v2 =	vmul.f32 v2, v7;
	v7 =	vld.idx.msk [tilespmem:v8+s26+$0x0], $0xffff;
	v8 =	vor.u32 $0x7, v5  }
0x202: {  	v13 =	vld.idx.msk [tilespmem:v10+s25+$0x0], $0xffff  }
0x203: {  	v1 =	vadd.f32 v2, v1;
	v2 =	vmul.f32 v3, v9;
	v9 =	vor.u32 $0x8, v5;
	v3 =	vld.idx.msk [tilespmem:v10+s26+$0x0], $0xffff  }
0x204: {  	v10 =	vld.idx.msk [tilespmem:v6+s25+$0x0], $0xffff  }
0x205: {  	v1 =	vadd.f32 v2, v1;
	v2 =	vmul.f32 v4, v11;
	v4 =	vld.idx.msk [tilespmem:v6+s26+$0x0], $0xffff;
	v6 =	vor.u32 $0x9, v5  }
0x206: {  	v11 =	vld.idx.msk [tilespmem:v8+s25+$0x0], $0xffff  }
0x207: {  	v1 =	vadd.f32 v2, v1;
	v2 =	vmul.f32 v7, v12;
	v7 =	vld.idx.msk [tilespmem:v8+s26+$0x0], $0xffff;
	v8 =	vor.u32 $0xA, v5  }
0x208: {  	v12 =	vld.idx.msk [tilespmem:v9+s25+$0x0], $0xffff  }
0x209: {  	v1 =	vadd.f32 v2, v1;
	v2 =	vmul.f32 v3, v13;
	v3 =	vld.idx.msk [tilespmem:v9+s26+$0x0], $0xffff;
	v9 =	vor.u32 $0xB, v5  }
0x20a: {  	v13 =	vld.idx.msk [tilespmem:v6+s25+$0x0], $0xffff  }
0x20b: {  	v1 =	vadd.f32 v2, v1;
	v2 =	vmul.f32 v4, v10;
	v4 =	vld.idx.msk [tilespmem:v6+s26+$0x0], $0xffff;
	v6 =	vor.u32 $0xC, v5  }
0x20c: {  	v10 =	vld.idx.msk [tilespmem:v8+s25+$0x0], $0xffff  }
0x20d: {  	v1 =	vadd.f32 v2, v1;
	v2 =	vmul.f32 v7, v11;
	v7 =	vld.idx.msk [tilespmem:v8+s26+$0x0], $0xffff;
	v8 =	vor.u32 $0xD, v5  }
0x20e: {  	v11 =	vld.idx.msk [tilespmem:v9+s25+$0x0], $0xffff  }
0x20f: {  	v1 =	vadd.f32 v2, v1;
	v2 =	vmul.f32 v3, v12;
	v3 =	vld.idx.msk [tilespmem:v9+s26+$0x0], $0xffff;
	v9 =	vor.u32 $0xE, v5  }
0x210: {  	v12 =	vld.idx.msk [tilespmem:v6+s25+$0x0], $0xffff  }
0x211: {  	v5 =	vor.u32 $0xF, v5;
	v1 =	vadd.f32 v2, v1;
	v2 =	vmul.f32 v4, v13;
	v4 =	vld.idx.msk [tilespmem:v6+s26+$0x0], $0xffff  }
0x212: {  	v6 =	vld.idx.msk [tilespmem:v8+s25+$0x0], $0xffff  }
0x213: {  	v1 =	vadd.f32 v2, v1;
	v2 =	vmul.f32 v7, v10;
	v7 =	vld.idx.msk [tilespmem:v8+s26+$0x0], $0xffff  }
0x214: {  	v8 =	vld.idx.msk [tilespmem:v9+s25+$0x0], $0xffff  }
0x215: {  	v2 =	vadd.f32 v2, v1;
	v3 =	vmul.f32 v3, v11;
	v9 =	vld.idx.msk [tilespmem:v9+s26+$0x0], $0xffff  }
0x216: {  	v1 =	vld.idx.msk [tilespmem:v5+s25+$0x0], $0xffff  }
0x217: {  	v3 =	vadd.f32 v3, v2;
	v4 =	vmul.f32 v4, v12;
	v2 =	vld.idx.msk [tilespmem:v5+s26+$0x0], $0xffff  }
.Ltmp2:
0x218: {  	(pc) =	sbr.rel @p0 .LBB2_6-.Ltmp2, $3  }
0x219: {  	v3 =	vadd.f32 v4, v3;
	v4 =	vmul.f32 v7, v6;
	_ =	sdelay $0x1  }
0x21a: {  	v5 =	vmov s7;
	v3 =	vadd.f32 v4, v3;
	v4 =	vmul.f32 v9, v8  }
0x21b: {  	s7 =	sadd.s32 $0x10, s7;
	v5 =	vshll.u32 v5, $0x4  }
0x21c: {  	v5 =	vor.u32 v0, v5;
	v3 =	vadd.f32 v4, v3;
	v1 =	vmul.f32 v2, v1;
	_ =	sdelay $0x1  }
0x21d: {  	v2 =	vor.u32 $0x1, v5;
	v1 =	vadd.f32 v1, v3  }
0x21e: {  	s6 =	sadd.s32 $0x10, s6  }
0x21f: {  	v3 =	vor.u32 $0x2, v5;
	[tilespmem:s6+$0x0] =	vst v1  }
0x220: {  	v1 =	vld.idx.msk [tilespmem:v5+s26+$0x0], $0xffff  }
0x221: {  	v6 =	vor.u32 $0x3, v5;
	v4 =	vld.idx.msk [tilespmem:v5+s25+$0x0], $0xffff  }
0x222: {  	v7 =	vld.idx.msk [tilespmem:v2+s25+$0x0], $0xffff  }
0x223: {  	v8 =	vor.u32 $0x4, v5;
	v2 =	vld.idx.msk [tilespmem:v2+s26+$0x0], $0xffff  }
0x224: {  	v9 =	vld.idx.msk [tilespmem:v3+s25+$0x0], $0xffff  }
0x225: {  	v10 =	vor.u32 $0x5, v5;
	v3 =	vld.idx.msk [tilespmem:v3+s26+$0x0], $0xffff  }
0x226: {  	v11 =	vld.idx.msk [tilespmem:v6+s25+$0x0], $0xffff;
	v1 =	vmul.f32 v1, v4  }
0x227: {  	v4 =	vld.idx.msk [tilespmem:v6+s26+$0x0], $0xffff;
	v6 =	vor.u32 $0x6, v5  }
0x228: {  	v12 =	vld.idx.msk [tilespmem:v8+s25+$0x0], $0xffff;
	v2 =	vmul.f32 v2, v7;
	v1 =	vadd.f32 $0.0e+00, v1  }
0x229: {  	v56 =	vor.u32 $0x7, v5;
	v7 =	vld.idx.msk [tilespmem:v8+s26+$0x0], $0xffff  }
0x22a: {  	v13 =	vld.idx.msk [tilespmem:v10+s25+$0x0], $0xffff;
	v1 =	vadd.f32 v2, v1;
	v2 =	vmul.f32 v3, v9  }
0x22b: {  	v57 =	vor.u32 $0x8, v5;
	v3 =	vld.idx.msk [tilespmem:v10+s26+$0x0], $0xffff  }
0x22c: {  	v58 =	vld.idx.msk [tilespmem:v6+s25+$0x0], $0xffff;
	v1 =	vadd.f32 v2, v1;
	v2 =	vmul.f32 v4, v11  }
0x22d: {  	v4 =	vld.idx.msk [tilespmem:v6+s26+$0x0], $0xffff;
	v6 =	vor.u32 $0x9, v5  }
0x22e: {  	v59 =	vld.idx.msk [tilespmem:v56+s25+$0x0], $0xffff;
	v1 =	vadd.f32 v2, v1;
	v2 =	vmul.f32 v7, v12  }
0x22f: {  	v60 =	vor.u32 $0xA, v5;
	v7 =	vld.idx.msk [tilespmem:v56+s26+$0x0], $0xffff  }
0x230: {  	v61 =	vld.idx.msk [tilespmem:v57+s25+$0x0], $0xffff;
	v1 =	vadd.f32 v2, v1;
	v2 =	vmul.f32 v3, v13  }
0x231: {  	v62 =	vor.u32 $0xB, v5;
	v3 =	vld.idx.msk [tilespmem:v57+s26+$0x0], $0xffff  }
0x232: {  	v63 =	vld.idx.msk [tilespmem:v6+s25+$0x0], $0xffff;
	v1 =	vadd.f32 v2, v1;
	v2 =	vmul.f32 v4, v58  }
0x233: {  	v4 =	vld.idx.msk [tilespmem:v6+s26+$0x0], $0xffff;
	v6 =	vor.u32 $0xC, v5  }
0x234: {  	v16 =	vld.idx.msk [tilespmem:v60+s25+$0x0], $0xffff;
	v1 =	vadd.f32 v2, v1;
	v2 =	vmul.f32 v7, v59  }
0x235: {  	v17 =	vor.u32 $0xD, v5;
	v7 =	vld.idx.msk [tilespmem:v60+s26+$0x0], $0xffff  }
0x236: {  	v18 =	vld.idx.msk [tilespmem:v62+s25+$0x0], $0xffff;
	v1 =	vadd.f32 v2, v1;
	v2 =	vmul.f32 v3, v61  }
0x237: {  	v19 =	vor.u32 $0xE, v5;
	v3 =	vld.idx.msk [tilespmem:v62+s26+$0x0], $0xffff  }
0x238: {  	v20 =	vld.idx.msk [tilespmem:v6+s25+$0x0], $0xffff;
	v1 =	vadd.f32 v2, v1;
	v2 =	vmul.f32 v4, v63  }
0x239: {  	v5 =	vor.u32 $0xF, v5;
	v4 =	vld.idx.msk [tilespmem:v6+s26+$0x0], $0xffff  }
0x23a: {  	v6 =	vld.idx.msk [tilespmem:v17+s25+$0x0], $0xffff;
	v1 =	vadd.f32 v2, v1;
	v2 =	vmul.f32 v7, v16  }
0x23b: {  	v7 =	vld.idx.msk [tilespmem:v17+s26+$0x0], $0xffff  }
0x23c: {  	v21 =	vld.idx.msk [tilespmem:v19+s25+$0x0], $0xffff;
	v1 =	vadd.f32 v2, v1;
	v2 =	vmul.f32 v3, v18  }
0x23d: {  	v3 =	vld.idx.msk [tilespmem:v19+s26+$0x0], $0xffff  }
0x23e: {  	v22 =	vld.idx.msk [tilespmem:v5+s25+$0x0], $0xffff;
	v1 =	vadd.f32 v2, v1;
	v2 =	vmul.f32 v4, v20  }
0x23f: {  	v4 =	vld.idx.msk [tilespmem:v5+s26+$0x0], $0xffff  }
0x240: {  	v1 =	vadd.f32 v2, v1;
	v2 =	vmul.f32 v7, v6;
	_ =	sdelay $0x1  }
0x241: {  	v1 =	vadd.f32 v2, v1;
	v2 =	vmul.f32 v3, v21;
	_ =	sdelay $0x1  }
0x242: {  	v1 =	vadd.f32 v2, v1;
	v2 =	vmul.f32 v4, v22  }
0x243: {  	s7 =	simm.s32 $0x0  }
0x244: {  	v1 =	vadd.f32 v2, v1;
	v2 =	vmov s7  }
0x245: {  	s6 =	sadd.s32 $0x10, s6;
	v2 =	vshll.u32 v2, $0x4  }
0x246: {  	[tilespmem:s6+$0x0] =	vst v1;
	v1 =	vor.u32 v0, v2  }
0x247: {  	[hbm4b:s16+s7] =	stream.linear.scatter [tilespmem:s31], [sflag:$0x3], $0x640, $0x38;
	[tilespmem:$0x1DC90] =	vst v63  }
0x248: {  	v2 =	vor.u32 $0x1, v1;
	_ =	swait.ge [sflag:s4], $0x640  }
0x249: {  	[sflag:s4] =	ssyncset.done $0x0  }
0x24a: {  	v3 =	vor.u32 $0x2, v1;
	[sflag:s4] =	ssyncadd.s32 $0xFFFFF9C0  }
0x24b: {  	v4 =	vld.idx.msk [tilespmem:v1+s30+$0x0], $0xffff  }
0x24c: {  	v6 =	vor.u32 $0x3, v1;
	v5 =	vld.idx.msk [tilespmem:v1+s29+$0x0], $0xffff  }
0x24d: {  	v7 =	vld.idx.msk [tilespmem:v2+s29+$0x0], $0xffff  }
0x24e: {  	v23 =	vor.u32 $0x4, v1;
	v2 =	vld.idx.msk [tilespmem:v2+s30+$0x0], $0xffff  }
0x24f: {  	v24 =	vld.idx.msk [tilespmem:v3+s29+$0x0], $0xffff  }
0x250: {  	v25 =	vor.u32 $0x5, v1;
	v3 =	vld.idx.msk [tilespmem:v3+s30+$0x0], $0xffff  }
0x251: {  	v26 =	vld.idx.msk [tilespmem:v6+s29+$0x0], $0xffff;
	v4 =	vmul.f32 v4, v5  }
0x252: {  	v5 =	vld.idx.msk [tilespmem:v6+s30+$0x0], $0xffff;
	v6 =	vor.u32 $0x6, v1  }
0x253: {  	v27 =	vld.idx.msk [tilespmem:v23+s29+$0x0], $0xffff;
	v2 =	vmul.f32 v2, v7;
	v4 =	vadd.f32 $0.0e+00, v4  }
0x254: {  	v28 =	vor.u32 $0x7, v1;
	v7 =	vld.idx.msk [tilespmem:v23+s30+$0x0], $0xffff  }
0x255: {  	v29 =	vld.idx.msk [tilespmem:v25+s29+$0x0], $0xffff;
	v3 =	vmul.f32 v3, v24;
	v2 =	vadd.f32 v2, v4  }
0x256: {  	v30 =	vor.u32 $0x8, v1;
	v4 =	vld.idx.msk [tilespmem:v25+s30+$0x0], $0xffff  }
0x257: {  	v31 =	vld.idx.msk [tilespmem:v6+s29+$0x0], $0xffff;
	v2 =	vadd.f32 v3, v2;
	v3 =	vmul.f32 v5, v26  }
0x258: {  	v5 =	vld.idx.msk [tilespmem:v6+s30+$0x0], $0xffff;
	v6 =	vor.u32 $0x9, v1  }
0x259: {  	v32 =	vld.idx.msk [tilespmem:v28+s29+$0x0], $0xffff;
	v2 =	vadd.f32 v3, v2;
	v3 =	vmul.f32 v7, v27  }
0x25a: {  	v33 =	vor.u32 $0xA, v1;
	v7 =	vld.idx.msk [tilespmem:v28+s30+$0x0], $0xffff  }
0x25b: {  	v34 =	vld.idx.msk [tilespmem:v30+s29+$0x0], $0xffff;
	v2 =	vadd.f32 v3, v2;
	v3 =	vmul.f32 v4, v29  }
0x25c: {  	v35 =	vor.u32 $0xB, v1;
	v4 =	vld.idx.msk [tilespmem:v30+s30+$0x0], $0xffff  }
0x25d: {  	v36 =	vld.idx.msk [tilespmem:v6+s29+$0x0], $0xffff;
	v2 =	vadd.f32 v3, v2;
	v3 =	vmul.f32 v5, v31  }
0x25e: {  	v5 =	vld.idx.msk [tilespmem:v6+s30+$0x0], $0xffff;
	v6 =	vor.u32 $0xC, v1  }
0x25f: {  	v37 =	vld.idx.msk [tilespmem:v33+s29+$0x0], $0xffff;
	v2 =	vadd.f32 v3, v2;
	v3 =	vmul.f32 v7, v32  }
0x260: {  	v38 =	vor.u32 $0xD, v1;
	v7 =	vld.idx.msk [tilespmem:v33+s30+$0x0], $0xffff  }
0x261: {  	v39 =	vld.idx.msk [tilespmem:v35+s29+$0x0], $0xffff;
	v2 =	vadd.f32 v3, v2;
	v3 =	vmul.f32 v4, v34  }
0x262: {  	v40 =	vor.u32 $0xE, v1;
	v4 =	vld.idx.msk [tilespmem:v35+s30+$0x0], $0xffff  }
0x263: {  	v41 =	vld.idx.msk [tilespmem:v6+s29+$0x0], $0xffff;
	v2 =	vadd.f32 v3, v2;
	v3 =	vmul.f32 v5, v36  }
0x264: {  	v1 =	vor.u32 $0xF, v1;
	v5 =	vld.idx.msk [tilespmem:v6+s30+$0x0], $0xffff  }
0x265: {  	v6 =	vld.idx.msk [tilespmem:v38+s29+$0x0], $0xffff;
	v2 =	vadd.f32 v3, v2;
	v3 =	vmul.f32 v7, v37  }
0x266: {  	v7 =	vld.idx.msk [tilespmem:v38+s30+$0x0], $0xffff  }
0x267: {  	v42 =	vld.idx.msk [tilespmem:v40+s29+$0x0], $0xffff;
	v2 =	vadd.f32 v3, v2;
	v3 =	vmul.f32 v4, v39  }
0x268: {  	v4 =	vld.idx.msk [tilespmem:v40+s30+$0x0], $0xffff  }
0x269: {  	v43 =	vld.idx.msk [tilespmem:v1+s29+$0x0], $0xffff;
	v2 =	vadd.f32 v3, v2;
	v3 =	vmul.f32 v5, v41  }
0x26a: {  	v1 =	vld.idx.msk [tilespmem:v1+s30+$0x0], $0xffff  }
0x26b: {  	v2 =	vadd.f32 v3, v2;
	v3 =	vmul.f32 v7, v6  }
0x26c: {  	s7 =	simm.s32 $0x10  }
0x26d: {  	v5 =	vmov s7;
	v2 =	vadd.f32 v3, v2;
	v3 =	vmul.f32 v4, v42  }
0x26e: {  	v4 =	vshll.u32 v5, $0x4  }
0x26f: {  	v1 =	vmul.f32 v1, v43;
	v4 =	vor.u32 v0, v4;
	v2 =	vadd.f32 v3, v2;
	_ =	sdelay $0x1  }
0x270: {  	v3 =	vor.u32 $0x1, v4;
	v1 =	vadd.f32 v1, v2  }
0x271: {  	s6 =	simm.s32 $0x1AF40  }
0x272: {  	v2 =	vor.u32 $0x2, v4;
	[tilespmem:s6+$0x0] =	vst v1  }
0x273: {  	v1 =	vld.idx.msk [tilespmem:v4+s30+$0x0], $0xffff  }
0x274: {  	v6 =	vor.u32 $0x3, v4;
	v5 =	vld.idx.msk [tilespmem:v4+s29+$0x0], $0xffff  }
0x275: {  	v7 =	vld.idx.msk [tilespmem:v3+s29+$0x0], $0xffff  }
0x276: {  	v44 =	vor.u32 $0x4, v4;
	v3 =	vld.idx.msk [tilespmem:v3+s30+$0x0], $0xffff  }
0x277: {  	v45 =	vld.idx.msk [tilespmem:v2+s29+$0x0], $0xffff  }
0x278: {  	v46 =	vor.u32 $0x5, v4;
	v2 =	vld.idx.msk [tilespmem:v2+s30+$0x0], $0xffff  }
0x279: {  	v47 =	vld.idx.msk [tilespmem:v6+s29+$0x0], $0xffff;
	v1 =	vmul.f32 v1, v5  }
0x27a: {  	v5 =	vld.idx.msk [tilespmem:v6+s30+$0x0], $0xffff;
	v6 =	vor.u32 $0x6, v4  }
0x27b: {  	v48 =	vld.idx.msk [tilespmem:v44+s29+$0x0], $0xffff;
	v3 =	vmul.f32 v3, v7;
	v1 =	vadd.f32 $0.0e+00, v1  }
0x27c: {  	v49 =	vor.u32 $0x7, v4;
	v7 =	vld.idx.msk [tilespmem:v44+s30+$0x0], $0xffff  }
0x27d: {  	v50 =	vld.idx.msk [tilespmem:v46+s29+$0x0], $0xffff;
	v2 =	vmul.f32 v2, v45;
	v1 =	vadd.f32 v3, v1  }
0x27e: {  	v51 =	vor.u32 $0x8, v4;
	v3 =	vld.idx.msk [tilespmem:v46+s30+$0x0], $0xffff  }
0x27f: {  	v52 =	vld.idx.msk [tilespmem:v6+s29+$0x0], $0xffff;
	v1 =	vadd.f32 v2, v1;
	v2 =	vmul.f32 v5, v47  }
0x280: {  	v5 =	vld.idx.msk [tilespmem:v6+s30+$0x0], $0xffff;
	v6 =	vor.u32 $0x9, v4  }
0x281: {  	v53 =	vld.idx.msk [tilespmem:v49+s29+$0x0], $0xffff;
	v1 =	vadd.f32 v2, v1;
	v2 =	vmul.f32 v7, v48  }
0x282: {  	v54 =	vor.u32 $0xA, v4;
	v7 =	vld.idx.msk [tilespmem:v49+s30+$0x0], $0xffff  }
0x283: {  	v55 =	vld.idx.msk [tilespmem:v51+s29+$0x0], $0xffff;
	v1 =	vadd.f32 v2, v1;
	v2 =	vmul.f32 v3, v50  }
0x284: {  	v56 =	vor.u32 $0xB, v4;
	v3 =	vld.idx.msk [tilespmem:v51+s30+$0x0], $0xffff  }
0x285: {  	v57 =	vld.idx.msk [tilespmem:v6+s29+$0x0], $0xffff;
	v1 =	vadd.f32 v2, v1;
	v2 =	vmul.f32 v5, v52  }
0x286: {  	v5 =	vld.idx.msk [tilespmem:v6+s30+$0x0], $0xffff;
	v6 =	vor.u32 $0xC, v4  }
0x287: {  	v58 =	vld.idx.msk [tilespmem:v54+s29+$0x0], $0xffff;
	v1 =	vadd.f32 v2, v1;
	v2 =	vmul.f32 v7, v53  }
0x288: {  	v7 =	vld.idx.msk [tilespmem:v54+s30+$0x0], $0xffff  }
0x289: {  	v60 =	vld.idx.msk [tilespmem:v56+s29+$0x0], $0xffff;
	v1 =	vadd.f32 v2, v1;
	v2 =	vmul.f32 v3, v55  }
0x28a: {  	v59 =	vor.u32 $0xD, v4;
	v3 =	vld.idx.msk [tilespmem:v56+s30+$0x0], $0xffff  }
0x28b: {  	v62 =	vld.idx.msk [tilespmem:v6+s29+$0x0], $0xffff;
	v1 =	vadd.f32 v2, v1;
	v2 =	vmul.f32 v5, v57  }
0x28c: {  	v61 =	vor.u32 $0xE, v4;
	v5 =	vld.idx.msk [tilespmem:v6+s30+$0x0], $0xffff  }
0x28d: {  	v1 =	vadd.f32 v2, v1;
	v2 =	vmul.f32 v7, v58  }
0x28e: {  	v4 =	vor.u32 $0xF, v4  }
0x28f: {  	v6 =	vld.idx.msk [tilespmem:v59+s29+$0x0], $0xffff;
	v1 =	vadd.f32 v2, v1;
	v2 =	vmul.f32 v3, v60  }
0x290: {  	v7 =	vld.idx.msk [tilespmem:v59+s30+$0x0], $0xffff  }
0x291: {  	v63 =	vld.idx.msk [tilespmem:v61+s29+$0x0], $0xffff;
	v1 =	vadd.f32 v2, v1;
	v2 =	vmul.f32 v5, v62  }
0x292: {  	v9 =	vld.idx.msk [tilespmem:v61+s30+$0x0], $0xffff  }
0x293: {  	v3 =	vadd.f32 v2, v1;
	v1 =	vld.idx.msk [tilespmem:v4+s29+$0x0], $0xffff  }
0x294: {  	v2 =	vld.idx.msk [tilespmem:v4+s30+$0x0], $0xffff  }
0x295: {  	v5 =	vmul.f32 v7, v6  }
0x296: {  	s7 =	simm.s32 $0x20  }
0x297: {  	v6 =	vmov s7;
	v4 =	vmul.f32 v9, v63;
	v3 =	vadd.f32 v5, v3  }
0x298: {  	s7 =	simm.s32 $0x30;
	v5 =	vshll.u32 v6, $0x4  }
.LBB2_8:
0x299: {  	p0 =	sne.s32 s7, $0x630;
	v5 =	vor.u32 v0, v5;
	v3 =	vadd.f32 v4, v3;
	v1 =	vmul.f32 v2, v1;
	_ =	sdelay $0x1  }
0x29a: {  	v2 =	vor.u32 $0x1, v5;
	v1 =	vadd.f32 v1, v3  }
0x29b: {  	s6 =	sadd.s32 $0x10, s6  }
0x29c: {  	v3 =	vor.u32 $0x2, v5;
	[tilespmem:s6+$0x0] =	vst v1  }
0x29d: {  	v1 =	vld.idx.msk [tilespmem:v5+s30+$0x0], $0xffff  }
0x29e: {  	v6 =	vor.u32 $0x3, v5;
	v4 =	vld.idx.msk [tilespmem:v5+s29+$0x0], $0xffff  }
0x29f: {  	v7 =	vld.idx.msk [tilespmem:v2+s29+$0x0], $0xffff  }
0x2a0: {  	v8 =	vor.u32 $0x4, v5;
	v2 =	vld.idx.msk [tilespmem:v2+s30+$0x0], $0xffff  }
0x2a1: {  	v9 =	vld.idx.msk [tilespmem:v3+s29+$0x0], $0xffff  }
0x2a2: {  	v10 =	vor.u32 $0x5, v5;
	v3 =	vld.idx.msk [tilespmem:v3+s30+$0x0], $0xffff  }
0x2a3: {  	v11 =	vld.idx.msk [tilespmem:v6+s29+$0x0], $0xffff  }
0x2a4: {  	v1 =	vmul.f32 v1, v4;
	v4 =	vld.idx.msk [tilespmem:v6+s30+$0x0], $0xffff;
	v6 =	vor.u32 $0x6, v5  }
0x2a5: {  	v12 =	vld.idx.msk [tilespmem:v8+s29+$0x0], $0xffff  }
0x2a6: {  	v1 =	vadd.f32 $0.0e+00, v1;
	v2 =	vmul.f32 v2, v7;
	v7 =	vld.idx.msk [tilespmem:v8+s30+$0x0], $0xffff;
	v8 =	vor.u32 $0x7, v5  }
0x2a7: {  	v13 =	vld.idx.msk [tilespmem:v10+s29+$0x0], $0xffff  }
0x2a8: {  	v1 =	vadd.f32 v2, v1;
	v2 =	vmul.f32 v3, v9;
	v9 =	vor.u32 $0x8, v5;
	v3 =	vld.idx.msk [tilespmem:v10+s30+$0x0], $0xffff  }
0x2a9: {  	v10 =	vld.idx.msk [tilespmem:v6+s29+$0x0], $0xffff  }
0x2aa: {  	v1 =	vadd.f32 v2, v1;
	v2 =	vmul.f32 v4, v11;
	v4 =	vld.idx.msk [tilespmem:v6+s30+$0x0], $0xffff;
	v6 =	vor.u32 $0x9, v5  }
0x2ab: {  	v11 =	vld.idx.msk [tilespmem:v8+s29+$0x0], $0xffff  }
0x2ac: {  	v1 =	vadd.f32 v2, v1;
	v2 =	vmul.f32 v7, v12;
	v7 =	vld.idx.msk [tilespmem:v8+s30+$0x0], $0xffff;
	v8 =	vor.u32 $0xA, v5  }
0x2ad: {  	v12 =	vld.idx.msk [tilespmem:v9+s29+$0x0], $0xffff  }
0x2ae: {  	v1 =	vadd.f32 v2, v1;
	v2 =	vmul.f32 v3, v13;
	v3 =	vld.idx.msk [tilespmem:v9+s30+$0x0], $0xffff;
	v9 =	vor.u32 $0xB, v5  }
0x2af: {  	v13 =	vld.idx.msk [tilespmem:v6+s29+$0x0], $0xffff  }
0x2b0: {  	v1 =	vadd.f32 v2, v1;
	v2 =	vmul.f32 v4, v10;
	v4 =	vld.idx.msk [tilespmem:v6+s30+$0x0], $0xffff;
	v6 =	vor.u32 $0xC, v5  }
0x2b1: {  	v10 =	vld.idx.msk [tilespmem:v8+s29+$0x0], $0xffff  }
0x2b2: {  	v1 =	vadd.f32 v2, v1;
	v2 =	vmul.f32 v7, v11;
	v7 =	vld.idx.msk [tilespmem:v8+s30+$0x0], $0xffff;
	v8 =	vor.u32 $0xD, v5  }
0x2b3: {  	v11 =	vld.idx.msk [tilespmem:v9+s29+$0x0], $0xffff  }
0x2b4: {  	v1 =	vadd.f32 v2, v1;
	v2 =	vmul.f32 v3, v12;
	v3 =	vld.idx.msk [tilespmem:v9+s30+$0x0], $0xffff;
	v9 =	vor.u32 $0xE, v5  }
0x2b5: {  	v12 =	vld.idx.msk [tilespmem:v6+s29+$0x0], $0xffff  }
0x2b6: {  	v5 =	vor.u32 $0xF, v5;
	v1 =	vadd.f32 v2, v1;
	v2 =	vmul.f32 v4, v13;
	v4 =	vld.idx.msk [tilespmem:v6+s30+$0x0], $0xffff  }
0x2b7: {  	v6 =	vld.idx.msk [tilespmem:v8+s29+$0x0], $0xffff  }
0x2b8: {  	v1 =	vadd.f32 v2, v1;
	v2 =	vmul.f32 v7, v10;
	v7 =	vld.idx.msk [tilespmem:v8+s30+$0x0], $0xffff  }
0x2b9: {  	v8 =	vld.idx.msk [tilespmem:v9+s29+$0x0], $0xffff  }
0x2ba: {  	v2 =	vadd.f32 v2, v1;
	v3 =	vmul.f32 v3, v11;
	v9 =	vld.idx.msk [tilespmem:v9+s30+$0x0], $0xffff  }
0x2bb: {  	v1 =	vld.idx.msk [tilespmem:v5+s29+$0x0], $0xffff  }
0x2bc: {  	v3 =	vadd.f32 v3, v2;
	v4 =	vmul.f32 v4, v12;
	v2 =	vld.idx.msk [tilespmem:v5+s30+$0x0], $0xffff  }
.Ltmp3:
0x2bd: {  	(pc) =	sbr.rel @p0 .LBB2_8-.Ltmp3, $3  }
0x2be: {  	v3 =	vadd.f32 v4, v3;
	v4 =	vmul.f32 v7, v6;
	_ =	sdelay $0x1  }
0x2bf: {  	v5 =	vmov s7;
	v3 =	vadd.f32 v4, v3;
	v4 =	vmul.f32 v9, v8  }
0x2c0: {  	s7 =	sadd.s32 $0x10, s7;
	v5 =	vshll.u32 v5, $0x4  }
0x2c1: {  	v5 =	vor.u32 v0, v5;
	v3 =	vadd.f32 v4, v3;
	v1 =	vmul.f32 v2, v1;
	_ =	sdelay $0x1  }
0x2c2: {  	v2 =	vor.u32 $0x1, v5;
	v1 =	vadd.f32 v1, v3  }
0x2c3: {  	s6 =	sadd.s32 $0x10, s6  }
0x2c4: {  	v3 =	vor.u32 $0x2, v5;
	[tilespmem:s6+$0x0] =	vst v1  }
0x2c5: {  	v1 =	vld.idx.msk [tilespmem:v5+s30+$0x0], $0xffff  }
0x2c6: {  	v6 =	vor.u32 $0x3, v5;
	v35 =	vld.idx.msk [tilespmem:v5+s29+$0x0], $0xffff  }
0x2c7: {  	v7 =	vld.idx.msk [tilespmem:v2+s29+$0x0], $0xffff  }
0x2c8: {  	v8 =	vor.u32 $0x4, v5;
	v2 =	vld.idx.msk [tilespmem:v2+s30+$0x0], $0xffff  }
0x2c9: {  	v9 =	vld.idx.msk [tilespmem:v3+s29+$0x0], $0xffff  }
0x2ca: {  	v10 =	vor.u32 $0x5, v5;
	v3 =	vld.idx.msk [tilespmem:v3+s30+$0x0], $0xffff  }
0x2cb: {  	v11 =	vld.idx.msk [tilespmem:v6+s29+$0x0], $0xffff;
	v1 =	vmul.f32 v1, v35  }
0x2cc: {  	v37 =	vor.u32 $0x6, v5;
	v36 =	vld.idx.msk [tilespmem:v6+s30+$0x0], $0xffff  }
0x2cd: {  	v12 =	vld.idx.msk [tilespmem:v8+s29+$0x0], $0xffff;
	v2 =	vmul.f32 v2, v7;
	v1 =	vadd.f32 $0.0e+00, v1  }
0x2ce: {  	v39 =	vor.u32 $0x7, v5;
	v38 =	vld.idx.msk [tilespmem:v8+s30+$0x0], $0xffff  }
0x2cf: {  	v13 =	vld.idx.msk [tilespmem:v10+s29+$0x0], $0xffff;
	v1 =	vadd.f32 v2, v1;
	v2 =	vmul.f32 v3, v9  }
0x2d0: {  	v40 =	vor.u32 $0x8, v5;
	v3 =	vld.idx.msk [tilespmem:v10+s30+$0x0], $0xffff  }
0x2d1: {  	v41 =	vld.idx.msk [tilespmem:v37+s29+$0x0], $0xffff;
	v1 =	vadd.f32 v2, v1;
	v2 =	vmul.f32 v36, v11  }
0x2d2: {  	v43 =	vor.u32 $0x9, v5;
	v42 =	vld.idx.msk [tilespmem:v37+s30+$0x0], $0xffff  }
0x2d3: {  	v44 =	vld.idx.msk [tilespmem:v39+s29+$0x0], $0xffff;
	v1 =	vadd.f32 v2, v1;
	v2 =	vmul.f32 v38, v12  }
0x2d4: {  	v46 =	vor.u32 $0xA, v5;
	v45 =	vld.idx.msk [tilespmem:v39+s30+$0x0], $0xffff  }
0x2d5: {  	v47 =	vld.idx.msk [tilespmem:v40+s29+$0x0], $0xffff;
	v1 =	vadd.f32 v2, v1;
	v2 =	vmul.f32 v3, v13  }
0x2d6: {  	v48 =	vor.u32 $0xB, v5;
	v3 =	vld.idx.msk [tilespmem:v40+s30+$0x0], $0xffff  }
0x2d7: {  	v49 =	vld.idx.msk [tilespmem:v43+s29+$0x0], $0xffff;
	v1 =	vadd.f32 v2, v1;
	v2 =	vmul.f32 v42, v41  }
0x2d8: {  	v51 =	vor.u32 $0xC, v5;
	v50 =	vld.idx.msk [tilespmem:v43+s30+$0x0], $0xffff  }
0x2d9: {  	v52 =	vld.idx.msk [tilespmem:v46+s29+$0x0], $0xffff;
	v1 =	vadd.f32 v2, v1;
	v2 =	vmul.f32 v45, v44  }
0x2da: {  	v54 =	vor.u32 $0xD, v5;
	v53 =	vld.idx.msk [tilespmem:v46+s30+$0x0], $0xffff  }
0x2db: {  	v55 =	vld.idx.msk [tilespmem:v48+s29+$0x0], $0xffff;
	v1 =	vadd.f32 v2, v1;
	v2 =	vmul.f32 v3, v47  }
0x2dc: {  	v56 =	vor.u32 $0xE, v5;
	v3 =	vld.idx.msk [tilespmem:v48+s30+$0x0], $0xffff  }
0x2dd: {  	v57 =	vld.idx.msk [tilespmem:v51+s29+$0x0], $0xffff;
	v1 =	vadd.f32 v2, v1;
	v2 =	vmul.f32 v50, v49  }
0x2de: {  	v5 =	vor.u32 $0xF, v5;
	v58 =	vld.idx.msk [tilespmem:v51+s30+$0x0], $0xffff  }
0x2df: {  	v59 =	vld.idx.msk [tilespmem:v54+s29+$0x0], $0xffff;
	v1 =	vadd.f32 v2, v1;
	v2 =	vmul.f32 v53, v52  }
0x2e0: {  	v60 =	vld.idx.msk [tilespmem:v54+s30+$0x0], $0xffff  }
0x2e1: {  	v61 =	vld.idx.msk [tilespmem:v56+s29+$0x0], $0xffff;
	v1 =	vadd.f32 v2, v1;
	v2 =	vmul.f32 v3, v55  }
0x2e2: {  	v3 =	vld.idx.msk [tilespmem:v56+s30+$0x0], $0xffff  }
0x2e3: {  	v62 =	vld.idx.msk [tilespmem:v5+s29+$0x0], $0xffff;
	v1 =	vadd.f32 v2, v1;
	v2 =	vmul.f32 v58, v57  }
0x2e4: {  	v63 =	vld.idx.msk [tilespmem:v5+s30+$0x0], $0xffff  }
0x2e5: {  	v1 =	vadd.f32 v2, v1;
	v2 =	vmul.f32 v60, v59;
	_ =	sdelay $0x1  }
0x2e6: {  	v1 =	vadd.f32 v2, v1;
	v2 =	vmul.f32 v3, v61;
	_ =	sdelay $0x1  }
0x2e7: {  	v1 =	vadd.f32 v2, v1;
	v2 =	vmul.f32 v63, v62;
	_ =	sdelay $0x1  }
0x2e8: {  	v1 =	vadd.f32 v2, v1  }
0x2e9: {  	s6 =	sadd.s32 $0x10, s6  }
0x2ea: {  	s5 =	sadd.s32 $0x1, s5;
	[tilespmem:s6+$0x0] =	vst v1  }
0x2eb: {  	[hbm4b:s17+s3] =	stream.linear.scatter [tilespmem:s0], [sflag:$0x4], $0x640, $0x38;
	[tilespmem:$0x1DC90] =	vst v63  }
0x2ec: {  	p0 =	sne.s32 s5, s18;
	_ =	swait.ge [sflag:s2], $0x640  }
.Ltmp4:
0x2ed: {  	[sflag:s2] =	ssyncset.done $0x0;
	(pc) =	sbr.rel @p0 .LBB2_1-.Ltmp4, $4  }
0x2ee: {  	[sflag:s2] =	ssyncadd.s32 $0xFFFFF9C0  }
0x2ef: {  	_ =	swait.ge [sflag:s4], $0x640  }
0x2f0: {  	[sflag:s4] =	ssyncset.done $0x0  }
0x2f1: {  	[sflag:s4] =	ssyncadd.s32 $0xFFFFF9C0  }
0x2f2: {  	_ =	sfence.sel $0x180000  }
0x2f3: {  	[bflag:$0x0] =	sbarrier.arrive $0xFFFF  }
0x2f4: {  	_ =	strace $0x90000050  }
0x2f5: {  	s0 =	stileid.u32;
	[bflag:$0x2] =	sbarrier.arrive $0xFFFF  }
0x2f6: {  	p0 =	sne.s32 s0, $0x0;
	s0 =	rddreg [dreg:$0x3]  }
0x2f7: {  	s0 =	sadd.s32 @!p0 $0x100000, s0  }
0x2f8: {  	[sflag:s0] =	ssyncadd.tile.s32 @!p0 $0x1;
	_ =	shalt  }
.Lfunc_end2:
_tile_overlayer_lowered:
.L_overlay_start_2:
0x2f9: {  	(tag) =	ssettag $0x2  }
0x2fa: {  	s0 =	rddreg [dreg:$0x0];
	s2 =	stileid.u32  }
0x2fb: {  	s1 =	rddreg [dreg:$0x1];
	p0 =	sne.s32 s2, $0x0  }
0x2fc: {  	s3 =	rddreg [dreg:$0x2];
	[bflag:$0x3] =	sbarrier.arrive $0xFFFF;
	s2 =	simm.s32 @!p0 $0x1C05  }
0x2fd: {  	[timem:s3], [sflag:s2] =	dma.local @!p0 [hbm:s0], s1  }
0x2fe: {  	s0 =	simm.s32 @!p0 $0x5  }
0x2ff: {  	_ =	swait.ge @!p0 [sflag:s0], s1  }
0x300: {  	s1 =	ssub.s32 @!p0 $0x0, s1;
	[sflag:s0] =	ssyncset.done @!p0 $0x0  }
0x301: {  	[sflag:s0] =	ssyncadd.s32 @!p0 s1  }
0x302: {  	[bflag:$0x3] =	sbarrier.arrive $0xFFFF  }
0x303: {  	_ =	shalt  }

// kernel: kernel.9.cloned.1.call-start
scs
__scs_entry_jumppad:
0x0: {  	(pc) =	sbr.rel $0x88, $3  }
0x1: {  	(tag) =	ssettag $0x0;
	lr =	simm.s32 $0x1  }
0x2: {  	[smem:$0x3F99] =	sst lr;
	_ =	strace $0xD0000000  }
0x3: {  	_ = 	snop  }
0x4: {  	_ = 	snop  }
0x5: {  	_ = 	snop  }
0x6: {  	_ = 	snop  }
0x7: {  	_ = 	snop  }
__scs_overlays_trampoline_lowered:
0x8: {  	[smem:$0x3FA8] =	sst s0  }
0x9: {  	[smem:$0x3FA9] =	sst s1  }
0xa: {  	[smem:$0x3FAA] =	sst s2  }
0xb: {  	[smem:$0x3FAB] =	sst s3  }
0xc: {  	[smem:$0x3FAC] =	sst s4  }
0xd: {  	[smem:$0x3FAD] =	sst s5  }
0xe: {  	[smem:$0x3FAE] =	sst s6  }
0xf: {  	[smem:$0x3FAF] =	sst s7  }
0x10: {  	[smem:$0x3FB0] =	sst s8  }
0x11: {  	[smem:$0x3FB1] =	sst s9;
	s0 =	simm.s32 @!p0 $0x0  }
0x12: {  	s1 =	sld [smem:$0x3F97];
	s0 =	simm.s32 @p0 $0x1  }
0x13: {  	[smem:$0x3FB2] =	sst s0;
	s0 =	simm.s32 @!p1 $0x0  }
0x14: {  	s2 =	sld [smem:$0x3F96];
	s0 =	simm.s32 @p1 $0x1  }
0x15: {  	[smem:$0x3FB3] =	sst s0;
	s0 =	simm.s32 @!p2 $0x0  }
0x16: {  	s3 =	sld [smem:$0x3FDB];
	s0 =	simm.s32 @p2 $0x1  }
0x17: {  	s4 =	simm.s32 $0x1BF5;
	[smem:$0x3FB5] =	sst s0  }
0x18: {  	s0 =	sld [smem:$0x3F98];
	_ =	swait.ge [sflag:s4], $0x0  }
0x19: {  	s7 =	sld [smem:$0x3F99]  }
0x1a: {  	s8 =	sadd.s32 $0xFFFFE003, lr  }
0x1b: {  	s9 =	sadd.s32 $0xFFFFFEF7, lr;
	s5 =	simm.s32 $0xFFFFFFFF;
	p2 =	slt.u32 s8, $0xFFFFF086  }
0x1c: {  	p1 =	slt.u32 s9, $0xF7A;
	s5 =	simm.s32 @!p2 $0x0  }
0x1d: {  	s5 =	simm.s32 @p1 $0x1;
	p0 =	seq.s32 s7, s2  }
0x1e: {  	s7 =	smul.u32 @!p0 $0xF7A, s2;
	p2 =	seq.s32 @!p0 s5, $0x0  }
0x1f: {  	s9 =	smul.u32 $0xF7A, s1;
	s8 =	simm.s32 @!p0 $0x1BF5;
	p2 =	por !p2, p0  }
0x20: {  	[sflag:s8] =	ssyncset.s32 @!p0 $0xFFFFF086;
	s6 =	sadd.s32 @!p0 s3, s7;
	s7 =	simm.s32 @!p0 $0x108  }
0x21: {  	s3 =	sadd.s32 s3, s9;
	s6 =	sadd.s32 @!p0 $0x88, s6;
	s7 =	simm.s32 @p2 $0x1082  }
0x22: {  	[simem:s7], [sflag:s8] =	dma.local @!p0 [hbm:s6], $0xF7A  }
0x23: {  	s9 =	sor.u32 $0xD0000000, s2;
	s6 =	simm.s32 $0x108;
	_ =	swait.ge @!p0 [sflag:s8], $0x0  }
0x24: {  	s3 =	sadd.s32 $0x88, s3;
	s6 =	simm.s32 @!p1 $0x1082;
	[sflag:s4] =	ssyncset.s32 $0xFFFFF086  }
0x25: {  	[simem:s6], [sflag:s4] =	dma.local [hbm:s3], $0xF7A  }
0x26: {  	[smem:$0x3F99] =	sst s1;
	(tag) =	ssettag s2;
	_ =	strace s9  }
0x27: {  	s1 =	sld [smem:$0x3FA9]  }
0x28: {  	s2 =	sld [smem:$0x3FAA]  }
0x29: {  	s4 =	sld [smem:$0x3FAC]  }
0x2a: {  	p0 =	seq.s32 s5, $0x0;
	s5 =	sld [smem:$0x3FAD]  }
0x2b: {  	s6 =	sld [smem:$0x3FAE]  }
0x2c: {  	s7 =	sld [smem:$0x3FAF]  }
0x2d: {  	s3 =	simm.s32 $0x108;
	s8 =	sld [smem:$0x3FB0]  }
0x2e: {  	s3 =	simm.s32 @!p0 $0x1082;
	s9 =	sld [smem:$0x3FB1]  }
0x2f: {  	lr =	sadd.s32 s0, s3;
	s0 =	sld [smem:$0x3FA8]  }
0x30: {  	s3 =	sld [smem:$0x3FAB]  }
0x31: {  	[smem:$0x3FB4] =	sst s10  }
0x32: {  	s10 =	sld [smem:$0x3FB2];
	_ =	sdelay $0x3  }
0x33: {  	p0 =	seq.s32 s10, $0x1;
	s10 =	sld [smem:$0x3FB4];
	_ =	sdelay $0x3  }
0x34: {  	[smem:$0x3FB4] =	sst s10  }
0x35: {  	s10 =	sld [smem:$0x3FB3];
	_ =	sdelay $0x3  }
0x36: {  	p1 =	seq.s32 s10, $0x1;
	s10 =	sld [smem:$0x3FB4];
	_ =	sdelay $0x3  }
0x37: {  	[smem:$0x3FB4] =	sst s10  }
0x38: {  	s10 =	sld [smem:$0x3FB5]  }
0x39: {  	_ = 	snop;
	(pc) =	sbr.ind lr, $3  }
0x3a: {  	_ = 	snop  }
0x3b: {  	_ = 	snop  }
0x3c: {  	p2 =	seq.s32 s10, $0x1;
	s10 =	sld [smem:$0x3FB4]  }
0x3d: {  	_ =	shalt  }
0x3e: {  	_ =	shalt  }
0x3f: {  	_ =	shalt  }
0x40: {  	_ =	shalt  }
0x41: {  	_ =	shalt  }
0x42: {  	_ =	shalt  }
0x43: {  	_ =	shalt  }
0x44: {  	_ =	shalt  }
0x45: {  	_ =	shalt  }
0x46: {  	_ =	shalt  }
0x47: {  	_ =	shalt  }
0x48: {  	_ =	shalt  }
0x49: {  	_ =	shalt  }
0x4a: {  	_ =	shalt  }
0x4b: {  	_ =	shalt  }
0x4c: {  	_ =	shalt  }
0x4d: {  	_ =	shalt  }
0x4e: {  	_ =	shalt  }
0x4f: {  	_ =	shalt  }
0x50: {  	_ =	shalt  }
0x51: {  	_ =	shalt  }
0x52: {  	_ =	shalt  }
0x53: {  	_ =	shalt  }
0x54: {  	_ =	shalt  }
0x55: {  	_ =	shalt  }
0x56: {  	_ =	shalt  }
0x57: {  	_ =	shalt  }
0x58: {  	_ =	shalt  }
0x59: {  	_ =	shalt  }
0x5a: {  	_ =	shalt  }
0x5b: {  	_ =	shalt  }
0x5c: {  	_ =	shalt  }
0x5d: {  	_ =	shalt  }
0x5e: {  	_ =	shalt  }
0x5f: {  	_ =	shalt  }
0x60: {  	_ =	shalt  }
0x61: {  	_ =	shalt  }
0x62: {  	_ =	shalt  }
0x63: {  	_ =	shalt  }
0x64: {  	_ =	shalt  }
0x65: {  	_ =	shalt  }
0x66: {  	_ =	shalt  }
0x67: {  	_ =	shalt  }
0x68: {  	_ =	shalt  }
0x69: {  	_ =	shalt  }
0x6a: {  	_ =	shalt  }
0x6b: {  	_ =	shalt  }
0x6c: {  	_ =	shalt  }
0x6d: {  	_ =	shalt  }
0x6e: {  	_ =	shalt  }
0x6f: {  	_ =	shalt  }
0x70: {  	_ =	shalt  }
0x71: {  	_ =	shalt  }
0x72: {  	_ =	shalt  }
0x73: {  	_ =	shalt  }
0x74: {  	_ =	shalt  }
0x75: {  	_ =	shalt  }
0x76: {  	_ =	shalt  }
0x77: {  	_ =	shalt  }
0x78: {  	_ =	shalt  }
0x79: {  	_ =	shalt  }
0x7a: {  	_ =	shalt  }
0x7b: {  	_ =	shalt  }
0x7c: {  	_ =	shalt  }
0x7d: {  	_ =	shalt  }
0x7e: {  	_ =	shalt  }
0x7f: {  	_ =	shalt  }
0x80: {  	_ =	shalt  }
0x81: {  	_ =	shalt  }
0x82: {  	_ =	shalt  }
0x83: {  	_ =	shalt  }
0x84: {  	_ =	shalt  }
0x85: {  	_ =	shalt  }
0x86: {  	_ =	shalt  }
0x87: {  	_ =	shalt  }
.Lfunc_end0:
.L_simem_size_0:
called_computation_lowered:
.L_overlay_start_0:
0x88: {  	s2 =	sld [smem:$0x3FD9]  }
0x89: {  	s3 =	sld [smem:$0x3FFE];
	_ =	sdelay $0x1  }
0x8a: {  	s1 =	srdreg.scid  }
0x8b: {  	s0 =	sand.u32 $0x1, s1  }
0x8c: {  	s17 =	sshll.u32 s0, $0xA;
	s2 =	sadd.s32 s3, s2  }
0x8d: {  	s2 =	sadd.s32 s2, s17  }
0x8e: {  	[smem:$0x3FC0] =	sst s2  }
0x8f: {  	_ = 	snop  }
0x90: {  	s2 =	sld [smem:$0x3FD0];
	(tm) =	ssettm $0x1  }
0x91: {  	s18 =	sld [smem:$0x3FFB];
	_ =	sdelay $0x3  }
0x92: {  	_ =	strace s18  }
0x93: {  	s3 =	sld [smem:$0x3FFC];
	_ =	sdelay $0x3  }
0x94: {  	_ =	strace s3  }
0x95: {  	s3 =	sld [smem:$0x3FFD];
	_ =	sdelay $0x3  }
0x96: {  	_ =	strace s3  }
0x97: {  	_ =	strace $0x8FFFFFFF  }
0x98: {  	s19 =	sld [smem:$0x3FDB];
	_ =	sdelay $0x1  }
0x99: {  	s4 =	simm.s32 $_scs_section_size  }
0x9a: {  	s5 =	simm.s32 $_size__tile_overlayer_lowered;
	s6 =	simm.s32 $_tile_overlayer_lowered  }
0x9b: {  	s22 =	simm.s32 $0x1BFF;
	s21 =	sshll.u32 s6, $0x1;
	s3 =	sadd.s32 s4, s19  }
0x9c: {  	s7 =	simm.s32 $0x0;
	s20 =	sshll.u32 s5, $0x1;
	s5 =	sadd.s32 s21, s3  }
0x9d: {  	[timem:s7], [sflag:s22] =	dma.local [hbm:s5], s20  }
0x9e: {  	_ =	swait.ge [sflag:s22], s20  }
0x9f: {  	s4 =	ssub.s32 $0x0, s20;
	[sflag:s22] =	ssyncset.done $0x0  }
0xa0: {  	[sflag:s22] =	ssyncadd.s32 s4;
	_ =	sdelay $0x1  }
0xa1: {  	s23 =	simm.s32 $0x1B8B  }
0xa2: {  	_ =	swait.ge [sflag:s23], $0x1  }
0xa3: {  	[sflag:s23] =	ssyncset.done $0x0  }
0xa4: {  	s25 =	simm.s32 $0x1B8E;
	s24 =	sld [smem:$0x3FFE];
	[sflag:s23] =	ssyncadd.s32 $0xFFFFFFFF  }
0xa5: {  	s26 =	simm.s32 $execute0_lowered;
	[smem:$0x3FD2] =	sst s25  }
0xa6: {  	s5 =	sshll.u32 s26, $0x1;
	_ =	strace $0x80000046;
	[dreg:$0x1] =	wrdreg $0xFFFFFFFF  }
0xa7: {  	s28 =	simm.s32 $_size_execute0_lowered;
	s3 =	sadd.s32 s3, s5;
	[dreg:$0x0] =	wrdreg $0x0  }
0xa8: {  	s5 =	sshll.u32 s28, $0x1;
	[dreg:$0x2] =	wrdreg s3  }
0xa9: {  	[dreg:$0x3] =	wrdreg s5  }
0xaa: {  	[dreg:$0x4] =	wrdreg $0xC0  }
0xab: {  	_ =	task [dreg:s7], $0x5FFFF  }
0xac: {  	[dreg:$0x1] =	wrdreg $0xFFFFFFFF  }
0xad: {  	[dreg:$0x0] =	wrdreg $0x60  }
0xae: {  	[dreg:$0x2] =	wrdreg s24  }
0xaf: {  	[dreg:$0x3] =	wrdreg s2  }
0xb0: {  	[dreg:$0x4] =	wrdreg $0x4E200  }
0xb1: {  	[dreg:$0x5] =	wrdreg $0x9  }
0xb2: {  	_ =	task.clear_ibuf [dreg:s7], $0x6FFFF;
	_ =	strace $0x90000046  }
0xb3: {  	s29 =	simm.s32 $0x9;
	_ =	strace $0x80000048  }
0xb4: {  	_ =	swait.ge [sflag:s29], $0x1  }
0xb5: {  	[sflag:s29] =	ssyncadd.s32 $0xFFFFFFFF  }
0xb6: {  	_ =	strace $0x90000048  }
0xb7: {  	_ =	sfence  }
0xb8: {  	s30 =	sld [smem:$0x0];
	_ =	sdelay $0x2  }
0xb9: {  	s31 =	sshll.u32 s1, $0xD;
	s1 =	sshrl.u32 s1, $0x2  }
0xba: {  	s3 =	sand.u32 $0x4000, s31;
	s1 =	sadd.s32 s1, s30  }
0xbb: {  	s0 =	sor.u32 s3, s0;
	s1 =	sshll.u32 s1, $0x11  }
0xbc: {  	s0 =	sor.u32 s1, s0  }
0xbd: {  	s0 =	sadd.s32 $0x8F2B, s0  }
0xbe: {  	[sflag:s0] =	ssyncadd.remote.s32 $0x1  }
0xbf: {  	_ =	sfence.sel $0xFFFF  }
0xc0: {  	[dreg:$0x0] =	wrdreg $0xFFFFFFFF;
	(pc) =	sbr.abs _section_cstart, $3  }
0xc1: {  	[dreg:$0x1] =	wrdreg $0xFFFFFFFF  }
0xc2: {  	_ =	task.clear_ibuf [dreg:s7], $0x2FFFF;
	_ =	strace $0x9FFFFFFF  }
0xc3: {  	(tm) =	ssettm $0x7FFFFFFF  }
tec
execute0_lowered:
.L_overlay_start_1:
0x0: {  	(tag) =	ssettag $0x1  }
0x1: {  	s0 =	srdreg.scid;
	s11 =	rddreg [dreg:$0x0]  }
0x2: {  	s18 =	rddreg [dreg:$0x1];
	s19 =	sand.u32 $0x1, s0  }
0x3: {  	s2 =	rddreg [dreg:$0x2];
	s0 =	stileid.u32;
	s1 =	sshll.u32 s19, $0x4  }
0x4: {  	s3 =	simm.s32 $0x0;
	s6 =	smul.u32 $0x1400, s0;
	s1 =	sor.u32 s0, s1  }
0x5: {  	[smem:$0x7FF] =	sst s3;
	s4 =	smul.u32 $0x2710, s1  }
0x6: {  	s8 =	sshll.u32 s0, $0x6;
	s1 =	rddreg [dreg:$0x3];
	s20 =	sshrl.u32 s6, $0x3  }
0x7: {  	_ =	strace $0x80000047;
	s9 =	sadd.s32 s6, s2;
	s4 =	sshrl.u32 s4, $0x3  }
0x8: {  	s7 =	sadd.s32 s20, s11;
	s10 =	sshrl.u32 s9, $0x3;
	s17 =	sadd.s32 s4, s11  }
0x9: {  	s9 =	simm.s32 $0x3;
	s6 =	sadd.s32 $0x14600, s7;
	s4 =	sadd.s32 $0xA800, s17  }
0xa: {  	[tilespmem:s3], [sflag:$0x1] =	stream.linear.gather [hbm4b:s4+s3], $0x7D0, $0x38;
	[tilespmem:$0x50A0] =	vst v63  }
0xb: {  	s7 =	sor.u32 $0x1C03, s8;
	s8 =	simm.s32 $0x7D0;
	s5 =	sadd.s32 $0xA8FA, s17  }
0xc: {  	[tilespmem:s8], [sflag:$0x2] =	stream.linear.gather [hbm4b:s5+s3], $0x7D0, $0x38;
	[tilespmem:$0x50A0] =	vst v63  }
0xd: {  	[spmem:s10], [sflag:s7] =	dma.local [hbm:s6], $0x280  }
0xe: {  	_ =	swait.ge [sflag:s9], $0x280  }
0xf: {  	[sflag:s9] =	ssyncset.done $0x0  }
0x10: {  	s12 =	simm.s32 $0xFA0;
	s11 =	sadd.s32 $0x16E00, s11;
	[sflag:s9] =	ssyncadd.s32 $0xFFFFFD80  }
0x11: {  	[tilespmem:s12], [sflag:$0x3] =	stream.linear.gather [hbm4b:s11+s3], $0x3E80, $0x38;
	[tilespmem:$0x50A0] =	vst v63  }
0x12: {  	_ =	swait.ge [sflag:s9], $0x3E80  }
0x13: {  	[sflag:s9] =	ssyncset.done $0x0  }
0x14: {  	[sflag:s9] =	ssyncadd.s32 $0xFFFFC180  }
0x15: {  	s13 =	simm.s32 $0x1;
	[bflag:$0x0] =	sbarrier.arrive $0xFFFF  }
0x16: {  	_ =	swait.ge [sflag:s13], $0x7D0  }
0x17: {  	[sflag:s13] =	ssyncset.done $0x0  }
0x18: {  	[sflag:s13] =	ssyncadd.s32 $0xFFFFF830  }
0x19: {  	[spmem:s2] =	stream.indirect.scatter.add.f32 [tilespmem:s12], [sflag:$0x3], $0x1, s3, s8, $0xb8;
	[tilespmem:$0x50A0] =	vst v63  }
0x1a: {  	_ =	swait.ge [sflag:s9], $0x7D0  }
0x1b: {  	[sflag:s9] =	ssyncset.done $0x0  }
0x1c: {  	s15 =	simm.s32 $0x2;
	s14 =	sadd.s32 $0xA9F4, s17;
	[sflag:s9] =	ssyncadd.s32 $0xFFFFF830  }
0x1d: {  	[tilespmem:s3], [sflag:$0x1] =	stream.linear.gather [hbm4b:s14+s3], $0x7D0, $0x38;
	[tilespmem:$0x50A0] =	vst v63  }
0x1e: {  	_ =	swait.ge [sflag:s15], $0x7D0  }
0x1f: {  	[sflag:s15] =	ssyncset.done $0x0  }
0x20: {  	[sflag:s15] =	ssyncadd.s32 $0xFFFFF830  }
0x21: {  	[spmem:s2] =	stream.indirect.scatter.add.f32 [tilespmem:s12], [sflag:$0x3], $0x1, s8, s8, $0xb8;
	[tilespmem:$0x50A0] =	vst v63  }
0x22: {  	_ =	swait.ge [sflag:s9], $0x7D0  }
0x23: {  	[sflag:s9] =	ssyncset.done $0x0  }
0x24: {  	s16 =	sadd.s32 $0xAAEE, s17;
	[sflag:s9] =	ssyncadd.s32 $0xFFFFF830  }
0x25: {  	[tilespmem:s8], [sflag:$0x2] =	stream.linear.gather [hbm4b:s16+s3], $0x7D0, $0x38;
	[tilespmem:$0x50A0] =	vst v63  }
0x26: {  	_ =	swait.ge [sflag:s13], $0x7D0  }
0x27: {  	[sflag:s13] =	ssyncset.done $0x0  }
0x28: {  	[sflag:s13] =	ssyncadd.s32 $0xFFFFF830  }
0x29: {  	[spmem:s2] =	stream.indirect.scatter.add.f32 [tilespmem:s12], [sflag:$0x3], $0x1, s3, s8, $0xb8;
	[tilespmem:$0x50A0] =	vst v63  }
0x2a: {  	_ =	swait.ge [sflag:s9], $0x7D0  }
0x2b: {  	[sflag:s9] =	ssyncset.done $0x0  }
0x2c: {  	s17 =	sadd.s32 $0xABE8, s17;
	[sflag:s9] =	ssyncadd.s32 $0xFFFFF830  }
0x2d: {  	[tilespmem:s3], [sflag:$0x1] =	stream.linear.gather [hbm4b:s17+s3], $0x7D0, $0x38;
	[tilespmem:$0x50A0] =	vst v63  }
0x2e: {  	_ =	swait.ge [sflag:s15], $0x7D0  }
0x2f: {  	[sflag:s15] =	ssyncset.done $0x0  }
0x30: {  	[sflag:s15] =	ssyncadd.s32 $0xFFFFF830  }
0x31: {  	[spmem:s2] =	stream.indirect.scatter.add.f32 [tilespmem:s12], [sflag:$0x3], $0x1, s8, s8, $0xb8;
	[tilespmem:$0x50A0] =	vst v63  }
0x32: {  	_ =	swait.ge [sflag:s9], $0x7D0  }
0x33: {  	[sflag:s9] =	ssyncset.done $0x0  }
0x34: {  	[sflag:s9] =	ssyncadd.s32 $0xFFFFF830  }
0x35: {  	s21 =	ssub.s32 $0x2, s19;
	_ =	swait.ge [sflag:s13], $0x7D0  }
0x36: {  	s22 =	sshrl.u32 s21, $0x1;
	[sflag:s13] =	ssyncset.done $0x0  }
0x37: {  	s21 =	ssub.s32 s21, s22;
	[sflag:s13] =	ssyncadd.s32 $0xFFFFF830  }
0x38: {  	[spmem:s2] =	stream.indirect.scatter.add.f32 [tilespmem:s12], [sflag:$0x3], $0x1, s3, s8, $0xb8;
	[tilespmem:$0x50A0] =	vst v63  }
0x39: {  	s19 =	smul.u32 $0x2800, s19;
	s31 =	smax.u32 s21, $0x1;
	_ =	swait.ge [sflag:s9], $0x7D0  }
0x3a: {  	p0 =	sne.s32 s31, $0x1;
	[sflag:s9] =	ssyncset.done $0x0  }
.Ltmp0:
0x3b: {  	s18 =	sadd.s32 s18, s19;
	[sflag:s9] =	ssyncadd.s32 $0xFFFFF830;
	(pc) =	sbr.rel @!p0 .LBB2_2-.Ltmp0, $4  }
0x3c: {  	s18 =	sadd.s32 s20, s18;
	[bflag:$0x0] =	sbarrier.arrive $0xFFFF  }
0x3d: {  	[hbm:s18], [sflag:s7] =	dma.local [spmem:s10], $0x280  }
0x3e: {  	_ =	swait.ge [sflag:s9], $0x280  }
0x3f: {  	s19 =	sadd.s32 $0xFFFFFFFF, s31;
	[sflag:s9] =	ssyncset.done $0x0  }
.LBB2_1:
0x40: {  	p0 =	sne.s32 s19, $0x1;
	s19 =	sadd.s32 $0xFFFFFFFF, s19;
	[sflag:s9] =	ssyncadd.s32 $0xFFFFFD80  }
0x41: {  	[tilespmem:s3], [sflag:$0x1] =	stream.linear.gather [hbm4b:s4+s3], $0x7D0, $0x38;
	[tilespmem:$0x50A0] =	vst v63  }
0x42: {  	_ = 	snop  }
0x43: {  	[tilespmem:s8], [sflag:$0x2] =	stream.linear.gather [hbm4b:s5+s3], $0x7D0, $0x38;
	[tilespmem:$0x50A0] =	vst v63  }
0x44: {  	[spmem:s10], [sflag:s7] =	dma.local [hbm:s6], $0x280  }
0x45: {  	_ =	swait.ge [sflag:s9], $0x280  }
0x46: {  	[sflag:s9] =	ssyncset.done $0x0  }
0x47: {  	[sflag:s9] =	ssyncadd.s32 $0xFFFFFD80  }
0x48: {  	[tilespmem:s12], [sflag:$0x3] =	stream.linear.gather [hbm4b:s11+s3], $0x3E80, $0x38;
	[tilespmem:$0x50A0] =	vst v63  }
0x49: {  	_ =	swait.ge [sflag:s9], $0x3E80  }
0x4a: {  	[sflag:s9] =	ssyncset.done $0x0  }
0x4b: {  	[sflag:s9] =	ssyncadd.s32 $0xFFFFC180  }
0x4c: {  	[bflag:$0x0] =	sbarrier.arrive $0xFFFF  }
0x4d: {  	_ =	swait.ge [sflag:s13], $0x7D0  }
0x4e: {  	[sflag:s13] =	ssyncset.done $0x0  }
0x4f: {  	[sflag:s13] =	ssyncadd.s32 $0xFFFFF830  }
0x50: {  	[spmem:s2] =	stream.indirect.scatter.add.f32 [tilespmem:s12], [sflag:$0x3], $0x1, s3, s8, $0xb8;
	[tilespmem:$0x50A0] =	vst v63  }
0x51: {  	_ =	swait.ge [sflag:s9], $0x7D0  }
0x52: {  	[sflag:s9] =	ssyncset.done $0x0  }
0x53: {  	[sflag:s9] =	ssyncadd.s32 $0xFFFFF830  }
0x54: {  	[tilespmem:s3], [sflag:$0x1] =	stream.linear.gather [hbm4b:s14+s3], $0x7D0, $0x38;
	[tilespmem:$0x50A0] =	vst v63  }
0x55: {  	_ =	swait.ge [sflag:s15], $0x7D0  }
0x56: {  	[sflag:s15] =	ssyncset.done $0x0  }
0x57: {  	[sflag:s15] =	ssyncadd.s32 $0xFFFFF830  }
0x58: {  	[spmem:s2] =	stream.indirect.scatter.add.f32 [tilespmem:s12], [sflag:$0x3], $0x1, s8, s8, $0xb8;
	[tilespmem:$0x50A0] =	vst v63  }
0x59: {  	_ =	swait.ge [sflag:s9], $0x7D0  }
0x5a: {  	[sflag:s9] =	ssyncset.done $0x0  }
0x5b: {  	[sflag:s9] =	ssyncadd.s32 $0xFFFFF830  }
0x5c: {  	[tilespmem:s8], [sflag:$0x2] =	stream.linear.gather [hbm4b:s16+s3], $0x7D0, $0x38;
	[tilespmem:$0x50A0] =	vst v63  }
0x5d: {  	_ =	swait.ge [sflag:s13], $0x7D0  }
0x5e: {  	[sflag:s13] =	ssyncset.done $0x0  }
0x5f: {  	[sflag:s13] =	ssyncadd.s32 $0xFFFFF830  }
0x60: {  	[spmem:s2] =	stream.indirect.scatter.add.f32 [tilespmem:s12], [sflag:$0x3], $0x1, s3, s8, $0xb8;
	[tilespmem:$0x50A0] =	vst v63  }
0x61: {  	_ =	swait.ge [sflag:s9], $0x7D0  }
0x62: {  	[sflag:s9] =	ssyncset.done $0x0  }
0x63: {  	[sflag:s9] =	ssyncadd.s32 $0xFFFFF830  }
0x64: {  	[tilespmem:s3], [sflag:$0x1] =	stream.linear.gather [hbm4b:s17+s3], $0x7D0, $0x38;
	[tilespmem:$0x50A0] =	vst v63  }
0x65: {  	_ =	swait.ge [sflag:s15], $0x7D0  }
0x66: {  	[sflag:s15] =	ssyncset.done $0x0  }
0x67: {  	[sflag:s15] =	ssyncadd.s32 $0xFFFFF830  }
0x68: {  	[spmem:s2] =	stream.indirect.scatter.add.f32 [tilespmem:s12], [sflag:$0x3], $0x1, s8, s8, $0xb8;
	[tilespmem:$0x50A0] =	vst v63  }
0x69: {  	_ =	swait.ge [sflag:s9], $0x7D0  }
0x6a: {  	[sflag:s9] =	ssyncset.done $0x0  }
0x6b: {  	[sflag:s9] =	ssyncadd.s32 $0xFFFFF830  }
0x6c: {  	_ =	swait.ge [sflag:s13], $0x7D0  }
0x6d: {  	[sflag:s13] =	ssyncset.done $0x0  }
0x6e: {  	[sflag:s13] =	ssyncadd.s32 $0xFFFFF830  }
0x6f: {  	[spmem:s2] =	stream.indirect.scatter.add.f32 [tilespmem:s12], [sflag:$0x3], $0x1, s3, s8, $0xb8;
	[tilespmem:$0x50A0] =	vst v63  }
0x70: {  	_ =	swait.ge [sflag:s9], $0x7D0  }
0x71: {  	[sflag:s9] =	ssyncset.done $0x0  }
.Ltmp1:
0x72: {  	[sflag:s9] =	ssyncadd.s32 $0xFFFFF830;
	(pc) =	sbr.rel @p0 .LBB2_1-.Ltmp1, $4  }
0x73: {  	[bflag:$0x0] =	sbarrier.arrive $0xFFFF  }
0x74: {  	[hbm:s18], [sflag:s7] =	dma.local [spmem:s10], $0x280  }
0x75: {  	_ =	swait.ge [sflag:s9], $0x280  }
0x76: {  	[sflag:s9] =	ssyncset.done $0x0  }
.LBB2_2:
0x77: {  	[sflag:s9] =	ssyncadd.s32 $0xFFFFFD80  }
0x78: {  	_ =	sfence.sel $0x180000  }
0x79: {  	[bflag:$0x0] =	sbarrier.arrive $0xFFFF  }
0x7a: {  	p0 =	sne.s32 s0, $0x0;
	_ =	strace $0x90000047  }
0x7b: {  	s0 =	sadd.s32 @!p0 $0x100000, s1;
	[bflag:$0x2] =	sbarrier.arrive $0xFFFF  }
0x7c: {  	[sflag:s0] =	ssyncadd.tile.s32 @!p0 $0x1;
	_ =	shalt  }
.Lfunc_end2:
_tile_overlayer_lowered:
.L_overlay_start_2:
0x7d: {  	(tag) =	ssettag $0x2  }
0x7e: {  	s0 =	rddreg [dreg:$0x0];
	s2 =	stileid.u32  }
0x7f: {  	s1 =	rddreg [dreg:$0x1];
	p0 =	sne.s32 s2, $0x0  }
0x80: {  	s3 =	rddreg [dreg:$0x2];
	[bflag:$0x3] =	sbarrier.arrive $0xFFFF;
	s2 =	simm.s32 @!p0 $0x1C03  }
0x81: {  	[timem:s3], [sflag:s2] =	dma.local @!p0 [hbm:s0], s1  }
0x82: {  	s0 =	simm.s32 @!p0 $0x3  }
0x83: {  	_ =	swait.ge @!p0 [sflag:s0], s1  }
0x84: {  	s1 =	ssub.s32 @!p0 $0x0, s1;
	[sflag:s0] =	ssyncset.done @!p0 $0x0  }
0x85: {  	[sflag:s0] =	ssyncadd.s32 @!p0 s1  }
0x86: {  	[bflag:$0x3] =	sbarrier.arrive $0xFFFF  }
0x87: {  	_ =	shalt  }

</sc_bundles>
